<compile_context>
chip_gen: v7x
topology: tpu7x:2x2x1
jax: 0.10.2.dev20260603
libtpu: 0.0.44.dev20260713+nightly
codegen_flags: <defaults>
</compile_context>

<pallas_src>
import functools

import jax
import jax.numpy as jnp
from jax import lax
from jax.experimental import pallas as pl
from jax.experimental.pallas import tpu as pltpu
from jax.experimental.pallas import tpu_sc as plsc

DIM = 128
S = 200
EPS = 1e-12
L = 16
NV = DIM // L
NC = 2
NS = 16
NW = NC * NS
C = 128
G = 16
GPC = C // G


def _rsqrt(x):
    i = lax.bitcast_convert_type(x, jnp.int32)
    i = jnp.int32(0x5F3759DF) - lax.shift_right_logical(i, 1)
    y = lax.bitcast_convert_type(i, jnp.float32)
    for _ in range(3):
        y = y * (1.5 - 0.5 * x * y * y)
    return y


def _tree_add(xs):
    xs = list(xs)
    while len(xs) > 1:
        xs = [a + b for a, b in zip(xs[0::2], xs[1::2])]
    return xs[0]


def _ln_row(read_vec, write_vec, gvs, bvs):
    xs = [read_vec(j) for j in range(NV)]
    tot = _tree_add(xs)
    ssum = jnp.sum(tot)
    totsq = _tree_add([x * x for x in xs])
    ssq = jnp.sum(totsq)
    mean = ssum * (1.0 / DIM)
    var = ssq * (1.0 / DIM) - mean * mean
    sc = _rsqrt(var + EPS)
    for j in range(NV):
        write_vec(j, (xs[j] - mean) * sc * gvs[j] + bvs[j])


def _body(ids_hbm, table_hbm, pos_hbm, g_hbm, b_hbm, out_hbm,
          idx_v, pos_v, lnp_v, g_v, b_v, in_v, ou_v, gsem, ssem):
    n_rows = ids_hbm.shape[0]
    rw = n_rows // NW
    nchunk = rw // C
    wid = lax.axis_index("s") * NC + lax.axis_index("c")
    base = wid * rw

    pltpu.sync_copy(ids_hbm.at[pl.ds(base, rw)], idx_v)
    pltpu.sync_copy(pos_hbm.at[pl.ds(0, S)], pos_v)
    pltpu.sync_copy(g_hbm, g_v)
    pltpu.sync_copy(b_hbm, b_v)

    gvs = [g_v[pl.ds(j * L, L)] for j in range(NV)]
    bvs = [b_v[pl.ds(j * L, L)] for j in range(NV)]

    def lnp_body(i, _):
        _ln_row(lambda j: pos_v[i, pl.ds(j * L, L)],
                lambda j, v: lnp_v.__setitem__((i, pl.ds(j * L, L)), v),
                gvs, bvs)
        return 0
    lax.fori_loop(0, S, lnp_body, 0)

    lane = lax.iota(jnp.int32, L)

    def start_gather(c, b):
        pltpu.async_copy(
            table_hbm.at[idx_v.at[pl.ds(c * C, C)]], in_v.at[b], gsem.at[b])

    def start_scatter(c, b):
        pltpu.async_copy(
            ou_v.at[b], out_hbm.at[pl.ds(base + c * C, C)], ssem.at[b])

    def wait_gather(c, b):
        pltpu.make_async_copy(
            table_hbm.at[idx_v.at[pl.ds(c * C, C)]], in_v.at[b],
            gsem.at[b]).wait()

    def wait_scatter(c, b):
        pltpu.make_async_copy(
            ou_v.at[b], out_hbm.at[pl.ds(base + c * C, C)], ssem.at[b]).wait()

    start_gather(0, 0)
    start_gather(1, 1)

    def group_body(g, _):
        c = g // GPC
        r = g - c * GPC
        b = lax.rem(c, 2)
        loc0 = c * C

        @pl.when(r == 0)
        def _await_in():
            wait_gather(c, b)

        @pl.when((r == 0) & (c >= 2))
        def _await_out():
            wait_scatter(c - 2, b)

        row0 = r * G
        for k in range(G):
            row = row0 + k
            loc = loc0 + row
            p = lax.rem(loc, S)
            _ln_row(lambda j: in_v[b, row, pl.ds(j * L, L)] + pos_v[p, pl.ds(j * L, L)],
                    lambda j, v: ou_v.__setitem__((b, row, pl.ds(j * L, L)), v),
                    gvs, bvs)

        idvec = idx_v[pl.ds(loc0 + row0, G)]
        nzero = jnp.sum(jnp.where(idvec == 0, 1, 0))

        @pl.when(nzero > 0)
        def _fix():
            def fix_body(k, _):
                row = row0 + k
                idk = jnp.sum(jnp.where(lane == k, idvec, 0))

                @pl.when(idk == 0)
                def _patch():
                    p = lax.rem(loc0 + row, S)
                    for j in range(NV):
                        ou_v[b, row, pl.ds(j * L, L)] = lnp_v[p, pl.ds(j * L, L)]
                return 0
            lax.fori_loop(0, G, fix_body, 0)

        @pl.when(r == GPC - 1)
        def _flush():
            start_scatter(c, b)

            @pl.when(c + 2 < nchunk)
            def _next_gather():
                start_gather(c + 2, b)
        return 0

    lax.fori_loop(0, nchunk * GPC, group_body, 0)
    wait_scatter(nchunk - 2, 0)
    wait_scatter(nchunk - 1, 1)


def kernel(input_ids, word_table, pos_table, gamma, beta):
    b, s = input_ids.shape
    n = b * s
    ids_flat = input_ids.reshape(n)
    mesh = plsc.VectorSubcoreMesh(core_axis_name="c", subcore_axis_name="s")
    f = functools.partial(
        pl.kernel,
        mesh=mesh,
        compiler_params=pltpu.CompilerParams(needs_layout_passes=False),
        out_type=jax.ShapeDtypeStruct((n, DIM), jnp.float32),
        scratch_types=[
            pltpu.VMEM((n // NW,), jnp.int32),
            pltpu.VMEM((S, DIM), jnp.float32),
            pltpu.VMEM((S, DIM), jnp.float32),
            pltpu.VMEM((DIM,), jnp.float32),
            pltpu.VMEM((DIM,), jnp.float32),
            pltpu.VMEM((2, C, DIM), jnp.float32),
            pltpu.VMEM((2, C, DIM), jnp.float32),
            pltpu.SemaphoreType.DMA((2,)),
            pltpu.SemaphoreType.DMA((2,)),
        ],
    )(_body)
    out = f(ids_flat, word_table, pos_table, gamma, beta)
    return out.reshape(b, s, DIM)

# --- scband reference (transcript-rebuilt; emitter-appended) ---
"""Pipeline reference for scband-embeddings-14980845928829 (READ-ONLY COPY).

The authoritative reference and input builder live on the scoring server;
editing this copy changes nothing except your own understanding.
"""

import jax, jax.numpy as jnp
import numpy as np

VOCAB = 100000
DIM = 128
MAXPOS = 512
B = 1024
S = 200
PAD = 0
EPS = 1e-12


def setup_inputs(seed: int = 0) -> dict:
    key = jax.random.key(seed)
    k1, k2, k3 = jax.random.split(key, 3)
    input_ids = jax.random.randint(k1, (B, S), 0, VOCAB, dtype=jnp.int32)
    word_table = jax.random.normal(k2, (VOCAB, DIM), dtype=jnp.float32) * 0.02
    pos_table = jax.random.normal(k3, (MAXPOS, DIM), dtype=jnp.float32) * 0.02
    gamma = jnp.ones((DIM,), dtype=jnp.float32)
    beta = jnp.zeros((DIM,), dtype=jnp.float32)
    return {"input_ids": input_ids, "word_table": word_table, "pos_table": pos_table, "gamma": gamma, "beta": beta}


def reference(input_ids, word_table, pos_table, gamma, beta):
    # padding_idx row is zero (as in nn.Embedding(padding_idx=...))
    wt = word_table.at[PAD].set(0.0)
    # word embedding gather: [B, S, DIM]
    word_embeddings = jnp.take(wt, input_ids, axis=0)
    # position ids: registered buffer arange(max_pos)[:, :S]
    seq_length = input_ids.shape[1]
    position_ids = jnp.arange(seq_length, dtype=jnp.int32)
    position_embeddings = jnp.take(pos_table, position_ids, axis=0)  # [S, DIM]
    embeddings = word_embeddings + position_embeddings[None, :, :]
    # LayerNorm over last dim, eps=1e-12
    mean = jnp.mean(embeddings, axis=-1, keepdims=True)
    var = jnp.mean(jnp.square(embeddings - mean), axis=-1, keepdims=True)
    normed = (embeddings - mean) / jnp.sqrt(var + EPS)
    out = normed * gamma + beta
    # dropout is identity in eval mode
    return out

if __name__ == "__main__":
    import jax
    _d = setup_inputs()
    print(jax.jit(kernel)(*tuple(_d.values())))

</pallas_src>

<mosaic_0001>
#map = affine_map<(d0, d1) -> (0)>
#map1 = affine_map<(d0, d1) -> (0, 0)>
module attributes {stable_mosaic.version = 14 : i64} {
  func.func @_body(%arg0: i32, %arg1: i32, %arg2: memref<204800xi32, #tpu.memory_space<hbm>>, %arg3: memref<100000x128xf32, #tpu.memory_space<hbm>>, %arg4: memref<512x128xf32, #tpu.memory_space<hbm>>, %arg5: memref<128xf32, #tpu.memory_space<hbm>>, %arg6: memref<128xf32, #tpu.memory_space<hbm>>, %arg7: memref<204800x128xf32, #tpu.memory_space<hbm>>, %arg8: memref<6400xi32, #tpu.memory_space<vmem>>, %arg9: memref<200x128xf32, #tpu.memory_space<vmem>>, %arg10: memref<200x128xf32, #tpu.memory_space<vmem>>, %arg11: memref<128xf32, #tpu.memory_space<vmem>>, %arg12: memref<128xf32, #tpu.memory_space<vmem>>, %arg13: memref<2x128x128xf32, #tpu.memory_space<vmem>>, %arg14: memref<2x128x128xf32, #tpu.memory_space<vmem>>, %arg15: memref<2x!tpu.dma_semaphore, #tpu.memory_space<semaphore_mem>>, %arg16: memref<2x!tpu.dma_semaphore, #tpu.memory_space<semaphore_mem>>) attributes {dimension_semantics = [#tpu.dimension_semantics<core_parallel>, #tpu.dimension_semantics<subcore_parallel>], iteration_bounds = array<i64: 2, 16>, scalar_prefetch = 0 : i64, scratch_operands = 9 : i64, tpu.core_type = #tpu.core_type<sc_vector_subcore>, window_params = [{transform_indices = #map}, {transform_indices = #map1}, {transform_indices = #map1}, {transform_indices = #map}, {transform_indices = #map}, {transform_indices = #map1}]} {
    %mul3A = arith.constant 2 : i32
    %mul3A_0 = arith.muli %arg1, %mul3A : i32
    %add3A = arith.addi %mul3A_0, %arg0 : i32
    %mul3A_1 = arith.constant 6400 : i32
    %mul3A_2 = arith.muli %add3A, %mul3A_1 : i32
    "tpu.region"() ({
      %run_scoped3A = tpu.sem_alloc : memref<!tpu.dma_semaphore, #tpu.memory_space<semaphore_mem>>
      %dma_start3A_107 = tpu.memref_slice %arg2[%mul3A_2] : memref<204800xi32, #tpu.memory_space<hbm>> -> memref<6400xi32, #tpu.memory_space<hbm>>
      %dma_start3A_108 = tpu.memref_slice %arg2[%mul3A_2] : memref<204800xi32, #tpu.memory_space<hbm>> -> memref<6400xi32, #tpu.memory_space<hbm>>
      tpu.enqueue_dma source(%dma_start3A_108 : memref<6400xi32, #tpu.memory_space<hbm>>) target(%arg8 : memref<6400xi32, #tpu.memory_space<vmem>>) target_semaphore(%run_scoped3A : memref<!tpu.dma_semaphore, #tpu.memory_space<semaphore_mem>>)
      %dma_wait3A_109 = tpu.memref_slice %arg2[%mul3A_2] : memref<204800xi32, #tpu.memory_space<hbm>> -> memref<6400xi32, #tpu.memory_space<hbm>>
      %dma_wait3A_110 = tpu.memref_slice %arg2[%mul3A_2] : memref<204800xi32, #tpu.memory_space<hbm>> -> memref<6400xi32, #tpu.memory_space<hbm>>
      tpu.wait_dma2 semaphore(%run_scoped3A : memref<!tpu.dma_semaphore, #tpu.memory_space<semaphore_mem>>) src(%dma_wait3A_110 : memref<6400xi32, #tpu.memory_space<hbm>>) dst(%arg8 : memref<6400xi32, #tpu.memory_space<vmem>>)
      tpu.yield
    }) : () -> ()
    "tpu.region"() ({
      %run_scoped3A = tpu.sem_alloc : memref<!tpu.dma_semaphore, #tpu.memory_space<semaphore_mem>>
      %dma_start3A_107 = arith.constant 0 : i32
      %dma_start3A_108 = arith.constant 0 : i32
      %dma_start3A_109 = tpu.memref_slice %arg4[%dma_start3A_107, %dma_start3A_108] : memref<512x128xf32, #tpu.memory_space<hbm>> -> memref<200x128xf32, #tpu.memory_space<hbm>>
      %dma_start3A_110 = arith.constant 0 : i32
      %dma_start3A_111 = arith.constant 0 : i32
      %dma_start3A_112 = tpu.memref_slice %arg4[%dma_start3A_110, %dma_start3A_111] : memref<512x128xf32, #tpu.memory_space<hbm>> -> memref<200x128xf32, #tpu.memory_space<hbm>>
      tpu.enqueue_dma source(%dma_start3A_112 : memref<200x128xf32, #tpu.memory_space<hbm>>) target(%arg9 : memref<200x128xf32, #tpu.memory_space<vmem>>) target_semaphore(%run_scoped3A : memref<!tpu.dma_semaphore, #tpu.memory_space<semaphore_mem>>)
      %dma_wait3A_113 = arith.constant 0 : i32
      %dma_wait3A_114 = arith.constant 0 : i32
      %dma_wait3A_115 = tpu.memref_slice %arg4[%dma_wait3A_113, %dma_wait3A_114] : memref<512x128xf32, #tpu.memory_space<hbm>> -> memref<200x128xf32, #tpu.memory_space<hbm>>
      %dma_wait3A_116 = arith.constant 0 : i32
      %dma_wait3A_117 = arith.constant 0 : i32
      %dma_wait3A_118 = tpu.memref_slice %arg4[%dma_wait3A_116, %dma_wait3A_117] : memref<512x128xf32, #tpu.memory_space<hbm>> -> memref<200x128xf32, #tpu.memory_space<hbm>>
      tpu.wait_dma2 semaphore(%run_scoped3A : memref<!tpu.dma_semaphore, #tpu.memory_space<semaphore_mem>>) src(%dma_wait3A_118 : memref<200x128xf32, #tpu.memory_space<hbm>>) dst(%arg9 : memref<200x128xf32, #tpu.memory_space<vmem>>)
      tpu.yield
    }) : () -> ()
    "tpu.region"() ({
      %run_scoped3A = tpu.sem_alloc : memref<!tpu.dma_semaphore, #tpu.memory_space<semaphore_mem>>
      tpu.enqueue_dma source(%arg5 : memref<128xf32, #tpu.memory_space<hbm>>) target(%arg11 : memref<128xf32, #tpu.memory_space<vmem>>) target_semaphore(%run_scoped3A : memref<!tpu.dma_semaphore, #tpu.memory_space<semaphore_mem>>)
      tpu.wait_dma2 semaphore(%run_scoped3A : memref<!tpu.dma_semaphore, #tpu.memory_space<semaphore_mem>>) src(%arg5 : memref<128xf32, #tpu.memory_space<hbm>>) dst(%arg11 : memref<128xf32, #tpu.memory_space<vmem>>)
      tpu.yield
    }) : () -> ()
    "tpu.region"() ({
      %run_scoped3A = tpu.sem_alloc : memref<!tpu.dma_semaphore, #tpu.memory_space<semaphore_mem>>
      tpu.enqueue_dma source(%arg6 : memref<128xf32, #tpu.memory_space<hbm>>) target(%arg12 : memref<128xf32, #tpu.memory_space<vmem>>) target_semaphore(%run_scoped3A : memref<!tpu.dma_semaphore, #tpu.memory_space<semaphore_mem>>)
      tpu.wait_dma2 semaphore(%run_scoped3A : memref<!tpu.dma_semaphore, #tpu.memory_space<semaphore_mem>>) src(%arg6 : memref<128xf32, #tpu.memory_space<hbm>>) dst(%arg12 : memref<128xf32, #tpu.memory_space<vmem>>)
      tpu.yield
    }) : () -> ()
    %get3A = arith.constant 0 : index
    %get3A_3 = tpu.vector_load %arg11[%get3A] {strides = array<i32>} : memref<128xf32, #tpu.memory_space<vmem>>, vector<16xf32>,
    %get3A_4 = arith.constant 16 : index
    %get3A_5 = tpu.vector_load %arg11[%get3A_4] {strides = array<i32>} : memref<128xf32, #tpu.memory_space<vmem>>, vector<16xf32>,
    %get3A_6 = arith.constant 32 : index
    %get3A_7 = tpu.vector_load %arg11[%get3A_6] {strides = array<i32>} : memref<128xf32, #tpu.memory_space<vmem>>, vector<16xf32>,
    %get3A_8 = arith.constant 48 : index
    %get3A_9 = tpu.vector_load %arg11[%get3A_8] {strides = array<i32>} : memref<128xf32, #tpu.memory_space<vmem>>, vector<16xf32>,
    %get3A_10 = arith.constant 64 : index
    %get3A_11 = tpu.vector_load %arg11[%get3A_10] {strides = array<i32>} : memref<128xf32, #tpu.memory_space<vmem>>, vector<16xf32>,
    %get3A_12 = arith.constant 80 : index
    %get3A_13 = tpu.vector_load %arg11[%get3A_12] {strides = array<i32>} : memref<128xf32, #tpu.memory_space<vmem>>, vector<16xf32>,
    %get3A_14 = arith.constant 96 : index
    %get3A_15 = tpu.vector_load %arg11[%get3A_14] {strides = array<i32>} : memref<128xf32, #tpu.memory_space<vmem>>, vector<16xf32>,
    %get3A_16 = arith.constant 112 : index
    %get3A_17 = tpu.vector_load %arg11[%get3A_16] {strides = array<i32>} : memref<128xf32, #tpu.memory_space<vmem>>, vector<16xf32>,
    %get3A_18 = arith.constant 0 : index
    %get3A_19 = tpu.vector_load %arg12[%get3A_18] {strides = array<i32>} : memref<128xf32, #tpu.memory_space<vmem>>, vector<16xf32>,
    %get3A_20 = arith.constant 16 : index
    %get3A_21 = tpu.vector_load %arg12[%get3A_20] {strides = array<i32>} : memref<128xf32, #tpu.memory_space<vmem>>, vector<16xf32>,
    %get3A_22 = arith.constant 32 : index
    %get3A_23 = tpu.vector_load %arg12[%get3A_22] {strides = array<i32>} : memref<128xf32, #tpu.memory_space<vmem>>, vector<16xf32>,
    %get3A_24 = arith.constant 48 : index
    %get3A_25 = tpu.vector_load %arg12[%get3A_24] {strides = array<i32>} : memref<128xf32, #tpu.memory_space<vmem>>, vector<16xf32>,
    %get3A_26 = arith.constant 64 : index
    %get3A_27 = tpu.vector_load %arg12[%get3A_26] {strides = array<i32>} : memref<128xf32, #tpu.memory_space<vmem>>, vector<16xf32>,
    %get3A_28 = arith.constant 80 : index
    %get3A_29 = tpu.vector_load %arg12[%get3A_28] {strides = array<i32>} : memref<128xf32, #tpu.memory_space<vmem>>, vector<16xf32>,
    %get3A_30 = arith.constant 96 : index
    %get3A_31 = tpu.vector_load %arg12[%get3A_30] {strides = array<i32>} : memref<128xf32, #tpu.memory_space<vmem>>, vector<16xf32>,
    %get3A_32 = arith.constant 112 : index
    %get3A_33 = tpu.vector_load %arg12[%get3A_32] {strides = array<i32>} : memref<128xf32, #tpu.memory_space<vmem>>, vector<16xf32>,
    %scan3A = arith.constant 0 : i32
    %scan3A_34 = arith.constant 0 : i32
    %scan3A_35 = arith.constant 200 : i32
    %scan3A_36 = arith.addi %scan3A_34, %scan3A_35 : i32
    %scan3A_37 = arith.constant 1 : i32
    %scan3A_38 = scf.for %scan3A_107 = %scan3A_34 to %scan3A_36 step %scan3A_37 iter_args(%scan3A_108 = %scan3A) -> (i32)  : i32 {
      %get3A_109 = arith.index_cast %scan3A_107 : i32 to index
      %get3A_110 = arith.constant 0 : index
      %get3A_111 = tpu.vector_load %arg9[%get3A_109, %get3A_110] {strides = array<i32>} : memref<200x128xf32, #tpu.memory_space<vmem>>, vector<16xf32>,
      %get3A_112 = arith.index_cast %scan3A_107 : i32 to index
      %get3A_113 = arith.constant 16 : index
      %get3A_114 = tpu.vector_load %arg9[%get3A_112, %get3A_113] {strides = array<i32>} : memref<200x128xf32, #tpu.memory_space<vmem>>, vector<16xf32>,
      %get3A_115 = arith.index_cast %scan3A_107 : i32 to index
      %get3A_116 = arith.constant 32 : index
      %get3A_117 = tpu.vector_load %arg9[%get3A_115, %get3A_116] {strides = array<i32>} : memref<200x128xf32, #tpu.memory_space<vmem>>, vector<16xf32>,
      %get3A_118 = arith.index_cast %scan3A_107 : i32 to index
      %get3A_119 = arith.constant 48 : index
      %get3A_120 = tpu.vector_load %arg9[%get3A_118, %get3A_119] {strides = array<i32>} : memref<200x128xf32, #tpu.memory_space<vmem>>, vector<16xf32>,
      %get3A_121 = arith.index_cast %scan3A_107 : i32 to index
      %get3A_122 = arith.constant 64 : index
      %get3A_123 = tpu.vector_load %arg9[%get3A_121, %get3A_122] {strides = array<i32>} : memref<200x128xf32, #tpu.memory_space<vmem>>, vector<16xf32>,
      %get3A_124 = arith.index_cast %scan3A_107 : i32 to index
      %get3A_125 = arith.constant 80 : index
      %get3A_126 = tpu.vector_load %arg9[%get3A_124, %get3A_125] {strides = array<i32>} : memref<200x128xf32, #tpu.memory_space<vmem>>, vector<16xf32>,
      %get3A_127 = arith.index_cast %scan3A_107 : i32 to index
      %get3A_128 = arith.constant 96 : index
      %get3A_129 = tpu.vector_load %arg9[%get3A_127, %get3A_128] {strides = array<i32>} : memref<200x128xf32, #tpu.memory_space<vmem>>, vector<16xf32>,
      %get3A_130 = arith.index_cast %scan3A_107 : i32 to index
      %get3A_131 = arith.constant 112 : index
      %get3A_132 = tpu.vector_load %arg9[%get3A_130, %get3A_131] {strides = array<i32>} : memref<200x128xf32, #tpu.memory_space<vmem>>, vector<16xf32>,
      %add3A_133 = arith.addf %get3A_111, %get3A_114 : vector<16xf32>
      %add3A_134 = arith.addf %get3A_117, %get3A_120 : vector<16xf32>
      %add3A_135 = arith.addf %get3A_123, %get3A_126 : vector<16xf32>
      %add3A_136 = arith.addf %get3A_129, %get3A_132 : vector<16xf32>
      %add3A_137 = arith.addf %add3A_133, %add3A_134 : vector<16xf32>
      %add3A_138 = arith.addf %add3A_135, %add3A_136 : vector<16xf32>
      %add3A_139 = arith.addf %add3A_137, %add3A_138 : vector<16xf32>
      %reduce_sum3A = arith.constant true
      %reduce_sum3A_140 = vector.broadcast %reduce_sum3A : i1 to vector<16xi1>
      %reduce_sum3A_141 = tpu.scan <sum>, %add3A_139 masked %reduce_sum3A_140 : vector<16xf32>, vector<16xi1> -> vector<16xf32>
      %reduce_sum3A_142 = vector.extract %reduce_sum3A_141[15] : f32 from vector<16xf32>
      %mul3A_143 = arith.mulf %get3A_111, %get3A_111 : vector<16xf32>
      %mul3A_144 = arith.mulf %get3A_114, %get3A_114 : vector<16xf32>
      %mul3A_145 = arith.mulf %get3A_117, %get3A_117 : vector<16xf32>
      %mul3A_146 = arith.mulf %get3A_120, %get3A_120 : vector<16xf32>
      %mul3A_147 = arith.mulf %get3A_123, %get3A_123 : vector<16xf32>
      %mul3A_148 = arith.mulf %get3A_126, %get3A_126 : vector<16xf32>
      %mul3A_149 = arith.mulf %get3A_129, %get3A_129 : vector<16xf32>
      %mul3A_150 = arith.mulf %get3A_132, %get3A_132 : vector<16xf32>
      %add3A_151 = arith.addf %mul3A_143, %mul3A_144 : vector<16xf32>
      %add3A_152 = arith.addf %mul3A_145, %mul3A_146 : vector<16xf32>
      %add3A_153 = arith.addf %mul3A_147, %mul3A_148 : vector<16xf32>
      %add3A_154 = arith.addf %mul3A_149, %mul3A_150 : vector<16xf32>
      %add3A_155 = arith.addf %add3A_151, %add3A_152 : vector<16xf32>
      %add3A_156 = arith.addf %add3A_153, %add3A_154 : vector<16xf32>
      %add3A_157 = arith.addf %add3A_155, %add3A_156 : vector<16xf32>
      %reduce_sum3A_158 = arith.constant true
      %reduce_sum3A_159 = vector.broadcast %reduce_sum3A_158 : i1 to vector<16xi1>
      %reduce_sum3A_160 = tpu.scan <sum>, %add3A_157 masked %reduce_sum3A_159 : vector<16xf32>, vector<16xi1> -> vector<16xf32>
      %reduce_sum3A_161 = vector.extract %reduce_sum3A_160[15] : f32 from vector<16xf32>
      %mul3A_162 = arith.constant 7.812500e-03 : f32
      %mul3A_163 = arith.mulf %reduce_sum3A_142, %mul3A_162 : f32
      %mul3A_164 = arith.constant 7.812500e-03 : f32
      %mul3A_165 = arith.mulf %reduce_sum3A_161, %mul3A_164 : f32
      %mul3A_166 = arith.mulf %mul3A_163, %mul3A_163 : f32
      %sub3A = arith.subf %mul3A_165, %mul3A_166 : f32
      %add3A_167 = arith.constant 9.99999996E-13 : f32
      %add3A_168 = arith.addf %sub3A, %add3A_167 : f32
      %bitcast_convert_type3A = arith.bitcast %add3A_168 : f32 to i32
      %shift_right_logical3A = arith.constant 1 : i32
      %shift_right_logical3A_169 = arith.shrui %bitcast_convert_type3A, %shift_right_logical3A : i32
      %sub3A_170 = arith.constant 1597463007 : i32
      %sub3A_171 = arith.subi %sub3A_170, %shift_right_logical3A_169 : i32
      %bitcast_convert_type3A_172 = arith.bitcast %sub3A_171 : i32 to f32
      %mul3A_173 = arith.constant 5.000000e-01 : f32
      %mul3A_174 = arith.mulf %mul3A_173, %add3A_168 : f32
      %mul3A_175 = arith.mulf %mul3A_174, %bitcast_convert_type3A_172 : f32
      %mul3A_176 = arith.mulf %mul3A_175, %bitcast_convert_type3A_172 : f32
      %sub3A_177 = arith.constant 1.500000e+00 : f32
      %sub3A_178 = arith.subf %sub3A_177, %mul3A_176 : f32
      %mul3A_179 = arith.mulf %bitcast_convert_type3A_172, %sub3A_178 : f32
      %mul3A_180 = arith.constant 5.000000e-01 : f32
      %mul3A_181 = arith.mulf %mul3A_180, %add3A_168 : f32
      %mul3A_182 = arith.mulf %mul3A_181, %mul3A_179 : f32
      %mul3A_183 = arith.mulf %mul3A_182, %mul3A_179 : f32
      %sub3A_184 = arith.constant 1.500000e+00 : f32
      %sub3A_185 = arith.subf %sub3A_184, %mul3A_183 : f32
      %mul3A_186 = arith.mulf %mul3A_179, %sub3A_185 : f32
      %mul3A_187 = arith.constant 5.000000e-01 : f32
      %mul3A_188 = arith.mulf %mul3A_187, %add3A_168 : f32
      %mul3A_189 = arith.mulf %mul3A_188, %mul3A_186 : f32
      %mul3A_190 = arith.mulf %mul3A_189, %mul3A_186 : f32
      %sub3A_191 = arith.constant 1.500000e+00 : f32
      %sub3A_192 = arith.subf %sub3A_191, %mul3A_190 : f32
      %mul3A_193 = arith.mulf %mul3A_186, %sub3A_192 : f32
      %sub3A_194 = vector.broadcast %mul3A_163 : f32 to vector<16xf32>
      %sub3A_195 = arith.subf %get3A_111, %sub3A_194 : vector<16xf32>
      %mul3A_196 = vector.broadcast %mul3A_193 : f32 to vector<16xf32>
      %mul3A_197 = arith.mulf %sub3A_195, %mul3A_196 : vector<16xf32>
      %mul3A_198 = arith.mulf %mul3A_197, %get3A_3 : vector<16xf32>
      %add3A_199 = arith.addf %mul3A_198, %get3A_19 : vector<16xf32>
      %swap3A = arith.index_cast %scan3A_107 : i32 to index
      %swap3A_200 = arith.constant 0 : index
      %swap3A_201 = tpu.vector_load %arg10[%swap3A, %swap3A_200] {strides = array<i32>} : memref<200x128xf32, #tpu.memory_space<vmem>>, vector<16xf32>,
      tpu.vector_store %arg10[%swap3A, %swap3A_200], %add3A_199 {strides = array<i32>} : memref<200x128xf32, #tpu.memory_space<vmem>>, vector<16xf32>,
      %sub3A_202 = vector.broadcast %mul3A_163 : f32 to vector<16xf32>
      %sub3A_203 = arith.subf %get3A_114, %sub3A_202 : vector<16xf32>
      %mul3A_204 = vector.broadcast %mul3A_193 : f32 to vector<16xf32>
      %mul3A_205 = arith.mulf %sub3A_203, %mul3A_204 : vector<16xf32>
      %mul3A_206 = arith.mulf %mul3A_205, %get3A_5 : vector<16xf32>
      %add3A_207 = arith.addf %mul3A_206, %get3A_21 : vector<16xf32>
      %swap3A_208 = arith.index_cast %scan3A_107 : i32 to index
      %swap3A_209 = arith.constant 16 : index
      %swap3A_210 = tpu.vector_load %arg10[%swap3A_208, %swap3A_209] {strides = array<i32>} : memref<200x128xf32, #tpu.memory_space<vmem>>, vector<16xf32>,
      tpu.vector_store %arg10[%swap3A_208, %swap3A_209], %add3A_207 {strides = array<i32>} : memref<200x128xf32, #tpu.memory_space<vmem>>, vector<16xf32>,
      %sub3A_211 = vector.broadcast %mul3A_163 : f32 to vector<16xf32>
      %sub3A_212 = arith.subf %get3A_117, %sub3A_211 : vector<16xf32>
      %mul3A_213 = vector.broadcast %mul3A_193 : f32 to vector<16xf32>
      %mul3A_214 = arith.mulf %sub3A_212, %mul3A_213 : vector<16xf32>
      %mul3A_215 = arith.mulf %mul3A_214, %get3A_7 : vector<16xf32>
      %add3A_216 = arith.addf %mul3A_215, %get3A_23 : vector<16xf32>
      %swap3A_217 = arith.index_cast %scan3A_107 : i32 to index
      %swap3A_218 = arith.constant 32 : index
      %swap3A_219 = tpu.vector_load %arg10[%swap3A_217, %swap3A_218] {strides = array<i32>} : memref<200x128xf32, #tpu.memory_space<vmem>>, vector<16xf32>,
      tpu.vector_store %arg10[%swap3A_217, %swap3A_218], %add3A_216 {strides = array<i32>} : memref<200x128xf32, #tpu.memory_space<vmem>>, vector<16xf32>,
      %sub3A_220 = vector.broadcast %mul3A_163 : f32 to vector<16xf32>
      %sub3A_221 = arith.subf %get3A_120, %sub3A_220 : vector<16xf32>
      %mul3A_222 = vector.broadcast %mul3A_193 : f32 to vector<16xf32>
      %mul3A_223 = arith.mulf %sub3A_221, %mul3A_222 : vector<16xf32>
      %mul3A_224 = arith.mulf %mul3A_223, %get3A_9 : vector<16xf32>
      %add3A_225 = arith.addf %mul3A_224, %get3A_25 : vector<16xf32>
      %swap3A_226 = arith.index_cast %scan3A_107 : i32 to index
      %swap3A_227 = arith.constant 48 : index
      %swap3A_228 = tpu.vector_load %arg10[%swap3A_226, %swap3A_227] {strides = array<i32>} : memref<200x128xf32, #tpu.memory_space<vmem>>, vector<16xf32>,
      tpu.vector_store %arg10[%swap3A_226, %swap3A_227], %add3A_225 {strides = array<i32>} : memref<200x128xf32, #tpu.memory_space<vmem>>, vector<16xf32>,
      %sub3A_229 = vector.broadcast %mul3A_163 : f32 to vector<16xf32>
      %sub3A_230 = arith.subf %get3A_123, %sub3A_229 : vector<16xf32>
      %mul3A_231 = vector.broadcast %mul3A_193 : f32 to vector<16xf32>
      %mul3A_232 = arith.mulf %sub3A_230, %mul3A_231 : vector<16xf32>
      %mul3A_233 = arith.mulf %mul3A_232, %get3A_11 : vector<16xf32>
      %add3A_234 = arith.addf %mul3A_233, %get3A_27 : vector<16xf32>
      %swap3A_235 = arith.index_cast %scan3A_107 : i32 to index
      %swap3A_236 = arith.constant 64 : index
      %swap3A_237 = tpu.vector_load %arg10[%swap3A_235, %swap3A_236] {strides = array<i32>} : memref<200x128xf32, #tpu.memory_space<vmem>>, vector<16xf32>,
      tpu.vector_store %arg10[%swap3A_235, %swap3A_236], %add3A_234 {strides = array<i32>} : memref<200x128xf32, #tpu.memory_space<vmem>>, vector<16xf32>,
      %sub3A_238 = vector.broadcast %mul3A_163 : f32 to vector<16xf32>
      %sub3A_239 = arith.subf %get3A_126, %sub3A_238 : vector<16xf32>
      %mul3A_240 = vector.broadcast %mul3A_193 : f32 to vector<16xf32>
      %mul3A_241 = arith.mulf %sub3A_239, %mul3A_240 : vector<16xf32>
      %mul3A_242 = arith.mulf %mul3A_241, %get3A_13 : vector<16xf32>
      %add3A_243 = arith.addf %mul3A_242, %get3A_29 : vector<16xf32>
      %swap3A_244 = arith.index_cast %scan3A_107 : i32 to index
      %swap3A_245 = arith.constant 80 : index
      %swap3A_246 = tpu.vector_load %arg10[%swap3A_244, %swap3A_245] {strides = array<i32>} : memref<200x128xf32, #tpu.memory_space<vmem>>, vector<16xf32>,
      tpu.vector_store %arg10[%swap3A_244, %swap3A_245], %add3A_243 {strides = array<i32>} : memref<200x128xf32, #tpu.memory_space<vmem>>, vector<16xf32>,
      %sub3A_247 = vector.broadcast %mul3A_163 : f32 to vector<16xf32>
      %sub3A_248 = arith.subf %get3A_129, %sub3A_247 : vector<16xf32>
      %mul3A_249 = vector.broadcast %mul3A_193 : f32 to vector<16xf32>
      %mul3A_250 = arith.mulf %sub3A_248, %mul3A_249 : vector<16xf32>
      %mul3A_251 = arith.mulf %mul3A_250, %get3A_15 : vector<16xf32>
      %add3A_252 = arith.addf %mul3A_251, %get3A_31 : vector<16xf32>
      %swap3A_253 = arith.index_cast %scan3A_107 : i32 to index
      %swap3A_254 = arith.constant 96 : index
      %swap3A_255 = tpu.vector_load %arg10[%swap3A_253, %swap3A_254] {strides = array<i32>} : memref<200x128xf32, #tpu.memory_space<vmem>>, vector<16xf32>,
      tpu.vector_store %arg10[%swap3A_253, %swap3A_254], %add3A_252 {strides = array<i32>} : memref<200x128xf32, #tpu.memory_space<vmem>>, vector<16xf32>,
      %sub3A_256 = vector.broadcast %mul3A_163 : f32 to vector<16xf32>
      %sub3A_257 = arith.subf %get3A_132, %sub3A_256 : vector<16xf32>
      %mul3A_258 = vector.broadcast %mul3A_193 : f32 to vector<16xf32>
      %mul3A_259 = arith.mulf %sub3A_257, %mul3A_258 : vector<16xf32>
      %mul3A_260 = arith.mulf %mul3A_259, %get3A_17 : vector<16xf32>
      %add3A_261 = arith.addf %mul3A_260, %get3A_33 : vector<16xf32>
      %swap3A_262 = arith.index_cast %scan3A_107 : i32 to index
      %swap3A_263 = arith.constant 112 : index
      %swap3A_264 = tpu.vector_load %arg10[%swap3A_262, %swap3A_263] {strides = array<i32>} : memref<200x128xf32, #tpu.memory_space<vmem>>, vector<16xf32>,
      tpu.vector_store %arg10[%swap3A_262, %swap3A_263], %add3A_261 {strides = array<i32>} : memref<200x128xf32, #tpu.memory_space<vmem>>, vector<16xf32>,
      %scan3A_265 = arith.constant 0 : i32
      scf.yield %scan3A_265 : i32
    }
    %scan3A_39 = arith.constant 200 : i32
    %iota3A = tpu.iota {dimensions = array<i32: 0>} : vector<16xi32>
    %dma_start3A = arith.constant 0 : i32
    %dma_start3A_40 = arith.constant 0 : i32
    %dma_start3A_41 = arith.constant 0 : i32
    %dma_start3A_42 = arith.constant 0 : i32
    %dma_start3A_43 = tpu.memref_slice %arg13[%dma_start3A, %dma_start3A_41, %dma_start3A_42] : memref<2x128x128xf32, #tpu.memory_space<vmem>> -> memref<1x128x128xf32, #tpu.memory_space<vmem>>
    %dma_start3A_44 = tpu.memref_squeeze %dma_start3A_43 : memref<1x128x128xf32, #tpu.memory_space<vmem>> -> memref<128x128xf32, #tpu.memory_space<vmem>>
    %dma_start3A_45 = arith.constant 0 : i32
    %dma_start3A_46 = tpu.memref_slice %arg8[%dma_start3A_45] : memref<6400xi32, #tpu.memory_space<vmem>> -> memref<128xi32, #tpu.memory_space<vmem>>
    %dma_start3A_47 = arith.constant 0 : i32
    %dma_start3A_48 = arith.constant 0 : i32
    %dma_start3A_49 = tpu.memref_slice %arg3[%dma_start3A_47, %dma_start3A_48] : memref<100000x128xf32, #tpu.memory_space<hbm>> -> memref<100000x128xf32, #tpu.memory_space<hbm>>
    %dma_start3A_50 = tpu.memref_slice %arg15[%dma_start3A_40] : memref<2x!tpu.dma_semaphore, #tpu.memory_space<semaphore_mem>> -> memref<1x!tpu.dma_semaphore, #tpu.memory_space<semaphore_mem>>
    %dma_start3A_51 = tpu.memref_squeeze %dma_start3A_50 : memref<1x!tpu.dma_semaphore, #tpu.memory_space<semaphore_mem>> -> memref<!tpu.dma_semaphore, #tpu.memory_space<semaphore_mem>>
    tpu.enqueue_indirect_dma source(%dma_start3A_49 : memref<100000x128xf32, #tpu.memory_space<hbm>>) target(%dma_start3A_44 : memref<128x128xf32, #tpu.memory_space<vmem>>) offsets(%dma_start3A_46 : memref<128xi32, #tpu.memory_space<vmem>>) semaphore(%dma_start3A_51 : memref<!tpu.dma_semaphore, #tpu.memory_space<semaphore_mem>>)
    %dma_start3A_52 = arith.constant 1 : i32
    %dma_start3A_53 = arith.constant 1 : i32
    %dma_start3A_54 = arith.constant 0 : i32
    %dma_start3A_55 = arith.constant 0 : i32
    %dma_start3A_56 = tpu.memref_slice %arg13[%dma_start3A_52, %dma_start3A_54, %dma_start3A_55] : memref<2x128x128xf32, #tpu.memory_space<vmem>> -> memref<1x128x128xf32, #tpu.memory_space<vmem>>
    %dma_start3A_57 = tpu.memref_squeeze %dma_start3A_56 : memref<1x128x128xf32, #tpu.memory_space<vmem>> -> memref<128x128xf32, #tpu.memory_space<vmem>>
    %dma_start3A_58 = arith.constant 128 : i32
    %dma_start3A_59 = tpu.memref_slice %arg8[%dma_start3A_58] : memref<6400xi32, #tpu.memory_space<vmem>> -> memref<128xi32, #tpu.memory_space<vmem>>
    %dma_start3A_60 = arith.constant 0 : i32
    %dma_start3A_61 = arith.constant 0 : i32
    %dma_start3A_62 = tpu.memref_slice %arg3[%dma_start3A_60, %dma_start3A_61] : memref<100000x128xf32, #tpu.memory_space<hbm>> -> memref<100000x128xf32, #tpu.memory_space<hbm>>
    %dma_start3A_63 = tpu.memref_slice %arg15[%dma_start3A_53] : memref<2x!tpu.dma_semaphore, #tpu.memory_space<semaphore_mem>> -> memref<1x!tpu.dma_semaphore, #tpu.memory_space<semaphore_mem>>
    %dma_start3A_64 = tpu.memref_squeeze %dma_start3A_63 : memref<1x!tpu.dma_semaphore, #tpu.memory_space<semaphore_mem>> -> memref<!tpu.dma_semaphore, #tpu.memory_space<semaphore_mem>>
    tpu.enqueue_indirect_dma source(%dma_start3A_62 : memref<100000x128xf32, #tpu.memory_space<hbm>>) target(%dma_start3A_57 : memref<128x128xf32, #tpu.memory_space<vmem>>) offsets(%dma_start3A_59 : memref<128xi32, #tpu.memory_space<vmem>>) semaphore(%dma_start3A_64 : memref<!tpu.dma_semaphore, #tpu.memory_space<semaphore_mem>>)
    %scan3A_65 = arith.constant 0 : i32
    %scan3A_66 = arith.constant 0 : i32
    %scan3A_67 = arith.constant 400 : i32
    %scan3A_68 = arith.addi %scan3A_66, %scan3A_67 : i32
    %scan3A_69 = arith.constant 1 : i32
    %scan3A_70 = scf.for %scan3A_107 = %scan3A_66 to %scan3A_68 step %scan3A_69 iter_args(%scan3A_108 = %scan3A_65) -> (i32)  : i32 {
      %jit3A = arith.constant 8 : i32
      %div3A = arith.divsi %scan3A_107, %jit3A : i32
      %sign3A = arith.constant 0 : i32
      %sign3A_109 = arith.cmpi sgt, %scan3A_107, %sign3A : i32
      %sign3A_110 = arith.extui %sign3A_109 : i1 to i32
      %sign3A_111 = arith.constant 0 : i32
      %sign3A_112 = arith.cmpi slt, %scan3A_107, %sign3A_111 : i32
      %sign3A_113 = arith.extui %sign3A_112 : i1 to i32
      %sign3A_114 = arith.subi %sign3A_110, %sign3A_113 : i32
      %sign3A_115 = arith.constant 0 : i32
      %sign3A_116 = arith.cmpi sgt, %jit3A, %sign3A_115 : i32
      %sign3A_117 = arith.extui %sign3A_116 : i1 to i32
      %sign3A_118 = arith.constant 0 : i32
      %sign3A_119 = arith.cmpi slt, %jit3A, %sign3A_118 : i32
      %sign3A_120 = arith.extui %sign3A_119 : i1 to i32
      %sign3A_121 = arith.subi %sign3A_117, %sign3A_120 : i32
      %ne3A = arith.cmpi ne, %sign3A_114, %sign3A_121 : i32
      %rem3A = arith.remsi %scan3A_107, %jit3A : i32
      %ne3A_122 = arith.constant 0 : i32
      %ne3A_123 = arith.cmpi ne, %rem3A, %ne3A_122 : i32
      %and3A = arith.andi %ne3A, %ne3A_123 : i1
      %sub3A = arith.constant 1 : i32
      %sub3A_124 = arith.subi %div3A, %sub3A : i32
      %select_n3A = arith.select %and3A, %sub3A_124, %div3A : i32
      %mul3A_125 = arith.constant 8 : i32
      %mul3A_126 = arith.muli %select_n3A, %mul3A_125 : i32
      %sub3A_127 = arith.subi %scan3A_107, %mul3A_126 : i32
      %rem3A_128 = arith.constant 2 : i32
      %rem3A_129 = arith.remsi %select_n3A, %rem3A_128 : i32
      %mul3A_130 = arith.constant 128 : i32
      %mul3A_131 = arith.muli %select_n3A, %mul3A_130 : i32
      %eq3A = arith.constant 0 : i32
      %eq3A_132 = arith.cmpi eq, %sub3A_127, %eq3A : i32
      %convert_element_type3A = arith.extui %eq3A_132 : i1 to i32
      %cond3A = arith.constant 0 : i32
      %cond3A_133 = arith.cmpi ne, %convert_element_type3A, %cond3A : i32
      scf.if %cond3A_133 {
        %mul3A_3587 = arith.constant 128 : i32
        %mul3A_3588 = arith.muli %select_n3A, %mul3A_3587 : i32
        %dma_wait3A_3589 = arith.constant 0 : i32
        %dma_wait3A_3590 = arith.constant 0 : i32
        %dma_wait3A_3591 = tpu.memref_slice %arg13[%rem3A_129, %dma_wait3A_3589, %dma_wait3A_3590] : memref<2x128x128xf32, #tpu.memory_space<vmem>> -> memref<1x128x128xf32, #tpu.memory_space<vmem>>
        %dma_wait3A_3592 = tpu.memref_squeeze %dma_wait3A_3591 : memref<1x128x128xf32, #tpu.memory_space<vmem>> -> memref<128x128xf32, #tpu.memory_space<vmem>>
        %dma_wait3A_3593 = tpu.memref_slice %arg8[%mul3A_3588] : memref<6400xi32, #tpu.memory_space<vmem>> -> memref<128xi32, #tpu.memory_space<vmem>>
        %dma_wait3A_3594 = arith.constant 0 : i32
        %dma_wait3A_3595 = arith.constant 0 : i32
        %dma_wait3A_3596 = tpu.memref_slice %arg3[%dma_wait3A_3594, %dma_wait3A_3595] : memref<100000x128xf32, #tpu.memory_space<hbm>> -> memref<100000x128xf32, #tpu.memory_space<hbm>>
        %dma_wait3A_3597 = tpu.memref_slice %arg15[%rem3A_129] : memref<2x!tpu.dma_semaphore, #tpu.memory_space<semaphore_mem>> -> memref<1x!tpu.dma_semaphore, #tpu.memory_space<semaphore_mem>>
        %dma_wait3A_3598 = tpu.memref_squeeze %dma_wait3A_3597 : memref<1x!tpu.dma_semaphore, #tpu.memory_space<semaphore_mem>> -> memref<!tpu.dma_semaphore, #tpu.memory_space<semaphore_mem>>
        tpu.wait_indirect_dma semaphore(%dma_wait3A_3598 : memref<!tpu.dma_semaphore, #tpu.memory_space<semaphore_mem>>) src(%dma_wait3A_3596 : memref<100000x128xf32, #tpu.memory_space<hbm>>) dst(%dma_wait3A_3592 : memref<128x128xf32, #tpu.memory_space<vmem>>)
      } else {
      }
      %eq3A_134 = arith.constant 0 : i32
      %eq3A_135 = arith.cmpi eq, %sub3A_127, %eq3A_134 : i32
      %ge3A = arith.constant 2 : i32
      %ge3A_136 = arith.cmpi sge, %select_n3A, %ge3A : i32
      %and3A_137 = arith.andi %eq3A_135, %ge3A_136 : i1
      %convert_element_type3A_138 = arith.extui %and3A_137 : i1 to i32
      %cond3A_139 = arith.constant 0 : i32
      %cond3A_140 = arith.cmpi ne, %convert_element_type3A_138, %cond3A_139 : i32
      scf.if %cond3A_140 {
        %sub3A_3587 = arith.constant 2 : i32
        %sub3A_3588 = arith.subi %select_n3A, %sub3A_3587 : i32
        %mul3A_3589 = arith.constant 128 : i32
        %mul3A_3590 = arith.muli %sub3A_3588, %mul3A_3589 : i32
        %add3A_3591 = arith.addi %mul3A_2, %mul3A_3590 : i32
        %dma_wait3A_3592 = arith.constant 0 : i32
        %dma_wait3A_3593 = arith.constant 0 : i32
        %dma_wait3A_3594 = tpu.memref_slice %arg14[%rem3A_129, %dma_wait3A_3592, %dma_wait3A_3593] : memref<2x128x128xf32, #tpu.memory_space<vmem>> -> memref<1x128x128xf32, #tpu.memory_space<vmem>>
        %dma_wait3A_3595 = tpu.memref_squeeze %dma_wait3A_3594 : memref<1x128x128xf32, #tpu.memory_space<vmem>> -> memref<128x128xf32, #tpu.memory_space<vmem>>
        %dma_wait3A_3596 = arith.constant 0 : i32
        %dma_wait3A_3597 = tpu.memref_slice %arg7[%add3A_3591, %dma_wait3A_3596] : memref<204800x128xf32, #tpu.memory_space<hbm>> -> memref<128x128xf32, #tpu.memory_space<hbm>>
        %dma_wait3A_3598 = tpu.memref_slice %arg16[%rem3A_129] : memref<2x!tpu.dma_semaphore, #tpu.memory_space<semaphore_mem>> -> memref<1x!tpu.dma_semaphore, #tpu.memory_space<semaphore_mem>>
        %dma_wait3A_3599 = tpu.memref_squeeze %dma_wait3A_3598 : memref<1x!tpu.dma_semaphore, #tpu.memory_space<semaphore_mem>> -> memref<!tpu.dma_semaphore, #tpu.memory_space<semaphore_mem>>
        %dma_wait3A_3600 = arith.constant 0 : i32
        %dma_wait3A_3601 = tpu.memref_slice %arg7[%add3A_3591, %dma_wait3A_3600] : memref<204800x128xf32, #tpu.memory_space<hbm>> -> memref<128x128xf32, #tpu.memory_space<hbm>>
        %dma_wait3A_3602 = arith.constant 0 : i32
        %dma_wait3A_3603 = arith.constant 0 : i32
        %dma_wait3A_3604 = tpu.memref_slice %arg14[%rem3A_129, %dma_wait3A_3602, %dma_wait3A_3603] : memref<2x128x128xf32, #tpu.memory_space<vmem>> -> memref<1x128x128xf32, #tpu.memory_space<vmem>>
        %dma_wait3A_3605 = tpu.memref_squeeze %dma_wait3A_3604 : memref<1x128x128xf32, #tpu.memory_space<vmem>> -> memref<128x128xf32, #tpu.memory_space<vmem>>
        tpu.wait_dma2 semaphore(%dma_wait3A_3599 : memref<!tpu.dma_semaphore, #tpu.memory_space<semaphore_mem>>) src(%dma_wait3A_3605 : memref<128x128xf32, #tpu.memory_space<vmem>>) dst(%dma_wait3A_3601 : memref<128x128xf32, #tpu.memory_space<hbm>>)
      } else {
      }
      %mul3A_141 = arith.constant 16 : i32
      %mul3A_142 = arith.muli %sub3A_127, %mul3A_141 : i32
      %add3A_143 = arith.constant 0 : i32
      %add3A_144 = arith.addi %mul3A_142, %add3A_143 : i32
      %add3A_145 = arith.addi %mul3A_131, %add3A_144 : i32
      %rem3A_146 = arith.constant 200 : i32
      %rem3A_147 = arith.remsi %add3A_145, %rem3A_146 : i32
      %get3A_148 = arith.index_cast %rem3A_129 : i32 to index
      %get3A_149 = arith.index_cast %add3A_144 : i32 to index
      %get3A_150 = arith.constant 0 : index
      %get3A_151 = tpu.vector_load %arg13[%get3A_148, %get3A_149, %get3A_150] {strides = array<i32>} : memref<2x128x128xf32, #tpu.memory_space<vmem>>, vector<16xf32>,
      %get3A_152 = arith.index_cast %rem3A_147 : i32 to index
      %get3A_153 = arith.constant 0 : index
      %get3A_154 = tpu.vector_load %arg9[%get3A_152, %get3A_153] {strides = array<i32>} : memref<200x128xf32, #tpu.memory_space<vmem>>, vector<16xf32>,
      %add3A_155 = arith.addf %get3A_151, %get3A_154 : vector<16xf32>
      %get3A_156 = arith.index_cast %rem3A_129 : i32 to index
      %get3A_157 = arith.index_cast %add3A_144 : i32 to index
      %get3A_158 = arith.constant 16 : index
      %get3A_159 = tpu.vector_load %arg13[%get3A_156, %get3A_157, %get3A_158] {strides = array<i32>} : memref<2x128x128xf32, #tpu.memory_space<vmem>>, vector<16xf32>,
      %get3A_160 = arith.index_cast %rem3A_147 : i32 to index
      %get3A_161 = arith.constant 16 : index
      %get3A_162 = tpu.vector_load %arg9[%get3A_160, %get3A_161] {strides = array<i32>} : memref<200x128xf32, #tpu.memory_space<vmem>>, vector<16xf32>,
      %add3A_163 = arith.addf %get3A_159, %get3A_162 : vector<16xf32>
      %get3A_164 = arith.index_cast %rem3A_129 : i32 to index
      %get3A_165 = arith.index_cast %add3A_144 : i32 to index
      %get3A_166 = arith.constant 32 : index
      %get3A_167 = tpu.vector_load %arg13[%get3A_164, %get3A_165, %get3A_166] {strides = array<i32>} : memref<2x128x128xf32, #tpu.memory_space<vmem>>, vector<16xf32>,
      %get3A_168 = arith.index_cast %rem3A_147 : i32 to index
      %get3A_169 = arith.constant 32 : index
      %get3A_170 = tpu.vector_load %arg9[%get3A_168, %get3A_169] {strides = array<i32>} : memref<200x128xf32, #tpu.memory_space<vmem>>, vector<16xf32>,
      %add3A_171 = arith.addf %get3A_167, %get3A_170 : vector<16xf32>
      %get3A_172 = arith.index_cast %rem3A_129 : i32 to index
      %get3A_173 = arith.index_cast %add3A_144 : i32 to index
      %get3A_174 = arith.constant 48 : index
      %get3A_175 = tpu.vector_load %arg13[%get3A_172, %get3A_173, %get3A_174] {strides = array<i32>} : memref<2x128x128xf32, #tpu.memory_space<vmem>>, vector<16xf32>,
      %get3A_176 = arith.index_cast %rem3A_147 : i32 to index
      %get3A_177 = arith.constant 48 : index
      %get3A_178 = tpu.vector_load %arg9[%get3A_176, %get3A_177] {strides = array<i32>} : memref<200x128xf32, #tpu.memory_space<vmem>>, vector<16xf32>,
      %add3A_179 = arith.addf %get3A_175, %get3A_178 : vector<16xf32>
      %get3A_180 = arith.index_cast %rem3A_129 : i32 to index
      %get3A_181 = arith.index_cast %add3A_144 : i32 to index
      %get3A_182 = arith.constant 64 : index
      %get3A_183 = tpu.vector_load %arg13[%get3A_180, %get3A_181, %get3A_182] {strides = array<i32>} : memref<2x128x128xf32, #tpu.memory_space<vmem>>, vector<16xf32>,
      %get3A_184 = arith.index_cast %rem3A_147 : i32 to index
      %get3A_185 = arith.constant 64 : index
      %get3A_186 = tpu.vector_load %arg9[%get3A_184, %get3A_185] {strides = array<i32>} : memref<200x128xf32, #tpu.memory_space<vmem>>, vector<16xf32>,
      %add3A_187 = arith.addf %get3A_183, %get3A_186 : vector<16xf32>
      %get3A_188 = arith.index_cast %rem3A_129 : i32 to index
      %get3A_189 = arith.index_cast %add3A_144 : i32 to index
      %get3A_190 = arith.constant 80 : index
      %get3A_191 = tpu.vector_load %arg13[%get3A_188, %get3A_189, %get3A_190] {strides = array<i32>} : memref<2x128x128xf32, #tpu.memory_space<vmem>>, vector<16xf32>,
      %get3A_192 = arith.index_cast %rem3A_147 : i32 to index
      %get3A_193 = arith.constant 80 : index
      %get3A_194 = tpu.vector_load %arg9[%get3A_192, %get3A_193] {strides = array<i32>} : memref<200x128xf32, #tpu.memory_space<vmem>>, vector<16xf32>,
      %add3A_195 = arith.addf %get3A_191, %get3A_194 : vector<16xf32>
      %get3A_196 = arith.index_cast %rem3A_129 : i32 to index
      %get3A_197 = arith.index_cast %add3A_144 : i32 to index
      %get3A_198 = arith.constant 96 : index
      %get3A_199 = tpu.vector_load %arg13[%get3A_196, %get3A_197, %get3A_198] {strides = array<i32>} : memref<2x128x128xf32, #tpu.memory_space<vmem>>, vector<16xf32>,
      %get3A_200 = arith.index_cast %rem3A_147 : i32 to index
      %get3A_201 = arith.constant 96 : index
      %get3A_202 = tpu.vector_load %arg9[%get3A_200, %get3A_201] {strides = array<i32>} : memref<200x128xf32, #tpu.memory_space<vmem>>, vector<16xf32>,
      %add3A_203 = arith.addf %get3A_199, %get3A_202 : vector<16xf32>
      %get3A_204 = arith.index_cast %rem3A_129 : i32 to index
      %get3A_205 = arith.index_cast %add3A_144 : i32 to index
      %get3A_206 = arith.constant 112 : index
      %get3A_207 = tpu.vector_load %arg13[%get3A_204, %get3A_205, %get3A_206] {strides = array<i32>} : memref<2x128x128xf32, #tpu.memory_space<vmem>>, vector<16xf32>,
      %get3A_208 = arith.index_cast %rem3A_147 : i32 to index
      %get3A_209 = arith.constant 112 : index
      %get3A_210 = tpu.vector_load %arg9[%get3A_208, %get3A_209] {strides = array<i32>} : memref<200x128xf32, #tpu.memory_space<vmem>>, vector<16xf32>,
      %add3A_211 = arith.addf %get3A_207, %get3A_210 : vector<16xf32>
      %add3A_212 = arith.addf %add3A_155, %add3A_163 : vector<16xf32>
      %add3A_213 = arith.addf %add3A_171, %add3A_179 : vector<16xf32>
      %add3A_214 = arith.addf %add3A_187, %add3A_195 : vector<16xf32>
      %add3A_215 = arith.addf %add3A_203, %add3A_211 : vector<16xf32>
      %add3A_216 = arith.addf %add3A_212, %add3A_213 : vector<16xf32>
      %add3A_217 = arith.addf %add3A_214, %add3A_215 : vector<16xf32>
      %add3A_218 = arith.addf %add3A_216, %add3A_217 : vector<16xf32>
      %reduce_sum3A = arith.constant true
      %reduce_sum3A_219 = vector.broadcast %reduce_sum3A : i1 to vector<16xi1>
      %reduce_sum3A_220 = tpu.scan <sum>, %add3A_218 masked %reduce_sum3A_219 : vector<16xf32>, vector<16xi1> -> vector<16xf32>
      %reduce_sum3A_221 = vector.extract %reduce_sum3A_220[15] : f32 from vector<16xf32>
      %mul3A_222 = arith.mulf %add3A_155, %add3A_155 : vector<16xf32>
      %mul3A_223 = arith.mulf %add3A_163, %add3A_163 : vector<16xf32>
      %mul3A_224 = arith.mulf %add3A_171, %add3A_171 : vector<16xf32>
      %mul3A_225 = arith.mulf %add3A_179, %add3A_179 : vector<16xf32>
      %mul3A_226 = arith.mulf %add3A_187, %add3A_187 : vector<16xf32>
      %mul3A_227 = arith.mulf %add3A_195, %add3A_195 : vector<16xf32>
      %mul3A_228 = arith.mulf %add3A_203, %add3A_203 : vector<16xf32>
      %mul3A_229 = arith.mulf %add3A_211, %add3A_211 : vector<16xf32>
      %add3A_230 = arith.addf %mul3A_222, %mul3A_223 : vector<16xf32>
      %add3A_231 = arith.addf %mul3A_224, %mul3A_225 : vector<16xf32>
      %add3A_232 = arith.addf %mul3A_226, %mul3A_227 : vector<16xf32>
      %add3A_233 = arith.addf %mul3A_228, %mul3A_229 : vector<16xf32>
      %add3A_234 = arith.addf %add3A_230, %add3A_231 : vector<16xf32>
      %add3A_235 = arith.addf %add3A_232, %add3A_233 : vector<16xf32>
      %add3A_236 = arith.addf %add3A_234, %add3A_235 : vector<16xf32>
      %reduce_sum3A_237 = arith.constant true
      %reduce_sum3A_238 = vector.broadcast %reduce_sum3A_237 : i1 to vector<16xi1>
      %reduce_sum3A_239 = tpu.scan <sum>, %add3A_236 masked %reduce_sum3A_238 : vector<16xf32>, vector<16xi1> -> vector<16xf32>
      %reduce_sum3A_240 = vector.extract %reduce_sum3A_239[15] : f32 from vector<16xf32>
      %mul3A_241 = arith.constant 7.812500e-03 : f32
      %mul3A_242 = arith.mulf %reduce_sum3A_221, %mul3A_241 : f32
      %mul3A_243 = arith.constant 7.812500e-03 : f32
      %mul3A_244 = arith.mulf %reduce_sum3A_240, %mul3A_243 : f32
      %mul3A_245 = arith.mulf %mul3A_242, %mul3A_242 : f32
      %sub3A_246 = arith.subf %mul3A_244, %mul3A_245 : f32
      %add3A_247 = arith.constant 9.99999996E-13 : f32
      %add3A_248 = arith.addf %sub3A_246, %add3A_247 : f32
      %bitcast_convert_type3A = arith.bitcast %add3A_248 : f32 to i32
      %shift_right_logical3A = arith.constant 1 : i32
      %shift_right_logical3A_249 = arith.shrui %bitcast_convert_type3A, %shift_right_logical3A : i32
      %sub3A_250 = arith.constant 1597463007 : i32
      %sub3A_251 = arith.subi %sub3A_250, %shift_right_logical3A_249 : i32
      %bitcast_convert_type3A_252 = arith.bitcast %sub3A_251 : i32 to f32
      %mul3A_253 = arith.constant 5.000000e-01 : f32
      %mul3A_254 = arith.mulf %mul3A_253, %add3A_248 : f32
      %mul3A_255 = arith.mulf %mul3A_254, %bitcast_convert_type3A_252 : f32
      %mul3A_256 = arith.mulf %mul3A_255, %bitcast_convert_type3A_252 : f32
      %sub3A_257 = arith.constant 1.500000e+00 : f32
      %sub3A_258 = arith.subf %sub3A_257, %mul3A_256 : f32
      %mul3A_259 = arith.mulf %bitcast_convert_type3A_252, %sub3A_258 : f32
      %mul3A_260 = arith.constant 5.000000e-01 : f32
      %mul3A_261 = arith.mulf %mul3A_260, %add3A_248 : f32
      %mul3A_262 = arith.mulf %mul3A_261, %mul3A_259 : f32
      %mul3A_263 = arith.mulf %mul3A_262, %mul3A_259 : f32
      %sub3A_264 = arith.constant 1.500000e+00 : f32
      %sub3A_265 = arith.subf %sub3A_264, %mul3A_263 : f32
      %mul3A_266 = arith.mulf %mul3A_259, %sub3A_265 : f32
      %mul3A_267 = arith.constant 5.000000e-01 : f32
      %mul3A_268 = arith.mulf %mul3A_267, %add3A_248 : f32
      %mul3A_269 = arith.mulf %mul3A_268, %mul3A_266 : f32
      %mul3A_270 = arith.mulf %mul3A_269, %mul3A_266 : f32
      %sub3A_271 = arith.constant 1.500000e+00 : f32
      %sub3A_272 = arith.subf %sub3A_271, %mul3A_270 : f32
      %mul3A_273 = arith.mulf %mul3A_266, %sub3A_272 : f32
      %sub3A_274 = vector.broadcast %mul3A_242 : f32 to vector<16xf32>
      %sub3A_275 = arith.subf %add3A_155, %sub3A_274 : vector<16xf32>
      %mul3A_276 = vector.broadcast %mul3A_273 : f32 to vector<16xf32>
      %mul3A_277 = arith.mulf %sub3A_275, %mul3A_276 : vector<16xf32>
      %mul3A_278 = arith.mulf %mul3A_277, %get3A_3 : vector<16xf32>
      %add3A_279 = arith.addf %mul3A_278, %get3A_19 : vector<16xf32>
      %swap3A = arith.index_cast %rem3A_129 : i32 to index
      %swap3A_280 = arith.index_cast %add3A_144 : i32 to index
      %swap3A_281 = arith.constant 0 : index
      %swap3A_282 = tpu.vector_load %arg14[%swap3A, %swap3A_280, %swap3A_281] {strides = array<i32>} : memref<2x128x128xf32, #tpu.memory_space<vmem>>, vector<16xf32>,
      tpu.vector_store %arg14[%swap3A, %swap3A_280, %swap3A_281], %add3A_279 {strides = array<i32>} : memref<2x128x128xf32, #tpu.memory_space<vmem>>, vector<16xf32>,
      %sub3A_283 = vector.broadcast %mul3A_242 : f32 to vector<16xf32>
      %sub3A_284 = arith.subf %add3A_163, %sub3A_283 : vector<16xf32>
      %mul3A_285 = vector.broadcast %mul3A_273 : f32 to vector<16xf32>
      %mul3A_286 = arith.mulf %sub3A_284, %mul3A_285 : vector<16xf32>
      %mul3A_287 = arith.mulf %mul3A_286, %get3A_5 : vector<16xf32>
      %add3A_288 = arith.addf %mul3A_287, %get3A_21 : vector<16xf32>
      %swap3A_289 = arith.index_cast %rem3A_129 : i32 to index
      %swap3A_290 = arith.index_cast %add3A_144 : i32 to index
      %swap3A_291 = arith.constant 16 : index
      %swap3A_292 = tpu.vector_load %arg14[%swap3A_289, %swap3A_290, %swap3A_291] {strides = array<i32>} : memref<2x128x128xf32, #tpu.memory_space<vmem>>, vector<16xf32>,
      tpu.vector_store %arg14[%swap3A_289, %swap3A_290, %swap3A_291], %add3A_288 {strides = array<i32>} : memref<2x128x128xf32, #tpu.memory_space<vmem>>, vector<16xf32>,
      %sub3A_293 = vector.broadcast %mul3A_242 : f32 to vector<16xf32>
      %sub3A_294 = arith.subf %add3A_171, %sub3A_293 : vector<16xf32>
      %mul3A_295 = vector.broadcast %mul3A_273 : f32 to vector<16xf32>
      %mul3A_296 = arith.mulf %sub3A_294, %mul3A_295 : vector<16xf32>
      %mul3A_297 = arith.mulf %mul3A_296, %get3A_7 : vector<16xf32>
      %add3A_298 = arith.addf %mul3A_297, %get3A_23 : vector<16xf32>
      %swap3A_299 = arith.index_cast %rem3A_129 : i32 to index
      %swap3A_300 = arith.index_cast %add3A_144 : i32 to index
      %swap3A_301 = arith.constant 32 : index
      %swap3A_302 = tpu.vector_load %arg14[%swap3A_299, %swap3A_300, %swap3A_301] {strides = array<i32>} : memref<2x128x128xf32, #tpu.memory_space<vmem>>, vector<16xf32>,
      tpu.vector_store %arg14[%swap3A_299, %swap3A_300, %swap3A_301], %add3A_298 {strides = array<i32>} : memref<2x128x128xf32, #tpu.memory_space<vmem>>, vector<16xf32>,
      %sub3A_303 = vector.broadcast %mul3A_242 : f32 to vector<16xf32>
      %sub3A_304 = arith.subf %add3A_179, %sub3A_303 : vector<16xf32>
      %mul3A_305 = vector.broadcast %mul3A_273 : f32 to vector<16xf32>
      %mul3A_306 = arith.mulf %sub3A_304, %mul3A_305 : vector<16xf32>
      %mul3A_307 = arith.mulf %mul3A_306, %get3A_9 : vector<16xf32>
      %add3A_308 = arith.addf %mul3A_307, %get3A_25 : vector<16xf32>
      %swap3A_309 = arith.index_cast %rem3A_129 : i32 to index
      %swap3A_310 = arith.index_cast %add3A_144 : i32 to index
      %swap3A_311 = arith.constant 48 : index
      %swap3A_312 = tpu.vector_load %arg14[%swap3A_309, %swap3A_310, %swap3A_311] {strides = array<i32>} : memref<2x128x128xf32, #tpu.memory_space<vmem>>, vector<16xf32>,
      tpu.vector_store %arg14[%swap3A_309, %swap3A_310, %swap3A_311], %add3A_308 {strides = array<i32>} : memref<2x128x128xf32, #tpu.memory_space<vmem>>, vector<16xf32>,
      %sub3A_313 = vector.broadcast %mul3A_242 : f32 to vector<16xf32>
      %sub3A_314 = arith.subf %add3A_187, %sub3A_313 : vector<16xf32>
      %mul3A_315 = vector.broadcast %mul3A_273 : f32 to vector<16xf32>
      %mul3A_316 = arith.mulf %sub3A_314, %mul3A_315 : vector<16xf32>
      %mul3A_317 = arith.mulf %mul3A_316, %get3A_11 : vector<16xf32>
      %add3A_318 = arith.addf %mul3A_317, %get3A_27 : vector<16xf32>
      %swap3A_319 = arith.index_cast %rem3A_129 : i32 to index
      %swap3A_320 = arith.index_cast %add3A_144 : i32 to index
      %swap3A_321 = arith.constant 64 : index
      %swap3A_322 = tpu.vector_load %arg14[%swap3A_319, %swap3A_320, %swap3A_321] {strides = array<i32>} : memref<2x128x128xf32, #tpu.memory_space<vmem>>, vector<16xf32>,
      tpu.vector_store %arg14[%swap3A_319, %swap3A_320, %swap3A_321], %add3A_318 {strides = array<i32>} : memref<2x128x128xf32, #tpu.memory_space<vmem>>, vector<16xf32>,
      %sub3A_323 = vector.broadcast %mul3A_242 : f32 to vector<16xf32>
      %sub3A_324 = arith.subf %add3A_195, %sub3A_323 : vector<16xf32>
      %mul3A_325 = vector.broadcast %mul3A_273 : f32 to vector<16xf32>
      %mul3A_326 = arith.mulf %sub3A_324, %mul3A_325 : vector<16xf32>
      %mul3A_327 = arith.mulf %mul3A_326, %get3A_13 : vector<16xf32>
      %add3A_328 = arith.addf %mul3A_327, %get3A_29 : vector<16xf32>
      %swap3A_329 = arith.index_cast %rem3A_129 : i32 to index
      %swap3A_330 = arith.index_cast %add3A_144 : i32 to index
      %swap3A_331 = arith.constant 80 : index
      %swap3A_332 = tpu.vector_load %arg14[%swap3A_329, %swap3A_330, %swap3A_331] {strides = array<i32>} : memref<2x128x128xf32, #tpu.memory_space<vmem>>, vector<16xf32>,
      tpu.vector_store %arg14[%swap3A_329, %swap3A_330, %swap3A_331], %add3A_328 {strides = array<i32>} : memref<2x128x128xf32, #tpu.memory_space<vmem>>, vector<16xf32>,
      %sub3A_333 = vector.broadcast %mul3A_242 : f32 to vector<16xf32>
      %sub3A_334 = arith.subf %add3A_203, %sub3A_333 : vector<16xf32>
      %mul3A_335 = vector.broadcast %mul3A_273 : f32 to vector<16xf32>
      %mul3A_336 = arith.mulf %sub3A_334, %mul3A_335 : vector<16xf32>
      %mul3A_337 = arith.mulf %mul3A_336, %get3A_15 : vector<16xf32>
      %add3A_338 = arith.addf %mul3A_337, %get3A_31 : vector<16xf32>
      %swap3A_339 = arith.index_cast %rem3A_129 : i32 to index
      %swap3A_340 = arith.index_cast %add3A_144 : i32 to index
      %swap3A_341 = arith.constant 96 : index
      %swap3A_342 = tpu.vector_load %arg14[%swap3A_339, %swap3A_340, %swap3A_341] {strides = array<i32>} : memref<2x128x128xf32, #tpu.memory_space<vmem>>, vector<16xf32>,
      tpu.vector_store %arg14[%swap3A_339, %swap3A_340, %swap3A_341], %add3A_338 {strides = array<i32>} : memref<2x128x128xf32, #tpu.memory_space<vmem>>, vector<16xf32>,
      %sub3A_343 = vector.broadcast %mul3A_242 : f32 to vector<16xf32>
      %sub3A_344 = arith.subf %add3A_211, %sub3A_343 : vector<16xf32>
      %mul3A_345 = vector.broadcast %mul3A_273 : f32 to vector<16xf32>
      %mul3A_346 = arith.mulf %sub3A_344, %mul3A_345 : vector<16xf32>
      %mul3A_347 = arith.mulf %mul3A_346, %get3A_17 : vector<16xf32>
      %add3A_348 = arith.addf %mul3A_347, %get3A_33 : vector<16xf32>
      %swap3A_349 = arith.index_cast %rem3A_129 : i32 to index
      %swap3A_350 = arith.index_cast %add3A_144 : i32 to index
      %swap3A_351 = arith.constant 112 : index
      %swap3A_352 = tpu.vector_load %arg14[%swap3A_349, %swap3A_350, %swap3A_351] {strides = array<i32>} : memref<2x128x128xf32, #tpu.memory_space<vmem>>, vector<16xf32>,
      tpu.vector_store %arg14[%swap3A_349, %swap3A_350, %swap3A_351], %add3A_348 {strides = array<i32>} : memref<2x128x128xf32, #tpu.memory_space<vmem>>, vector<16xf32>,
      %add3A_353 = arith.constant 1 : i32
      %add3A_354 = arith.addi %mul3A_142, %add3A_353 : i32
      %add3A_355 = arith.addi %mul3A_131, %add3A_354 : i32
      %rem3A_356 = arith.constant 200 : i32
      %rem3A_357 = arith.remsi %add3A_355, %rem3A_356 : i32
      %get3A_358 = arith.index_cast %rem3A_129 : i32 to index
      %get3A_359 = arith.index_cast %add3A_354 : i32 to index
      %get3A_360 = arith.constant 0 : index
      %get3A_361 = tpu.vector_load %arg13[%get3A_358, %get3A_359, %get3A_360] {strides = array<i32>} : memref<2x128x128xf32, #tpu.memory_space<vmem>>, vector<16xf32>,
      %get3A_362 = arith.index_cast %rem3A_357 : i32 to index
      %get3A_363 = arith.constant 0 : index
      %get3A_364 = tpu.vector_load %arg9[%get3A_362, %get3A_363] {strides = array<i32>} : memref<200x128xf32, #tpu.memory_space<vmem>>, vector<16xf32>,
      %add3A_365 = arith.addf %get3A_361, %get3A_364 : vector<16xf32>
      %get3A_366 = arith.index_cast %rem3A_129 : i32 to index
      %get3A_367 = arith.index_cast %add3A_354 : i32 to index
      %get3A_368 = arith.constant 16 : index
      %get3A_369 = tpu.vector_load %arg13[%get3A_366, %get3A_367, %get3A_368] {strides = array<i32>} : memref<2x128x128xf32, #tpu.memory_space<vmem>>, vector<16xf32>,
      %get3A_370 = arith.index_cast %rem3A_357 : i32 to index
      %get3A_371 = arith.constant 16 : index
      %get3A_372 = tpu.vector_load %arg9[%get3A_370, %get3A_371] {strides = array<i32>} : memref<200x128xf32, #tpu.memory_space<vmem>>, vector<16xf32>,
      %add3A_373 = arith.addf %get3A_369, %get3A_372 : vector<16xf32>
      %get3A_374 = arith.index_cast %rem3A_129 : i32 to index
      %get3A_375 = arith.index_cast %add3A_354 : i32 to index
      %get3A_376 = arith.constant 32 : index
      %get3A_377 = tpu.vector_load %arg13[%get3A_374, %get3A_375, %get3A_376] {strides = array<i32>} : memref<2x128x128xf32, #tpu.memory_space<vmem>>, vector<16xf32>,
      %get3A_378 = arith.index_cast %rem3A_357 : i32 to index
      %get3A_379 = arith.constant 32 : index
      %get3A_380 = tpu.vector_load %arg9[%get3A_378, %get3A_379] {strides = array<i32>} : memref<200x128xf32, #tpu.memory_space<vmem>>, vector<16xf32>,
      %add3A_381 = arith.addf %get3A_377, %get3A_380 : vector<16xf32>
      %get3A_382 = arith.index_cast %rem3A_129 : i32 to index
      %get3A_383 = arith.index_cast %add3A_354 : i32 to index
      %get3A_384 = arith.constant 48 : index
      %get3A_385 = tpu.vector_load %arg13[%get3A_382, %get3A_383, %get3A_384] {strides = array<i32>} : memref<2x128x128xf32, #tpu.memory_space<vmem>>, vector<16xf32>,
      %get3A_386 = arith.index_cast %rem3A_357 : i32 to index
      %get3A_387 = arith.constant 48 : index
      %get3A_388 = tpu.vector_load %arg9[%get3A_386, %get3A_387] {strides = array<i32>} : memref<200x128xf32, #tpu.memory_space<vmem>>, vector<16xf32>,
      %add3A_389 = arith.addf %get3A_385, %get3A_388 : vector<16xf32>
      %get3A_390 = arith.index_cast %rem3A_129 : i32 to index
      %get3A_391 = arith.index_cast %add3A_354 : i32 to index
      %get3A_392 = arith.constant 64 : index
      %get3A_393 = tpu.vector_load %arg13[%get3A_390, %get3A_391, %get3A_392] {strides = array<i32>} : memref<2x128x128xf32, #tpu.memory_space<vmem>>, vector<16xf32>,
      %get3A_394 = arith.index_cast %rem3A_357 : i32 to index
      %get3A_395 = arith.constant 64 : index
      %get3A_396 = tpu.vector_load %arg9[%get3A_394, %get3A_395] {strides = array<i32>} : memref<200x128xf32, #tpu.memory_space<vmem>>, vector<16xf32>,
      %add3A_397 = arith.addf %get3A_393, %get3A_396 : vector<16xf32>
      %get3A_398 = arith.index_cast %rem3A_129 : i32 to index
      %get3A_399 = arith.index_cast %add3A_354 : i32 to index
      %get3A_400 = arith.constant 80 : index
      %get3A_401 = tpu.vector_load %arg13[%get3A_398, %get3A_399, %get3A_400] {strides = array<i32>} : memref<2x128x128xf32, #tpu.memory_space<vmem>>, vector<16xf32>,
      %get3A_402 = arith.index_cast %rem3A_357 : i32 to index
      %get3A_403 = arith.constant 80 : index
      %get3A_404 = tpu.vector_load %arg9[%get3A_402, %get3A_403] {strides = array<i32>} : memref<200x128xf32, #tpu.memory_space<vmem>>, vector<16xf32>,
      %add3A_405 = arith.addf %get3A_401, %get3A_404 : vector<16xf32>
      %get3A_406 = arith.index_cast %rem3A_129 : i32 to index
      %get3A_407 = arith.index_cast %add3A_354 : i32 to index
      %get3A_408 = arith.constant 96 : index
      %get3A_409 = tpu.vector_load %arg13[%get3A_406, %get3A_407, %get3A_408] {strides = array<i32>} : memref<2x128x128xf32, #tpu.memory_space<vmem>>, vector<16xf32>,
      %get3A_410 = arith.index_cast %rem3A_357 : i32 to index
      %get3A_411 = arith.constant 96 : index
      %get3A_412 = tpu.vector_load %arg9[%get3A_410, %get3A_411] {strides = array<i32>} : memref<200x128xf32, #tpu.memory_space<vmem>>, vector<16xf32>,
      %add3A_413 = arith.addf %get3A_409, %get3A_412 : vector<16xf32>
      %get3A_414 = arith.index_cast %rem3A_129 : i32 to index
      %get3A_415 = arith.index_cast %add3A_354 : i32 to index
      %get3A_416 = arith.constant 112 : index
      %get3A_417 = tpu.vector_load %arg13[%get3A_414, %get3A_415, %get3A_416] {strides = array<i32>} : memref<2x128x128xf32, #tpu.memory_space<vmem>>, vector<16xf32>,
      %get3A_418 = arith.index_cast %rem3A_357 : i32 to index
      %get3A_419 = arith.constant 112 : index
      %get3A_420 = tpu.vector_load %arg9[%get3A_418, %get3A_419] {strides = array<i32>} : memref<200x128xf32, #tpu.memory_space<vmem>>, vector<16xf32>,
      %add3A_421 = arith.addf %get3A_417, %get3A_420 : vector<16xf32>
      %add3A_422 = arith.addf %add3A_365, %add3A_373 : vector<16xf32>
      %add3A_423 = arith.addf %add3A_381, %add3A_389 : vector<16xf32>
      %add3A_424 = arith.addf %add3A_397, %add3A_405 : vector<16xf32>
      %add3A_425 = arith.addf %add3A_413, %add3A_421 : vector<16xf32>
      %add3A_426 = arith.addf %add3A_422, %add3A_423 : vector<16xf32>
      %add3A_427 = arith.addf %add3A_424, %add3A_425 : vector<16xf32>
      %add3A_428 = arith.addf %add3A_426, %add3A_427 : vector<16xf32>
      %reduce_sum3A_429 = arith.constant true
      %reduce_sum3A_430 = vector.broadcast %reduce_sum3A_429 : i1 to vector<16xi1>
      %reduce_sum3A_431 = tpu.scan <sum>, %add3A_428 masked %reduce_sum3A_430 : vector<16xf32>, vector<16xi1> -> vector<16xf32>
      %reduce_sum3A_432 = vector.extract %reduce_sum3A_431[15] : f32 from vector<16xf32>
      %mul3A_433 = arith.mulf %add3A_365, %add3A_365 : vector<16xf32>
      %mul3A_434 = arith.mulf %add3A_373, %add3A_373 : vector<16xf32>
      %mul3A_435 = arith.mulf %add3A_381, %add3A_381 : vector<16xf32>
      %mul3A_436 = arith.mulf %add3A_389, %add3A_389 : vector<16xf32>
      %mul3A_437 = arith.mulf %add3A_397, %add3A_397 : vector<16xf32>
      %mul3A_438 = arith.mulf %add3A_405, %add3A_405 : vector<16xf32>
      %mul3A_439 = arith.mulf %add3A_413, %add3A_413 : vector<16xf32>
      %mul3A_440 = arith.mulf %add3A_421, %add3A_421 : vector<16xf32>
      %add3A_441 = arith.addf %mul3A_433, %mul3A_434 : vector<16xf32>
      %add3A_442 = arith.addf %mul3A_435, %mul3A_436 : vector<16xf32>
      %add3A_443 = arith.addf %mul3A_437, %mul3A_438 : vector<16xf32>
      %add3A_444 = arith.addf %mul3A_439, %mul3A_440 : vector<16xf32>
      %add3A_445 = arith.addf %add3A_441, %add3A_442 : vector<16xf32>
      %add3A_446 = arith.addf %add3A_443, %add3A_444 : vector<16xf32>
      %add3A_447 = arith.addf %add3A_445, %add3A_446 : vector<16xf32>
      %reduce_sum3A_448 = arith.constant true
      %reduce_sum3A_449 = vector.broadcast %reduce_sum3A_448 : i1 to vector<16xi1>
      %reduce_sum3A_450 = tpu.scan <sum>, %add3A_447 masked %reduce_sum3A_449 : vector<16xf32>, vector<16xi1> -> vector<16xf32>
      %reduce_sum3A_451 = vector.extract %reduce_sum3A_450[15] : f32 from vector<16xf32>
      %mul3A_452 = arith.constant 7.812500e-03 : f32
      %mul3A_453 = arith.mulf %reduce_sum3A_432, %mul3A_452 : f32
      %mul3A_454 = arith.constant 7.812500e-03 : f32
      %mul3A_455 = arith.mulf %reduce_sum3A_451, %mul3A_454 : f32
      %mul3A_456 = arith.mulf %mul3A_453, %mul3A_453 : f32
      %sub3A_457 = arith.subf %mul3A_455, %mul3A_456 : f32
      %add3A_458 = arith.constant 9.99999996E-13 : f32
      %add3A_459 = arith.addf %sub3A_457, %add3A_458 : f32
      %bitcast_convert_type3A_460 = arith.bitcast %add3A_459 : f32 to i32
      %shift_right_logical3A_461 = arith.constant 1 : i32
      %shift_right_logical3A_462 = arith.shrui %bitcast_convert_type3A_460, %shift_right_logical3A_461 : i32
      %sub3A_463 = arith.constant 1597463007 : i32
      %sub3A_464 = arith.subi %sub3A_463, %shift_right_logical3A_462 : i32
      %bitcast_convert_type3A_465 = arith.bitcast %sub3A_464 : i32 to f32
      %mul3A_466 = arith.constant 5.000000e-01 : f32
      %mul3A_467 = arith.mulf %mul3A_466, %add3A_459 : f32
      %mul3A_468 = arith.mulf %mul3A_467, %bitcast_convert_type3A_465 : f32
      %mul3A_469 = arith.mulf %mul3A_468, %bitcast_convert_type3A_465 : f32
      %sub3A_470 = arith.constant 1.500000e+00 : f32
      %sub3A_471 = arith.subf %sub3A_470, %mul3A_469 : f32
      %mul3A_472 = arith.mulf %bitcast_convert_type3A_465, %sub3A_471 : f32
      %mul3A_473 = arith.constant 5.000000e-01 : f32
      %mul3A_474 = arith.mulf %mul3A_473, %add3A_459 : f32
      %mul3A_475 = arith.mulf %mul3A_474, %mul3A_472 : f32
      %mul3A_476 = arith.mulf %mul3A_475, %mul3A_472 : f32
      %sub3A_477 = arith.constant 1.500000e+00 : f32
      %sub3A_478 = arith.subf %sub3A_477, %mul3A_476 : f32
      %mul3A_479 = arith.mulf %mul3A_472, %sub3A_478 : f32
      %mul3A_480 = arith.constant 5.000000e-01 : f32
      %mul3A_481 = arith.mulf %mul3A_480, %add3A_459 : f32
      %mul3A_482 = arith.mulf %mul3A_481, %mul3A_479 : f32
      %mul3A_483 = arith.mulf %mul3A_482, %mul3A_479 : f32
      %sub3A_484 = arith.constant 1.500000e+00 : f32
      %sub3A_485 = arith.subf %sub3A_484, %mul3A_483 : f32
      %mul3A_486 = arith.mulf %mul3A_479, %sub3A_485 : f32
      %sub3A_487 = vector.broadcast %mul3A_453 : f32 to vector<16xf32>
      %sub3A_488 = arith.subf %add3A_365, %sub3A_487 : vector<16xf32>
      %mul3A_489 = vector.broadcast %mul3A_486 : f32 to vector<16xf32>
      %mul3A_490 = arith.mulf %sub3A_488, %mul3A_489 : vector<16xf32>
      %mul3A_491 = arith.mulf %mul3A_490, %get3A_3 : vector<16xf32>
      %add3A_492 = arith.addf %mul3A_491, %get3A_19 : vector<16xf32>
      %swap3A_493 = arith.index_cast %rem3A_129 : i32 to index
      %swap3A_494 = arith.index_cast %add3A_354 : i32 to index
      %swap3A_495 = arith.constant 0 : index
      %swap3A_496 = tpu.vector_load %arg14[%swap3A_493, %swap3A_494, %swap3A_495] {strides = array<i32>} : memref<2x128x128xf32, #tpu.memory_space<vmem>>, vector<16xf32>,
      tpu.vector_store %arg14[%swap3A_493, %swap3A_494, %swap3A_495], %add3A_492 {strides = array<i32>} : memref<2x128x128xf32, #tpu.memory_space<vmem>>, vector<16xf32>,
      %sub3A_497 = vector.broadcast %mul3A_453 : f32 to vector<16xf32>
      %sub3A_498 = arith.subf %add3A_373, %sub3A_497 : vector<16xf32>
      %mul3A_499 = vector.broadcast %mul3A_486 : f32 to vector<16xf32>
      %mul3A_500 = arith.mulf %sub3A_498, %mul3A_499 : vector<16xf32>
      %mul3A_501 = arith.mulf %mul3A_500, %get3A_5 : vector<16xf32>
      %add3A_502 = arith.addf %mul3A_501, %get3A_21 : vector<16xf32>
      %swap3A_503 = arith.index_cast %rem3A_129 : i32 to index
      %swap3A_504 = arith.index_cast %add3A_354 : i32 to index
      %swap3A_505 = arith.constant 16 : index
      %swap3A_506 = tpu.vector_load %arg14[%swap3A_503, %swap3A_504, %swap3A_505] {strides = array<i32>} : memref<2x128x128xf32, #tpu.memory_space<vmem>>, vector<16xf32>,
      tpu.vector_store %arg14[%swap3A_503, %swap3A_504, %swap3A_505], %add3A_502 {strides = array<i32>} : memref<2x128x128xf32, #tpu.memory_space<vmem>>, vector<16xf32>,
      %sub3A_507 = vector.broadcast %mul3A_453 : f32 to vector<16xf32>
      %sub3A_508 = arith.subf %add3A_381, %sub3A_507 : vector<16xf32>
      %mul3A_509 = vector.broadcast %mul3A_486 : f32 to vector<16xf32>
      %mul3A_510 = arith.mulf %sub3A_508, %mul3A_509 : vector<16xf32>
      %mul3A_511 = arith.mulf %mul3A_510, %get3A_7 : vector<16xf32>
      %add3A_512 = arith.addf %mul3A_511, %get3A_23 : vector<16xf32>
      %swap3A_513 = arith.index_cast %rem3A_129 : i32 to index
      %swap3A_514 = arith.index_cast %add3A_354 : i32 to index
      %swap3A_515 = arith.constant 32 : index
      %swap3A_516 = tpu.vector_load %arg14[%swap3A_513, %swap3A_514, %swap3A_515] {strides = array<i32>} : memref<2x128x128xf32, #tpu.memory_space<vmem>>, vector<16xf32>,
      tpu.vector_store %arg14[%swap3A_513, %swap3A_514, %swap3A_515], %add3A_512 {strides = array<i32>} : memref<2x128x128xf32, #tpu.memory_space<vmem>>, vector<16xf32>,
      %sub3A_517 = vector.broadcast %mul3A_453 : f32 to vector<16xf32>
      %sub3A_518 = arith.subf %add3A_389, %sub3A_517 : vector<16xf32>
      %mul3A_519 = vector.broadcast %mul3A_486 : f32 to vector<16xf32>
      %mul3A_520 = arith.mulf %sub3A_518, %mul3A_519 : vector<16xf32>
      %mul3A_521 = arith.mulf %mul3A_520, %get3A_9 : vector<16xf32>
      %add3A_522 = arith.addf %mul3A_521, %get3A_25 : vector<16xf32>
      %swap3A_523 = arith.index_cast %rem3A_129 : i32 to index
      %swap3A_524 = arith.index_cast %add3A_354 : i32 to index
      %swap3A_525 = arith.constant 48 : index
      %swap3A_526 = tpu.vector_load %arg14[%swap3A_523, %swap3A_524, %swap3A_525] {strides = array<i32>} : memref<2x128x128xf32, #tpu.memory_space<vmem>>, vector<16xf32>,
      tpu.vector_store %arg14[%swap3A_523, %swap3A_524, %swap3A_525], %add3A_522 {strides = array<i32>} : memref<2x128x128xf32, #tpu.memory_space<vmem>>, vector<16xf32>,
      %sub3A_527 = vector.broadcast %mul3A_453 : f32 to vector<16xf32>
      %sub3A_528 = arith.subf %add3A_397, %sub3A_527 : vector<16xf32>
      %mul3A_529 = vector.broadcast %mul3A_486 : f32 to vector<16xf32>
      %mul3A_530 = arith.mulf %sub3A_528, %mul3A_529 : vector<16xf32>
      %mul3A_531 = arith.mulf %mul3A_530, %get3A_11 : vector<16xf32>
      %add3A_532 = arith.addf %mul3A_531, %get3A_27 : vector<16xf32>
      %swap3A_533 = arith.index_cast %rem3A_129 : i32 to index
      %swap3A_534 = arith.index_cast %add3A_354 : i32 to index
      %swap3A_535 = arith.constant 64 : index
      %swap3A_536 = tpu.vector_load %arg14[%swap3A_533, %swap3A_534, %swap3A_535] {strides = array<i32>} : memref<2x128x128xf32, #tpu.memory_space<vmem>>, vector<16xf32>,
      tpu.vector_store %arg14[%swap3A_533, %swap3A_534, %swap3A_535], %add3A_532 {strides = array<i32>} : memref<2x128x128xf32, #tpu.memory_space<vmem>>, vector<16xf32>,
      %sub3A_537 = vector.broadcast %mul3A_453 : f32 to vector<16xf32>
      %sub3A_538 = arith.subf %add3A_405, %sub3A_537 : vector<16xf32>
      %mul3A_539 = vector.broadcast %mul3A_486 : f32 to vector<16xf32>
      %mul3A_540 = arith.mulf %sub3A_538, %mul3A_539 : vector<16xf32>
      %mul3A_541 = arith.mulf %mul3A_540, %get3A_13 : vector<16xf32>
      %add3A_542 = arith.addf %mul3A_541, %get3A_29 : vector<16xf32>
      %swap3A_543 = arith.index_cast %rem3A_129 : i32 to index
      %swap3A_544 = arith.index_cast %add3A_354 : i32 to index
      %swap3A_545 = arith.constant 80 : index
      %swap3A_546 = tpu.vector_load %arg14[%swap3A_543, %swap3A_544, %swap3A_545] {strides = array<i32>} : memref<2x128x128xf32, #tpu.memory_space<vmem>>, vector<16xf32>,
      tpu.vector_store %arg14[%swap3A_543, %swap3A_544, %swap3A_545], %add3A_542 {strides = array<i32>} : memref<2x128x128xf32, #tpu.memory_space<vmem>>, vector<16xf32>,
      %sub3A_547 = vector.broadcast %mul3A_453 : f32 to vector<16xf32>
      %sub3A_548 = arith.subf %add3A_413, %sub3A_547 : vector<16xf32>
      %mul3A_549 = vector.broadcast %mul3A_486 : f32 to vector<16xf32>
      %mul3A_550 = arith.mulf %sub3A_548, %mul3A_549 : vector<16xf32>
      %mul3A_551 = arith.mulf %mul3A_550, %get3A_15 : vector<16xf32>
      %add3A_552 = arith.addf %mul3A_551, %get3A_31 : vector<16xf32>
      %swap3A_553 = arith.index_cast %rem3A_129 : i32 to index
      %swap3A_554 = arith.index_cast %add3A_354 : i32 to index
      %swap3A_555 = arith.constant 96 : index
      %swap3A_556 = tpu.vector_load %arg14[%swap3A_553, %swap3A_554, %swap3A_555] {strides = array<i32>} : memref<2x128x128xf32, #tpu.memory_space<vmem>>, vector<16xf32>,
      tpu.vector_store %arg14[%swap3A_553, %swap3A_554, %swap3A_555], %add3A_552 {strides = array<i32>} : memref<2x128x128xf32, #tpu.memory_space<vmem>>, vector<16xf32>,
      %sub3A_557 = vector.broadcast %mul3A_453 : f32 to vector<16xf32>
      %sub3A_558 = arith.subf %add3A_421, %sub3A_557 : vector<16xf32>
      %mul3A_559 = vector.broadcast %mul3A_486 : f32 to vector<16xf32>
      %mul3A_560 = arith.mulf %sub3A_558, %mul3A_559 : vector<16xf32>
      %mul3A_561 = arith.mulf %mul3A_560, %get3A_17 : vector<16xf32>
      %add3A_562 = arith.addf %mul3A_561, %get3A_33 : vector<16xf32>
      %swap3A_563 = arith.index_cast %rem3A_129 : i32 to index
      %swap3A_564 = arith.index_cast %add3A_354 : i32 to index
      %swap3A_565 = arith.constant 112 : index
      %swap3A_566 = tpu.vector_load %arg14[%swap3A_563, %swap3A_564, %swap3A_565] {strides = array<i32>} : memref<2x128x128xf32, #tpu.memory_space<vmem>>, vector<16xf32>,
      tpu.vector_store %arg14[%swap3A_563, %swap3A_564, %swap3A_565], %add3A_562 {strides = array<i32>} : memref<2x128x128xf32, #tpu.memory_space<vmem>>, vector<16xf32>,
      %add3A_567 = arith.constant 2 : i32
      %add3A_568 = arith.addi %mul3A_142, %add3A_567 : i32
      %add3A_569 = arith.addi %mul3A_131, %add3A_568 : i32
      %rem3A_570 = arith.constant 200 : i32
      %rem3A_571 = arith.remsi %add3A_569, %rem3A_570 : i32
      %get3A_572 = arith.index_cast %rem3A_129 : i32 to index
      %get3A_573 = arith.index_cast %add3A_568 : i32 to index
      %get3A_574 = arith.constant 0 : index
      %get3A_575 = tpu.vector_load %arg13[%get3A_572, %get3A_573, %get3A_574] {strides = array<i32>} : memref<2x128x128xf32, #tpu.memory_space<vmem>>, vector<16xf32>,
      %get3A_576 = arith.index_cast %rem3A_571 : i32 to index
      %get3A_577 = arith.constant 0 : index
      %get3A_578 = tpu.vector_load %arg9[%get3A_576, %get3A_577] {strides = array<i32>} : memref<200x128xf32, #tpu.memory_space<vmem>>, vector<16xf32>,
      %add3A_579 = arith.addf %get3A_575, %get3A_578 : vector<16xf32>
      %get3A_580 = arith.index_cast %rem3A_129 : i32 to index
      %get3A_581 = arith.index_cast %add3A_568 : i32 to index
      %get3A_582 = arith.constant 16 : index
      %get3A_583 = tpu.vector_load %arg13[%get3A_580, %get3A_581, %get3A_582] {strides = array<i32>} : memref<2x128x128xf32, #tpu.memory_space<vmem>>, vector<16xf32>,
      %get3A_584 = arith.index_cast %rem3A_571 : i32 to index
      %get3A_585 = arith.constant 16 : index
      %get3A_586 = tpu.vector_load %arg9[%get3A_584, %get3A_585] {strides = array<i32>} : memref<200x128xf32, #tpu.memory_space<vmem>>, vector<16xf32>,
      %add3A_587 = arith.addf %get3A_583, %get3A_586 : vector<16xf32>
      %get3A_588 = arith.index_cast %rem3A_129 : i32 to index
      %get3A_589 = arith.index_cast %add3A_568 : i32 to index
      %get3A_590 = arith.constant 32 : index
      %get3A_591 = tpu.vector_load %arg13[%get3A_588, %get3A_589, %get3A_590] {strides = array<i32>} : memref<2x128x128xf32, #tpu.memory_space<vmem>>, vector<16xf32>,
      %get3A_592 = arith.index_cast %rem3A_571 : i32 to index
      %get3A_593 = arith.constant 32 : index
      %get3A_594 = tpu.vector_load %arg9[%get3A_592, %get3A_593] {strides = array<i32>} : memref<200x128xf32, #tpu.memory_space<vmem>>, vector<16xf32>,
      %add3A_595 = arith.addf %get3A_591, %get3A_594 : vector<16xf32>
      %get3A_596 = arith.index_cast %rem3A_129 : i32 to index
      %get3A_597 = arith.index_cast %add3A_568 : i32 to index
      %get3A_598 = arith.constant 48 : index
      %get3A_599 = tpu.vector_load %arg13[%get3A_596, %get3A_597, %get3A_598] {strides = array<i32>} : memref<2x128x128xf32, #tpu.memory_space<vmem>>, vector<16xf32>,
      %get3A_600 = arith.index_cast %rem3A_571 : i32 to index
      %get3A_601 = arith.constant 48 : index
      %get3A_602 = tpu.vector_load %arg9[%get3A_600, %get3A_601] {strides = array<i32>} : memref<200x128xf32, #tpu.memory_space<vmem>>, vector<16xf32>,
      %add3A_603 = arith.addf %get3A_599, %get3A_602 : vector<16xf32>
      %get3A_604 = arith.index_cast %rem3A_129 : i32 to index
      %get3A_605 = arith.index_cast %add3A_568 : i32 to index
      %get3A_606 = arith.constant 64 : index
      %get3A_607 = tpu.vector_load %arg13[%get3A_604, %get3A_605, %get3A_606] {strides = array<i32>} : memref<2x128x128xf32, #tpu.memory_space<vmem>>, vector<16xf32>,
      %get3A_608 = arith.index_cast %rem3A_571 : i32 to index
      %get3A_609 = arith.constant 64 : index
      %get3A_610 = tpu.vector_load %arg9[%get3A_608, %get3A_609] {strides = array<i32>} : memref<200x128xf32, #tpu.memory_space<vmem>>, vector<16xf32>,
      %add3A_611 = arith.addf %get3A_607, %get3A_610 : vector<16xf32>
      %get3A_612 = arith.index_cast %rem3A_129 : i32 to index
      %get3A_613 = arith.index_cast %add3A_568 : i32 to index
      %get3A_614 = arith.constant 80 : index
      %get3A_615 = tpu.vector_load %arg13[%get3A_612, %get3A_613, %get3A_614] {strides = array<i32>} : memref<2x128x128xf32, #tpu.memory_space<vmem>>, vector<16xf32>,
      %get3A_616 = arith.index_cast %rem3A_571 : i32 to index
      %get3A_617 = arith.constant 80 : index
      %get3A_618 = tpu.vector_load %arg9[%get3A_616, %get3A_617] {strides = array<i32>} : memref<200x128xf32, #tpu.memory_space<vmem>>, vector<16xf32>,
      %add3A_619 = arith.addf %get3A_615, %get3A_618 : vector<16xf32>
      %get3A_620 = arith.index_cast %rem3A_129 : i32 to index
      %get3A_621 = arith.index_cast %add3A_568 : i32 to index
      %get3A_622 = arith.constant 96 : index
      %get3A_623 = tpu.vector_load %arg13[%get3A_620, %get3A_621, %get3A_622] {strides = array<i32>} : memref<2x128x128xf32, #tpu.memory_space<vmem>>, vector<16xf32>,
      %get3A_624 = arith.index_cast %rem3A_571 : i32 to index
      %get3A_625 = arith.constant 96 : index
      %get3A_626 = tpu.vector_load %arg9[%get3A_624, %get3A_625] {strides = array<i32>} : memref<200x128xf32, #tpu.memory_space<vmem>>, vector<16xf32>,
      %add3A_627 = arith.addf %get3A_623, %get3A_626 : vector<16xf32>
      %get3A_628 = arith.index_cast %rem3A_129 : i32 to index
      %get3A_629 = arith.index_cast %add3A_568 : i32 to index
      %get3A_630 = arith.constant 112 : index
      %get3A_631 = tpu.vector_load %arg13[%get3A_628, %get3A_629, %get3A_630] {strides = array<i32>} : memref<2x128x128xf32, #tpu.memory_space<vmem>>, vector<16xf32>,
      %get3A_632 = arith.index_cast %rem3A_571 : i32 to index
      %get3A_633 = arith.constant 112 : index
      %get3A_634 = tpu.vector_load %arg9[%get3A_632, %get3A_633] {strides = array<i32>} : memref<200x128xf32, #tpu.memory_space<vmem>>, vector<16xf32>,
      %add3A_635 = arith.addf %get3A_631, %get3A_634 : vector<16xf32>
      %add3A_636 = arith.addf %add3A_579, %add3A_587 : vector<16xf32>
      %add3A_637 = arith.addf %add3A_595, %add3A_603 : vector<16xf32>
      %add3A_638 = arith.addf %add3A_611, %add3A_619 : vector<16xf32>
      %add3A_639 = arith.addf %add3A_627, %add3A_635 : vector<16xf32>
      %add3A_640 = arith.addf %add3A_636, %add3A_637 : vector<16xf32>
      %add3A_641 = arith.addf %add3A_638, %add3A_639 : vector<16xf32>
      %add3A_642 = arith.addf %add3A_640, %add3A_641 : vector<16xf32>
      %reduce_sum3A_643 = arith.constant true
      %reduce_sum3A_644 = vector.broadcast %reduce_sum3A_643 : i1 to vector<16xi1>
      %reduce_sum3A_645 = tpu.scan <sum>, %add3A_642 masked %reduce_sum3A_644 : vector<16xf32>, vector<16xi1> -> vector<16xf32>
      %reduce_sum3A_646 = vector.extract %reduce_sum3A_645[15] : f32 from vector<16xf32>
      %mul3A_647 = arith.mulf %add3A_579, %add3A_579 : vector<16xf32>
      %mul3A_648 = arith.mulf %add3A_587, %add3A_587 : vector<16xf32>
      %mul3A_649 = arith.mulf %add3A_595, %add3A_595 : vector<16xf32>
      %mul3A_650 = arith.mulf %add3A_603, %add3A_603 : vector<16xf32>
      %mul3A_651 = arith.mulf %add3A_611, %add3A_611 : vector<16xf32>
      %mul3A_652 = arith.mulf %add3A_619, %add3A_619 : vector<16xf32>
      %mul3A_653 = arith.mulf %add3A_627, %add3A_627 : vector<16xf32>
      %mul3A_654 = arith.mulf %add3A_635, %add3A_635 : vector<16xf32>
      %add3A_655 = arith.addf %mul3A_647, %mul3A_648 : vector<16xf32>
      %add3A_656 = arith.addf %mul3A_649, %mul3A_650 : vector<16xf32>
      %add3A_657 = arith.addf %mul3A_651, %mul3A_652 : vector<16xf32>
      %add3A_658 = arith.addf %mul3A_653, %mul3A_654 : vector<16xf32>
      %add3A_659 = arith.addf %add3A_655, %add3A_656 : vector<16xf32>
      %add3A_660 = arith.addf %add3A_657, %add3A_658 : vector<16xf32>
      %add3A_661 = arith.addf %add3A_659, %add3A_660 : vector<16xf32>
      %reduce_sum3A_662 = arith.constant true
      %reduce_sum3A_663 = vector.broadcast %reduce_sum3A_662 : i1 to vector<16xi1>
      %reduce_sum3A_664 = tpu.scan <sum>, %add3A_661 masked %reduce_sum3A_663 : vector<16xf32>, vector<16xi1> -> vector<16xf32>
      %reduce_sum3A_665 = vector.extract %reduce_sum3A_664[15] : f32 from vector<16xf32>
      %mul3A_666 = arith.constant 7.812500e-03 : f32
      %mul3A_667 = arith.mulf %reduce_sum3A_646, %mul3A_666 : f32
      %mul3A_668 = arith.constant 7.812500e-03 : f32
      %mul3A_669 = arith.mulf %reduce_sum3A_665, %mul3A_668 : f32
      %mul3A_670 = arith.mulf %mul3A_667, %mul3A_667 : f32
      %sub3A_671 = arith.subf %mul3A_669, %mul3A_670 : f32
      %add3A_672 = arith.constant 9.99999996E-13 : f32
      %add3A_673 = arith.addf %sub3A_671, %add3A_672 : f32
      %bitcast_convert_type3A_674 = arith.bitcast %add3A_673 : f32 to i32
      %shift_right_logical3A_675 = arith.constant 1 : i32
      %shift_right_logical3A_676 = arith.shrui %bitcast_convert_type3A_674, %shift_right_logical3A_675 : i32
      %sub3A_677 = arith.constant 1597463007 : i32
      %sub3A_678 = arith.subi %sub3A_677, %shift_right_logical3A_676 : i32
      %bitcast_convert_type3A_679 = arith.bitcast %sub3A_678 : i32 to f32
      %mul3A_680 = arith.constant 5.000000e-01 : f32
      %mul3A_681 = arith.mulf %mul3A_680, %add3A_673 : f32
      %mul3A_682 = arith.mulf %mul3A_681, %bitcast_convert_type3A_679 : f32
      %mul3A_683 = arith.mulf %mul3A_682, %bitcast_convert_type3A_679 : f32
      %sub3A_684 = arith.constant 1.500000e+00 : f32
      %sub3A_685 = arith.subf %sub3A_684, %mul3A_683 : f32
      %mul3A_686 = arith.mulf %bitcast_convert_type3A_679, %sub3A_685 : f32
      %mul3A_687 = arith.constant 5.000000e-01 : f32
      %mul3A_688 = arith.mulf %mul3A_687, %add3A_673 : f32
      %mul3A_689 = arith.mulf %mul3A_688, %mul3A_686 : f32
      %mul3A_690 = arith.mulf %mul3A_689, %mul3A_686 : f32
      %sub3A_691 = arith.constant 1.500000e+00 : f32
      %sub3A_692 = arith.subf %sub3A_691, %mul3A_690 : f32
      %mul3A_693 = arith.mulf %mul3A_686, %sub3A_692 : f32
      %mul3A_694 = arith.constant 5.000000e-01 : f32
      %mul3A_695 = arith.mulf %mul3A_694, %add3A_673 : f32
      %mul3A_696 = arith.mulf %mul3A_695, %mul3A_693 : f32
      %mul3A_697 = arith.mulf %mul3A_696, %mul3A_693 : f32
      %sub3A_698 = arith.constant 1.500000e+00 : f32
      %sub3A_699 = arith.subf %sub3A_698, %mul3A_697 : f32
      %mul3A_700 = arith.mulf %mul3A_693, %sub3A_699 : f32
      %sub3A_701 = vector.broadcast %mul3A_667 : f32 to vector<16xf32>
      %sub3A_702 = arith.subf %add3A_579, %sub3A_701 : vector<16xf32>
      %mul3A_703 = vector.broadcast %mul3A_700 : f32 to vector<16xf32>
      %mul3A_704 = arith.mulf %sub3A_702, %mul3A_703 : vector<16xf32>
      %mul3A_705 = arith.mulf %mul3A_704, %get3A_3 : vector<16xf32>
      %add3A_706 = arith.addf %mul3A_705, %get3A_19 : vector<16xf32>
      %swap3A_707 = arith.index_cast %rem3A_129 : i32 to index
      %swap3A_708 = arith.index_cast %add3A_568 : i32 to index
      %swap3A_709 = arith.constant 0 : index
      %swap3A_710 = tpu.vector_load %arg14[%swap3A_707, %swap3A_708, %swap3A_709] {strides = array<i32>} : memref<2x128x128xf32, #tpu.memory_space<vmem>>, vector<16xf32>,
      tpu.vector_store %arg14[%swap3A_707, %swap3A_708, %swap3A_709], %add3A_706 {strides = array<i32>} : memref<2x128x128xf32, #tpu.memory_space<vmem>>, vector<16xf32>,
      %sub3A_711 = vector.broadcast %mul3A_667 : f32 to vector<16xf32>
      %sub3A_712 = arith.subf %add3A_587, %sub3A_711 : vector<16xf32>
      %mul3A_713 = vector.broadcast %mul3A_700 : f32 to vector<16xf32>
      %mul3A_714 = arith.mulf %sub3A_712, %mul3A_713 : vector<16xf32>
      %mul3A_715 = arith.mulf %mul3A_714, %get3A_5 : vector<16xf32>
      %add3A_716 = arith.addf %mul3A_715, %get3A_21 : vector<16xf32>
      %swap3A_717 = arith.index_cast %rem3A_129 : i32 to index
      %swap3A_718 = arith.index_cast %add3A_568 : i32 to index
      %swap3A_719 = arith.constant 16 : index
      %swap3A_720 = tpu.vector_load %arg14[%swap3A_717, %swap3A_718, %swap3A_719] {strides = array<i32>} : memref<2x128x128xf32, #tpu.memory_space<vmem>>, vector<16xf32>,
      tpu.vector_store %arg14[%swap3A_717, %swap3A_718, %swap3A_719], %add3A_716 {strides = array<i32>} : memref<2x128x128xf32, #tpu.memory_space<vmem>>, vector<16xf32>,
      %sub3A_721 = vector.broadcast %mul3A_667 : f32 to vector<16xf32>
      %sub3A_722 = arith.subf %add3A_595, %sub3A_721 : vector<16xf32>
      %mul3A_723 = vector.broadcast %mul3A_700 : f32 to vector<16xf32>
      %mul3A_724 = arith.mulf %sub3A_722, %mul3A_723 : vector<16xf32>
      %mul3A_725 = arith.mulf %mul3A_724, %get3A_7 : vector<16xf32>
      %add3A_726 = arith.addf %mul3A_725, %get3A_23 : vector<16xf32>
      %swap3A_727 = arith.index_cast %rem3A_129 : i32 to index
      %swap3A_728 = arith.index_cast %add3A_568 : i32 to index
      %swap3A_729 = arith.constant 32 : index
      %swap3A_730 = tpu.vector_load %arg14[%swap3A_727, %swap3A_728, %swap3A_729] {strides = array<i32>} : memref<2x128x128xf32, #tpu.memory_space<vmem>>, vector<16xf32>,
      tpu.vector_store %arg14[%swap3A_727, %swap3A_728, %swap3A_729], %add3A_726 {strides = array<i32>} : memref<2x128x128xf32, #tpu.memory_space<vmem>>, vector<16xf32>,
      %sub3A_731 = vector.broadcast %mul3A_667 : f32 to vector<16xf32>
      %sub3A_732 = arith.subf %add3A_603, %sub3A_731 : vector<16xf32>
      %mul3A_733 = vector.broadcast %mul3A_700 : f32 to vector<16xf32>
      %mul3A_734 = arith.mulf %sub3A_732, %mul3A_733 : vector<16xf32>
      %mul3A_735 = arith.mulf %mul3A_734, %get3A_9 : vector<16xf32>
      %add3A_736 = arith.addf %mul3A_735, %get3A_25 : vector<16xf32>
      %swap3A_737 = arith.index_cast %rem3A_129 : i32 to index
      %swap3A_738 = arith.index_cast %add3A_568 : i32 to index
      %swap3A_739 = arith.constant 48 : index
      %swap3A_740 = tpu.vector_load %arg14[%swap3A_737, %swap3A_738, %swap3A_739] {strides = array<i32>} : memref<2x128x128xf32, #tpu.memory_space<vmem>>, vector<16xf32>,
      tpu.vector_store %arg14[%swap3A_737, %swap3A_738, %swap3A_739], %add3A_736 {strides = array<i32>} : memref<2x128x128xf32, #tpu.memory_space<vmem>>, vector<16xf32>,
      %sub3A_741 = vector.broadcast %mul3A_667 : f32 to vector<16xf32>
      %sub3A_742 = arith.subf %add3A_611, %sub3A_741 : vector<16xf32>
      %mul3A_743 = vector.broadcast %mul3A_700 : f32 to vector<16xf32>
      %mul3A_744 = arith.mulf %sub3A_742, %mul3A_743 : vector<16xf32>
      %mul3A_745 = arith.mulf %mul3A_744, %get3A_11 : vector<16xf32>
      %add3A_746 = arith.addf %mul3A_745, %get3A_27 : vector<16xf32>
      %swap3A_747 = arith.index_cast %rem3A_129 : i32 to index
      %swap3A_748 = arith.index_cast %add3A_568 : i32 to index
      %swap3A_749 = arith.constant 64 : index
      %swap3A_750 = tpu.vector_load %arg14[%swap3A_747, %swap3A_748, %swap3A_749] {strides = array<i32>} : memref<2x128x128xf32, #tpu.memory_space<vmem>>, vector<16xf32>,
      tpu.vector_store %arg14[%swap3A_747, %swap3A_748, %swap3A_749], %add3A_746 {strides = array<i32>} : memref<2x128x128xf32, #tpu.memory_space<vmem>>, vector<16xf32>,
      %sub3A_751 = vector.broadcast %mul3A_667 : f32 to vector<16xf32>
      %sub3A_752 = arith.subf %add3A_619, %sub3A_751 : vector<16xf32>
      %mul3A_753 = vector.broadcast %mul3A_700 : f32 to vector<16xf32>
      %mul3A_754 = arith.mulf %sub3A_752, %mul3A_753 : vector<16xf32>
      %mul3A_755 = arith.mulf %mul3A_754, %get3A_13 : vector<16xf32>
      %add3A_756 = arith.addf %mul3A_755, %get3A_29 : vector<16xf32>
      %swap3A_757 = arith.index_cast %rem3A_129 : i32 to index
      %swap3A_758 = arith.index_cast %add3A_568 : i32 to index
      %swap3A_759 = arith.constant 80 : index
      %swap3A_760 = tpu.vector_load %arg14[%swap3A_757, %swap3A_758, %swap3A_759] {strides = array<i32>} : memref<2x128x128xf32, #tpu.memory_space<vmem>>, vector<16xf32>,
      tpu.vector_store %arg14[%swap3A_757, %swap3A_758, %swap3A_759], %add3A_756 {strides = array<i32>} : memref<2x128x128xf32, #tpu.memory_space<vmem>>, vector<16xf32>,
      %sub3A_761 = vector.broadcast %mul3A_667 : f32 to vector<16xf32>
      %sub3A_762 = arith.subf %add3A_627, %sub3A_761 : vector<16xf32>
      %mul3A_763 = vector.broadcast %mul3A_700 : f32 to vector<16xf32>
      %mul3A_764 = arith.mulf %sub3A_762, %mul3A_763 : vector<16xf32>
      %mul3A_765 = arith.mulf %mul3A_764, %get3A_15 : vector<16xf32>
      %add3A_766 = arith.addf %mul3A_765, %get3A_31 : vector<16xf32>
      %swap3A_767 = arith.index_cast %rem3A_129 : i32 to index
      %swap3A_768 = arith.index_cast %add3A_568 : i32 to index
      %swap3A_769 = arith.constant 96 : index
      %swap3A_770 = tpu.vector_load %arg14[%swap3A_767, %swap3A_768, %swap3A_769] {strides = array<i32>} : memref<2x128x128xf32, #tpu.memory_space<vmem>>, vector<16xf32>,
      tpu.vector_store %arg14[%swap3A_767, %swap3A_768, %swap3A_769], %add3A_766 {strides = array<i32>} : memref<2x128x128xf32, #tpu.memory_space<vmem>>, vector<16xf32>,
      %sub3A_771 = vector.broadcast %mul3A_667 : f32 to vector<16xf32>
      %sub3A_772 = arith.subf %add3A_635, %sub3A_771 : vector<16xf32>
      %mul3A_773 = vector.broadcast %mul3A_700 : f32 to vector<16xf32>
      %mul3A_774 = arith.mulf %sub3A_772, %mul3A_773 : vector<16xf32>
      %mul3A_775 = arith.mulf %mul3A_774, %get3A_17 : vector<16xf32>
      %add3A_776 = arith.addf %mul3A_775, %get3A_33 : vector<16xf32>
      %swap3A_777 = arith.index_cast %rem3A_129 : i32 to index
      %swap3A_778 = arith.index_cast %add3A_568 : i32 to index
      %swap3A_779 = arith.constant 112 : index
      %swap3A_780 = tpu.vector_load %arg14[%swap3A_777, %swap3A_778, %swap3A_779] {strides = array<i32>} : memref<2x128x128xf32, #tpu.memory_space<vmem>>, vector<16xf32>,
      tpu.vector_store %arg14[%swap3A_777, %swap3A_778, %swap3A_779], %add3A_776 {strides = array<i32>} : memref<2x128x128xf32, #tpu.memory_space<vmem>>, vector<16xf32>,
      %add3A_781 = arith.constant 3 : i32
      %add3A_782 = arith.addi %mul3A_142, %add3A_781 : i32
      %add3A_783 = arith.addi %mul3A_131, %add3A_782 : i32
      %rem3A_784 = arith.constant 200 : i32
      %rem3A_785 = arith.remsi %add3A_783, %rem3A_784 : i32
      %get3A_786 = arith.index_cast %rem3A_129 : i32 to index
      %get3A_787 = arith.index_cast %add3A_782 : i32 to index
      %get3A_788 = arith.constant 0 : index
      %get3A_789 = tpu.vector_load %arg13[%get3A_786, %get3A_787, %get3A_788] {strides = array<i32>} : memref<2x128x128xf32, #tpu.memory_space<vmem>>, vector<16xf32>,
      %get3A_790 = arith.index_cast %rem3A_785 : i32 to index
      %get3A_791 = arith.constant 0 : index
      %get3A_792 = tpu.vector_load %arg9[%get3A_790, %get3A_791] {strides = array<i32>} : memref<200x128xf32, #tpu.memory_space<vmem>>, vector<16xf32>,
      %add3A_793 = arith.addf %get3A_789, %get3A_792 : vector<16xf32>
      %get3A_794 = arith.index_cast %rem3A_129 : i32 to index
      %get3A_795 = arith.index_cast %add3A_782 : i32 to index
      %get3A_796 = arith.constant 16 : index
      %get3A_797 = tpu.vector_load %arg13[%get3A_794, %get3A_795, %get3A_796] {strides = array<i32>} : memref<2x128x128xf32, #tpu.memory_space<vmem>>, vector<16xf32>,
      %get3A_798 = arith.index_cast %rem3A_785 : i32 to index
      %get3A_799 = arith.constant 16 : index
      %get3A_800 = tpu.vector_load %arg9[%get3A_798, %get3A_799] {strides = array<i32>} : memref<200x128xf32, #tpu.memory_space<vmem>>, vector<16xf32>,
      %add3A_801 = arith.addf %get3A_797, %get3A_800 : vector<16xf32>
      %get3A_802 = arith.index_cast %rem3A_129 : i32 to index
      %get3A_803 = arith.index_cast %add3A_782 : i32 to index
      %get3A_804 = arith.constant 32 : index
      %get3A_805 = tpu.vector_load %arg13[%get3A_802, %get3A_803, %get3A_804] {strides = array<i32>} : memref<2x128x128xf32, #tpu.memory_space<vmem>>, vector<16xf32>,
      %get3A_806 = arith.index_cast %rem3A_785 : i32 to index
      %get3A_807 = arith.constant 32 : index
      %get3A_808 = tpu.vector_load %arg9[%get3A_806, %get3A_807] {strides = array<i32>} : memref<200x128xf32, #tpu.memory_space<vmem>>, vector<16xf32>,
      %add3A_809 = arith.addf %get3A_805, %get3A_808 : vector<16xf32>
      %get3A_810 = arith.index_cast %rem3A_129 : i32 to index
      %get3A_811 = arith.index_cast %add3A_782 : i32 to index
      %get3A_812 = arith.constant 48 : index
      %get3A_813 = tpu.vector_load %arg13[%get3A_810, %get3A_811, %get3A_812] {strides = array<i32>} : memref<2x128x128xf32, #tpu.memory_space<vmem>>, vector<16xf32>,
      %get3A_814 = arith.index_cast %rem3A_785 : i32 to index
      %get3A_815 = arith.constant 48 : index
      %get3A_816 = tpu.vector_load %arg9[%get3A_814, %get3A_815] {strides = array<i32>} : memref<200x128xf32, #tpu.memory_space<vmem>>, vector<16xf32>,
      %add3A_817 = arith.addf %get3A_813, %get3A_816 : vector<16xf32>
      %get3A_818 = arith.index_cast %rem3A_129 : i32 to index
      %get3A_819 = arith.index_cast %add3A_782 : i32 to index
      %get3A_820 = arith.constant 64 : index
      %get3A_821 = tpu.vector_load %arg13[%get3A_818, %get3A_819, %get3A_820] {strides = array<i32>} : memref<2x128x128xf32, #tpu.memory_space<vmem>>, vector<16xf32>,
      %get3A_822 = arith.index_cast %rem3A_785 : i32 to index
      %get3A_823 = arith.constant 64 : index
      %get3A_824 = tpu.vector_load %arg9[%get3A_822, %get3A_823] {strides = array<i32>} : memref<200x128xf32, #tpu.memory_space<vmem>>, vector<16xf32>,
      %add3A_825 = arith.addf %get3A_821, %get3A_824 : vector<16xf32>
      %get3A_826 = arith.index_cast %rem3A_129 : i32 to index
      %get3A_827 = arith.index_cast %add3A_782 : i32 to index
      %get3A_828 = arith.constant 80 : index
      %get3A_829 = tpu.vector_load %arg13[%get3A_826, %get3A_827, %get3A_828] {strides = array<i32>} : memref<2x128x128xf32, #tpu.memory_space<vmem>>, vector<16xf32>,
      %get3A_830 = arith.index_cast %rem3A_785 : i32 to index
      %get3A_831 = arith.constant 80 : index
      %get3A_832 = tpu.vector_load %arg9[%get3A_830, %get3A_831] {strides = array<i32>} : memref<200x128xf32, #tpu.memory_space<vmem>>, vector<16xf32>,
      %add3A_833 = arith.addf %get3A_829, %get3A_832 : vector<16xf32>
      %get3A_834 = arith.index_cast %rem3A_129 : i32 to index
      %get3A_835 = arith.index_cast %add3A_782 : i32 to index
      %get3A_836 = arith.constant 96 : index
      %get3A_837 = tpu.vector_load %arg13[%get3A_834, %get3A_835, %get3A_836] {strides = array<i32>} : memref<2x128x128xf32, #tpu.memory_space<vmem>>, vector<16xf32>,
      %get3A_838 = arith.index_cast %rem3A_785 : i32 to index
      %get3A_839 = arith.constant 96 : index
      %get3A_840 = tpu.vector_load %arg9[%get3A_838, %get3A_839] {strides = array<i32>} : memref<200x128xf32, #tpu.memory_space<vmem>>, vector<16xf32>,
      %add3A_841 = arith.addf %get3A_837, %get3A_840 : vector<16xf32>
      %get3A_842 = arith.index_cast %rem3A_129 : i32 to index
      %get3A_843 = arith.index_cast %add3A_782 : i32 to index
      %get3A_844 = arith.constant 112 : index
      %get3A_845 = tpu.vector_load %arg13[%get3A_842, %get3A_843, %get3A_844] {strides = array<i32>} : memref<2x128x128xf32, #tpu.memory_space<vmem>>, vector<16xf32>,
      %get3A_846 = arith.index_cast %rem3A_785 : i32 to index
      %get3A_847 = arith.constant 112 : index
      %get3A_848 = tpu.vector_load %arg9[%get3A_846, %get3A_847] {strides = array<i32>} : memref<200x128xf32, #tpu.memory_space<vmem>>, vector<16xf32>,
      %add3A_849 = arith.addf %get3A_845, %get3A_848 : vector<16xf32>
      %add3A_850 = arith.addf %add3A_793, %add3A_801 : vector<16xf32>
      %add3A_851 = arith.addf %add3A_809, %add3A_817 : vector<16xf32>
      %add3A_852 = arith.addf %add3A_825, %add3A_833 : vector<16xf32>
      %add3A_853 = arith.addf %add3A_841, %add3A_849 : vector<16xf32>
      %add3A_854 = arith.addf %add3A_850, %add3A_851 : vector<16xf32>
      %add3A_855 = arith.addf %add3A_852, %add3A_853 : vector<16xf32>
      %add3A_856 = arith.addf %add3A_854, %add3A_855 : vector<16xf32>
      %reduce_sum3A_857 = arith.constant true
      %reduce_sum3A_858 = vector.broadcast %reduce_sum3A_857 : i1 to vector<16xi1>
      %reduce_sum3A_859 = tpu.scan <sum>, %add3A_856 masked %reduce_sum3A_858 : vector<16xf32>, vector<16xi1> -> vector<16xf32>
      %reduce_sum3A_860 = vector.extract %reduce_sum3A_859[15] : f32 from vector<16xf32>
      %mul3A_861 = arith.mulf %add3A_793, %add3A_793 : vector<16xf32>
      %mul3A_862 = arith.mulf %add3A_801, %add3A_801 : vector<16xf32>
      %mul3A_863 = arith.mulf %add3A_809, %add3A_809 : vector<16xf32>
      %mul3A_864 = arith.mulf %add3A_817, %add3A_817 : vector<16xf32>
      %mul3A_865 = arith.mulf %add3A_825, %add3A_825 : vector<16xf32>
      %mul3A_866 = arith.mulf %add3A_833, %add3A_833 : vector<16xf32>
      %mul3A_867 = arith.mulf %add3A_841, %add3A_841 : vector<16xf32>
      %mul3A_868 = arith.mulf %add3A_849, %add3A_849 : vector<16xf32>
      %add3A_869 = arith.addf %mul3A_861, %mul3A_862 : vector<16xf32>
      %add3A_870 = arith.addf %mul3A_863, %mul3A_864 : vector<16xf32>
      %add3A_871 = arith.addf %mul3A_865, %mul3A_866 : vector<16xf32>
      %add3A_872 = arith.addf %mul3A_867, %mul3A_868 : vector<16xf32>
      %add3A_873 = arith.addf %add3A_869, %add3A_870 : vector<16xf32>
      %add3A_874 = arith.addf %add3A_871, %add3A_872 : vector<16xf32>
      %add3A_875 = arith.addf %add3A_873, %add3A_874 : vector<16xf32>
      %reduce_sum3A_876 = arith.constant true
      %reduce_sum3A_877 = vector.broadcast %reduce_sum3A_876 : i1 to vector<16xi1>
      %reduce_sum3A_878 = tpu.scan <sum>, %add3A_875 masked %reduce_sum3A_877 : vector<16xf32>, vector<16xi1> -> vector<16xf32>
      %reduce_sum3A_879 = vector.extract %reduce_sum3A_878[15] : f32 from vector<16xf32>
      %mul3A_880 = arith.constant 7.812500e-03 : f32
      %mul3A_881 = arith.mulf %reduce_sum3A_860, %mul3A_880 : f32
      %mul3A_882 = arith.constant 7.812500e-03 : f32
      %mul3A_883 = arith.mulf %reduce_sum3A_879, %mul3A_882 : f32
      %mul3A_884 = arith.mulf %mul3A_881, %mul3A_881 : f32
      %sub3A_885 = arith.subf %mul3A_883, %mul3A_884 : f32
      %add3A_886 = arith.constant 9.99999996E-13 : f32
      %add3A_887 = arith.addf %sub3A_885, %add3A_886 : f32
      %bitcast_convert_type3A_888 = arith.bitcast %add3A_887 : f32 to i32
      %shift_right_logical3A_889 = arith.constant 1 : i32
      %shift_right_logical3A_890 = arith.shrui %bitcast_convert_type3A_888, %shift_right_logical3A_889 : i32
      %sub3A_891 = arith.constant 1597463007 : i32
      %sub3A_892 = arith.subi %sub3A_891, %shift_right_logical3A_890 : i32
      %bitcast_convert_type3A_893 = arith.bitcast %sub3A_892 : i32 to f32
      %mul3A_894 = arith.constant 5.000000e-01 : f32
      %mul3A_895 = arith.mulf %mul3A_894, %add3A_887 : f32
      %mul3A_896 = arith.mulf %mul3A_895, %bitcast_convert_type3A_893 : f32
      %mul3A_897 = arith.mulf %mul3A_896, %bitcast_convert_type3A_893 : f32
      %sub3A_898 = arith.constant 1.500000e+00 : f32
      %sub3A_899 = arith.subf %sub3A_898, %mul3A_897 : f32
      %mul3A_900 = arith.mulf %bitcast_convert_type3A_893, %sub3A_899 : f32
      %mul3A_901 = arith.constant 5.000000e-01 : f32
      %mul3A_902 = arith.mulf %mul3A_901, %add3A_887 : f32
      %mul3A_903 = arith.mulf %mul3A_902, %mul3A_900 : f32
      %mul3A_904 = arith.mulf %mul3A_903, %mul3A_900 : f32
      %sub3A_905 = arith.constant 1.500000e+00 : f32
      %sub3A_906 = arith.subf %sub3A_905, %mul3A_904 : f32
      %mul3A_907 = arith.mulf %mul3A_900, %sub3A_906 : f32
      %mul3A_908 = arith.constant 5.000000e-01 : f32
      %mul3A_909 = arith.mulf %mul3A_908, %add3A_887 : f32
      %mul3A_910 = arith.mulf %mul3A_909, %mul3A_907 : f32
      %mul3A_911 = arith.mulf %mul3A_910, %mul3A_907 : f32
      %sub3A_912 = arith.constant 1.500000e+00 : f32
      %sub3A_913 = arith.subf %sub3A_912, %mul3A_911 : f32
      %mul3A_914 = arith.mulf %mul3A_907, %sub3A_913 : f32
      %sub3A_915 = vector.broadcast %mul3A_881 : f32 to vector<16xf32>
      %sub3A_916 = arith.subf %add3A_793, %sub3A_915 : vector<16xf32>
      %mul3A_917 = vector.broadcast %mul3A_914 : f32 to vector<16xf32>
      %mul3A_918 = arith.mulf %sub3A_916, %mul3A_917 : vector<16xf32>
      %mul3A_919 = arith.mulf %mul3A_918, %get3A_3 : vector<16xf32>
      %add3A_920 = arith.addf %mul3A_919, %get3A_19 : vector<16xf32>
      %swap3A_921 = arith.index_cast %rem3A_129 : i32 to index
      %swap3A_922 = arith.index_cast %add3A_782 : i32 to index
      %swap3A_923 = arith.constant 0 : index
      %swap3A_924 = tpu.vector_load %arg14[%swap3A_921, %swap3A_922, %swap3A_923] {strides = array<i32>} : memref<2x128x128xf32, #tpu.memory_space<vmem>>, vector<16xf32>,
      tpu.vector_store %arg14[%swap3A_921, %swap3A_922, %swap3A_923], %add3A_920 {strides = array<i32>} : memref<2x128x128xf32, #tpu.memory_space<vmem>>, vector<16xf32>,
      %sub3A_925 = vector.broadcast %mul3A_881 : f32 to vector<16xf32>
      %sub3A_926 = arith.subf %add3A_801, %sub3A_925 : vector<16xf32>
      %mul3A_927 = vector.broadcast %mul3A_914 : f32 to vector<16xf32>
      %mul3A_928 = arith.mulf %sub3A_926, %mul3A_927 : vector<16xf32>
      %mul3A_929 = arith.mulf %mul3A_928, %get3A_5 : vector<16xf32>
      %add3A_930 = arith.addf %mul3A_929, %get3A_21 : vector<16xf32>
      %swap3A_931 = arith.index_cast %rem3A_129 : i32 to index
      %swap3A_932 = arith.index_cast %add3A_782 : i32 to index
      %swap3A_933 = arith.constant 16 : index
      %swap3A_934 = tpu.vector_load %arg14[%swap3A_931, %swap3A_932, %swap3A_933] {strides = array<i32>} : memref<2x128x128xf32, #tpu.memory_space<vmem>>, vector<16xf32>,
      tpu.vector_store %arg14[%swap3A_931, %swap3A_932, %swap3A_933], %add3A_930 {strides = array<i32>} : memref<2x128x128xf32, #tpu.memory_space<vmem>>, vector<16xf32>,
      %sub3A_935 = vector.broadcast %mul3A_881 : f32 to vector<16xf32>
      %sub3A_936 = arith.subf %add3A_809, %sub3A_935 : vector<16xf32>
      %mul3A_937 = vector.broadcast %mul3A_914 : f32 to vector<16xf32>
      %mul3A_938 = arith.mulf %sub3A_936, %mul3A_937 : vector<16xf32>
      %mul3A_939 = arith.mulf %mul3A_938, %get3A_7 : vector<16xf32>
      %add3A_940 = arith.addf %mul3A_939, %get3A_23 : vector<16xf32>
      %swap3A_941 = arith.index_cast %rem3A_129 : i32 to index
      %swap3A_942 = arith.index_cast %add3A_782 : i32 to index
      %swap3A_943 = arith.constant 32 : index
      %swap3A_944 = tpu.vector_load %arg14[%swap3A_941, %swap3A_942, %swap3A_943] {strides = array<i32>} : memref<2x128x128xf32, #tpu.memory_space<vmem>>, vector<16xf32>,
      tpu.vector_store %arg14[%swap3A_941, %swap3A_942, %swap3A_943], %add3A_940 {strides = array<i32>} : memref<2x128x128xf32, #tpu.memory_space<vmem>>, vector<16xf32>,
      %sub3A_945 = vector.broadcast %mul3A_881 : f32 to vector<16xf32>
      %sub3A_946 = arith.subf %add3A_817, %sub3A_945 : vector<16xf32>
      %mul3A_947 = vector.broadcast %mul3A_914 : f32 to vector<16xf32>
      %mul3A_948 = arith.mulf %sub3A_946, %mul3A_947 : vector<16xf32>
      %mul3A_949 = arith.mulf %mul3A_948, %get3A_9 : vector<16xf32>
      %add3A_950 = arith.addf %mul3A_949, %get3A_25 : vector<16xf32>
      %swap3A_951 = arith.index_cast %rem3A_129 : i32 to index
      %swap3A_952 = arith.index_cast %add3A_782 : i32 to index
      %swap3A_953 = arith.constant 48 : index
      %swap3A_954 = tpu.vector_load %arg14[%swap3A_951, %swap3A_952, %swap3A_953] {strides = array<i32>} : memref<2x128x128xf32, #tpu.memory_space<vmem>>, vector<16xf32>,
      tpu.vector_store %arg14[%swap3A_951, %swap3A_952, %swap3A_953], %add3A_950 {strides = array<i32>} : memref<2x128x128xf32, #tpu.memory_space<vmem>>, vector<16xf32>,
      %sub3A_955 = vector.broadcast %mul3A_881 : f32 to vector<16xf32>
      %sub3A_956 = arith.subf %add3A_825, %sub3A_955 : vector<16xf32>
      %mul3A_957 = vector.broadcast %mul3A_914 : f32 to vector<16xf32>
      %mul3A_958 = arith.mulf %sub3A_956, %mul3A_957 : vector<16xf32>
      %mul3A_959 = arith.mulf %mul3A_958, %get3A_11 : vector<16xf32>
      %add3A_960 = arith.addf %mul3A_959, %get3A_27 : vector<16xf32>
      %swap3A_961 = arith.index_cast %rem3A_129 : i32 to index
      %swap3A_962 = arith.index_cast %add3A_782 : i32 to index
      %swap3A_963 = arith.constant 64 : index
      %swap3A_964 = tpu.vector_load %arg14[%swap3A_961, %swap3A_962, %swap3A_963] {strides = array<i32>} : memref<2x128x128xf32, #tpu.memory_space<vmem>>, vector<16xf32>,
      tpu.vector_store %arg14[%swap3A_961, %swap3A_962, %swap3A_963], %add3A_960 {strides = array<i32>} : memref<2x128x128xf32, #tpu.memory_space<vmem>>, vector<16xf32>,
      %sub3A_965 = vector.broadcast %mul3A_881 : f32 to vector<16xf32>
      %sub3A_966 = arith.subf %add3A_833, %sub3A_965 : vector<16xf32>
      %mul3A_967 = vector.broadcast %mul3A_914 : f32 to vector<16xf32>
      %mul3A_968 = arith.mulf %sub3A_966, %mul3A_967 : vector<16xf32>
      %mul3A_969 = arith.mulf %mul3A_968, %get3A_13 : vector<16xf32>
      %add3A_970 = arith.addf %mul3A_969, %get3A_29 : vector<16xf32>
      %swap3A_971 = arith.index_cast %rem3A_129 : i32 to index
      %swap3A_972 = arith.index_cast %add3A_782 : i32 to index
      %swap3A_973 = arith.constant 80 : index
      %swap3A_974 = tpu.vector_load %arg14[%swap3A_971, %swap3A_972, %swap3A_973] {strides = array<i32>} : memref<2x128x128xf32, #tpu.memory_space<vmem>>, vector<16xf32>,
      tpu.vector_store %arg14[%swap3A_971, %swap3A_972, %swap3A_973], %add3A_970 {strides = array<i32>} : memref<2x128x128xf32, #tpu.memory_space<vmem>>, vector<16xf32>,
      %sub3A_975 = vector.broadcast %mul3A_881 : f32 to vector<16xf32>
      %sub3A_976 = arith.subf %add3A_841, %sub3A_975 : vector<16xf32>
      %mul3A_977 = vector.broadcast %mul3A_914 : f32 to vector<16xf32>
      %mul3A_978 = arith.mulf %sub3A_976, %mul3A_977 : vector<16xf32>
      %mul3A_979 = arith.mulf %mul3A_978, %get3A_15 : vector<16xf32>
      %add3A_980 = arith.addf %mul3A_979, %get3A_31 : vector<16xf32>
      %swap3A_981 = arith.index_cast %rem3A_129 : i32 to index
      %swap3A_982 = arith.index_cast %add3A_782 : i32 to index
      %swap3A_983 = arith.constant 96 : index
      %swap3A_984 = tpu.vector_load %arg14[%swap3A_981, %swap3A_982, %swap3A_983] {strides = array<i32>} : memref<2x128x128xf32, #tpu.memory_space<vmem>>, vector<16xf32>,
      tpu.vector_store %arg14[%swap3A_981, %swap3A_982, %swap3A_983], %add3A_980 {strides = array<i32>} : memref<2x128x128xf32, #tpu.memory_space<vmem>>, vector<16xf32>,
      %sub3A_985 = vector.broadcast %mul3A_881 : f32 to vector<16xf32>
      %sub3A_986 = arith.subf %add3A_849, %sub3A_985 : vector<16xf32>
      %mul3A_987 = vector.broadcast %mul3A_914 : f32 to vector<16xf32>
      %mul3A_988 = arith.mulf %sub3A_986, %mul3A_987 : vector<16xf32>
      %mul3A_989 = arith.mulf %mul3A_988, %get3A_17 : vector<16xf32>
      %add3A_990 = arith.addf %mul3A_989, %get3A_33 : vector<16xf32>
      %swap3A_991 = arith.index_cast %rem3A_129 : i32 to index
      %swap3A_992 = arith.index_cast %add3A_782 : i32 to index
      %swap3A_993 = arith.constant 112 : index
      %swap3A_994 = tpu.vector_load %arg14[%swap3A_991, %swap3A_992, %swap3A_993] {strides = array<i32>} : memref<2x128x128xf32, #tpu.memory_space<vmem>>, vector<16xf32>,
      tpu.vector_store %arg14[%swap3A_991, %swap3A_992, %swap3A_993], %add3A_990 {strides = array<i32>} : memref<2x128x128xf32, #tpu.memory_space<vmem>>, vector<16xf32>,
      %add3A_995 = arith.constant 4 : i32
      %add3A_996 = arith.addi %mul3A_142, %add3A_995 : i32
      %add3A_997 = arith.addi %mul3A_131, %add3A_996 : i32
      %rem3A_998 = arith.constant 200 : i32
      %rem3A_999 = arith.remsi %add3A_997, %rem3A_998 : i32
      %get3A_1000 = arith.index_cast %rem3A_129 : i32 to index
      %get3A_1001 = arith.index_cast %add3A_996 : i32 to index
      %get3A_1002 = arith.constant 0 : index
      %get3A_1003 = tpu.vector_load %arg13[%get3A_1000, %get3A_1001, %get3A_1002] {strides = array<i32>} : memref<2x128x128xf32, #tpu.memory_space<vmem>>, vector<16xf32>,
      %get3A_1004 = arith.index_cast %rem3A_999 : i32 to index
      %get3A_1005 = arith.constant 0 : index
      %get3A_1006 = tpu.vector_load %arg9[%get3A_1004, %get3A_1005] {strides = array<i32>} : memref<200x128xf32, #tpu.memory_space<vmem>>, vector<16xf32>,
      %add3A_1007 = arith.addf %get3A_1003, %get3A_1006 : vector<16xf32>
      %get3A_1008 = arith.index_cast %rem3A_129 : i32 to index
      %get3A_1009 = arith.index_cast %add3A_996 : i32 to index
      %get3A_1010 = arith.constant 16 : index
      %get3A_1011 = tpu.vector_load %arg13[%get3A_1008, %get3A_1009, %get3A_1010] {strides = array<i32>} : memref<2x128x128xf32, #tpu.memory_space<vmem>>, vector<16xf32>,
      %get3A_1012 = arith.index_cast %rem3A_999 : i32 to index
      %get3A_1013 = arith.constant 16 : index
      %get3A_1014 = tpu.vector_load %arg9[%get3A_1012, %get3A_1013] {strides = array<i32>} : memref<200x128xf32, #tpu.memory_space<vmem>>, vector<16xf32>,
      %add3A_1015 = arith.addf %get3A_1011, %get3A_1014 : vector<16xf32>
      %get3A_1016 = arith.index_cast %rem3A_129 : i32 to index
      %get3A_1017 = arith.index_cast %add3A_996 : i32 to index
      %get3A_1018 = arith.constant 32 : index
      %get3A_1019 = tpu.vector_load %arg13[%get3A_1016, %get3A_1017, %get3A_1018] {strides = array<i32>} : memref<2x128x128xf32, #tpu.memory_space<vmem>>, vector<16xf32>,
      %get3A_1020 = arith.index_cast %rem3A_999 : i32 to index
      %get3A_1021 = arith.constant 32 : index
      %get3A_1022 = tpu.vector_load %arg9[%get3A_1020, %get3A_1021] {strides = array<i32>} : memref<200x128xf32, #tpu.memory_space<vmem>>, vector<16xf32>,
      %add3A_1023 = arith.addf %get3A_1019, %get3A_1022 : vector<16xf32>
      %get3A_1024 = arith.index_cast %rem3A_129 : i32 to index
      %get3A_1025 = arith.index_cast %add3A_996 : i32 to index
      %get3A_1026 = arith.constant 48 : index
      %get3A_1027 = tpu.vector_load %arg13[%get3A_1024, %get3A_1025, %get3A_1026] {strides = array<i32>} : memref<2x128x128xf32, #tpu.memory_space<vmem>>, vector<16xf32>,
      %get3A_1028 = arith.index_cast %rem3A_999 : i32 to index
      %get3A_1029 = arith.constant 48 : index
      %get3A_1030 = tpu.vector_load %arg9[%get3A_1028, %get3A_1029] {strides = array<i32>} : memref<200x128xf32, #tpu.memory_space<vmem>>, vector<16xf32>,
      %add3A_1031 = arith.addf %get3A_1027, %get3A_1030 : vector<16xf32>
      %get3A_1032 = arith.index_cast %rem3A_129 : i32 to index
      %get3A_1033 = arith.index_cast %add3A_996 : i32 to index
      %get3A_1034 = arith.constant 64 : index
      %get3A_1035 = tpu.vector_load %arg13[%get3A_1032, %get3A_1033, %get3A_1034] {strides = array<i32>} : memref<2x128x128xf32, #tpu.memory_space<vmem>>, vector<16xf32>,
      %get3A_1036 = arith.index_cast %rem3A_999 : i32 to index
      %get3A_1037 = arith.constant 64 : index
      %get3A_1038 = tpu.vector_load %arg9[%get3A_1036, %get3A_1037] {strides = array<i32>} : memref<200x128xf32, #tpu.memory_space<vmem>>, vector<16xf32>,
      %add3A_1039 = arith.addf %get3A_1035, %get3A_1038 : vector<16xf32>
      %get3A_1040 = arith.index_cast %rem3A_129 : i32 to index
      %get3A_1041 = arith.index_cast %add3A_996 : i32 to index
      %get3A_1042 = arith.constant 80 : index
      %get3A_1043 = tpu.vector_load %arg13[%get3A_1040, %get3A_1041, %get3A_1042] {strides = array<i32>} : memref<2x128x128xf32, #tpu.memory_space<vmem>>, vector<16xf32>,
      %get3A_1044 = arith.index_cast %rem3A_999 : i32 to index
      %get3A_1045 = arith.constant 80 : index
      %get3A_1046 = tpu.vector_load %arg9[%get3A_1044, %get3A_1045] {strides = array<i32>} : memref<200x128xf32, #tpu.memory_space<vmem>>, vector<16xf32>,
      %add3A_1047 = arith.addf %get3A_1043, %get3A_1046 : vector<16xf32>
      %get3A_1048 = arith.index_cast %rem3A_129 : i32 to index
      %get3A_1049 = arith.index_cast %add3A_996 : i32 to index
      %get3A_1050 = arith.constant 96 : index
      %get3A_1051 = tpu.vector_load %arg13[%get3A_1048, %get3A_1049, %get3A_1050] {strides = array<i32>} : memref<2x128x128xf32, #tpu.memory_space<vmem>>, vector<16xf32>,
      %get3A_1052 = arith.index_cast %rem3A_999 : i32 to index
      %get3A_1053 = arith.constant 96 : index
      %get3A_1054 = tpu.vector_load %arg9[%get3A_1052, %get3A_1053] {strides = array<i32>} : memref<200x128xf32, #tpu.memory_space<vmem>>, vector<16xf32>,
      %add3A_1055 = arith.addf %get3A_1051, %get3A_1054 : vector<16xf32>
      %get3A_1056 = arith.index_cast %rem3A_129 : i32 to index
      %get3A_1057 = arith.index_cast %add3A_996 : i32 to index
      %get3A_1058 = arith.constant 112 : index
      %get3A_1059 = tpu.vector_load %arg13[%get3A_1056, %get3A_1057, %get3A_1058] {strides = array<i32>} : memref<2x128x128xf32, #tpu.memory_space<vmem>>, vector<16xf32>,
      %get3A_1060 = arith.index_cast %rem3A_999 : i32 to index
      %get3A_1061 = arith.constant 112 : index
      %get3A_1062 = tpu.vector_load %arg9[%get3A_1060, %get3A_1061] {strides = array<i32>} : memref<200x128xf32, #tpu.memory_space<vmem>>, vector<16xf32>,
      %add3A_1063 = arith.addf %get3A_1059, %get3A_1062 : vector<16xf32>
      %add3A_1064 = arith.addf %add3A_1007, %add3A_1015 : vector<16xf32>
      %add3A_1065 = arith.addf %add3A_1023, %add3A_1031 : vector<16xf32>
      %add3A_1066 = arith.addf %add3A_1039, %add3A_1047 : vector<16xf32>
      %add3A_1067 = arith.addf %add3A_1055, %add3A_1063 : vector<16xf32>
      %add3A_1068 = arith.addf %add3A_1064, %add3A_1065 : vector<16xf32>
      %add3A_1069 = arith.addf %add3A_1066, %add3A_1067 : vector<16xf32>
      %add3A_1070 = arith.addf %add3A_1068, %add3A_1069 : vector<16xf32>
      %reduce_sum3A_1071 = arith.constant true
      %reduce_sum3A_1072 = vector.broadcast %reduce_sum3A_1071 : i1 to vector<16xi1>
      %reduce_sum3A_1073 = tpu.scan <sum>, %add3A_1070 masked %reduce_sum3A_1072 : vector<16xf32>, vector<16xi1> -> vector<16xf32>
      %reduce_sum3A_1074 = vector.extract %reduce_sum3A_1073[15] : f32 from vector<16xf32>
      %mul3A_1075 = arith.mulf %add3A_1007, %add3A_1007 : vector<16xf32>
      %mul3A_1076 = arith.mulf %add3A_1015, %add3A_1015 : vector<16xf32>
      %mul3A_1077 = arith.mulf %add3A_1023, %add3A_1023 : vector<16xf32>
      %mul3A_1078 = arith.mulf %add3A_1031, %add3A_1031 : vector<16xf32>
      %mul3A_1079 = arith.mulf %add3A_1039, %add3A_1039 : vector<16xf32>
      %mul3A_1080 = arith.mulf %add3A_1047, %add3A_1047 : vector<16xf32>
      %mul3A_1081 = arith.mulf %add3A_1055, %add3A_1055 : vector<16xf32>
      %mul3A_1082 = arith.mulf %add3A_1063, %add3A_1063 : vector<16xf32>
      %add3A_1083 = arith.addf %mul3A_1075, %mul3A_1076 : vector<16xf32>
      %add3A_1084 = arith.addf %mul3A_1077, %mul3A_1078 : vector<16xf32>
      %add3A_1085 = arith.addf %mul3A_1079, %mul3A_1080 : vector<16xf32>
      %add3A_1086 = arith.addf %mul3A_1081, %mul3A_1082 : vector<16xf32>
      %add3A_1087 = arith.addf %add3A_1083, %add3A_1084 : vector<16xf32>
      %add3A_1088 = arith.addf %add3A_1085, %add3A_1086 : vector<16xf32>
      %add3A_1089 = arith.addf %add3A_1087, %add3A_1088 : vector<16xf32>
      %reduce_sum3A_1090 = arith.constant true
      %reduce_sum3A_1091 = vector.broadcast %reduce_sum3A_1090 : i1 to vector<16xi1>
      %reduce_sum3A_1092 = tpu.scan <sum>, %add3A_1089 masked %reduce_sum3A_1091 : vector<16xf32>, vector<16xi1> -> vector<16xf32>
      %reduce_sum3A_1093 = vector.extract %reduce_sum3A_1092[15] : f32 from vector<16xf32>
      %mul3A_1094 = arith.constant 7.812500e-03 : f32
      %mul3A_1095 = arith.mulf %reduce_sum3A_1074, %mul3A_1094 : f32
      %mul3A_1096 = arith.constant 7.812500e-03 : f32
      %mul3A_1097 = arith.mulf %reduce_sum3A_1093, %mul3A_1096 : f32
      %mul3A_1098 = arith.mulf %mul3A_1095, %mul3A_1095 : f32
      %sub3A_1099 = arith.subf %mul3A_1097, %mul3A_1098 : f32
      %add3A_1100 = arith.constant 9.99999996E-13 : f32
      %add3A_1101 = arith.addf %sub3A_1099, %add3A_1100 : f32
      %bitcast_convert_type3A_1102 = arith.bitcast %add3A_1101 : f32 to i32
      %shift_right_logical3A_1103 = arith.constant 1 : i32
      %shift_right_logical3A_1104 = arith.shrui %bitcast_convert_type3A_1102, %shift_right_logical3A_1103 : i32
      %sub3A_1105 = arith.constant 1597463007 : i32
      %sub3A_1106 = arith.subi %sub3A_1105, %shift_right_logical3A_1104 : i32
      %bitcast_convert_type3A_1107 = arith.bitcast %sub3A_1106 : i32 to f32
      %mul3A_1108 = arith.constant 5.000000e-01 : f32
      %mul3A_1109 = arith.mulf %mul3A_1108, %add3A_1101 : f32
      %mul3A_1110 = arith.mulf %mul3A_1109, %bitcast_convert_type3A_1107 : f32
      %mul3A_1111 = arith.mulf %mul3A_1110, %bitcast_convert_type3A_1107 : f32
      %sub3A_1112 = arith.constant 1.500000e+00 : f32
      %sub3A_1113 = arith.subf %sub3A_1112, %mul3A_1111 : f32
      %mul3A_1114 = arith.mulf %bitcast_convert_type3A_1107, %sub3A_1113 : f32
      %mul3A_1115 = arith.constant 5.000000e-01 : f32
      %mul3A_1116 = arith.mulf %mul3A_1115, %add3A_1101 : f32
      %mul3A_1117 = arith.mulf %mul3A_1116, %mul3A_1114 : f32
      %mul3A_1118 = arith.mulf %mul3A_1117, %mul3A_1114 : f32
      %sub3A_1119 = arith.constant 1.500000e+00 : f32
      %sub3A_1120 = arith.subf %sub3A_1119, %mul3A_1118 : f32
      %mul3A_1121 = arith.mulf %mul3A_1114, %sub3A_1120 : f32
      %mul3A_1122 = arith.constant 5.000000e-01 : f32
      %mul3A_1123 = arith.mulf %mul3A_1122, %add3A_1101 : f32
      %mul3A_1124 = arith.mulf %mul3A_1123, %mul3A_1121 : f32
      %mul3A_1125 = arith.mulf %mul3A_1124, %mul3A_1121 : f32
      %sub3A_1126 = arith.constant 1.500000e+00 : f32
      %sub3A_1127 = arith.subf %sub3A_1126, %mul3A_1125 : f32
      %mul3A_1128 = arith.mulf %mul3A_1121, %sub3A_1127 : f32
      %sub3A_1129 = vector.broadcast %mul3A_1095 : f32 to vector<16xf32>
      %sub3A_1130 = arith.subf %add3A_1007, %sub3A_1129 : vector<16xf32>
      %mul3A_1131 = vector.broadcast %mul3A_1128 : f32 to vector<16xf32>
      %mul3A_1132 = arith.mulf %sub3A_1130, %mul3A_1131 : vector<16xf32>
      %mul3A_1133 = arith.mulf %mul3A_1132, %get3A_3 : vector<16xf32>
      %add3A_1134 = arith.addf %mul3A_1133, %get3A_19 : vector<16xf32>
      %swap3A_1135 = arith.index_cast %rem3A_129 : i32 to index
      %swap3A_1136 = arith.index_cast %add3A_996 : i32 to index
      %swap3A_1137 = arith.constant 0 : index
      %swap3A_1138 = tpu.vector_load %arg14[%swap3A_1135, %swap3A_1136, %swap3A_1137] {strides = array<i32>} : memref<2x128x128xf32, #tpu.memory_space<vmem>>, vector<16xf32>,
      tpu.vector_store %arg14[%swap3A_1135, %swap3A_1136, %swap3A_1137], %add3A_1134 {strides = array<i32>} : memref<2x128x128xf32, #tpu.memory_space<vmem>>, vector<16xf32>,
      %sub3A_1139 = vector.broadcast %mul3A_1095 : f32 to vector<16xf32>
      %sub3A_1140 = arith.subf %add3A_1015, %sub3A_1139 : vector<16xf32>
      %mul3A_1141 = vector.broadcast %mul3A_1128 : f32 to vector<16xf32>
      %mul3A_1142 = arith.mulf %sub3A_1140, %mul3A_1141 : vector<16xf32>
      %mul3A_1143 = arith.mulf %mul3A_1142, %get3A_5 : vector<16xf32>
      %add3A_1144 = arith.addf %mul3A_1143, %get3A_21 : vector<16xf32>
      %swap3A_1145 = arith.index_cast %rem3A_129 : i32 to index
      %swap3A_1146 = arith.index_cast %add3A_996 : i32 to index
      %swap3A_1147 = arith.constant 16 : index
      %swap3A_1148 = tpu.vector_load %arg14[%swap3A_1145, %swap3A_1146, %swap3A_1147] {strides = array<i32>} : memref<2x128x128xf32, #tpu.memory_space<vmem>>, vector<16xf32>,
      tpu.vector_store %arg14[%swap3A_1145, %swap3A_1146, %swap3A_1147], %add3A_1144 {strides = array<i32>} : memref<2x128x128xf32, #tpu.memory_space<vmem>>, vector<16xf32>,
      %sub3A_1149 = vector.broadcast %mul3A_1095 : f32 to vector<16xf32>
      %sub3A_1150 = arith.subf %add3A_1023, %sub3A_1149 : vector<16xf32>
      %mul3A_1151 = vector.broadcast %mul3A_1128 : f32 to vector<16xf32>
      %mul3A_1152 = arith.mulf %sub3A_1150, %mul3A_1151 : vector<16xf32>
      %mul3A_1153 = arith.mulf %mul3A_1152, %get3A_7 : vector<16xf32>
      %add3A_1154 = arith.addf %mul3A_1153, %get3A_23 : vector<16xf32>
      %swap3A_1155 = arith.index_cast %rem3A_129 : i32 to index
      %swap3A_1156 = arith.index_cast %add3A_996 : i32 to index
      %swap3A_1157 = arith.constant 32 : index
      %swap3A_1158 = tpu.vector_load %arg14[%swap3A_1155, %swap3A_1156, %swap3A_1157] {strides = array<i32>} : memref<2x128x128xf32, #tpu.memory_space<vmem>>, vector<16xf32>,
      tpu.vector_store %arg14[%swap3A_1155, %swap3A_1156, %swap3A_1157], %add3A_1154 {strides = array<i32>} : memref<2x128x128xf32, #tpu.memory_space<vmem>>, vector<16xf32>,
      %sub3A_1159 = vector.broadcast %mul3A_1095 : f32 to vector<16xf32>
      %sub3A_1160 = arith.subf %add3A_1031, %sub3A_1159 : vector<16xf32>
      %mul3A_1161 = vector.broadcast %mul3A_1128 : f32 to vector<16xf32>
      %mul3A_1162 = arith.mulf %sub3A_1160, %mul3A_1161 : vector<16xf32>
      %mul3A_1163 = arith.mulf %mul3A_1162, %get3A_9 : vector<16xf32>
      %add3A_1164 = arith.addf %mul3A_1163, %get3A_25 : vector<16xf32>
      %swap3A_1165 = arith.index_cast %rem3A_129 : i32 to index
      %swap3A_1166 = arith.index_cast %add3A_996 : i32 to index
      %swap3A_1167 = arith.constant 48 : index
      %swap3A_1168 = tpu.vector_load %arg14[%swap3A_1165, %swap3A_1166, %swap3A_1167] {strides = array<i32>} : memref<2x128x128xf32, #tpu.memory_space<vmem>>, vector<16xf32>,
      tpu.vector_store %arg14[%swap3A_1165, %swap3A_1166, %swap3A_1167], %add3A_1164 {strides = array<i32>} : memref<2x128x128xf32, #tpu.memory_space<vmem>>, vector<16xf32>,
      %sub3A_1169 = vector.broadcast %mul3A_1095 : f32 to vector<16xf32>
      %sub3A_1170 = arith.subf %add3A_1039, %sub3A_1169 : vector<16xf32>
      %mul3A_1171 = vector.broadcast %mul3A_1128 : f32 to vector<16xf32>
      %mul3A_1172 = arith.mulf %sub3A_1170, %mul3A_1171 : vector<16xf32>
      %mul3A_1173 = arith.mulf %mul3A_1172, %get3A_11 : vector<16xf32>
      %add3A_1174 = arith.addf %mul3A_1173, %get3A_27 : vector<16xf32>
      %swap3A_1175 = arith.index_cast %rem3A_129 : i32 to index
      %swap3A_1176 = arith.index_cast %add3A_996 : i32 to index
      %swap3A_1177 = arith.constant 64 : index
      %swap3A_1178 = tpu.vector_load %arg14[%swap3A_1175, %swap3A_1176, %swap3A_1177] {strides = array<i32>} : memref<2x128x128xf32, #tpu.memory_space<vmem>>, vector<16xf32>,
      tpu.vector_store %arg14[%swap3A_1175, %swap3A_1176, %swap3A_1177], %add3A_1174 {strides = array<i32>} : memref<2x128x128xf32, #tpu.memory_space<vmem>>, vector<16xf32>,
      %sub3A_1179 = vector.broadcast %mul3A_1095 : f32 to vector<16xf32>
      %sub3A_1180 = arith.subf %add3A_1047, %sub3A_1179 : vector<16xf32>
      %mul3A_1181 = vector.broadcast %mul3A_1128 : f32 to vector<16xf32>
      %mul3A_1182 = arith.mulf %sub3A_1180, %mul3A_1181 : vector<16xf32>
      %mul3A_1183 = arith.mulf %mul3A_1182, %get3A_13 : vector<16xf32>
      %add3A_1184 = arith.addf %mul3A_1183, %get3A_29 : vector<16xf32>
      %swap3A_1185 = arith.index_cast %rem3A_129 : i32 to index
      %swap3A_1186 = arith.index_cast %add3A_996 : i32 to index
      %swap3A_1187 = arith.constant 80 : index
      %swap3A_1188 = tpu.vector_load %arg14[%swap3A_1185, %swap3A_1186, %swap3A_1187] {strides = array<i32>} : memref<2x128x128xf32, #tpu.memory_space<vmem>>, vector<16xf32>,
      tpu.vector_store %arg14[%swap3A_1185, %swap3A_1186, %swap3A_1187], %add3A_1184 {strides = array<i32>} : memref<2x128x128xf32, #tpu.memory_space<vmem>>, vector<16xf32>,
      %sub3A_1189 = vector.broadcast %mul3A_1095 : f32 to vector<16xf32>
      %sub3A_1190 = arith.subf %add3A_1055, %sub3A_1189 : vector<16xf32>
      %mul3A_1191 = vector.broadcast %mul3A_1128 : f32 to vector<16xf32>
      %mul3A_1192 = arith.mulf %sub3A_1190, %mul3A_1191 : vector<16xf32>
      %mul3A_1193 = arith.mulf %mul3A_1192, %get3A_15 : vector<16xf32>
      %add3A_1194 = arith.addf %mul3A_1193, %get3A_31 : vector<16xf32>
      %swap3A_1195 = arith.index_cast %rem3A_129 : i32 to index
      %swap3A_1196 = arith.index_cast %add3A_996 : i32 to index
      %swap3A_1197 = arith.constant 96 : index
      %swap3A_1198 = tpu.vector_load %arg14[%swap3A_1195, %swap3A_1196, %swap3A_1197] {strides = array<i32>} : memref<2x128x128xf32, #tpu.memory_space<vmem>>, vector<16xf32>,
      tpu.vector_store %arg14[%swap3A_1195, %swap3A_1196, %swap3A_1197], %add3A_1194 {strides = array<i32>} : memref<2x128x128xf32, #tpu.memory_space<vmem>>, vector<16xf32>,
      %sub3A_1199 = vector.broadcast %mul3A_1095 : f32 to vector<16xf32>
      %sub3A_1200 = arith.subf %add3A_1063, %sub3A_1199 : vector<16xf32>
      %mul3A_1201 = vector.broadcast %mul3A_1128 : f32 to vector<16xf32>
      %mul3A_1202 = arith.mulf %sub3A_1200, %mul3A_1201 : vector<16xf32>
      %mul3A_1203 = arith.mulf %mul3A_1202, %get3A_17 : vector<16xf32>
      %add3A_1204 = arith.addf %mul3A_1203, %get3A_33 : vector<16xf32>
      %swap3A_1205 = arith.index_cast %rem3A_129 : i32 to index
      %swap3A_1206 = arith.index_cast %add3A_996 : i32 to index
      %swap3A_1207 = arith.constant 112 : index
      %swap3A_1208 = tpu.vector_load %arg14[%swap3A_1205, %swap3A_1206, %swap3A_1207] {strides = array<i32>} : memref<2x128x128xf32, #tpu.memory_space<vmem>>, vector<16xf32>,
      tpu.vector_store %arg14[%swap3A_1205, %swap3A_1206, %swap3A_1207], %add3A_1204 {strides = array<i32>} : memref<2x128x128xf32, #tpu.memory_space<vmem>>, vector<16xf32>,
      %add3A_1209 = arith.constant 5 : i32
      %add3A_1210 = arith.addi %mul3A_142, %add3A_1209 : i32
      %add3A_1211 = arith.addi %mul3A_131, %add3A_1210 : i32
      %rem3A_1212 = arith.constant 200 : i32
      %rem3A_1213 = arith.remsi %add3A_1211, %rem3A_1212 : i32
      %get3A_1214 = arith.index_cast %rem3A_129 : i32 to index
      %get3A_1215 = arith.index_cast %add3A_1210 : i32 to index
      %get3A_1216 = arith.constant 0 : index
      %get3A_1217 = tpu.vector_load %arg13[%get3A_1214, %get3A_1215, %get3A_1216] {strides = array<i32>} : memref<2x128x128xf32, #tpu.memory_space<vmem>>, vector<16xf32>,
      %get3A_1218 = arith.index_cast %rem3A_1213 : i32 to index
      %get3A_1219 = arith.constant 0 : index
      %get3A_1220 = tpu.vector_load %arg9[%get3A_1218, %get3A_1219] {strides = array<i32>} : memref<200x128xf32, #tpu.memory_space<vmem>>, vector<16xf32>,
      %add3A_1221 = arith.addf %get3A_1217, %get3A_1220 : vector<16xf32>
      %get3A_1222 = arith.index_cast %rem3A_129 : i32 to index
      %get3A_1223 = arith.index_cast %add3A_1210 : i32 to index
      %get3A_1224 = arith.constant 16 : index
      %get3A_1225 = tpu.vector_load %arg13[%get3A_1222, %get3A_1223, %get3A_1224] {strides = array<i32>} : memref<2x128x128xf32, #tpu.memory_space<vmem>>, vector<16xf32>,
      %get3A_1226 = arith.index_cast %rem3A_1213 : i32 to index
      %get3A_1227 = arith.constant 16 : index
      %get3A_1228 = tpu.vector_load %arg9[%get3A_1226, %get3A_1227] {strides = array<i32>} : memref<200x128xf32, #tpu.memory_space<vmem>>, vector<16xf32>,
      %add3A_1229 = arith.addf %get3A_1225, %get3A_1228 : vector<16xf32>
      %get3A_1230 = arith.index_cast %rem3A_129 : i32 to index
      %get3A_1231 = arith.index_cast %add3A_1210 : i32 to index
      %get3A_1232 = arith.constant 32 : index
      %get3A_1233 = tpu.vector_load %arg13[%get3A_1230, %get3A_1231, %get3A_1232] {strides = array<i32>} : memref<2x128x128xf32, #tpu.memory_space<vmem>>, vector<16xf32>,
      %get3A_1234 = arith.index_cast %rem3A_1213 : i32 to index
      %get3A_1235 = arith.constant 32 : index
      %get3A_1236 = tpu.vector_load %arg9[%get3A_1234, %get3A_1235] {strides = array<i32>} : memref<200x128xf32, #tpu.memory_space<vmem>>, vector<16xf32>,
      %add3A_1237 = arith.addf %get3A_1233, %get3A_1236 : vector<16xf32>
      %get3A_1238 = arith.index_cast %rem3A_129 : i32 to index
      %get3A_1239 = arith.index_cast %add3A_1210 : i32 to index
      %get3A_1240 = arith.constant 48 : index
      %get3A_1241 = tpu.vector_load %arg13[%get3A_1238, %get3A_1239, %get3A_1240] {strides = array<i32>} : memref<2x128x128xf32, #tpu.memory_space<vmem>>, vector<16xf32>,
      %get3A_1242 = arith.index_cast %rem3A_1213 : i32 to index
      %get3A_1243 = arith.constant 48 : index
      %get3A_1244 = tpu.vector_load %arg9[%get3A_1242, %get3A_1243] {strides = array<i32>} : memref<200x128xf32, #tpu.memory_space<vmem>>, vector<16xf32>,
      %add3A_1245 = arith.addf %get3A_1241, %get3A_1244 : vector<16xf32>
      %get3A_1246 = arith.index_cast %rem3A_129 : i32 to index
      %get3A_1247 = arith.index_cast %add3A_1210 : i32 to index
      %get3A_1248 = arith.constant 64 : index
      %get3A_1249 = tpu.vector_load %arg13[%get3A_1246, %get3A_1247, %get3A_1248] {strides = array<i32>} : memref<2x128x128xf32, #tpu.memory_space<vmem>>, vector<16xf32>,
      %get3A_1250 = arith.index_cast %rem3A_1213 : i32 to index
      %get3A_1251 = arith.constant 64 : index
      %get3A_1252 = tpu.vector_load %arg9[%get3A_1250, %get3A_1251] {strides = array<i32>} : memref<200x128xf32, #tpu.memory_space<vmem>>, vector<16xf32>,
      %add3A_1253 = arith.addf %get3A_1249, %get3A_1252 : vector<16xf32>
      %get3A_1254 = arith.index_cast %rem3A_129 : i32 to index
      %get3A_1255 = arith.index_cast %add3A_1210 : i32 to index
      %get3A_1256 = arith.constant 80 : index
      %get3A_1257 = tpu.vector_load %arg13[%get3A_1254, %get3A_1255, %get3A_1256] {strides = array<i32>} : memref<2x128x128xf32, #tpu.memory_space<vmem>>, vector<16xf32>,
      %get3A_1258 = arith.index_cast %rem3A_1213 : i32 to index
      %get3A_1259 = arith.constant 80 : index
      %get3A_1260 = tpu.vector_load %arg9[%get3A_1258, %get3A_1259] {strides = array<i32>} : memref<200x128xf32, #tpu.memory_space<vmem>>, vector<16xf32>,
      %add3A_1261 = arith.addf %get3A_1257, %get3A_1260 : vector<16xf32>
      %get3A_1262 = arith.index_cast %rem3A_129 : i32 to index
      %get3A_1263 = arith.index_cast %add3A_1210 : i32 to index
      %get3A_1264 = arith.constant 96 : index
      %get3A_1265 = tpu.vector_load %arg13[%get3A_1262, %get3A_1263, %get3A_1264] {strides = array<i32>} : memref<2x128x128xf32, #tpu.memory_space<vmem>>, vector<16xf32>,
      %get3A_1266 = arith.index_cast %rem3A_1213 : i32 to index
      %get3A_1267 = arith.constant 96 : index
      %get3A_1268 = tpu.vector_load %arg9[%get3A_1266, %get3A_1267] {strides = array<i32>} : memref<200x128xf32, #tpu.memory_space<vmem>>, vector<16xf32>,
      %add3A_1269 = arith.addf %get3A_1265, %get3A_1268 : vector<16xf32>
      %get3A_1270 = arith.index_cast %rem3A_129 : i32 to index
      %get3A_1271 = arith.index_cast %add3A_1210 : i32 to index
      %get3A_1272 = arith.constant 112 : index
      %get3A_1273 = tpu.vector_load %arg13[%get3A_1270, %get3A_1271, %get3A_1272] {strides = array<i32>} : memref<2x128x128xf32, #tpu.memory_space<vmem>>, vector<16xf32>,
      %get3A_1274 = arith.index_cast %rem3A_1213 : i32 to index
      %get3A_1275 = arith.constant 112 : index
      %get3A_1276 = tpu.vector_load %arg9[%get3A_1274, %get3A_1275] {strides = array<i32>} : memref<200x128xf32, #tpu.memory_space<vmem>>, vector<16xf32>,
      %add3A_1277 = arith.addf %get3A_1273, %get3A_1276 : vector<16xf32>
      %add3A_1278 = arith.addf %add3A_1221, %add3A_1229 : vector<16xf32>
      %add3A_1279 = arith.addf %add3A_1237, %add3A_1245 : vector<16xf32>
      %add3A_1280 = arith.addf %add3A_1253, %add3A_1261 : vector<16xf32>
      %add3A_1281 = arith.addf %add3A_1269, %add3A_1277 : vector<16xf32>
      %add3A_1282 = arith.addf %add3A_1278, %add3A_1279 : vector<16xf32>
      %add3A_1283 = arith.addf %add3A_1280, %add3A_1281 : vector<16xf32>
      %add3A_1284 = arith.addf %add3A_1282, %add3A_1283 : vector<16xf32>
      %reduce_sum3A_1285 = arith.constant true
      %reduce_sum3A_1286 = vector.broadcast %reduce_sum3A_1285 : i1 to vector<16xi1>
      %reduce_sum3A_1287 = tpu.scan <sum>, %add3A_1284 masked %reduce_sum3A_1286 : vector<16xf32>, vector<16xi1> -> vector<16xf32>
      %reduce_sum3A_1288 = vector.extract %reduce_sum3A_1287[15] : f32 from vector<16xf32>
      %mul3A_1289 = arith.mulf %add3A_1221, %add3A_1221 : vector<16xf32>
      %mul3A_1290 = arith.mulf %add3A_1229, %add3A_1229 : vector<16xf32>
      %mul3A_1291 = arith.mulf %add3A_1237, %add3A_1237 : vector<16xf32>
      %mul3A_1292 = arith.mulf %add3A_1245, %add3A_1245 : vector<16xf32>
      %mul3A_1293 = arith.mulf %add3A_1253, %add3A_1253 : vector<16xf32>
      %mul3A_1294 = arith.mulf %add3A_1261, %add3A_1261 : vector<16xf32>
      %mul3A_1295 = arith.mulf %add3A_1269, %add3A_1269 : vector<16xf32>
      %mul3A_1296 = arith.mulf %add3A_1277, %add3A_1277 : vector<16xf32>
      %add3A_1297 = arith.addf %mul3A_1289, %mul3A_1290 : vector<16xf32>
      %add3A_1298 = arith.addf %mul3A_1291, %mul3A_1292 : vector<16xf32>
      %add3A_1299 = arith.addf %mul3A_1293, %mul3A_1294 : vector<16xf32>
      %add3A_1300 = arith.addf %mul3A_1295, %mul3A_1296 : vector<16xf32>
      %add3A_1301 = arith.addf %add3A_1297, %add3A_1298 : vector<16xf32>
      %add3A_1302 = arith.addf %add3A_1299, %add3A_1300 : vector<16xf32>
      %add3A_1303 = arith.addf %add3A_1301, %add3A_1302 : vector<16xf32>
      %reduce_sum3A_1304 = arith.constant true
      %reduce_sum3A_1305 = vector.broadcast %reduce_sum3A_1304 : i1 to vector<16xi1>
      %reduce_sum3A_1306 = tpu.scan <sum>, %add3A_1303 masked %reduce_sum3A_1305 : vector<16xf32>, vector<16xi1> -> vector<16xf32>
      %reduce_sum3A_1307 = vector.extract %reduce_sum3A_1306[15] : f32 from vector<16xf32>
      %mul3A_1308 = arith.constant 7.812500e-03 : f32
      %mul3A_1309 = arith.mulf %reduce_sum3A_1288, %mul3A_1308 : f32
      %mul3A_1310 = arith.constant 7.812500e-03 : f32
      %mul3A_1311 = arith.mulf %reduce_sum3A_1307, %mul3A_1310 : f32
      %mul3A_1312 = arith.mulf %mul3A_1309, %mul3A_1309 : f32
      %sub3A_1313 = arith.subf %mul3A_1311, %mul3A_1312 : f32
      %add3A_1314 = arith.constant 9.99999996E-13 : f32
      %add3A_1315 = arith.addf %sub3A_1313, %add3A_1314 : f32
      %bitcast_convert_type3A_1316 = arith.bitcast %add3A_1315 : f32 to i32
      %shift_right_logical3A_1317 = arith.constant 1 : i32
      %shift_right_logical3A_1318 = arith.shrui %bitcast_convert_type3A_1316, %shift_right_logical3A_1317 : i32
      %sub3A_1319 = arith.constant 1597463007 : i32
      %sub3A_1320 = arith.subi %sub3A_1319, %shift_right_logical3A_1318 : i32
      %bitcast_convert_type3A_1321 = arith.bitcast %sub3A_1320 : i32 to f32
      %mul3A_1322 = arith.constant 5.000000e-01 : f32
      %mul3A_1323 = arith.mulf %mul3A_1322, %add3A_1315 : f32
      %mul3A_1324 = arith.mulf %mul3A_1323, %bitcast_convert_type3A_1321 : f32
      %mul3A_1325 = arith.mulf %mul3A_1324, %bitcast_convert_type3A_1321 : f32
      %sub3A_1326 = arith.constant 1.500000e+00 : f32
      %sub3A_1327 = arith.subf %sub3A_1326, %mul3A_1325 : f32
      %mul3A_1328 = arith.mulf %bitcast_convert_type3A_1321, %sub3A_1327 : f32
      %mul3A_1329 = arith.constant 5.000000e-01 : f32
      %mul3A_1330 = arith.mulf %mul3A_1329, %add3A_1315 : f32
      %mul3A_1331 = arith.mulf %mul3A_1330, %mul3A_1328 : f32
      %mul3A_1332 = arith.mulf %mul3A_1331, %mul3A_1328 : f32
      %sub3A_1333 = arith.constant 1.500000e+00 : f32
      %sub3A_1334 = arith.subf %sub3A_1333, %mul3A_1332 : f32
      %mul3A_1335 = arith.mulf %mul3A_1328, %sub3A_1334 : f32
      %mul3A_1336 = arith.constant 5.000000e-01 : f32
      %mul3A_1337 = arith.mulf %mul3A_1336, %add3A_1315 : f32
      %mul3A_1338 = arith.mulf %mul3A_1337, %mul3A_1335 : f32
      %mul3A_1339 = arith.mulf %mul3A_1338, %mul3A_1335 : f32
      %sub3A_1340 = arith.constant 1.500000e+00 : f32
      %sub3A_1341 = arith.subf %sub3A_1340, %mul3A_1339 : f32
      %mul3A_1342 = arith.mulf %mul3A_1335, %sub3A_1341 : f32
      %sub3A_1343 = vector.broadcast %mul3A_1309 : f32 to vector<16xf32>
      %sub3A_1344 = arith.subf %add3A_1221, %sub3A_1343 : vector<16xf32>
      %mul3A_1345 = vector.broadcast %mul3A_1342 : f32 to vector<16xf32>
      %mul3A_1346 = arith.mulf %sub3A_1344, %mul3A_1345 : vector<16xf32>
      %mul3A_1347 = arith.mulf %mul3A_1346, %get3A_3 : vector<16xf32>
      %add3A_1348 = arith.addf %mul3A_1347, %get3A_19 : vector<16xf32>
      %swap3A_1349 = arith.index_cast %rem3A_129 : i32 to index
      %swap3A_1350 = arith.index_cast %add3A_1210 : i32 to index
      %swap3A_1351 = arith.constant 0 : index
      %swap3A_1352 = tpu.vector_load %arg14[%swap3A_1349, %swap3A_1350, %swap3A_1351] {strides = array<i32>} : memref<2x128x128xf32, #tpu.memory_space<vmem>>, vector<16xf32>,
      tpu.vector_store %arg14[%swap3A_1349, %swap3A_1350, %swap3A_1351], %add3A_1348 {strides = array<i32>} : memref<2x128x128xf32, #tpu.memory_space<vmem>>, vector<16xf32>,
      %sub3A_1353 = vector.broadcast %mul3A_1309 : f32 to vector<16xf32>
      %sub3A_1354 = arith.subf %add3A_1229, %sub3A_1353 : vector<16xf32>
      %mul3A_1355 = vector.broadcast %mul3A_1342 : f32 to vector<16xf32>
      %mul3A_1356 = arith.mulf %sub3A_1354, %mul3A_1355 : vector<16xf32>
      %mul3A_1357 = arith.mulf %mul3A_1356, %get3A_5 : vector<16xf32>
      %add3A_1358 = arith.addf %mul3A_1357, %get3A_21 : vector<16xf32>
      %swap3A_1359 = arith.index_cast %rem3A_129 : i32 to index
      %swap3A_1360 = arith.index_cast %add3A_1210 : i32 to index
      %swap3A_1361 = arith.constant 16 : index
      %swap3A_1362 = tpu.vector_load %arg14[%swap3A_1359, %swap3A_1360, %swap3A_1361] {strides = array<i32>} : memref<2x128x128xf32, #tpu.memory_space<vmem>>, vector<16xf32>,
      tpu.vector_store %arg14[%swap3A_1359, %swap3A_1360, %swap3A_1361], %add3A_1358 {strides = array<i32>} : memref<2x128x128xf32, #tpu.memory_space<vmem>>, vector<16xf32>,
      %sub3A_1363 = vector.broadcast %mul3A_1309 : f32 to vector<16xf32>
      %sub3A_1364 = arith.subf %add3A_1237, %sub3A_1363 : vector<16xf32>
      %mul3A_1365 = vector.broadcast %mul3A_1342 : f32 to vector<16xf32>
      %mul3A_1366 = arith.mulf %sub3A_1364, %mul3A_1365 : vector<16xf32>
      %mul3A_1367 = arith.mulf %mul3A_1366, %get3A_7 : vector<16xf32>
      %add3A_1368 = arith.addf %mul3A_1367, %get3A_23 : vector<16xf32>
      %swap3A_1369 = arith.index_cast %rem3A_129 : i32 to index
      %swap3A_1370 = arith.index_cast %add3A_1210 : i32 to index
      %swap3A_1371 = arith.constant 32 : index
      %swap3A_1372 = tpu.vector_load %arg14[%swap3A_1369, %swap3A_1370, %swap3A_1371] {strides = array<i32>} : memref<2x128x128xf32, #tpu.memory_space<vmem>>, vector<16xf32>,
      tpu.vector_store %arg14[%swap3A_1369, %swap3A_1370, %swap3A_1371], %add3A_1368 {strides = array<i32>} : memref<2x128x128xf32, #tpu.memory_space<vmem>>, vector<16xf32>,
      %sub3A_1373 = vector.broadcast %mul3A_1309 : f32 to vector<16xf32>
      %sub3A_1374 = arith.subf %add3A_1245, %sub3A_1373 : vector<16xf32>
      %mul3A_1375 = vector.broadcast %mul3A_1342 : f32 to vector<16xf32>
      %mul3A_1376 = arith.mulf %sub3A_1374, %mul3A_1375 : vector<16xf32>
      %mul3A_1377 = arith.mulf %mul3A_1376, %get3A_9 : vector<16xf32>
      %add3A_1378 = arith.addf %mul3A_1377, %get3A_25 : vector<16xf32>
      %swap3A_1379 = arith.index_cast %rem3A_129 : i32 to index
      %swap3A_1380 = arith.index_cast %add3A_1210 : i32 to index
      %swap3A_1381 = arith.constant 48 : index
      %swap3A_1382 = tpu.vector_load %arg14[%swap3A_1379, %swap3A_1380, %swap3A_1381] {strides = array<i32>} : memref<2x128x128xf32, #tpu.memory_space<vmem>>, vector<16xf32>,
      tpu.vector_store %arg14[%swap3A_1379, %swap3A_1380, %swap3A_1381], %add3A_1378 {strides = array<i32>} : memref<2x128x128xf32, #tpu.memory_space<vmem>>, vector<16xf32>,
      %sub3A_1383 = vector.broadcast %mul3A_1309 : f32 to vector<16xf32>
      %sub3A_1384 = arith.subf %add3A_1253, %sub3A_1383 : vector<16xf32>
      %mul3A_1385 = vector.broadcast %mul3A_1342 : f32 to vector<16xf32>
      %mul3A_1386 = arith.mulf %sub3A_1384, %mul3A_1385 : vector<16xf32>
      %mul3A_1387 = arith.mulf %mul3A_1386, %get3A_11 : vector<16xf32>
      %add3A_1388 = arith.addf %mul3A_1387, %get3A_27 : vector<16xf32>
      %swap3A_1389 = arith.index_cast %rem3A_129 : i32 to index
      %swap3A_1390 = arith.index_cast %add3A_1210 : i32 to index
      %swap3A_1391 = arith.constant 64 : index
      %swap3A_1392 = tpu.vector_load %arg14[%swap3A_1389, %swap3A_1390, %swap3A_1391] {strides = array<i32>} : memref<2x128x128xf32, #tpu.memory_space<vmem>>, vector<16xf32>,
      tpu.vector_store %arg14[%swap3A_1389, %swap3A_1390, %swap3A_1391], %add3A_1388 {strides = array<i32>} : memref<2x128x128xf32, #tpu.memory_space<vmem>>, vector<16xf32>,
      %sub3A_1393 = vector.broadcast %mul3A_1309 : f32 to vector<16xf32>
      %sub3A_1394 = arith.subf %add3A_1261, %sub3A_1393 : vector<16xf32>
      %mul3A_1395 = vector.broadcast %mul3A_1342 : f32 to vector<16xf32>
      %mul3A_1396 = arith.mulf %sub3A_1394, %mul3A_1395 : vector<16xf32>
      %mul3A_1397 = arith.mulf %mul3A_1396, %get3A_13 : vector<16xf32>
      %add3A_1398 = arith.addf %mul3A_1397, %get3A_29 : vector<16xf32>
      %swap3A_1399 = arith.index_cast %rem3A_129 : i32 to index
      %swap3A_1400 = arith.index_cast %add3A_1210 : i32 to index
      %swap3A_1401 = arith.constant 80 : index
      %swap3A_1402 = tpu.vector_load %arg14[%swap3A_1399, %swap3A_1400, %swap3A_1401] {strides = array<i32>} : memref<2x128x128xf32, #tpu.memory_space<vmem>>, vector<16xf32>,
      tpu.vector_store %arg14[%swap3A_1399, %swap3A_1400, %swap3A_1401], %add3A_1398 {strides = array<i32>} : memref<2x128x128xf32, #tpu.memory_space<vmem>>, vector<16xf32>,
      %sub3A_1403 = vector.broadcast %mul3A_1309 : f32 to vector<16xf32>
      %sub3A_1404 = arith.subf %add3A_1269, %sub3A_1403 : vector<16xf32>
      %mul3A_1405 = vector.broadcast %mul3A_1342 : f32 to vector<16xf32>
      %mul3A_1406 = arith.mulf %sub3A_1404, %mul3A_1405 : vector<16xf32>
      %mul3A_1407 = arith.mulf %mul3A_1406, %get3A_15 : vector<16xf32>
      %add3A_1408 = arith.addf %mul3A_1407, %get3A_31 : vector<16xf32>
      %swap3A_1409 = arith.index_cast %rem3A_129 : i32 to index
      %swap3A_1410 = arith.index_cast %add3A_1210 : i32 to index
      %swap3A_1411 = arith.constant 96 : index
      %swap3A_1412 = tpu.vector_load %arg14[%swap3A_1409, %swap3A_1410, %swap3A_1411] {strides = array<i32>} : memref<2x128x128xf32, #tpu.memory_space<vmem>>, vector<16xf32>,
      tpu.vector_store %arg14[%swap3A_1409, %swap3A_1410, %swap3A_1411], %add3A_1408 {strides = array<i32>} : memref<2x128x128xf32, #tpu.memory_space<vmem>>, vector<16xf32>,
      %sub3A_1413 = vector.broadcast %mul3A_1309 : f32 to vector<16xf32>
      %sub3A_1414 = arith.subf %add3A_1277, %sub3A_1413 : vector<16xf32>
      %mul3A_1415 = vector.broadcast %mul3A_1342 : f32 to vector<16xf32>
      %mul3A_1416 = arith.mulf %sub3A_1414, %mul3A_1415 : vector<16xf32>
      %mul3A_1417 = arith.mulf %mul3A_1416, %get3A_17 : vector<16xf32>
      %add3A_1418 = arith.addf %mul3A_1417, %get3A_33 : vector<16xf32>
      %swap3A_1419 = arith.index_cast %rem3A_129 : i32 to index
      %swap3A_1420 = arith.index_cast %add3A_1210 : i32 to index
      %swap3A_1421 = arith.constant 112 : index
      %swap3A_1422 = tpu.vector_load %arg14[%swap3A_1419, %swap3A_1420, %swap3A_1421] {strides = array<i32>} : memref<2x128x128xf32, #tpu.memory_space<vmem>>, vector<16xf32>,
      tpu.vector_store %arg14[%swap3A_1419, %swap3A_1420, %swap3A_1421], %add3A_1418 {strides = array<i32>} : memref<2x128x128xf32, #tpu.memory_space<vmem>>, vector<16xf32>,
      %add3A_1423 = arith.constant 6 : i32
      %add3A_1424 = arith.addi %mul3A_142, %add3A_1423 : i32
      %add3A_1425 = arith.addi %mul3A_131, %add3A_1424 : i32
      %rem3A_1426 = arith.constant 200 : i32
      %rem3A_1427 = arith.remsi %add3A_1425, %rem3A_1426 : i32
      %get3A_1428 = arith.index_cast %rem3A_129 : i32 to index
      %get3A_1429 = arith.index_cast %add3A_1424 : i32 to index
      %get3A_1430 = arith.constant 0 : index
      %get3A_1431 = tpu.vector_load %arg13[%get3A_1428, %get3A_1429, %get3A_1430] {strides = array<i32>} : memref<2x128x128xf32, #tpu.memory_space<vmem>>, vector<16xf32>,
      %get3A_1432 = arith.index_cast %rem3A_1427 : i32 to index
      %get3A_1433 = arith.constant 0 : index
      %get3A_1434 = tpu.vector_load %arg9[%get3A_1432, %get3A_1433] {strides = array<i32>} : memref<200x128xf32, #tpu.memory_space<vmem>>, vector<16xf32>,
      %add3A_1435 = arith.addf %get3A_1431, %get3A_1434 : vector<16xf32>
      %get3A_1436 = arith.index_cast %rem3A_129 : i32 to index
      %get3A_1437 = arith.index_cast %add3A_1424 : i32 to index
      %get3A_1438 = arith.constant 16 : index
      %get3A_1439 = tpu.vector_load %arg13[%get3A_1436, %get3A_1437, %get3A_1438] {strides = array<i32>} : memref<2x128x128xf32, #tpu.memory_space<vmem>>, vector<16xf32>,
      %get3A_1440 = arith.index_cast %rem3A_1427 : i32 to index
      %get3A_1441 = arith.constant 16 : index
      %get3A_1442 = tpu.vector_load %arg9[%get3A_1440, %get3A_1441] {strides = array<i32>} : memref<200x128xf32, #tpu.memory_space<vmem>>, vector<16xf32>,
      %add3A_1443 = arith.addf %get3A_1439, %get3A_1442 : vector<16xf32>
      %get3A_1444 = arith.index_cast %rem3A_129 : i32 to index
      %get3A_1445 = arith.index_cast %add3A_1424 : i32 to index
      %get3A_1446 = arith.constant 32 : index
      %get3A_1447 = tpu.vector_load %arg13[%get3A_1444, %get3A_1445, %get3A_1446] {strides = array<i32>} : memref<2x128x128xf32, #tpu.memory_space<vmem>>, vector<16xf32>,
      %get3A_1448 = arith.index_cast %rem3A_1427 : i32 to index
      %get3A_1449 = arith.constant 32 : index
      %get3A_1450 = tpu.vector_load %arg9[%get3A_1448, %get3A_1449] {strides = array<i32>} : memref<200x128xf32, #tpu.memory_space<vmem>>, vector<16xf32>,
      %add3A_1451 = arith.addf %get3A_1447, %get3A_1450 : vector<16xf32>
      %get3A_1452 = arith.index_cast %rem3A_129 : i32 to index
      %get3A_1453 = arith.index_cast %add3A_1424 : i32 to index
      %get3A_1454 = arith.constant 48 : index
      %get3A_1455 = tpu.vector_load %arg13[%get3A_1452, %get3A_1453, %get3A_1454] {strides = array<i32>} : memref<2x128x128xf32, #tpu.memory_space<vmem>>, vector<16xf32>,
      %get3A_1456 = arith.index_cast %rem3A_1427 : i32 to index
      %get3A_1457 = arith.constant 48 : index
      %get3A_1458 = tpu.vector_load %arg9[%get3A_1456, %get3A_1457] {strides = array<i32>} : memref<200x128xf32, #tpu.memory_space<vmem>>, vector<16xf32>,
      %add3A_1459 = arith.addf %get3A_1455, %get3A_1458 : vector<16xf32>
      %get3A_1460 = arith.index_cast %rem3A_129 : i32 to index
      %get3A_1461 = arith.index_cast %add3A_1424 : i32 to index
      %get3A_1462 = arith.constant 64 : index
      %get3A_1463 = tpu.vector_load %arg13[%get3A_1460, %get3A_1461, %get3A_1462] {strides = array<i32>} : memref<2x128x128xf32, #tpu.memory_space<vmem>>, vector<16xf32>,
      %get3A_1464 = arith.index_cast %rem3A_1427 : i32 to index
      %get3A_1465 = arith.constant 64 : index
      %get3A_1466 = tpu.vector_load %arg9[%get3A_1464, %get3A_1465] {strides = array<i32>} : memref<200x128xf32, #tpu.memory_space<vmem>>, vector<16xf32>,
      %add3A_1467 = arith.addf %get3A_1463, %get3A_1466 : vector<16xf32>
      %get3A_1468 = arith.index_cast %rem3A_129 : i32 to index
      %get3A_1469 = arith.index_cast %add3A_1424 : i32 to index
      %get3A_1470 = arith.constant 80 : index
      %get3A_1471 = tpu.vector_load %arg13[%get3A_1468, %get3A_1469, %get3A_1470] {strides = array<i32>} : memref<2x128x128xf32, #tpu.memory_space<vmem>>, vector<16xf32>,
      %get3A_1472 = arith.index_cast %rem3A_1427 : i32 to index
      %get3A_1473 = arith.constant 80 : index
      %get3A_1474 = tpu.vector_load %arg9[%get3A_1472, %get3A_1473] {strides = array<i32>} : memref<200x128xf32, #tpu.memory_space<vmem>>, vector<16xf32>,
      %add3A_1475 = arith.addf %get3A_1471, %get3A_1474 : vector<16xf32>
      %get3A_1476 = arith.index_cast %rem3A_129 : i32 to index
      %get3A_1477 = arith.index_cast %add3A_1424 : i32 to index
      %get3A_1478 = arith.constant 96 : index
      %get3A_1479 = tpu.vector_load %arg13[%get3A_1476, %get3A_1477, %get3A_1478] {strides = array<i32>} : memref<2x128x128xf32, #tpu.memory_space<vmem>>, vector<16xf32>,
      %get3A_1480 = arith.index_cast %rem3A_1427 : i32 to index
      %get3A_1481 = arith.constant 96 : index
      %get3A_1482 = tpu.vector_load %arg9[%get3A_1480, %get3A_1481] {strides = array<i32>} : memref<200x128xf32, #tpu.memory_space<vmem>>, vector<16xf32>,
      %add3A_1483 = arith.addf %get3A_1479, %get3A_1482 : vector<16xf32>
      %get3A_1484 = arith.index_cast %rem3A_129 : i32 to index
      %get3A_1485 = arith.index_cast %add3A_1424 : i32 to index
      %get3A_1486 = arith.constant 112 : index
      %get3A_1487 = tpu.vector_load %arg13[%get3A_1484, %get3A_1485, %get3A_1486] {strides = array<i32>} : memref<2x128x128xf32, #tpu.memory_space<vmem>>, vector<16xf32>,
      %get3A_1488 = arith.index_cast %rem3A_1427 : i32 to index
      %get3A_1489 = arith.constant 112 : index
      %get3A_1490 = tpu.vector_load %arg9[%get3A_1488, %get3A_1489] {strides = array<i32>} : memref<200x128xf32, #tpu.memory_space<vmem>>, vector<16xf32>,
      %add3A_1491 = arith.addf %get3A_1487, %get3A_1490 : vector<16xf32>
      %add3A_1492 = arith.addf %add3A_1435, %add3A_1443 : vector<16xf32>
      %add3A_1493 = arith.addf %add3A_1451, %add3A_1459 : vector<16xf32>
      %add3A_1494 = arith.addf %add3A_1467, %add3A_1475 : vector<16xf32>
      %add3A_1495 = arith.addf %add3A_1483, %add3A_1491 : vector<16xf32>
      %add3A_1496 = arith.addf %add3A_1492, %add3A_1493 : vector<16xf32>
      %add3A_1497 = arith.addf %add3A_1494, %add3A_1495 : vector<16xf32>
      %add3A_1498 = arith.addf %add3A_1496, %add3A_1497 : vector<16xf32>
      %reduce_sum3A_1499 = arith.constant true
      %reduce_sum3A_1500 = vector.broadcast %reduce_sum3A_1499 : i1 to vector<16xi1>
      %reduce_sum3A_1501 = tpu.scan <sum>, %add3A_1498 masked %reduce_sum3A_1500 : vector<16xf32>, vector<16xi1> -> vector<16xf32>
      %reduce_sum3A_1502 = vector.extract %reduce_sum3A_1501[15] : f32 from vector<16xf32>
      %mul3A_1503 = arith.mulf %add3A_1435, %add3A_1435 : vector<16xf32>
      %mul3A_1504 = arith.mulf %add3A_1443, %add3A_1443 : vector<16xf32>
      %mul3A_1505 = arith.mulf %add3A_1451, %add3A_1451 : vector<16xf32>
      %mul3A_1506 = arith.mulf %add3A_1459, %add3A_1459 : vector<16xf32>
      %mul3A_1507 = arith.mulf %add3A_1467, %add3A_1467 : vector<16xf32>
      %mul3A_1508 = arith.mulf %add3A_1475, %add3A_1475 : vector<16xf32>
      %mul3A_1509 = arith.mulf %add3A_1483, %add3A_1483 : vector<16xf32>
      %mul3A_1510 = arith.mulf %add3A_1491, %add3A_1491 : vector<16xf32>
      %add3A_1511 = arith.addf %mul3A_1503, %mul3A_1504 : vector<16xf32>
      %add3A_1512 = arith.addf %mul3A_1505, %mul3A_1506 : vector<16xf32>
      %add3A_1513 = arith.addf %mul3A_1507, %mul3A_1508 : vector<16xf32>
      %add3A_1514 = arith.addf %mul3A_1509, %mul3A_1510 : vector<16xf32>
      %add3A_1515 = arith.addf %add3A_1511, %add3A_1512 : vector<16xf32>
      %add3A_1516 = arith.addf %add3A_1513, %add3A_1514 : vector<16xf32>
      %add3A_1517 = arith.addf %add3A_1515, %add3A_1516 : vector<16xf32>
      %reduce_sum3A_1518 = arith.constant true
      %reduce_sum3A_1519 = vector.broadcast %reduce_sum3A_1518 : i1 to vector<16xi1>
      %reduce_sum3A_1520 = tpu.scan <sum>, %add3A_1517 masked %reduce_sum3A_1519 : vector<16xf32>, vector<16xi1> -> vector<16xf32>
      %reduce_sum3A_1521 = vector.extract %reduce_sum3A_1520[15] : f32 from vector<16xf32>
      %mul3A_1522 = arith.constant 7.812500e-03 : f32
      %mul3A_1523 = arith.mulf %reduce_sum3A_1502, %mul3A_1522 : f32
      %mul3A_1524 = arith.constant 7.812500e-03 : f32
      %mul3A_1525 = arith.mulf %reduce_sum3A_1521, %mul3A_1524 : f32
      %mul3A_1526 = arith.mulf %mul3A_1523, %mul3A_1523 : f32
      %sub3A_1527 = arith.subf %mul3A_1525, %mul3A_1526 : f32
      %add3A_1528 = arith.constant 9.99999996E-13 : f32
      %add3A_1529 = arith.addf %sub3A_1527, %add3A_1528 : f32
      %bitcast_convert_type3A_1530 = arith.bitcast %add3A_1529 : f32 to i32
      %shift_right_logical3A_1531 = arith.constant 1 : i32
      %shift_right_logical3A_1532 = arith.shrui %bitcast_convert_type3A_1530, %shift_right_logical3A_1531 : i32
      %sub3A_1533 = arith.constant 1597463007 : i32
      %sub3A_1534 = arith.subi %sub3A_1533, %shift_right_logical3A_1532 : i32
      %bitcast_convert_type3A_1535 = arith.bitcast %sub3A_1534 : i32 to f32
      %mul3A_1536 = arith.constant 5.000000e-01 : f32
      %mul3A_1537 = arith.mulf %mul3A_1536, %add3A_1529 : f32
      %mul3A_1538 = arith.mulf %mul3A_1537, %bitcast_convert_type3A_1535 : f32
      %mul3A_1539 = arith.mulf %mul3A_1538, %bitcast_convert_type3A_1535 : f32
      %sub3A_1540 = arith.constant 1.500000e+00 : f32
      %sub3A_1541 = arith.subf %sub3A_1540, %mul3A_1539 : f32
      %mul3A_1542 = arith.mulf %bitcast_convert_type3A_1535, %sub3A_1541 : f32
      %mul3A_1543 = arith.constant 5.000000e-01 : f32
      %mul3A_1544 = arith.mulf %mul3A_1543, %add3A_1529 : f32
      %mul3A_1545 = arith.mulf %mul3A_1544, %mul3A_1542 : f32
      %mul3A_1546 = arith.mulf %mul3A_1545, %mul3A_1542 : f32
      %sub3A_1547 = arith.constant 1.500000e+00 : f32
      %sub3A_1548 = arith.subf %sub3A_1547, %mul3A_1546 : f32
      %mul3A_1549 = arith.mulf %mul3A_1542, %sub3A_1548 : f32
      %mul3A_1550 = arith.constant 5.000000e-01 : f32
      %mul3A_1551 = arith.mulf %mul3A_1550, %add3A_1529 : f32
      %mul3A_1552 = arith.mulf %mul3A_1551, %mul3A_1549 : f32
      %mul3A_1553 = arith.mulf %mul3A_1552, %mul3A_1549 : f32
      %sub3A_1554 = arith.constant 1.500000e+00 : f32
      %sub3A_1555 = arith.subf %sub3A_1554, %mul3A_1553 : f32
      %mul3A_1556 = arith.mulf %mul3A_1549, %sub3A_1555 : f32
      %sub3A_1557 = vector.broadcast %mul3A_1523 : f32 to vector<16xf32>
      %sub3A_1558 = arith.subf %add3A_1435, %sub3A_1557 : vector<16xf32>
      %mul3A_1559 = vector.broadcast %mul3A_1556 : f32 to vector<16xf32>
      %mul3A_1560 = arith.mulf %sub3A_1558, %mul3A_1559 : vector<16xf32>
      %mul3A_1561 = arith.mulf %mul3A_1560, %get3A_3 : vector<16xf32>
      %add3A_1562 = arith.addf %mul3A_1561, %get3A_19 : vector<16xf32>
      %swap3A_1563 = arith.index_cast %rem3A_129 : i32 to index
      %swap3A_1564 = arith.index_cast %add3A_1424 : i32 to index
      %swap3A_1565 = arith.constant 0 : index
      %swap3A_1566 = tpu.vector_load %arg14[%swap3A_1563, %swap3A_1564, %swap3A_1565] {strides = array<i32>} : memref<2x128x128xf32, #tpu.memory_space<vmem>>, vector<16xf32>,
      tpu.vector_store %arg14[%swap3A_1563, %swap3A_1564, %swap3A_1565], %add3A_1562 {strides = array<i32>} : memref<2x128x128xf32, #tpu.memory_space<vmem>>, vector<16xf32>,
      %sub3A_1567 = vector.broadcast %mul3A_1523 : f32 to vector<16xf32>
      %sub3A_1568 = arith.subf %add3A_1443, %sub3A_1567 : vector<16xf32>
      %mul3A_1569 = vector.broadcast %mul3A_1556 : f32 to vector<16xf32>
      %mul3A_1570 = arith.mulf %sub3A_1568, %mul3A_1569 : vector<16xf32>
      %mul3A_1571 = arith.mulf %mul3A_1570, %get3A_5 : vector<16xf32>
      %add3A_1572 = arith.addf %mul3A_1571, %get3A_21 : vector<16xf32>
      %swap3A_1573 = arith.index_cast %rem3A_129 : i32 to index
      %swap3A_1574 = arith.index_cast %add3A_1424 : i32 to index
      %swap3A_1575 = arith.constant 16 : index
      %swap3A_1576 = tpu.vector_load %arg14[%swap3A_1573, %swap3A_1574, %swap3A_1575] {strides = array<i32>} : memref<2x128x128xf32, #tpu.memory_space<vmem>>, vector<16xf32>,
      tpu.vector_store %arg14[%swap3A_1573, %swap3A_1574, %swap3A_1575], %add3A_1572 {strides = array<i32>} : memref<2x128x128xf32, #tpu.memory_space<vmem>>, vector<16xf32>,
      %sub3A_1577 = vector.broadcast %mul3A_1523 : f32 to vector<16xf32>
      %sub3A_1578 = arith.subf %add3A_1451, %sub3A_1577 : vector<16xf32>
      %mul3A_1579 = vector.broadcast %mul3A_1556 : f32 to vector<16xf32>
      %mul3A_1580 = arith.mulf %sub3A_1578, %mul3A_1579 : vector<16xf32>
      %mul3A_1581 = arith.mulf %mul3A_1580, %get3A_7 : vector<16xf32>
      %add3A_1582 = arith.addf %mul3A_1581, %get3A_23 : vector<16xf32>
      %swap3A_1583 = arith.index_cast %rem3A_129 : i32 to index
      %swap3A_1584 = arith.index_cast %add3A_1424 : i32 to index
      %swap3A_1585 = arith.constant 32 : index
      %swap3A_1586 = tpu.vector_load %arg14[%swap3A_1583, %swap3A_1584, %swap3A_1585] {strides = array<i32>} : memref<2x128x128xf32, #tpu.memory_space<vmem>>, vector<16xf32>,
      tpu.vector_store %arg14[%swap3A_1583, %swap3A_1584, %swap3A_1585], %add3A_1582 {strides = array<i32>} : memref<2x128x128xf32, #tpu.memory_space<vmem>>, vector<16xf32>,
      %sub3A_1587 = vector.broadcast %mul3A_1523 : f32 to vector<16xf32>
      %sub3A_1588 = arith.subf %add3A_1459, %sub3A_1587 : vector<16xf32>
      %mul3A_1589 = vector.broadcast %mul3A_1556 : f32 to vector<16xf32>
      %mul3A_1590 = arith.mulf %sub3A_1588, %mul3A_1589 : vector<16xf32>
      %mul3A_1591 = arith.mulf %mul3A_1590, %get3A_9 : vector<16xf32>
      %add3A_1592 = arith.addf %mul3A_1591, %get3A_25 : vector<16xf32>
      %swap3A_1593 = arith.index_cast %rem3A_129 : i32 to index
      %swap3A_1594 = arith.index_cast %add3A_1424 : i32 to index
      %swap3A_1595 = arith.constant 48 : index
      %swap3A_1596 = tpu.vector_load %arg14[%swap3A_1593, %swap3A_1594, %swap3A_1595] {strides = array<i32>} : memref<2x128x128xf32, #tpu.memory_space<vmem>>, vector<16xf32>,
      tpu.vector_store %arg14[%swap3A_1593, %swap3A_1594, %swap3A_1595], %add3A_1592 {strides = array<i32>} : memref<2x128x128xf32, #tpu.memory_space<vmem>>, vector<16xf32>,
      %sub3A_1597 = vector.broadcast %mul3A_1523 : f32 to vector<16xf32>
      %sub3A_1598 = arith.subf %add3A_1467, %sub3A_1597 : vector<16xf32>
      %mul3A_1599 = vector.broadcast %mul3A_1556 : f32 to vector<16xf32>
      %mul3A_1600 = arith.mulf %sub3A_1598, %mul3A_1599 : vector<16xf32>
      %mul3A_1601 = arith.mulf %mul3A_1600, %get3A_11 : vector<16xf32>
      %add3A_1602 = arith.addf %mul3A_1601, %get3A_27 : vector<16xf32>
      %swap3A_1603 = arith.index_cast %rem3A_129 : i32 to index
      %swap3A_1604 = arith.index_cast %add3A_1424 : i32 to index
      %swap3A_1605 = arith.constant 64 : index
      %swap3A_1606 = tpu.vector_load %arg14[%swap3A_1603, %swap3A_1604, %swap3A_1605] {strides = array<i32>} : memref<2x128x128xf32, #tpu.memory_space<vmem>>, vector<16xf32>,
      tpu.vector_store %arg14[%swap3A_1603, %swap3A_1604, %swap3A_1605], %add3A_1602 {strides = array<i32>} : memref<2x128x128xf32, #tpu.memory_space<vmem>>, vector<16xf32>,
      %sub3A_1607 = vector.broadcast %mul3A_1523 : f32 to vector<16xf32>
      %sub3A_1608 = arith.subf %add3A_1475, %sub3A_1607 : vector<16xf32>
      %mul3A_1609 = vector.broadcast %mul3A_1556 : f32 to vector<16xf32>
      %mul3A_1610 = arith.mulf %sub3A_1608, %mul3A_1609 : vector<16xf32>
      %mul3A_1611 = arith.mulf %mul3A_1610, %get3A_13 : vector<16xf32>
      %add3A_1612 = arith.addf %mul3A_1611, %get3A_29 : vector<16xf32>
      %swap3A_1613 = arith.index_cast %rem3A_129 : i32 to index
      %swap3A_1614 = arith.index_cast %add3A_1424 : i32 to index
      %swap3A_1615 = arith.constant 80 : index
      %swap3A_1616 = tpu.vector_load %arg14[%swap3A_1613, %swap3A_1614, %swap3A_1615] {strides = array<i32>} : memref<2x128x128xf32, #tpu.memory_space<vmem>>, vector<16xf32>,
      tpu.vector_store %arg14[%swap3A_1613, %swap3A_1614, %swap3A_1615], %add3A_1612 {strides = array<i32>} : memref<2x128x128xf32, #tpu.memory_space<vmem>>, vector<16xf32>,
      %sub3A_1617 = vector.broadcast %mul3A_1523 : f32 to vector<16xf32>
      %sub3A_1618 = arith.subf %add3A_1483, %sub3A_1617 : vector<16xf32>
      %mul3A_1619 = vector.broadcast %mul3A_1556 : f32 to vector<16xf32>
      %mul3A_1620 = arith.mulf %sub3A_1618, %mul3A_1619 : vector<16xf32>
      %mul3A_1621 = arith.mulf %mul3A_1620, %get3A_15 : vector<16xf32>
      %add3A_1622 = arith.addf %mul3A_1621, %get3A_31 : vector<16xf32>
      %swap3A_1623 = arith.index_cast %rem3A_129 : i32 to index
      %swap3A_1624 = arith.index_cast %add3A_1424 : i32 to index
      %swap3A_1625 = arith.constant 96 : index
      %swap3A_1626 = tpu.vector_load %arg14[%swap3A_1623, %swap3A_1624, %swap3A_1625] {strides = array<i32>} : memref<2x128x128xf32, #tpu.memory_space<vmem>>, vector<16xf32>,
      tpu.vector_store %arg14[%swap3A_1623, %swap3A_1624, %swap3A_1625], %add3A_1622 {strides = array<i32>} : memref<2x128x128xf32, #tpu.memory_space<vmem>>, vector<16xf32>,
      %sub3A_1627 = vector.broadcast %mul3A_1523 : f32 to vector<16xf32>
      %sub3A_1628 = arith.subf %add3A_1491, %sub3A_1627 : vector<16xf32>
      %mul3A_1629 = vector.broadcast %mul3A_1556 : f32 to vector<16xf32>
      %mul3A_1630 = arith.mulf %sub3A_1628, %mul3A_1629 : vector<16xf32>
      %mul3A_1631 = arith.mulf %mul3A_1630, %get3A_17 : vector<16xf32>
      %add3A_1632 = arith.addf %mul3A_1631, %get3A_33 : vector<16xf32>
      %swap3A_1633 = arith.index_cast %rem3A_129 : i32 to index
      %swap3A_1634 = arith.index_cast %add3A_1424 : i32 to index
      %swap3A_1635 = arith.constant 112 : index
      %swap3A_1636 = tpu.vector_load %arg14[%swap3A_1633, %swap3A_1634, %swap3A_1635] {strides = array<i32>} : memref<2x128x128xf32, #tpu.memory_space<vmem>>, vector<16xf32>,
      tpu.vector_store %arg14[%swap3A_1633, %swap3A_1634, %swap3A_1635], %add3A_1632 {strides = array<i32>} : memref<2x128x128xf32, #tpu.memory_space<vmem>>, vector<16xf32>,
      %add3A_1637 = arith.constant 7 : i32
      %add3A_1638 = arith.addi %mul3A_142, %add3A_1637 : i32
      %add3A_1639 = arith.addi %mul3A_131, %add3A_1638 : i32
      %rem3A_1640 = arith.constant 200 : i32
      %rem3A_1641 = arith.remsi %add3A_1639, %rem3A_1640 : i32
      %get3A_1642 = arith.index_cast %rem3A_129 : i32 to index
      %get3A_1643 = arith.index_cast %add3A_1638 : i32 to index
      %get3A_1644 = arith.constant 0 : index
      %get3A_1645 = tpu.vector_load %arg13[%get3A_1642, %get3A_1643, %get3A_1644] {strides = array<i32>} : memref<2x128x128xf32, #tpu.memory_space<vmem>>, vector<16xf32>,
      %get3A_1646 = arith.index_cast %rem3A_1641 : i32 to index
      %get3A_1647 = arith.constant 0 : index
      %get3A_1648 = tpu.vector_load %arg9[%get3A_1646, %get3A_1647] {strides = array<i32>} : memref<200x128xf32, #tpu.memory_space<vmem>>, vector<16xf32>,
      %add3A_1649 = arith.addf %get3A_1645, %get3A_1648 : vector<16xf32>
      %get3A_1650 = arith.index_cast %rem3A_129 : i32 to index
      %get3A_1651 = arith.index_cast %add3A_1638 : i32 to index
      %get3A_1652 = arith.constant 16 : index
      %get3A_1653 = tpu.vector_load %arg13[%get3A_1650, %get3A_1651, %get3A_1652] {strides = array<i32>} : memref<2x128x128xf32, #tpu.memory_space<vmem>>, vector<16xf32>,
      %get3A_1654 = arith.index_cast %rem3A_1641 : i32 to index
      %get3A_1655 = arith.constant 16 : index
      %get3A_1656 = tpu.vector_load %arg9[%get3A_1654, %get3A_1655] {strides = array<i32>} : memref<200x128xf32, #tpu.memory_space<vmem>>, vector<16xf32>,
      %add3A_1657 = arith.addf %get3A_1653, %get3A_1656 : vector<16xf32>
      %get3A_1658 = arith.index_cast %rem3A_129 : i32 to index
      %get3A_1659 = arith.index_cast %add3A_1638 : i32 to index
      %get3A_1660 = arith.constant 32 : index
      %get3A_1661 = tpu.vector_load %arg13[%get3A_1658, %get3A_1659, %get3A_1660] {strides = array<i32>} : memref<2x128x128xf32, #tpu.memory_space<vmem>>, vector<16xf32>,
      %get3A_1662 = arith.index_cast %rem3A_1641 : i32 to index
      %get3A_1663 = arith.constant 32 : index
      %get3A_1664 = tpu.vector_load %arg9[%get3A_1662, %get3A_1663] {strides = array<i32>} : memref<200x128xf32, #tpu.memory_space<vmem>>, vector<16xf32>,
      %add3A_1665 = arith.addf %get3A_1661, %get3A_1664 : vector<16xf32>
      %get3A_1666 = arith.index_cast %rem3A_129 : i32 to index
      %get3A_1667 = arith.index_cast %add3A_1638 : i32 to index
      %get3A_1668 = arith.constant 48 : index
      %get3A_1669 = tpu.vector_load %arg13[%get3A_1666, %get3A_1667, %get3A_1668] {strides = array<i32>} : memref<2x128x128xf32, #tpu.memory_space<vmem>>, vector<16xf32>,
      %get3A_1670 = arith.index_cast %rem3A_1641 : i32 to index
      %get3A_1671 = arith.constant 48 : index
      %get3A_1672 = tpu.vector_load %arg9[%get3A_1670, %get3A_1671] {strides = array<i32>} : memref<200x128xf32, #tpu.memory_space<vmem>>, vector<16xf32>,
      %add3A_1673 = arith.addf %get3A_1669, %get3A_1672 : vector<16xf32>
      %get3A_1674 = arith.index_cast %rem3A_129 : i32 to index
      %get3A_1675 = arith.index_cast %add3A_1638 : i32 to index
      %get3A_1676 = arith.constant 64 : index
      %get3A_1677 = tpu.vector_load %arg13[%get3A_1674, %get3A_1675, %get3A_1676] {strides = array<i32>} : memref<2x128x128xf32, #tpu.memory_space<vmem>>, vector<16xf32>,
      %get3A_1678 = arith.index_cast %rem3A_1641 : i32 to index
      %get3A_1679 = arith.constant 64 : index
      %get3A_1680 = tpu.vector_load %arg9[%get3A_1678, %get3A_1679] {strides = array<i32>} : memref<200x128xf32, #tpu.memory_space<vmem>>, vector<16xf32>,
      %add3A_1681 = arith.addf %get3A_1677, %get3A_1680 : vector<16xf32>
      %get3A_1682 = arith.index_cast %rem3A_129 : i32 to index
      %get3A_1683 = arith.index_cast %add3A_1638 : i32 to index
      %get3A_1684 = arith.constant 80 : index
      %get3A_1685 = tpu.vector_load %arg13[%get3A_1682, %get3A_1683, %get3A_1684] {strides = array<i32>} : memref<2x128x128xf32, #tpu.memory_space<vmem>>, vector<16xf32>,
      %get3A_1686 = arith.index_cast %rem3A_1641 : i32 to index
      %get3A_1687 = arith.constant 80 : index
      %get3A_1688 = tpu.vector_load %arg9[%get3A_1686, %get3A_1687] {strides = array<i32>} : memref<200x128xf32, #tpu.memory_space<vmem>>, vector<16xf32>,
      %add3A_1689 = arith.addf %get3A_1685, %get3A_1688 : vector<16xf32>
      %get3A_1690 = arith.index_cast %rem3A_129 : i32 to index
      %get3A_1691 = arith.index_cast %add3A_1638 : i32 to index
      %get3A_1692 = arith.constant 96 : index
      %get3A_1693 = tpu.vector_load %arg13[%get3A_1690, %get3A_1691, %get3A_1692] {strides = array<i32>} : memref<2x128x128xf32, #tpu.memory_space<vmem>>, vector<16xf32>,
      %get3A_1694 = arith.index_cast %rem3A_1641 : i32 to index
      %get3A_1695 = arith.constant 96 : index
      %get3A_1696 = tpu.vector_load %arg9[%get3A_1694, %get3A_1695] {strides = array<i32>} : memref<200x128xf32, #tpu.memory_space<vmem>>, vector<16xf32>,
      %add3A_1697 = arith.addf %get3A_1693, %get3A_1696 : vector<16xf32>
      %get3A_1698 = arith.index_cast %rem3A_129 : i32 to index
      %get3A_1699 = arith.index_cast %add3A_1638 : i32 to index
      %get3A_1700 = arith.constant 112 : index
      %get3A_1701 = tpu.vector_load %arg13[%get3A_1698, %get3A_1699, %get3A_1700] {strides = array<i32>} : memref<2x128x128xf32, #tpu.memory_space<vmem>>, vector<16xf32>,
      %get3A_1702 = arith.index_cast %rem3A_1641 : i32 to index
      %get3A_1703 = arith.constant 112 : index
      %get3A_1704 = tpu.vector_load %arg9[%get3A_1702, %get3A_1703] {strides = array<i32>} : memref<200x128xf32, #tpu.memory_space<vmem>>, vector<16xf32>,
      %add3A_1705 = arith.addf %get3A_1701, %get3A_1704 : vector<16xf32>
      %add3A_1706 = arith.addf %add3A_1649, %add3A_1657 : vector<16xf32>
      %add3A_1707 = arith.addf %add3A_1665, %add3A_1673 : vector<16xf32>
      %add3A_1708 = arith.addf %add3A_1681, %add3A_1689 : vector<16xf32>
      %add3A_1709 = arith.addf %add3A_1697, %add3A_1705 : vector<16xf32>
      %add3A_1710 = arith.addf %add3A_1706, %add3A_1707 : vector<16xf32>
      %add3A_1711 = arith.addf %add3A_1708, %add3A_1709 : vector<16xf32>
      %add3A_1712 = arith.addf %add3A_1710, %add3A_1711 : vector<16xf32>
      %reduce_sum3A_1713 = arith.constant true
      %reduce_sum3A_1714 = vector.broadcast %reduce_sum3A_1713 : i1 to vector<16xi1>
      %reduce_sum3A_1715 = tpu.scan <sum>, %add3A_1712 masked %reduce_sum3A_1714 : vector<16xf32>, vector<16xi1> -> vector<16xf32>
      %reduce_sum3A_1716 = vector.extract %reduce_sum3A_1715[15] : f32 from vector<16xf32>
      %mul3A_1717 = arith.mulf %add3A_1649, %add3A_1649 : vector<16xf32>
      %mul3A_1718 = arith.mulf %add3A_1657, %add3A_1657 : vector<16xf32>
      %mul3A_1719 = arith.mulf %add3A_1665, %add3A_1665 : vector<16xf32>
      %mul3A_1720 = arith.mulf %add3A_1673, %add3A_1673 : vector<16xf32>
      %mul3A_1721 = arith.mulf %add3A_1681, %add3A_1681 : vector<16xf32>
      %mul3A_1722 = arith.mulf %add3A_1689, %add3A_1689 : vector<16xf32>
      %mul3A_1723 = arith.mulf %add3A_1697, %add3A_1697 : vector<16xf32>
      %mul3A_1724 = arith.mulf %add3A_1705, %add3A_1705 : vector<16xf32>
      %add3A_1725 = arith.addf %mul3A_1717, %mul3A_1718 : vector<16xf32>
      %add3A_1726 = arith.addf %mul3A_1719, %mul3A_1720 : vector<16xf32>
      %add3A_1727 = arith.addf %mul3A_1721, %mul3A_1722 : vector<16xf32>
      %add3A_1728 = arith.addf %mul3A_1723, %mul3A_1724 : vector<16xf32>
      %add3A_1729 = arith.addf %add3A_1725, %add3A_1726 : vector<16xf32>
      %add3A_1730 = arith.addf %add3A_1727, %add3A_1728 : vector<16xf32>
      %add3A_1731 = arith.addf %add3A_1729, %add3A_1730 : vector<16xf32>
      %reduce_sum3A_1732 = arith.constant true
      %reduce_sum3A_1733 = vector.broadcast %reduce_sum3A_1732 : i1 to vector<16xi1>
      %reduce_sum3A_1734 = tpu.scan <sum>, %add3A_1731 masked %reduce_sum3A_1733 : vector<16xf32>, vector<16xi1> -> vector<16xf32>
      %reduce_sum3A_1735 = vector.extract %reduce_sum3A_1734[15] : f32 from vector<16xf32>
      %mul3A_1736 = arith.constant 7.812500e-03 : f32
      %mul3A_1737 = arith.mulf %reduce_sum3A_1716, %mul3A_1736 : f32
      %mul3A_1738 = arith.constant 7.812500e-03 : f32
      %mul3A_1739 = arith.mulf %reduce_sum3A_1735, %mul3A_1738 : f32
      %mul3A_1740 = arith.mulf %mul3A_1737, %mul3A_1737 : f32
      %sub3A_1741 = arith.subf %mul3A_1739, %mul3A_1740 : f32
      %add3A_1742 = arith.constant 9.99999996E-13 : f32
      %add3A_1743 = arith.addf %sub3A_1741, %add3A_1742 : f32
      %bitcast_convert_type3A_1744 = arith.bitcast %add3A_1743 : f32 to i32
      %shift_right_logical3A_1745 = arith.constant 1 : i32
      %shift_right_logical3A_1746 = arith.shrui %bitcast_convert_type3A_1744, %shift_right_logical3A_1745 : i32
      %sub3A_1747 = arith.constant 1597463007 : i32
      %sub3A_1748 = arith.subi %sub3A_1747, %shift_right_logical3A_1746 : i32
      %bitcast_convert_type3A_1749 = arith.bitcast %sub3A_1748 : i32 to f32
      %mul3A_1750 = arith.constant 5.000000e-01 : f32
      %mul3A_1751 = arith.mulf %mul3A_1750, %add3A_1743 : f32
      %mul3A_1752 = arith.mulf %mul3A_1751, %bitcast_convert_type3A_1749 : f32
      %mul3A_1753 = arith.mulf %mul3A_1752, %bitcast_convert_type3A_1749 : f32
      %sub3A_1754 = arith.constant 1.500000e+00 : f32
      %sub3A_1755 = arith.subf %sub3A_1754, %mul3A_1753 : f32
      %mul3A_1756 = arith.mulf %bitcast_convert_type3A_1749, %sub3A_1755 : f32
      %mul3A_1757 = arith.constant 5.000000e-01 : f32
      %mul3A_1758 = arith.mulf %mul3A_1757, %add3A_1743 : f32
      %mul3A_1759 = arith.mulf %mul3A_1758, %mul3A_1756 : f32
      %mul3A_1760 = arith.mulf %mul3A_1759, %mul3A_1756 : f32
      %sub3A_1761 = arith.constant 1.500000e+00 : f32
      %sub3A_1762 = arith.subf %sub3A_1761, %mul3A_1760 : f32
      %mul3A_1763 = arith.mulf %mul3A_1756, %sub3A_1762 : f32
      %mul3A_1764 = arith.constant 5.000000e-01 : f32
      %mul3A_1765 = arith.mulf %mul3A_1764, %add3A_1743 : f32
      %mul3A_1766 = arith.mulf %mul3A_1765, %mul3A_1763 : f32
      %mul3A_1767 = arith.mulf %mul3A_1766, %mul3A_1763 : f32
      %sub3A_1768 = arith.constant 1.500000e+00 : f32
      %sub3A_1769 = arith.subf %sub3A_1768, %mul3A_1767 : f32
      %mul3A_1770 = arith.mulf %mul3A_1763, %sub3A_1769 : f32
      %sub3A_1771 = vector.broadcast %mul3A_1737 : f32 to vector<16xf32>
      %sub3A_1772 = arith.subf %add3A_1649, %sub3A_1771 : vector<16xf32>
      %mul3A_1773 = vector.broadcast %mul3A_1770 : f32 to vector<16xf32>
      %mul3A_1774 = arith.mulf %sub3A_1772, %mul3A_1773 : vector<16xf32>
      %mul3A_1775 = arith.mulf %mul3A_1774, %get3A_3 : vector<16xf32>
      %add3A_1776 = arith.addf %mul3A_1775, %get3A_19 : vector<16xf32>
      %swap3A_1777 = arith.index_cast %rem3A_129 : i32 to index
      %swap3A_1778 = arith.index_cast %add3A_1638 : i32 to index
      %swap3A_1779 = arith.constant 0 : index
      %swap3A_1780 = tpu.vector_load %arg14[%swap3A_1777, %swap3A_1778, %swap3A_1779] {strides = array<i32>} : memref<2x128x128xf32, #tpu.memory_space<vmem>>, vector<16xf32>,
      tpu.vector_store %arg14[%swap3A_1777, %swap3A_1778, %swap3A_1779], %add3A_1776 {strides = array<i32>} : memref<2x128x128xf32, #tpu.memory_space<vmem>>, vector<16xf32>,
      %sub3A_1781 = vector.broadcast %mul3A_1737 : f32 to vector<16xf32>
      %sub3A_1782 = arith.subf %add3A_1657, %sub3A_1781 : vector<16xf32>
      %mul3A_1783 = vector.broadcast %mul3A_1770 : f32 to vector<16xf32>
      %mul3A_1784 = arith.mulf %sub3A_1782, %mul3A_1783 : vector<16xf32>
      %mul3A_1785 = arith.mulf %mul3A_1784, %get3A_5 : vector<16xf32>
      %add3A_1786 = arith.addf %mul3A_1785, %get3A_21 : vector<16xf32>
      %swap3A_1787 = arith.index_cast %rem3A_129 : i32 to index
      %swap3A_1788 = arith.index_cast %add3A_1638 : i32 to index
      %swap3A_1789 = arith.constant 16 : index
      %swap3A_1790 = tpu.vector_load %arg14[%swap3A_1787, %swap3A_1788, %swap3A_1789] {strides = array<i32>} : memref<2x128x128xf32, #tpu.memory_space<vmem>>, vector<16xf32>,
      tpu.vector_store %arg14[%swap3A_1787, %swap3A_1788, %swap3A_1789], %add3A_1786 {strides = array<i32>} : memref<2x128x128xf32, #tpu.memory_space<vmem>>, vector<16xf32>,
      %sub3A_1791 = vector.broadcast %mul3A_1737 : f32 to vector<16xf32>
      %sub3A_1792 = arith.subf %add3A_1665, %sub3A_1791 : vector<16xf32>
      %mul3A_1793 = vector.broadcast %mul3A_1770 : f32 to vector<16xf32>
      %mul3A_1794 = arith.mulf %sub3A_1792, %mul3A_1793 : vector<16xf32>
      %mul3A_1795 = arith.mulf %mul3A_1794, %get3A_7 : vector<16xf32>
      %add3A_1796 = arith.addf %mul3A_1795, %get3A_23 : vector<16xf32>
      %swap3A_1797 = arith.index_cast %rem3A_129 : i32 to index
      %swap3A_1798 = arith.index_cast %add3A_1638 : i32 to index
      %swap3A_1799 = arith.constant 32 : index
      %swap3A_1800 = tpu.vector_load %arg14[%swap3A_1797, %swap3A_1798, %swap3A_1799] {strides = array<i32>} : memref<2x128x128xf32, #tpu.memory_space<vmem>>, vector<16xf32>,
      tpu.vector_store %arg14[%swap3A_1797, %swap3A_1798, %swap3A_1799], %add3A_1796 {strides = array<i32>} : memref<2x128x128xf32, #tpu.memory_space<vmem>>, vector<16xf32>,
      %sub3A_1801 = vector.broadcast %mul3A_1737 : f32 to vector<16xf32>
      %sub3A_1802 = arith.subf %add3A_1673, %sub3A_1801 : vector<16xf32>
      %mul3A_1803 = vector.broadcast %mul3A_1770 : f32 to vector<16xf32>
      %mul3A_1804 = arith.mulf %sub3A_1802, %mul3A_1803 : vector<16xf32>
      %mul3A_1805 = arith.mulf %mul3A_1804, %get3A_9 : vector<16xf32>
      %add3A_1806 = arith.addf %mul3A_1805, %get3A_25 : vector<16xf32>
      %swap3A_1807 = arith.index_cast %rem3A_129 : i32 to index
      %swap3A_1808 = arith.index_cast %add3A_1638 : i32 to index
      %swap3A_1809 = arith.constant 48 : index
      %swap3A_1810 = tpu.vector_load %arg14[%swap3A_1807, %swap3A_1808, %swap3A_1809] {strides = array<i32>} : memref<2x128x128xf32, #tpu.memory_space<vmem>>, vector<16xf32>,
      tpu.vector_store %arg14[%swap3A_1807, %swap3A_1808, %swap3A_1809], %add3A_1806 {strides = array<i32>} : memref<2x128x128xf32, #tpu.memory_space<vmem>>, vector<16xf32>,
      %sub3A_1811 = vector.broadcast %mul3A_1737 : f32 to vector<16xf32>
      %sub3A_1812 = arith.subf %add3A_1681, %sub3A_1811 : vector<16xf32>
      %mul3A_1813 = vector.broadcast %mul3A_1770 : f32 to vector<16xf32>
      %mul3A_1814 = arith.mulf %sub3A_1812, %mul3A_1813 : vector<16xf32>
      %mul3A_1815 = arith.mulf %mul3A_1814, %get3A_11 : vector<16xf32>
      %add3A_1816 = arith.addf %mul3A_1815, %get3A_27 : vector<16xf32>
      %swap3A_1817 = arith.index_cast %rem3A_129 : i32 to index
      %swap3A_1818 = arith.index_cast %add3A_1638 : i32 to index
      %swap3A_1819 = arith.constant 64 : index
      %swap3A_1820 = tpu.vector_load %arg14[%swap3A_1817, %swap3A_1818, %swap3A_1819] {strides = array<i32>} : memref<2x128x128xf32, #tpu.memory_space<vmem>>, vector<16xf32>,
      tpu.vector_store %arg14[%swap3A_1817, %swap3A_1818, %swap3A_1819], %add3A_1816 {strides = array<i32>} : memref<2x128x128xf32, #tpu.memory_space<vmem>>, vector<16xf32>,
      %sub3A_1821 = vector.broadcast %mul3A_1737 : f32 to vector<16xf32>
      %sub3A_1822 = arith.subf %add3A_1689, %sub3A_1821 : vector<16xf32>
      %mul3A_1823 = vector.broadcast %mul3A_1770 : f32 to vector<16xf32>
      %mul3A_1824 = arith.mulf %sub3A_1822, %mul3A_1823 : vector<16xf32>
      %mul3A_1825 = arith.mulf %mul3A_1824, %get3A_13 : vector<16xf32>
      %add3A_1826 = arith.addf %mul3A_1825, %get3A_29 : vector<16xf32>
      %swap3A_1827 = arith.index_cast %rem3A_129 : i32 to index
      %swap3A_1828 = arith.index_cast %add3A_1638 : i32 to index
      %swap3A_1829 = arith.constant 80 : index
      %swap3A_1830 = tpu.vector_load %arg14[%swap3A_1827, %swap3A_1828, %swap3A_1829] {strides = array<i32>} : memref<2x128x128xf32, #tpu.memory_space<vmem>>, vector<16xf32>,
      tpu.vector_store %arg14[%swap3A_1827, %swap3A_1828, %swap3A_1829], %add3A_1826 {strides = array<i32>} : memref<2x128x128xf32, #tpu.memory_space<vmem>>, vector<16xf32>,
      %sub3A_1831 = vector.broadcast %mul3A_1737 : f32 to vector<16xf32>
      %sub3A_1832 = arith.subf %add3A_1697, %sub3A_1831 : vector<16xf32>
      %mul3A_1833 = vector.broadcast %mul3A_1770 : f32 to vector<16xf32>
      %mul3A_1834 = arith.mulf %sub3A_1832, %mul3A_1833 : vector<16xf32>
      %mul3A_1835 = arith.mulf %mul3A_1834, %get3A_15 : vector<16xf32>
      %add3A_1836 = arith.addf %mul3A_1835, %get3A_31 : vector<16xf32>
      %swap3A_1837 = arith.index_cast %rem3A_129 : i32 to index
      %swap3A_1838 = arith.index_cast %add3A_1638 : i32 to index
      %swap3A_1839 = arith.constant 96 : index
      %swap3A_1840 = tpu.vector_load %arg14[%swap3A_1837, %swap3A_1838, %swap3A_1839] {strides = array<i32>} : memref<2x128x128xf32, #tpu.memory_space<vmem>>, vector<16xf32>,
      tpu.vector_store %arg14[%swap3A_1837, %swap3A_1838, %swap3A_1839], %add3A_1836 {strides = array<i32>} : memref<2x128x128xf32, #tpu.memory_space<vmem>>, vector<16xf32>,
      %sub3A_1841 = vector.broadcast %mul3A_1737 : f32 to vector<16xf32>
      %sub3A_1842 = arith.subf %add3A_1705, %sub3A_1841 : vector<16xf32>
      %mul3A_1843 = vector.broadcast %mul3A_1770 : f32 to vector<16xf32>
      %mul3A_1844 = arith.mulf %sub3A_1842, %mul3A_1843 : vector<16xf32>
      %mul3A_1845 = arith.mulf %mul3A_1844, %get3A_17 : vector<16xf32>
      %add3A_1846 = arith.addf %mul3A_1845, %get3A_33 : vector<16xf32>
      %swap3A_1847 = arith.index_cast %rem3A_129 : i32 to index
      %swap3A_1848 = arith.index_cast %add3A_1638 : i32 to index
      %swap3A_1849 = arith.constant 112 : index
      %swap3A_1850 = tpu.vector_load %arg14[%swap3A_1847, %swap3A_1848, %swap3A_1849] {strides = array<i32>} : memref<2x128x128xf32, #tpu.memory_space<vmem>>, vector<16xf32>,
      tpu.vector_store %arg14[%swap3A_1847, %swap3A_1848, %swap3A_1849], %add3A_1846 {strides = array<i32>} : memref<2x128x128xf32, #tpu.memory_space<vmem>>, vector<16xf32>,
      %add3A_1851 = arith.constant 8 : i32
      %add3A_1852 = arith.addi %mul3A_142, %add3A_1851 : i32
      %add3A_1853 = arith.addi %mul3A_131, %add3A_1852 : i32
      %rem3A_1854 = arith.constant 200 : i32
      %rem3A_1855 = arith.remsi %add3A_1853, %rem3A_1854 : i32
      %get3A_1856 = arith.index_cast %rem3A_129 : i32 to index
      %get3A_1857 = arith.index_cast %add3A_1852 : i32 to index
      %get3A_1858 = arith.constant 0 : index
      %get3A_1859 = tpu.vector_load %arg13[%get3A_1856, %get3A_1857, %get3A_1858] {strides = array<i32>} : memref<2x128x128xf32, #tpu.memory_space<vmem>>, vector<16xf32>,
      %get3A_1860 = arith.index_cast %rem3A_1855 : i32 to index
      %get3A_1861 = arith.constant 0 : index
      %get3A_1862 = tpu.vector_load %arg9[%get3A_1860, %get3A_1861] {strides = array<i32>} : memref<200x128xf32, #tpu.memory_space<vmem>>, vector<16xf32>,
      %add3A_1863 = arith.addf %get3A_1859, %get3A_1862 : vector<16xf32>
      %get3A_1864 = arith.index_cast %rem3A_129 : i32 to index
      %get3A_1865 = arith.index_cast %add3A_1852 : i32 to index
      %get3A_1866 = arith.constant 16 : index
      %get3A_1867 = tpu.vector_load %arg13[%get3A_1864, %get3A_1865, %get3A_1866] {strides = array<i32>} : memref<2x128x128xf32, #tpu.memory_space<vmem>>, vector<16xf32>,
      %get3A_1868 = arith.index_cast %rem3A_1855 : i32 to index
      %get3A_1869 = arith.constant 16 : index
      %get3A_1870 = tpu.vector_load %arg9[%get3A_1868, %get3A_1869] {strides = array<i32>} : memref<200x128xf32, #tpu.memory_space<vmem>>, vector<16xf32>,
      %add3A_1871 = arith.addf %get3A_1867, %get3A_1870 : vector<16xf32>
      %get3A_1872 = arith.index_cast %rem3A_129 : i32 to index
      %get3A_1873 = arith.index_cast %add3A_1852 : i32 to index
      %get3A_1874 = arith.constant 32 : index
      %get3A_1875 = tpu.vector_load %arg13[%get3A_1872, %get3A_1873, %get3A_1874] {strides = array<i32>} : memref<2x128x128xf32, #tpu.memory_space<vmem>>, vector<16xf32>,
      %get3A_1876 = arith.index_cast %rem3A_1855 : i32 to index
      %get3A_1877 = arith.constant 32 : index
      %get3A_1878 = tpu.vector_load %arg9[%get3A_1876, %get3A_1877] {strides = array<i32>} : memref<200x128xf32, #tpu.memory_space<vmem>>, vector<16xf32>,
      %add3A_1879 = arith.addf %get3A_1875, %get3A_1878 : vector<16xf32>
      %get3A_1880 = arith.index_cast %rem3A_129 : i32 to index
      %get3A_1881 = arith.index_cast %add3A_1852 : i32 to index
      %get3A_1882 = arith.constant 48 : index
      %get3A_1883 = tpu.vector_load %arg13[%get3A_1880, %get3A_1881, %get3A_1882] {strides = array<i32>} : memref<2x128x128xf32, #tpu.memory_space<vmem>>, vector<16xf32>,
      %get3A_1884 = arith.index_cast %rem3A_1855 : i32 to index
      %get3A_1885 = arith.constant 48 : index
      %get3A_1886 = tpu.vector_load %arg9[%get3A_1884, %get3A_1885] {strides = array<i32>} : memref<200x128xf32, #tpu.memory_space<vmem>>, vector<16xf32>,
      %add3A_1887 = arith.addf %get3A_1883, %get3A_1886 : vector<16xf32>
      %get3A_1888 = arith.index_cast %rem3A_129 : i32 to index
      %get3A_1889 = arith.index_cast %add3A_1852 : i32 to index
      %get3A_1890 = arith.constant 64 : index
      %get3A_1891 = tpu.vector_load %arg13[%get3A_1888, %get3A_1889, %get3A_1890] {strides = array<i32>} : memref<2x128x128xf32, #tpu.memory_space<vmem>>, vector<16xf32>,
      %get3A_1892 = arith.index_cast %rem3A_1855 : i32 to index
      %get3A_1893 = arith.constant 64 : index
      %get3A_1894 = tpu.vector_load %arg9[%get3A_1892, %get3A_1893] {strides = array<i32>} : memref<200x128xf32, #tpu.memory_space<vmem>>, vector<16xf32>,
      %add3A_1895 = arith.addf %get3A_1891, %get3A_1894 : vector<16xf32>
      %get3A_1896 = arith.index_cast %rem3A_129 : i32 to index
      %get3A_1897 = arith.index_cast %add3A_1852 : i32 to index
      %get3A_1898 = arith.constant 80 : index
      %get3A_1899 = tpu.vector_load %arg13[%get3A_1896, %get3A_1897, %get3A_1898] {strides = array<i32>} : memref<2x128x128xf32, #tpu.memory_space<vmem>>, vector<16xf32>,
      %get3A_1900 = arith.index_cast %rem3A_1855 : i32 to index
      %get3A_1901 = arith.constant 80 : index
      %get3A_1902 = tpu.vector_load %arg9[%get3A_1900, %get3A_1901] {strides = array<i32>} : memref<200x128xf32, #tpu.memory_space<vmem>>, vector<16xf32>,
      %add3A_1903 = arith.addf %get3A_1899, %get3A_1902 : vector<16xf32>
      %get3A_1904 = arith.index_cast %rem3A_129 : i32 to index
      %get3A_1905 = arith.index_cast %add3A_1852 : i32 to index
      %get3A_1906 = arith.constant 96 : index
      %get3A_1907 = tpu.vector_load %arg13[%get3A_1904, %get3A_1905, %get3A_1906] {strides = array<i32>} : memref<2x128x128xf32, #tpu.memory_space<vmem>>, vector<16xf32>,
      %get3A_1908 = arith.index_cast %rem3A_1855 : i32 to index
      %get3A_1909 = arith.constant 96 : index
      %get3A_1910 = tpu.vector_load %arg9[%get3A_1908, %get3A_1909] {strides = array<i32>} : memref<200x128xf32, #tpu.memory_space<vmem>>, vector<16xf32>,
      %add3A_1911 = arith.addf %get3A_1907, %get3A_1910 : vector<16xf32>
      %get3A_1912 = arith.index_cast %rem3A_129 : i32 to index
      %get3A_1913 = arith.index_cast %add3A_1852 : i32 to index
      %get3A_1914 = arith.constant 112 : index
      %get3A_1915 = tpu.vector_load %arg13[%get3A_1912, %get3A_1913, %get3A_1914] {strides = array<i32>} : memref<2x128x128xf32, #tpu.memory_space<vmem>>, vector<16xf32>,
      %get3A_1916 = arith.index_cast %rem3A_1855 : i32 to index
      %get3A_1917 = arith.constant 112 : index
      %get3A_1918 = tpu.vector_load %arg9[%get3A_1916, %get3A_1917] {strides = array<i32>} : memref<200x128xf32, #tpu.memory_space<vmem>>, vector<16xf32>,
      %add3A_1919 = arith.addf %get3A_1915, %get3A_1918 : vector<16xf32>
      %add3A_1920 = arith.addf %add3A_1863, %add3A_1871 : vector<16xf32>
      %add3A_1921 = arith.addf %add3A_1879, %add3A_1887 : vector<16xf32>
      %add3A_1922 = arith.addf %add3A_1895, %add3A_1903 : vector<16xf32>
      %add3A_1923 = arith.addf %add3A_1911, %add3A_1919 : vector<16xf32>
      %add3A_1924 = arith.addf %add3A_1920, %add3A_1921 : vector<16xf32>
      %add3A_1925 = arith.addf %add3A_1922, %add3A_1923 : vector<16xf32>
      %add3A_1926 = arith.addf %add3A_1924, %add3A_1925 : vector<16xf32>
      %reduce_sum3A_1927 = arith.constant true
      %reduce_sum3A_1928 = vector.broadcast %reduce_sum3A_1927 : i1 to vector<16xi1>
      %reduce_sum3A_1929 = tpu.scan <sum>, %add3A_1926 masked %reduce_sum3A_1928 : vector<16xf32>, vector<16xi1> -> vector<16xf32>
      %reduce_sum3A_1930 = vector.extract %reduce_sum3A_1929[15] : f32 from vector<16xf32>
      %mul3A_1931 = arith.mulf %add3A_1863, %add3A_1863 : vector<16xf32>
      %mul3A_1932 = arith.mulf %add3A_1871, %add3A_1871 : vector<16xf32>
      %mul3A_1933 = arith.mulf %add3A_1879, %add3A_1879 : vector<16xf32>
      %mul3A_1934 = arith.mulf %add3A_1887, %add3A_1887 : vector<16xf32>
      %mul3A_1935 = arith.mulf %add3A_1895, %add3A_1895 : vector<16xf32>
      %mul3A_1936 = arith.mulf %add3A_1903, %add3A_1903 : vector<16xf32>
      %mul3A_1937 = arith.mulf %add3A_1911, %add3A_1911 : vector<16xf32>
      %mul3A_1938 = arith.mulf %add3A_1919, %add3A_1919 : vector<16xf32>
      %add3A_1939 = arith.addf %mul3A_1931, %mul3A_1932 : vector<16xf32>
      %add3A_1940 = arith.addf %mul3A_1933, %mul3A_1934 : vector<16xf32>
      %add3A_1941 = arith.addf %mul3A_1935, %mul3A_1936 : vector<16xf32>
      %add3A_1942 = arith.addf %mul3A_1937, %mul3A_1938 : vector<16xf32>
      %add3A_1943 = arith.addf %add3A_1939, %add3A_1940 : vector<16xf32>
      %add3A_1944 = arith.addf %add3A_1941, %add3A_1942 : vector<16xf32>
      %add3A_1945 = arith.addf %add3A_1943, %add3A_1944 : vector<16xf32>
      %reduce_sum3A_1946 = arith.constant true
      %reduce_sum3A_1947 = vector.broadcast %reduce_sum3A_1946 : i1 to vector<16xi1>
      %reduce_sum3A_1948 = tpu.scan <sum>, %add3A_1945 masked %reduce_sum3A_1947 : vector<16xf32>, vector<16xi1> -> vector<16xf32>
      %reduce_sum3A_1949 = vector.extract %reduce_sum3A_1948[15] : f32 from vector<16xf32>
      %mul3A_1950 = arith.constant 7.812500e-03 : f32
      %mul3A_1951 = arith.mulf %reduce_sum3A_1930, %mul3A_1950 : f32
      %mul3A_1952 = arith.constant 7.812500e-03 : f32
      %mul3A_1953 = arith.mulf %reduce_sum3A_1949, %mul3A_1952 : f32
      %mul3A_1954 = arith.mulf %mul3A_1951, %mul3A_1951 : f32
      %sub3A_1955 = arith.subf %mul3A_1953, %mul3A_1954 : f32
      %add3A_1956 = arith.constant 9.99999996E-13 : f32
      %add3A_1957 = arith.addf %sub3A_1955, %add3A_1956 : f32
      %bitcast_convert_type3A_1958 = arith.bitcast %add3A_1957 : f32 to i32
      %shift_right_logical3A_1959 = arith.constant 1 : i32
      %shift_right_logical3A_1960 = arith.shrui %bitcast_convert_type3A_1958, %shift_right_logical3A_1959 : i32
      %sub3A_1961 = arith.constant 1597463007 : i32
      %sub3A_1962 = arith.subi %sub3A_1961, %shift_right_logical3A_1960 : i32
      %bitcast_convert_type3A_1963 = arith.bitcast %sub3A_1962 : i32 to f32
      %mul3A_1964 = arith.constant 5.000000e-01 : f32
      %mul3A_1965 = arith.mulf %mul3A_1964, %add3A_1957 : f32
      %mul3A_1966 = arith.mulf %mul3A_1965, %bitcast_convert_type3A_1963 : f32
      %mul3A_1967 = arith.mulf %mul3A_1966, %bitcast_convert_type3A_1963 : f32
      %sub3A_1968 = arith.constant 1.500000e+00 : f32
      %sub3A_1969 = arith.subf %sub3A_1968, %mul3A_1967 : f32
      %mul3A_1970 = arith.mulf %bitcast_convert_type3A_1963, %sub3A_1969 : f32
      %mul3A_1971 = arith.constant 5.000000e-01 : f32
      %mul3A_1972 = arith.mulf %mul3A_1971, %add3A_1957 : f32
      %mul3A_1973 = arith.mulf %mul3A_1972, %mul3A_1970 : f32
      %mul3A_1974 = arith.mulf %mul3A_1973, %mul3A_1970 : f32
      %sub3A_1975 = arith.constant 1.500000e+00 : f32
      %sub3A_1976 = arith.subf %sub3A_1975, %mul3A_1974 : f32
      %mul3A_1977 = arith.mulf %mul3A_1970, %sub3A_1976 : f32
      %mul3A_1978 = arith.constant 5.000000e-01 : f32
      %mul3A_1979 = arith.mulf %mul3A_1978, %add3A_1957 : f32
      %mul3A_1980 = arith.mulf %mul3A_1979, %mul3A_1977 : f32
      %mul3A_1981 = arith.mulf %mul3A_1980, %mul3A_1977 : f32
      %sub3A_1982 = arith.constant 1.500000e+00 : f32
      %sub3A_1983 = arith.subf %sub3A_1982, %mul3A_1981 : f32
      %mul3A_1984 = arith.mulf %mul3A_1977, %sub3A_1983 : f32
      %sub3A_1985 = vector.broadcast %mul3A_1951 : f32 to vector<16xf32>
      %sub3A_1986 = arith.subf %add3A_1863, %sub3A_1985 : vector<16xf32>
      %mul3A_1987 = vector.broadcast %mul3A_1984 : f32 to vector<16xf32>
      %mul3A_1988 = arith.mulf %sub3A_1986, %mul3A_1987 : vector<16xf32>
      %mul3A_1989 = arith.mulf %mul3A_1988, %get3A_3 : vector<16xf32>
      %add3A_1990 = arith.addf %mul3A_1989, %get3A_19 : vector<16xf32>
      %swap3A_1991 = arith.index_cast %rem3A_129 : i32 to index
      %swap3A_1992 = arith.index_cast %add3A_1852 : i32 to index
      %swap3A_1993 = arith.constant 0 : index
      %swap3A_1994 = tpu.vector_load %arg14[%swap3A_1991, %swap3A_1992, %swap3A_1993] {strides = array<i32>} : memref<2x128x128xf32, #tpu.memory_space<vmem>>, vector<16xf32>,
      tpu.vector_store %arg14[%swap3A_1991, %swap3A_1992, %swap3A_1993], %add3A_1990 {strides = array<i32>} : memref<2x128x128xf32, #tpu.memory_space<vmem>>, vector<16xf32>,
      %sub3A_1995 = vector.broadcast %mul3A_1951 : f32 to vector<16xf32>
      %sub3A_1996 = arith.subf %add3A_1871, %sub3A_1995 : vector<16xf32>
      %mul3A_1997 = vector.broadcast %mul3A_1984 : f32 to vector<16xf32>
      %mul3A_1998 = arith.mulf %sub3A_1996, %mul3A_1997 : vector<16xf32>
      %mul3A_1999 = arith.mulf %mul3A_1998, %get3A_5 : vector<16xf32>
      %add3A_2000 = arith.addf %mul3A_1999, %get3A_21 : vector<16xf32>
      %swap3A_2001 = arith.index_cast %rem3A_129 : i32 to index
      %swap3A_2002 = arith.index_cast %add3A_1852 : i32 to index
      %swap3A_2003 = arith.constant 16 : index
      %swap3A_2004 = tpu.vector_load %arg14[%swap3A_2001, %swap3A_2002, %swap3A_2003] {strides = array<i32>} : memref<2x128x128xf32, #tpu.memory_space<vmem>>, vector<16xf32>,
      tpu.vector_store %arg14[%swap3A_2001, %swap3A_2002, %swap3A_2003], %add3A_2000 {strides = array<i32>} : memref<2x128x128xf32, #tpu.memory_space<vmem>>, vector<16xf32>,
      %sub3A_2005 = vector.broadcast %mul3A_1951 : f32 to vector<16xf32>
      %sub3A_2006 = arith.subf %add3A_1879, %sub3A_2005 : vector<16xf32>
      %mul3A_2007 = vector.broadcast %mul3A_1984 : f32 to vector<16xf32>
      %mul3A_2008 = arith.mulf %sub3A_2006, %mul3A_2007 : vector<16xf32>
      %mul3A_2009 = arith.mulf %mul3A_2008, %get3A_7 : vector<16xf32>
      %add3A_2010 = arith.addf %mul3A_2009, %get3A_23 : vector<16xf32>
      %swap3A_2011 = arith.index_cast %rem3A_129 : i32 to index
      %swap3A_2012 = arith.index_cast %add3A_1852 : i32 to index
      %swap3A_2013 = arith.constant 32 : index
      %swap3A_2014 = tpu.vector_load %arg14[%swap3A_2011, %swap3A_2012, %swap3A_2013] {strides = array<i32>} : memref<2x128x128xf32, #tpu.memory_space<vmem>>, vector<16xf32>,
      tpu.vector_store %arg14[%swap3A_2011, %swap3A_2012, %swap3A_2013], %add3A_2010 {strides = array<i32>} : memref<2x128x128xf32, #tpu.memory_space<vmem>>, vector<16xf32>,
      %sub3A_2015 = vector.broadcast %mul3A_1951 : f32 to vector<16xf32>
      %sub3A_2016 = arith.subf %add3A_1887, %sub3A_2015 : vector<16xf32>
      %mul3A_2017 = vector.broadcast %mul3A_1984 : f32 to vector<16xf32>
      %mul3A_2018 = arith.mulf %sub3A_2016, %mul3A_2017 : vector<16xf32>
      %mul3A_2019 = arith.mulf %mul3A_2018, %get3A_9 : vector<16xf32>
      %add3A_2020 = arith.addf %mul3A_2019, %get3A_25 : vector<16xf32>
      %swap3A_2021 = arith.index_cast %rem3A_129 : i32 to index
      %swap3A_2022 = arith.index_cast %add3A_1852 : i32 to index
      %swap3A_2023 = arith.constant 48 : index
      %swap3A_2024 = tpu.vector_load %arg14[%swap3A_2021, %swap3A_2022, %swap3A_2023] {strides = array<i32>} : memref<2x128x128xf32, #tpu.memory_space<vmem>>, vector<16xf32>,
      tpu.vector_store %arg14[%swap3A_2021, %swap3A_2022, %swap3A_2023], %add3A_2020 {strides = array<i32>} : memref<2x128x128xf32, #tpu.memory_space<vmem>>, vector<16xf32>,
      %sub3A_2025 = vector.broadcast %mul3A_1951 : f32 to vector<16xf32>
      %sub3A_2026 = arith.subf %add3A_1895, %sub3A_2025 : vector<16xf32>
      %mul3A_2027 = vector.broadcast %mul3A_1984 : f32 to vector<16xf32>
      %mul3A_2028 = arith.mulf %sub3A_2026, %mul3A_2027 : vector<16xf32>
      %mul3A_2029 = arith.mulf %mul3A_2028, %get3A_11 : vector<16xf32>
      %add3A_2030 = arith.addf %mul3A_2029, %get3A_27 : vector<16xf32>
      %swap3A_2031 = arith.index_cast %rem3A_129 : i32 to index
      %swap3A_2032 = arith.index_cast %add3A_1852 : i32 to index
      %swap3A_2033 = arith.constant 64 : index
      %swap3A_2034 = tpu.vector_load %arg14[%swap3A_2031, %swap3A_2032, %swap3A_2033] {strides = array<i32>} : memref<2x128x128xf32, #tpu.memory_space<vmem>>, vector<16xf32>,
      tpu.vector_store %arg14[%swap3A_2031, %swap3A_2032, %swap3A_2033], %add3A_2030 {strides = array<i32>} : memref<2x128x128xf32, #tpu.memory_space<vmem>>, vector<16xf32>,
      %sub3A_2035 = vector.broadcast %mul3A_1951 : f32 to vector<16xf32>
      %sub3A_2036 = arith.subf %add3A_1903, %sub3A_2035 : vector<16xf32>
      %mul3A_2037 = vector.broadcast %mul3A_1984 : f32 to vector<16xf32>
      %mul3A_2038 = arith.mulf %sub3A_2036, %mul3A_2037 : vector<16xf32>
      %mul3A_2039 = arith.mulf %mul3A_2038, %get3A_13 : vector<16xf32>
      %add3A_2040 = arith.addf %mul3A_2039, %get3A_29 : vector<16xf32>
      %swap3A_2041 = arith.index_cast %rem3A_129 : i32 to index
      %swap3A_2042 = arith.index_cast %add3A_1852 : i32 to index
      %swap3A_2043 = arith.constant 80 : index
      %swap3A_2044 = tpu.vector_load %arg14[%swap3A_2041, %swap3A_2042, %swap3A_2043] {strides = array<i32>} : memref<2x128x128xf32, #tpu.memory_space<vmem>>, vector<16xf32>,
      tpu.vector_store %arg14[%swap3A_2041, %swap3A_2042, %swap3A_2043], %add3A_2040 {strides = array<i32>} : memref<2x128x128xf32, #tpu.memory_space<vmem>>, vector<16xf32>,
      %sub3A_2045 = vector.broadcast %mul3A_1951 : f32 to vector<16xf32>
      %sub3A_2046 = arith.subf %add3A_1911, %sub3A_2045 : vector<16xf32>
      %mul3A_2047 = vector.broadcast %mul3A_1984 : f32 to vector<16xf32>
      %mul3A_2048 = arith.mulf %sub3A_2046, %mul3A_2047 : vector<16xf32>
      %mul3A_2049 = arith.mulf %mul3A_2048, %get3A_15 : vector<16xf32>
      %add3A_2050 = arith.addf %mul3A_2049, %get3A_31 : vector<16xf32>
      %swap3A_2051 = arith.index_cast %rem3A_129 : i32 to index
      %swap3A_2052 = arith.index_cast %add3A_1852 : i32 to index
      %swap3A_2053 = arith.constant 96 : index
      %swap3A_2054 = tpu.vector_load %arg14[%swap3A_2051, %swap3A_2052, %swap3A_2053] {strides = array<i32>} : memref<2x128x128xf32, #tpu.memory_space<vmem>>, vector<16xf32>,
      tpu.vector_store %arg14[%swap3A_2051, %swap3A_2052, %swap3A_2053], %add3A_2050 {strides = array<i32>} : memref<2x128x128xf32, #tpu.memory_space<vmem>>, vector<16xf32>,
      %sub3A_2055 = vector.broadcast %mul3A_1951 : f32 to vector<16xf32>
      %sub3A_2056 = arith.subf %add3A_1919, %sub3A_2055 : vector<16xf32>
      %mul3A_2057 = vector.broadcast %mul3A_1984 : f32 to vector<16xf32>
      %mul3A_2058 = arith.mulf %sub3A_2056, %mul3A_2057 : vector<16xf32>
      %mul3A_2059 = arith.mulf %mul3A_2058, %get3A_17 : vector<16xf32>
      %add3A_2060 = arith.addf %mul3A_2059, %get3A_33 : vector<16xf32>
      %swap3A_2061 = arith.index_cast %rem3A_129 : i32 to index
      %swap3A_2062 = arith.index_cast %add3A_1852 : i32 to index
      %swap3A_2063 = arith.constant 112 : index
      %swap3A_2064 = tpu.vector_load %arg14[%swap3A_2061, %swap3A_2062, %swap3A_2063] {strides = array<i32>} : memref<2x128x128xf32, #tpu.memory_space<vmem>>, vector<16xf32>,
      tpu.vector_store %arg14[%swap3A_2061, %swap3A_2062, %swap3A_2063], %add3A_2060 {strides = array<i32>} : memref<2x128x128xf32, #tpu.memory_space<vmem>>, vector<16xf32>,
      %add3A_2065 = arith.constant 9 : i32
      %add3A_2066 = arith.addi %mul3A_142, %add3A_2065 : i32
      %add3A_2067 = arith.addi %mul3A_131, %add3A_2066 : i32
      %rem3A_2068 = arith.constant 200 : i32
      %rem3A_2069 = arith.remsi %add3A_2067, %rem3A_2068 : i32
      %get3A_2070 = arith.index_cast %rem3A_129 : i32 to index
      %get3A_2071 = arith.index_cast %add3A_2066 : i32 to index
      %get3A_2072 = arith.constant 0 : index
      %get3A_2073 = tpu.vector_load %arg13[%get3A_2070, %get3A_2071, %get3A_2072] {strides = array<i32>} : memref<2x128x128xf32, #tpu.memory_space<vmem>>, vector<16xf32>,
      %get3A_2074 = arith.index_cast %rem3A_2069 : i32 to index
      %get3A_2075 = arith.constant 0 : index
      %get3A_2076 = tpu.vector_load %arg9[%get3A_2074, %get3A_2075] {strides = array<i32>} : memref<200x128xf32, #tpu.memory_space<vmem>>, vector<16xf32>,
      %add3A_2077 = arith.addf %get3A_2073, %get3A_2076 : vector<16xf32>
      %get3A_2078 = arith.index_cast %rem3A_129 : i32 to index
      %get3A_2079 = arith.index_cast %add3A_2066 : i32 to index
      %get3A_2080 = arith.constant 16 : index
      %get3A_2081 = tpu.vector_load %arg13[%get3A_2078, %get3A_2079, %get3A_2080] {strides = array<i32>} : memref<2x128x128xf32, #tpu.memory_space<vmem>>, vector<16xf32>,
      %get3A_2082 = arith.index_cast %rem3A_2069 : i32 to index
      %get3A_2083 = arith.constant 16 : index
      %get3A_2084 = tpu.vector_load %arg9[%get3A_2082, %get3A_2083] {strides = array<i32>} : memref<200x128xf32, #tpu.memory_space<vmem>>, vector<16xf32>,
      %add3A_2085 = arith.addf %get3A_2081, %get3A_2084 : vector<16xf32>
      %get3A_2086 = arith.index_cast %rem3A_129 : i32 to index
      %get3A_2087 = arith.index_cast %add3A_2066 : i32 to index
      %get3A_2088 = arith.constant 32 : index
      %get3A_2089 = tpu.vector_load %arg13[%get3A_2086, %get3A_2087, %get3A_2088] {strides = array<i32>} : memref<2x128x128xf32, #tpu.memory_space<vmem>>, vector<16xf32>,
      %get3A_2090 = arith.index_cast %rem3A_2069 : i32 to index
      %get3A_2091 = arith.constant 32 : index
      %get3A_2092 = tpu.vector_load %arg9[%get3A_2090, %get3A_2091] {strides = array<i32>} : memref<200x128xf32, #tpu.memory_space<vmem>>, vector<16xf32>,
      %add3A_2093 = arith.addf %get3A_2089, %get3A_2092 : vector<16xf32>
      %get3A_2094 = arith.index_cast %rem3A_129 : i32 to index
      %get3A_2095 = arith.index_cast %add3A_2066 : i32 to index
      %get3A_2096 = arith.constant 48 : index
      %get3A_2097 = tpu.vector_load %arg13[%get3A_2094, %get3A_2095, %get3A_2096] {strides = array<i32>} : memref<2x128x128xf32, #tpu.memory_space<vmem>>, vector<16xf32>,
      %get3A_2098 = arith.index_cast %rem3A_2069 : i32 to index
      %get3A_2099 = arith.constant 48 : index
      %get3A_2100 = tpu.vector_load %arg9[%get3A_2098, %get3A_2099] {strides = array<i32>} : memref<200x128xf32, #tpu.memory_space<vmem>>, vector<16xf32>,
      %add3A_2101 = arith.addf %get3A_2097, %get3A_2100 : vector<16xf32>
      %get3A_2102 = arith.index_cast %rem3A_129 : i32 to index
      %get3A_2103 = arith.index_cast %add3A_2066 : i32 to index
      %get3A_2104 = arith.constant 64 : index
      %get3A_2105 = tpu.vector_load %arg13[%get3A_2102, %get3A_2103, %get3A_2104] {strides = array<i32>} : memref<2x128x128xf32, #tpu.memory_space<vmem>>, vector<16xf32>,
      %get3A_2106 = arith.index_cast %rem3A_2069 : i32 to index
      %get3A_2107 = arith.constant 64 : index
      %get3A_2108 = tpu.vector_load %arg9[%get3A_2106, %get3A_2107] {strides = array<i32>} : memref<200x128xf32, #tpu.memory_space<vmem>>, vector<16xf32>,
      %add3A_2109 = arith.addf %get3A_2105, %get3A_2108 : vector<16xf32>
      %get3A_2110 = arith.index_cast %rem3A_129 : i32 to index
      %get3A_2111 = arith.index_cast %add3A_2066 : i32 to index
      %get3A_2112 = arith.constant 80 : index
      %get3A_2113 = tpu.vector_load %arg13[%get3A_2110, %get3A_2111, %get3A_2112] {strides = array<i32>} : memref<2x128x128xf32, #tpu.memory_space<vmem>>, vector<16xf32>,
      %get3A_2114 = arith.index_cast %rem3A_2069 : i32 to index
      %get3A_2115 = arith.constant 80 : index
      %get3A_2116 = tpu.vector_load %arg9[%get3A_2114, %get3A_2115] {strides = array<i32>} : memref<200x128xf32, #tpu.memory_space<vmem>>, vector<16xf32>,
      %add3A_2117 = arith.addf %get3A_2113, %get3A_2116 : vector<16xf32>
      %get3A_2118 = arith.index_cast %rem3A_129 : i32 to index
      %get3A_2119 = arith.index_cast %add3A_2066 : i32 to index
      %get3A_2120 = arith.constant 96 : index
      %get3A_2121 = tpu.vector_load %arg13[%get3A_2118, %get3A_2119, %get3A_2120] {strides = array<i32>} : memref<2x128x128xf32, #tpu.memory_space<vmem>>, vector<16xf32>,
      %get3A_2122 = arith.index_cast %rem3A_2069 : i32 to index
      %get3A_2123 = arith.constant 96 : index
      %get3A_2124 = tpu.vector_load %arg9[%get3A_2122, %get3A_2123] {strides = array<i32>} : memref<200x128xf32, #tpu.memory_space<vmem>>, vector<16xf32>,
      %add3A_2125 = arith.addf %get3A_2121, %get3A_2124 : vector<16xf32>
      %get3A_2126 = arith.index_cast %rem3A_129 : i32 to index
      %get3A_2127 = arith.index_cast %add3A_2066 : i32 to index
      %get3A_2128 = arith.constant 112 : index
      %get3A_2129 = tpu.vector_load %arg13[%get3A_2126, %get3A_2127, %get3A_2128] {strides = array<i32>} : memref<2x128x128xf32, #tpu.memory_space<vmem>>, vector<16xf32>,
      %get3A_2130 = arith.index_cast %rem3A_2069 : i32 to index
      %get3A_2131 = arith.constant 112 : index
      %get3A_2132 = tpu.vector_load %arg9[%get3A_2130, %get3A_2131] {strides = array<i32>} : memref<200x128xf32, #tpu.memory_space<vmem>>, vector<16xf32>,
      %add3A_2133 = arith.addf %get3A_2129, %get3A_2132 : vector<16xf32>
      %add3A_2134 = arith.addf %add3A_2077, %add3A_2085 : vector<16xf32>
      %add3A_2135 = arith.addf %add3A_2093, %add3A_2101 : vector<16xf32>
      %add3A_2136 = arith.addf %add3A_2109, %add3A_2117 : vector<16xf32>
      %add3A_2137 = arith.addf %add3A_2125, %add3A_2133 : vector<16xf32>
      %add3A_2138 = arith.addf %add3A_2134, %add3A_2135 : vector<16xf32>
      %add3A_2139 = arith.addf %add3A_2136, %add3A_2137 : vector<16xf32>
      %add3A_2140 = arith.addf %add3A_2138, %add3A_2139 : vector<16xf32>
      %reduce_sum3A_2141 = arith.constant true
      %reduce_sum3A_2142 = vector.broadcast %reduce_sum3A_2141 : i1 to vector<16xi1>
      %reduce_sum3A_2143 = tpu.scan <sum>, %add3A_2140 masked %reduce_sum3A_2142 : vector<16xf32>, vector<16xi1> -> vector<16xf32>
      %reduce_sum3A_2144 = vector.extract %reduce_sum3A_2143[15] : f32 from vector<16xf32>
      %mul3A_2145 = arith.mulf %add3A_2077, %add3A_2077 : vector<16xf32>
      %mul3A_2146 = arith.mulf %add3A_2085, %add3A_2085 : vector<16xf32>
      %mul3A_2147 = arith.mulf %add3A_2093, %add3A_2093 : vector<16xf32>
      %mul3A_2148 = arith.mulf %add3A_2101, %add3A_2101 : vector<16xf32>
      %mul3A_2149 = arith.mulf %add3A_2109, %add3A_2109 : vector<16xf32>
      %mul3A_2150 = arith.mulf %add3A_2117, %add3A_2117 : vector<16xf32>
      %mul3A_2151 = arith.mulf %add3A_2125, %add3A_2125 : vector<16xf32>
      %mul3A_2152 = arith.mulf %add3A_2133, %add3A_2133 : vector<16xf32>
      %add3A_2153 = arith.addf %mul3A_2145, %mul3A_2146 : vector<16xf32>
      %add3A_2154 = arith.addf %mul3A_2147, %mul3A_2148 : vector<16xf32>
      %add3A_2155 = arith.addf %mul3A_2149, %mul3A_2150 : vector<16xf32>
      %add3A_2156 = arith.addf %mul3A_2151, %mul3A_2152 : vector<16xf32>
      %add3A_2157 = arith.addf %add3A_2153, %add3A_2154 : vector<16xf32>
      %add3A_2158 = arith.addf %add3A_2155, %add3A_2156 : vector<16xf32>
      %add3A_2159 = arith.addf %add3A_2157, %add3A_2158 : vector<16xf32>
      %reduce_sum3A_2160 = arith.constant true
      %reduce_sum3A_2161 = vector.broadcast %reduce_sum3A_2160 : i1 to vector<16xi1>
      %reduce_sum3A_2162 = tpu.scan <sum>, %add3A_2159 masked %reduce_sum3A_2161 : vector<16xf32>, vector<16xi1> -> vector<16xf32>
      %reduce_sum3A_2163 = vector.extract %reduce_sum3A_2162[15] : f32 from vector<16xf32>
      %mul3A_2164 = arith.constant 7.812500e-03 : f32
      %mul3A_2165 = arith.mulf %reduce_sum3A_2144, %mul3A_2164 : f32
      %mul3A_2166 = arith.constant 7.812500e-03 : f32
      %mul3A_2167 = arith.mulf %reduce_sum3A_2163, %mul3A_2166 : f32
      %mul3A_2168 = arith.mulf %mul3A_2165, %mul3A_2165 : f32
      %sub3A_2169 = arith.subf %mul3A_2167, %mul3A_2168 : f32
      %add3A_2170 = arith.constant 9.99999996E-13 : f32
      %add3A_2171 = arith.addf %sub3A_2169, %add3A_2170 : f32
      %bitcast_convert_type3A_2172 = arith.bitcast %add3A_2171 : f32 to i32
      %shift_right_logical3A_2173 = arith.constant 1 : i32
      %shift_right_logical3A_2174 = arith.shrui %bitcast_convert_type3A_2172, %shift_right_logical3A_2173 : i32
      %sub3A_2175 = arith.constant 1597463007 : i32
      %sub3A_2176 = arith.subi %sub3A_2175, %shift_right_logical3A_2174 : i32
      %bitcast_convert_type3A_2177 = arith.bitcast %sub3A_2176 : i32 to f32
      %mul3A_2178 = arith.constant 5.000000e-01 : f32
      %mul3A_2179 = arith.mulf %mul3A_2178, %add3A_2171 : f32
      %mul3A_2180 = arith.mulf %mul3A_2179, %bitcast_convert_type3A_2177 : f32
      %mul3A_2181 = arith.mulf %mul3A_2180, %bitcast_convert_type3A_2177 : f32
      %sub3A_2182 = arith.constant 1.500000e+00 : f32
      %sub3A_2183 = arith.subf %sub3A_2182, %mul3A_2181 : f32
      %mul3A_2184 = arith.mulf %bitcast_convert_type3A_2177, %sub3A_2183 : f32
      %mul3A_2185 = arith.constant 5.000000e-01 : f32
      %mul3A_2186 = arith.mulf %mul3A_2185, %add3A_2171 : f32
      %mul3A_2187 = arith.mulf %mul3A_2186, %mul3A_2184 : f32
      %mul3A_2188 = arith.mulf %mul3A_2187, %mul3A_2184 : f32
      %sub3A_2189 = arith.constant 1.500000e+00 : f32
      %sub3A_2190 = arith.subf %sub3A_2189, %mul3A_2188 : f32
      %mul3A_2191 = arith.mulf %mul3A_2184, %sub3A_2190 : f32
      %mul3A_2192 = arith.constant 5.000000e-01 : f32
      %mul3A_2193 = arith.mulf %mul3A_2192, %add3A_2171 : f32
      %mul3A_2194 = arith.mulf %mul3A_2193, %mul3A_2191 : f32
      %mul3A_2195 = arith.mulf %mul3A_2194, %mul3A_2191 : f32
      %sub3A_2196 = arith.constant 1.500000e+00 : f32
      %sub3A_2197 = arith.subf %sub3A_2196, %mul3A_2195 : f32
      %mul3A_2198 = arith.mulf %mul3A_2191, %sub3A_2197 : f32
      %sub3A_2199 = vector.broadcast %mul3A_2165 : f32 to vector<16xf32>
      %sub3A_2200 = arith.subf %add3A_2077, %sub3A_2199 : vector<16xf32>
      %mul3A_2201 = vector.broadcast %mul3A_2198 : f32 to vector<16xf32>
      %mul3A_2202 = arith.mulf %sub3A_2200, %mul3A_2201 : vector<16xf32>
      %mul3A_2203 = arith.mulf %mul3A_2202, %get3A_3 : vector<16xf32>
      %add3A_2204 = arith.addf %mul3A_2203, %get3A_19 : vector<16xf32>
      %swap3A_2205 = arith.index_cast %rem3A_129 : i32 to index
      %swap3A_2206 = arith.index_cast %add3A_2066 : i32 to index
      %swap3A_2207 = arith.constant 0 : index
      %swap3A_2208 = tpu.vector_load %arg14[%swap3A_2205, %swap3A_2206, %swap3A_2207] {strides = array<i32>} : memref<2x128x128xf32, #tpu.memory_space<vmem>>, vector<16xf32>,
      tpu.vector_store %arg14[%swap3A_2205, %swap3A_2206, %swap3A_2207], %add3A_2204 {strides = array<i32>} : memref<2x128x128xf32, #tpu.memory_space<vmem>>, vector<16xf32>,
      %sub3A_2209 = vector.broadcast %mul3A_2165 : f32 to vector<16xf32>
      %sub3A_2210 = arith.subf %add3A_2085, %sub3A_2209 : vector<16xf32>
      %mul3A_2211 = vector.broadcast %mul3A_2198 : f32 to vector<16xf32>
      %mul3A_2212 = arith.mulf %sub3A_2210, %mul3A_2211 : vector<16xf32>
      %mul3A_2213 = arith.mulf %mul3A_2212, %get3A_5 : vector<16xf32>
      %add3A_2214 = arith.addf %mul3A_2213, %get3A_21 : vector<16xf32>
      %swap3A_2215 = arith.index_cast %rem3A_129 : i32 to index
      %swap3A_2216 = arith.index_cast %add3A_2066 : i32 to index
      %swap3A_2217 = arith.constant 16 : index
      %swap3A_2218 = tpu.vector_load %arg14[%swap3A_2215, %swap3A_2216, %swap3A_2217] {strides = array<i32>} : memref<2x128x128xf32, #tpu.memory_space<vmem>>, vector<16xf32>,
      tpu.vector_store %arg14[%swap3A_2215, %swap3A_2216, %swap3A_2217], %add3A_2214 {strides = array<i32>} : memref<2x128x128xf32, #tpu.memory_space<vmem>>, vector<16xf32>,
      %sub3A_2219 = vector.broadcast %mul3A_2165 : f32 to vector<16xf32>
      %sub3A_2220 = arith.subf %add3A_2093, %sub3A_2219 : vector<16xf32>
      %mul3A_2221 = vector.broadcast %mul3A_2198 : f32 to vector<16xf32>
      %mul3A_2222 = arith.mulf %sub3A_2220, %mul3A_2221 : vector<16xf32>
      %mul3A_2223 = arith.mulf %mul3A_2222, %get3A_7 : vector<16xf32>
      %add3A_2224 = arith.addf %mul3A_2223, %get3A_23 : vector<16xf32>
      %swap3A_2225 = arith.index_cast %rem3A_129 : i32 to index
      %swap3A_2226 = arith.index_cast %add3A_2066 : i32 to index
      %swap3A_2227 = arith.constant 32 : index
      %swap3A_2228 = tpu.vector_load %arg14[%swap3A_2225, %swap3A_2226, %swap3A_2227] {strides = array<i32>} : memref<2x128x128xf32, #tpu.memory_space<vmem>>, vector<16xf32>,
      tpu.vector_store %arg14[%swap3A_2225, %swap3A_2226, %swap3A_2227], %add3A_2224 {strides = array<i32>} : memref<2x128x128xf32, #tpu.memory_space<vmem>>, vector<16xf32>,
      %sub3A_2229 = vector.broadcast %mul3A_2165 : f32 to vector<16xf32>
      %sub3A_2230 = arith.subf %add3A_2101, %sub3A_2229 : vector<16xf32>
      %mul3A_2231 = vector.broadcast %mul3A_2198 : f32 to vector<16xf32>
      %mul3A_2232 = arith.mulf %sub3A_2230, %mul3A_2231 : vector<16xf32>
      %mul3A_2233 = arith.mulf %mul3A_2232, %get3A_9 : vector<16xf32>
      %add3A_2234 = arith.addf %mul3A_2233, %get3A_25 : vector<16xf32>
      %swap3A_2235 = arith.index_cast %rem3A_129 : i32 to index
      %swap3A_2236 = arith.index_cast %add3A_2066 : i32 to index
      %swap3A_2237 = arith.constant 48 : index
      %swap3A_2238 = tpu.vector_load %arg14[%swap3A_2235, %swap3A_2236, %swap3A_2237] {strides = array<i32>} : memref<2x128x128xf32, #tpu.memory_space<vmem>>, vector<16xf32>,
      tpu.vector_store %arg14[%swap3A_2235, %swap3A_2236, %swap3A_2237], %add3A_2234 {strides = array<i32>} : memref<2x128x128xf32, #tpu.memory_space<vmem>>, vector<16xf32>,
      %sub3A_2239 = vector.broadcast %mul3A_2165 : f32 to vector<16xf32>
      %sub3A_2240 = arith.subf %add3A_2109, %sub3A_2239 : vector<16xf32>
      %mul3A_2241 = vector.broadcast %mul3A_2198 : f32 to vector<16xf32>
      %mul3A_2242 = arith.mulf %sub3A_2240, %mul3A_2241 : vector<16xf32>
      %mul3A_2243 = arith.mulf %mul3A_2242, %get3A_11 : vector<16xf32>
      %add3A_2244 = arith.addf %mul3A_2243, %get3A_27 : vector<16xf32>
      %swap3A_2245 = arith.index_cast %rem3A_129 : i32 to index
      %swap3A_2246 = arith.index_cast %add3A_2066 : i32 to index
      %swap3A_2247 = arith.constant 64 : index
      %swap3A_2248 = tpu.vector_load %arg14[%swap3A_2245, %swap3A_2246, %swap3A_2247] {strides = array<i32>} : memref<2x128x128xf32, #tpu.memory_space<vmem>>, vector<16xf32>,
      tpu.vector_store %arg14[%swap3A_2245, %swap3A_2246, %swap3A_2247], %add3A_2244 {strides = array<i32>} : memref<2x128x128xf32, #tpu.memory_space<vmem>>, vector<16xf32>,
      %sub3A_2249 = vector.broadcast %mul3A_2165 : f32 to vector<16xf32>
      %sub3A_2250 = arith.subf %add3A_2117, %sub3A_2249 : vector<16xf32>
      %mul3A_2251 = vector.broadcast %mul3A_2198 : f32 to vector<16xf32>
      %mul3A_2252 = arith.mulf %sub3A_2250, %mul3A_2251 : vector<16xf32>
      %mul3A_2253 = arith.mulf %mul3A_2252, %get3A_13 : vector<16xf32>
      %add3A_2254 = arith.addf %mul3A_2253, %get3A_29 : vector<16xf32>
      %swap3A_2255 = arith.index_cast %rem3A_129 : i32 to index
      %swap3A_2256 = arith.index_cast %add3A_2066 : i32 to index
      %swap3A_2257 = arith.constant 80 : index
      %swap3A_2258 = tpu.vector_load %arg14[%swap3A_2255, %swap3A_2256, %swap3A_2257] {strides = array<i32>} : memref<2x128x128xf32, #tpu.memory_space<vmem>>, vector<16xf32>,
      tpu.vector_store %arg14[%swap3A_2255, %swap3A_2256, %swap3A_2257], %add3A_2254 {strides = array<i32>} : memref<2x128x128xf32, #tpu.memory_space<vmem>>, vector<16xf32>,
      %sub3A_2259 = vector.broadcast %mul3A_2165 : f32 to vector<16xf32>
      %sub3A_2260 = arith.subf %add3A_2125, %sub3A_2259 : vector<16xf32>
      %mul3A_2261 = vector.broadcast %mul3A_2198 : f32 to vector<16xf32>
      %mul3A_2262 = arith.mulf %sub3A_2260, %mul3A_2261 : vector<16xf32>
      %mul3A_2263 = arith.mulf %mul3A_2262, %get3A_15 : vector<16xf32>
      %add3A_2264 = arith.addf %mul3A_2263, %get3A_31 : vector<16xf32>
      %swap3A_2265 = arith.index_cast %rem3A_129 : i32 to index
      %swap3A_2266 = arith.index_cast %add3A_2066 : i32 to index
      %swap3A_2267 = arith.constant 96 : index
      %swap3A_2268 = tpu.vector_load %arg14[%swap3A_2265, %swap3A_2266, %swap3A_2267] {strides = array<i32>} : memref<2x128x128xf32, #tpu.memory_space<vmem>>, vector<16xf32>,
      tpu.vector_store %arg14[%swap3A_2265, %swap3A_2266, %swap3A_2267], %add3A_2264 {strides = array<i32>} : memref<2x128x128xf32, #tpu.memory_space<vmem>>, vector<16xf32>,
      %sub3A_2269 = vector.broadcast %mul3A_2165 : f32 to vector<16xf32>
      %sub3A_2270 = arith.subf %add3A_2133, %sub3A_2269 : vector<16xf32>
      %mul3A_2271 = vector.broadcast %mul3A_2198 : f32 to vector<16xf32>
      %mul3A_2272 = arith.mulf %sub3A_2270, %mul3A_2271 : vector<16xf32>
      %mul3A_2273 = arith.mulf %mul3A_2272, %get3A_17 : vector<16xf32>
      %add3A_2274 = arith.addf %mul3A_2273, %get3A_33 : vector<16xf32>
      %swap3A_2275 = arith.index_cast %rem3A_129 : i32 to index
      %swap3A_2276 = arith.index_cast %add3A_2066 : i32 to index
      %swap3A_2277 = arith.constant 112 : index
      %swap3A_2278 = tpu.vector_load %arg14[%swap3A_2275, %swap3A_2276, %swap3A_2277] {strides = array<i32>} : memref<2x128x128xf32, #tpu.memory_space<vmem>>, vector<16xf32>,
      tpu.vector_store %arg14[%swap3A_2275, %swap3A_2276, %swap3A_2277], %add3A_2274 {strides = array<i32>} : memref<2x128x128xf32, #tpu.memory_space<vmem>>, vector<16xf32>,
      %add3A_2279 = arith.constant 10 : i32
      %add3A_2280 = arith.addi %mul3A_142, %add3A_2279 : i32
      %add3A_2281 = arith.addi %mul3A_131, %add3A_2280 : i32
      %rem3A_2282 = arith.constant 200 : i32
      %rem3A_2283 = arith.remsi %add3A_2281, %rem3A_2282 : i32
      %get3A_2284 = arith.index_cast %rem3A_129 : i32 to index
      %get3A_2285 = arith.index_cast %add3A_2280 : i32 to index
      %get3A_2286 = arith.constant 0 : index
      %get3A_2287 = tpu.vector_load %arg13[%get3A_2284, %get3A_2285, %get3A_2286] {strides = array<i32>} : memref<2x128x128xf32, #tpu.memory_space<vmem>>, vector<16xf32>,
      %get3A_2288 = arith.index_cast %rem3A_2283 : i32 to index
      %get3A_2289 = arith.constant 0 : index
      %get3A_2290 = tpu.vector_load %arg9[%get3A_2288, %get3A_2289] {strides = array<i32>} : memref<200x128xf32, #tpu.memory_space<vmem>>, vector<16xf32>,
      %add3A_2291 = arith.addf %get3A_2287, %get3A_2290 : vector<16xf32>
      %get3A_2292 = arith.index_cast %rem3A_129 : i32 to index
      %get3A_2293 = arith.index_cast %add3A_2280 : i32 to index
      %get3A_2294 = arith.constant 16 : index
      %get3A_2295 = tpu.vector_load %arg13[%get3A_2292, %get3A_2293, %get3A_2294] {strides = array<i32>} : memref<2x128x128xf32, #tpu.memory_space<vmem>>, vector<16xf32>,
      %get3A_2296 = arith.index_cast %rem3A_2283 : i32 to index
      %get3A_2297 = arith.constant 16 : index
      %get3A_2298 = tpu.vector_load %arg9[%get3A_2296, %get3A_2297] {strides = array<i32>} : memref<200x128xf32, #tpu.memory_space<vmem>>, vector<16xf32>,
      %add3A_2299 = arith.addf %get3A_2295, %get3A_2298 : vector<16xf32>
      %get3A_2300 = arith.index_cast %rem3A_129 : i32 to index
      %get3A_2301 = arith.index_cast %add3A_2280 : i32 to index
      %get3A_2302 = arith.constant 32 : index
      %get3A_2303 = tpu.vector_load %arg13[%get3A_2300, %get3A_2301, %get3A_2302] {strides = array<i32>} : memref<2x128x128xf32, #tpu.memory_space<vmem>>, vector<16xf32>,
      %get3A_2304 = arith.index_cast %rem3A_2283 : i32 to index
      %get3A_2305 = arith.constant 32 : index
      %get3A_2306 = tpu.vector_load %arg9[%get3A_2304, %get3A_2305] {strides = array<i32>} : memref<200x128xf32, #tpu.memory_space<vmem>>, vector<16xf32>,
      %add3A_2307 = arith.addf %get3A_2303, %get3A_2306 : vector<16xf32>
      %get3A_2308 = arith.index_cast %rem3A_129 : i32 to index
      %get3A_2309 = arith.index_cast %add3A_2280 : i32 to index
      %get3A_2310 = arith.constant 48 : index
      %get3A_2311 = tpu.vector_load %arg13[%get3A_2308, %get3A_2309, %get3A_2310] {strides = array<i32>} : memref<2x128x128xf32, #tpu.memory_space<vmem>>, vector<16xf32>,
      %get3A_2312 = arith.index_cast %rem3A_2283 : i32 to index
      %get3A_2313 = arith.constant 48 : index
      %get3A_2314 = tpu.vector_load %arg9[%get3A_2312, %get3A_2313] {strides = array<i32>} : memref<200x128xf32, #tpu.memory_space<vmem>>, vector<16xf32>,
      %add3A_2315 = arith.addf %get3A_2311, %get3A_2314 : vector<16xf32>
      %get3A_2316 = arith.index_cast %rem3A_129 : i32 to index
      %get3A_2317 = arith.index_cast %add3A_2280 : i32 to index
      %get3A_2318 = arith.constant 64 : index
      %get3A_2319 = tpu.vector_load %arg13[%get3A_2316, %get3A_2317, %get3A_2318] {strides = array<i32>} : memref<2x128x128xf32, #tpu.memory_space<vmem>>, vector<16xf32>,
      %get3A_2320 = arith.index_cast %rem3A_2283 : i32 to index
      %get3A_2321 = arith.constant 64 : index
      %get3A_2322 = tpu.vector_load %arg9[%get3A_2320, %get3A_2321] {strides = array<i32>} : memref<200x128xf32, #tpu.memory_space<vmem>>, vector<16xf32>,
      %add3A_2323 = arith.addf %get3A_2319, %get3A_2322 : vector<16xf32>
      %get3A_2324 = arith.index_cast %rem3A_129 : i32 to index
      %get3A_2325 = arith.index_cast %add3A_2280 : i32 to index
      %get3A_2326 = arith.constant 80 : index
      %get3A_2327 = tpu.vector_load %arg13[%get3A_2324, %get3A_2325, %get3A_2326] {strides = array<i32>} : memref<2x128x128xf32, #tpu.memory_space<vmem>>, vector<16xf32>,
      %get3A_2328 = arith.index_cast %rem3A_2283 : i32 to index
      %get3A_2329 = arith.constant 80 : index
      %get3A_2330 = tpu.vector_load %arg9[%get3A_2328, %get3A_2329] {strides = array<i32>} : memref<200x128xf32, #tpu.memory_space<vmem>>, vector<16xf32>,
      %add3A_2331 = arith.addf %get3A_2327, %get3A_2330 : vector<16xf32>
      %get3A_2332 = arith.index_cast %rem3A_129 : i32 to index
      %get3A_2333 = arith.index_cast %add3A_2280 : i32 to index
      %get3A_2334 = arith.constant 96 : index
      %get3A_2335 = tpu.vector_load %arg13[%get3A_2332, %get3A_2333, %get3A_2334] {strides = array<i32>} : memref<2x128x128xf32, #tpu.memory_space<vmem>>, vector<16xf32>,
      %get3A_2336 = arith.index_cast %rem3A_2283 : i32 to index
      %get3A_2337 = arith.constant 96 : index
      %get3A_2338 = tpu.vector_load %arg9[%get3A_2336, %get3A_2337] {strides = array<i32>} : memref<200x128xf32, #tpu.memory_space<vmem>>, vector<16xf32>,
      %add3A_2339 = arith.addf %get3A_2335, %get3A_2338 : vector<16xf32>
      %get3A_2340 = arith.index_cast %rem3A_129 : i32 to index
      %get3A_2341 = arith.index_cast %add3A_2280 : i32 to index
      %get3A_2342 = arith.constant 112 : index
      %get3A_2343 = tpu.vector_load %arg13[%get3A_2340, %get3A_2341, %get3A_2342] {strides = array<i32>} : memref<2x128x128xf32, #tpu.memory_space<vmem>>, vector<16xf32>,
      %get3A_2344 = arith.index_cast %rem3A_2283 : i32 to index
      %get3A_2345 = arith.constant 112 : index
      %get3A_2346 = tpu.vector_load %arg9[%get3A_2344, %get3A_2345] {strides = array<i32>} : memref<200x128xf32, #tpu.memory_space<vmem>>, vector<16xf32>,
      %add3A_2347 = arith.addf %get3A_2343, %get3A_2346 : vector<16xf32>
      %add3A_2348 = arith.addf %add3A_2291, %add3A_2299 : vector<16xf32>
      %add3A_2349 = arith.addf %add3A_2307, %add3A_2315 : vector<16xf32>
      %add3A_2350 = arith.addf %add3A_2323, %add3A_2331 : vector<16xf32>
      %add3A_2351 = arith.addf %add3A_2339, %add3A_2347 : vector<16xf32>
      %add3A_2352 = arith.addf %add3A_2348, %add3A_2349 : vector<16xf32>
      %add3A_2353 = arith.addf %add3A_2350, %add3A_2351 : vector<16xf32>
      %add3A_2354 = arith.addf %add3A_2352, %add3A_2353 : vector<16xf32>
      %reduce_sum3A_2355 = arith.constant true
      %reduce_sum3A_2356 = vector.broadcast %reduce_sum3A_2355 : i1 to vector<16xi1>
      %reduce_sum3A_2357 = tpu.scan <sum>, %add3A_2354 masked %reduce_sum3A_2356 : vector<16xf32>, vector<16xi1> -> vector<16xf32>
      %reduce_sum3A_2358 = vector.extract %reduce_sum3A_2357[15] : f32 from vector<16xf32>
      %mul3A_2359 = arith.mulf %add3A_2291, %add3A_2291 : vector<16xf32>
      %mul3A_2360 = arith.mulf %add3A_2299, %add3A_2299 : vector<16xf32>
      %mul3A_2361 = arith.mulf %add3A_2307, %add3A_2307 : vector<16xf32>
      %mul3A_2362 = arith.mulf %add3A_2315, %add3A_2315 : vector<16xf32>
      %mul3A_2363 = arith.mulf %add3A_2323, %add3A_2323 : vector<16xf32>
      %mul3A_2364 = arith.mulf %add3A_2331, %add3A_2331 : vector<16xf32>
      %mul3A_2365 = arith.mulf %add3A_2339, %add3A_2339 : vector<16xf32>
      %mul3A_2366 = arith.mulf %add3A_2347, %add3A_2347 : vector<16xf32>
      %add3A_2367 = arith.addf %mul3A_2359, %mul3A_2360 : vector<16xf32>
      %add3A_2368 = arith.addf %mul3A_2361, %mul3A_2362 : vector<16xf32>
      %add3A_2369 = arith.addf %mul3A_2363, %mul3A_2364 : vector<16xf32>
      %add3A_2370 = arith.addf %mul3A_2365, %mul3A_2366 : vector<16xf32>
      %add3A_2371 = arith.addf %add3A_2367, %add3A_2368 : vector<16xf32>
      %add3A_2372 = arith.addf %add3A_2369, %add3A_2370 : vector<16xf32>
      %add3A_2373 = arith.addf %add3A_2371, %add3A_2372 : vector<16xf32>
      %reduce_sum3A_2374 = arith.constant true
      %reduce_sum3A_2375 = vector.broadcast %reduce_sum3A_2374 : i1 to vector<16xi1>
      %reduce_sum3A_2376 = tpu.scan <sum>, %add3A_2373 masked %reduce_sum3A_2375 : vector<16xf32>, vector<16xi1> -> vector<16xf32>
      %reduce_sum3A_2377 = vector.extract %reduce_sum3A_2376[15] : f32 from vector<16xf32>
      %mul3A_2378 = arith.constant 7.812500e-03 : f32
      %mul3A_2379 = arith.mulf %reduce_sum3A_2358, %mul3A_2378 : f32
      %mul3A_2380 = arith.constant 7.812500e-03 : f32
      %mul3A_2381 = arith.mulf %reduce_sum3A_2377, %mul3A_2380 : f32
      %mul3A_2382 = arith.mulf %mul3A_2379, %mul3A_2379 : f32
      %sub3A_2383 = arith.subf %mul3A_2381, %mul3A_2382 : f32
      %add3A_2384 = arith.constant 9.99999996E-13 : f32
      %add3A_2385 = arith.addf %sub3A_2383, %add3A_2384 : f32
      %bitcast_convert_type3A_2386 = arith.bitcast %add3A_2385 : f32 to i32
      %shift_right_logical3A_2387 = arith.constant 1 : i32
      %shift_right_logical3A_2388 = arith.shrui %bitcast_convert_type3A_2386, %shift_right_logical3A_2387 : i32
      %sub3A_2389 = arith.constant 1597463007 : i32
      %sub3A_2390 = arith.subi %sub3A_2389, %shift_right_logical3A_2388 : i32
      %bitcast_convert_type3A_2391 = arith.bitcast %sub3A_2390 : i32 to f32
      %mul3A_2392 = arith.constant 5.000000e-01 : f32
      %mul3A_2393 = arith.mulf %mul3A_2392, %add3A_2385 : f32
      %mul3A_2394 = arith.mulf %mul3A_2393, %bitcast_convert_type3A_2391 : f32
      %mul3A_2395 = arith.mulf %mul3A_2394, %bitcast_convert_type3A_2391 : f32
      %sub3A_2396 = arith.constant 1.500000e+00 : f32
      %sub3A_2397 = arith.subf %sub3A_2396, %mul3A_2395 : f32
      %mul3A_2398 = arith.mulf %bitcast_convert_type3A_2391, %sub3A_2397 : f32
      %mul3A_2399 = arith.constant 5.000000e-01 : f32
      %mul3A_2400 = arith.mulf %mul3A_2399, %add3A_2385 : f32
      %mul3A_2401 = arith.mulf %mul3A_2400, %mul3A_2398 : f32
      %mul3A_2402 = arith.mulf %mul3A_2401, %mul3A_2398 : f32
      %sub3A_2403 = arith.constant 1.500000e+00 : f32
      %sub3A_2404 = arith.subf %sub3A_2403, %mul3A_2402 : f32
      %mul3A_2405 = arith.mulf %mul3A_2398, %sub3A_2404 : f32
      %mul3A_2406 = arith.constant 5.000000e-01 : f32
      %mul3A_2407 = arith.mulf %mul3A_2406, %add3A_2385 : f32
      %mul3A_2408 = arith.mulf %mul3A_2407, %mul3A_2405 : f32
      %mul3A_2409 = arith.mulf %mul3A_2408, %mul3A_2405 : f32
      %sub3A_2410 = arith.constant 1.500000e+00 : f32
      %sub3A_2411 = arith.subf %sub3A_2410, %mul3A_2409 : f32
      %mul3A_2412 = arith.mulf %mul3A_2405, %sub3A_2411 : f32
      %sub3A_2413 = vector.broadcast %mul3A_2379 : f32 to vector<16xf32>
      %sub3A_2414 = arith.subf %add3A_2291, %sub3A_2413 : vector<16xf32>
      %mul3A_2415 = vector.broadcast %mul3A_2412 : f32 to vector<16xf32>
      %mul3A_2416 = arith.mulf %sub3A_2414, %mul3A_2415 : vector<16xf32>
      %mul3A_2417 = arith.mulf %mul3A_2416, %get3A_3 : vector<16xf32>
      %add3A_2418 = arith.addf %mul3A_2417, %get3A_19 : vector<16xf32>
      %swap3A_2419 = arith.index_cast %rem3A_129 : i32 to index
      %swap3A_2420 = arith.index_cast %add3A_2280 : i32 to index
      %swap3A_2421 = arith.constant 0 : index
      %swap3A_2422 = tpu.vector_load %arg14[%swap3A_2419, %swap3A_2420, %swap3A_2421] {strides = array<i32>} : memref<2x128x128xf32, #tpu.memory_space<vmem>>, vector<16xf32>,
      tpu.vector_store %arg14[%swap3A_2419, %swap3A_2420, %swap3A_2421], %add3A_2418 {strides = array<i32>} : memref<2x128x128xf32, #tpu.memory_space<vmem>>, vector<16xf32>,
      %sub3A_2423 = vector.broadcast %mul3A_2379 : f32 to vector<16xf32>
      %sub3A_2424 = arith.subf %add3A_2299, %sub3A_2423 : vector<16xf32>
      %mul3A_2425 = vector.broadcast %mul3A_2412 : f32 to vector<16xf32>
      %mul3A_2426 = arith.mulf %sub3A_2424, %mul3A_2425 : vector<16xf32>
      %mul3A_2427 = arith.mulf %mul3A_2426, %get3A_5 : vector<16xf32>
      %add3A_2428 = arith.addf %mul3A_2427, %get3A_21 : vector<16xf32>
      %swap3A_2429 = arith.index_cast %rem3A_129 : i32 to index
      %swap3A_2430 = arith.index_cast %add3A_2280 : i32 to index
      %swap3A_2431 = arith.constant 16 : index
      %swap3A_2432 = tpu.vector_load %arg14[%swap3A_2429, %swap3A_2430, %swap3A_2431] {strides = array<i32>} : memref<2x128x128xf32, #tpu.memory_space<vmem>>, vector<16xf32>,
      tpu.vector_store %arg14[%swap3A_2429, %swap3A_2430, %swap3A_2431], %add3A_2428 {strides = array<i32>} : memref<2x128x128xf32, #tpu.memory_space<vmem>>, vector<16xf32>,
      %sub3A_2433 = vector.broadcast %mul3A_2379 : f32 to vector<16xf32>
      %sub3A_2434 = arith.subf %add3A_2307, %sub3A_2433 : vector<16xf32>
      %mul3A_2435 = vector.broadcast %mul3A_2412 : f32 to vector<16xf32>
      %mul3A_2436 = arith.mulf %sub3A_2434, %mul3A_2435 : vector<16xf32>
      %mul3A_2437 = arith.mulf %mul3A_2436, %get3A_7 : vector<16xf32>
      %add3A_2438 = arith.addf %mul3A_2437, %get3A_23 : vector<16xf32>
      %swap3A_2439 = arith.index_cast %rem3A_129 : i32 to index
      %swap3A_2440 = arith.index_cast %add3A_2280 : i32 to index
      %swap3A_2441 = arith.constant 32 : index
      %swap3A_2442 = tpu.vector_load %arg14[%swap3A_2439, %swap3A_2440, %swap3A_2441] {strides = array<i32>} : memref<2x128x128xf32, #tpu.memory_space<vmem>>, vector<16xf32>,
      tpu.vector_store %arg14[%swap3A_2439, %swap3A_2440, %swap3A_2441], %add3A_2438 {strides = array<i32>} : memref<2x128x128xf32, #tpu.memory_space<vmem>>, vector<16xf32>,
      %sub3A_2443 = vector.broadcast %mul3A_2379 : f32 to vector<16xf32>
      %sub3A_2444 = arith.subf %add3A_2315, %sub3A_2443 : vector<16xf32>
      %mul3A_2445 = vector.broadcast %mul3A_2412 : f32 to vector<16xf32>
      %mul3A_2446 = arith.mulf %sub3A_2444, %mul3A_2445 : vector<16xf32>
      %mul3A_2447 = arith.mulf %mul3A_2446, %get3A_9 : vector<16xf32>
      %add3A_2448 = arith.addf %mul3A_2447, %get3A_25 : vector<16xf32>
      %swap3A_2449 = arith.index_cast %rem3A_129 : i32 to index
      %swap3A_2450 = arith.index_cast %add3A_2280 : i32 to index
      %swap3A_2451 = arith.constant 48 : index
      %swap3A_2452 = tpu.vector_load %arg14[%swap3A_2449, %swap3A_2450, %swap3A_2451] {strides = array<i32>} : memref<2x128x128xf32, #tpu.memory_space<vmem>>, vector<16xf32>,
      tpu.vector_store %arg14[%swap3A_2449, %swap3A_2450, %swap3A_2451], %add3A_2448 {strides = array<i32>} : memref<2x128x128xf32, #tpu.memory_space<vmem>>, vector<16xf32>,
      %sub3A_2453 = vector.broadcast %mul3A_2379 : f32 to vector<16xf32>
      %sub3A_2454 = arith.subf %add3A_2323, %sub3A_2453 : vector<16xf32>
      %mul3A_2455 = vector.broadcast %mul3A_2412 : f32 to vector<16xf32>
      %mul3A_2456 = arith.mulf %sub3A_2454, %mul3A_2455 : vector<16xf32>
      %mul3A_2457 = arith.mulf %mul3A_2456, %get3A_11 : vector<16xf32>
      %add3A_2458 = arith.addf %mul3A_2457, %get3A_27 : vector<16xf32>
      %swap3A_2459 = arith.index_cast %rem3A_129 : i32 to index
      %swap3A_2460 = arith.index_cast %add3A_2280 : i32 to index
      %swap3A_2461 = arith.constant 64 : index
      %swap3A_2462 = tpu.vector_load %arg14[%swap3A_2459, %swap3A_2460, %swap3A_2461] {strides = array<i32>} : memref<2x128x128xf32, #tpu.memory_space<vmem>>, vector<16xf32>,
      tpu.vector_store %arg14[%swap3A_2459, %swap3A_2460, %swap3A_2461], %add3A_2458 {strides = array<i32>} : memref<2x128x128xf32, #tpu.memory_space<vmem>>, vector<16xf32>,
      %sub3A_2463 = vector.broadcast %mul3A_2379 : f32 to vector<16xf32>
      %sub3A_2464 = arith.subf %add3A_2331, %sub3A_2463 : vector<16xf32>
      %mul3A_2465 = vector.broadcast %mul3A_2412 : f32 to vector<16xf32>
      %mul3A_2466 = arith.mulf %sub3A_2464, %mul3A_2465 : vector<16xf32>
      %mul3A_2467 = arith.mulf %mul3A_2466, %get3A_13 : vector<16xf32>
      %add3A_2468 = arith.addf %mul3A_2467, %get3A_29 : vector<16xf32>
      %swap3A_2469 = arith.index_cast %rem3A_129 : i32 to index
      %swap3A_2470 = arith.index_cast %add3A_2280 : i32 to index
      %swap3A_2471 = arith.constant 80 : index
      %swap3A_2472 = tpu.vector_load %arg14[%swap3A_2469, %swap3A_2470, %swap3A_2471] {strides = array<i32>} : memref<2x128x128xf32, #tpu.memory_space<vmem>>, vector<16xf32>,
      tpu.vector_store %arg14[%swap3A_2469, %swap3A_2470, %swap3A_2471], %add3A_2468 {strides = array<i32>} : memref<2x128x128xf32, #tpu.memory_space<vmem>>, vector<16xf32>,
      %sub3A_2473 = vector.broadcast %mul3A_2379 : f32 to vector<16xf32>
      %sub3A_2474 = arith.subf %add3A_2339, %sub3A_2473 : vector<16xf32>
      %mul3A_2475 = vector.broadcast %mul3A_2412 : f32 to vector<16xf32>
      %mul3A_2476 = arith.mulf %sub3A_2474, %mul3A_2475 : vector<16xf32>
      %mul3A_2477 = arith.mulf %mul3A_2476, %get3A_15 : vector<16xf32>
      %add3A_2478 = arith.addf %mul3A_2477, %get3A_31 : vector<16xf32>
      %swap3A_2479 = arith.index_cast %rem3A_129 : i32 to index
      %swap3A_2480 = arith.index_cast %add3A_2280 : i32 to index
      %swap3A_2481 = arith.constant 96 : index
      %swap3A_2482 = tpu.vector_load %arg14[%swap3A_2479, %swap3A_2480, %swap3A_2481] {strides = array<i32>} : memref<2x128x128xf32, #tpu.memory_space<vmem>>, vector<16xf32>,
      tpu.vector_store %arg14[%swap3A_2479, %swap3A_2480, %swap3A_2481], %add3A_2478 {strides = array<i32>} : memref<2x128x128xf32, #tpu.memory_space<vmem>>, vector<16xf32>,
      %sub3A_2483 = vector.broadcast %mul3A_2379 : f32 to vector<16xf32>
      %sub3A_2484 = arith.subf %add3A_2347, %sub3A_2483 : vector<16xf32>
      %mul3A_2485 = vector.broadcast %mul3A_2412 : f32 to vector<16xf32>
      %mul3A_2486 = arith.mulf %sub3A_2484, %mul3A_2485 : vector<16xf32>
      %mul3A_2487 = arith.mulf %mul3A_2486, %get3A_17 : vector<16xf32>
      %add3A_2488 = arith.addf %mul3A_2487, %get3A_33 : vector<16xf32>
      %swap3A_2489 = arith.index_cast %rem3A_129 : i32 to index
      %swap3A_2490 = arith.index_cast %add3A_2280 : i32 to index
      %swap3A_2491 = arith.constant 112 : index
      %swap3A_2492 = tpu.vector_load %arg14[%swap3A_2489, %swap3A_2490, %swap3A_2491] {strides = array<i32>} : memref<2x128x128xf32, #tpu.memory_space<vmem>>, vector<16xf32>,
      tpu.vector_store %arg14[%swap3A_2489, %swap3A_2490, %swap3A_2491], %add3A_2488 {strides = array<i32>} : memref<2x128x128xf32, #tpu.memory_space<vmem>>, vector<16xf32>,
      %add3A_2493 = arith.constant 11 : i32
      %add3A_2494 = arith.addi %mul3A_142, %add3A_2493 : i32
      %add3A_2495 = arith.addi %mul3A_131, %add3A_2494 : i32
      %rem3A_2496 = arith.constant 200 : i32
      %rem3A_2497 = arith.remsi %add3A_2495, %rem3A_2496 : i32
      %get3A_2498 = arith.index_cast %rem3A_129 : i32 to index
      %get3A_2499 = arith.index_cast %add3A_2494 : i32 to index
      %get3A_2500 = arith.constant 0 : index
      %get3A_2501 = tpu.vector_load %arg13[%get3A_2498, %get3A_2499, %get3A_2500] {strides = array<i32>} : memref<2x128x128xf32, #tpu.memory_space<vmem>>, vector<16xf32>,
      %get3A_2502 = arith.index_cast %rem3A_2497 : i32 to index
      %get3A_2503 = arith.constant 0 : index
      %get3A_2504 = tpu.vector_load %arg9[%get3A_2502, %get3A_2503] {strides = array<i32>} : memref<200x128xf32, #tpu.memory_space<vmem>>, vector<16xf32>,
      %add3A_2505 = arith.addf %get3A_2501, %get3A_2504 : vector<16xf32>
      %get3A_2506 = arith.index_cast %rem3A_129 : i32 to index
      %get3A_2507 = arith.index_cast %add3A_2494 : i32 to index
      %get3A_2508 = arith.constant 16 : index
      %get3A_2509 = tpu.vector_load %arg13[%get3A_2506, %get3A_2507, %get3A_2508] {strides = array<i32>} : memref<2x128x128xf32, #tpu.memory_space<vmem>>, vector<16xf32>,
      %get3A_2510 = arith.index_cast %rem3A_2497 : i32 to index
      %get3A_2511 = arith.constant 16 : index
      %get3A_2512 = tpu.vector_load %arg9[%get3A_2510, %get3A_2511] {strides = array<i32>} : memref<200x128xf32, #tpu.memory_space<vmem>>, vector<16xf32>,
      %add3A_2513 = arith.addf %get3A_2509, %get3A_2512 : vector<16xf32>
      %get3A_2514 = arith.index_cast %rem3A_129 : i32 to index
      %get3A_2515 = arith.index_cast %add3A_2494 : i32 to index
      %get3A_2516 = arith.constant 32 : index
      %get3A_2517 = tpu.vector_load %arg13[%get3A_2514, %get3A_2515, %get3A_2516] {strides = array<i32>} : memref<2x128x128xf32, #tpu.memory_space<vmem>>, vector<16xf32>,
      %get3A_2518 = arith.index_cast %rem3A_2497 : i32 to index
      %get3A_2519 = arith.constant 32 : index
      %get3A_2520 = tpu.vector_load %arg9[%get3A_2518, %get3A_2519] {strides = array<i32>} : memref<200x128xf32, #tpu.memory_space<vmem>>, vector<16xf32>,
      %add3A_2521 = arith.addf %get3A_2517, %get3A_2520 : vector<16xf32>
      %get3A_2522 = arith.index_cast %rem3A_129 : i32 to index
      %get3A_2523 = arith.index_cast %add3A_2494 : i32 to index
      %get3A_2524 = arith.constant 48 : index
      %get3A_2525 = tpu.vector_load %arg13[%get3A_2522, %get3A_2523, %get3A_2524] {strides = array<i32>} : memref<2x128x128xf32, #tpu.memory_space<vmem>>, vector<16xf32>,
      %get3A_2526 = arith.index_cast %rem3A_2497 : i32 to index
      %get3A_2527 = arith.constant 48 : index
      %get3A_2528 = tpu.vector_load %arg9[%get3A_2526, %get3A_2527] {strides = array<i32>} : memref<200x128xf32, #tpu.memory_space<vmem>>, vector<16xf32>,
      %add3A_2529 = arith.addf %get3A_2525, %get3A_2528 : vector<16xf32>
      %get3A_2530 = arith.index_cast %rem3A_129 : i32 to index
      %get3A_2531 = arith.index_cast %add3A_2494 : i32 to index
      %get3A_2532 = arith.constant 64 : index
      %get3A_2533 = tpu.vector_load %arg13[%get3A_2530, %get3A_2531, %get3A_2532] {strides = array<i32>} : memref<2x128x128xf32, #tpu.memory_space<vmem>>, vector<16xf32>,
      %get3A_2534 = arith.index_cast %rem3A_2497 : i32 to index
      %get3A_2535 = arith.constant 64 : index
      %get3A_2536 = tpu.vector_load %arg9[%get3A_2534, %get3A_2535] {strides = array<i32>} : memref<200x128xf32, #tpu.memory_space<vmem>>, vector<16xf32>,
      %add3A_2537 = arith.addf %get3A_2533, %get3A_2536 : vector<16xf32>
      %get3A_2538 = arith.index_cast %rem3A_129 : i32 to index
      %get3A_2539 = arith.index_cast %add3A_2494 : i32 to index
      %get3A_2540 = arith.constant 80 : index
      %get3A_2541 = tpu.vector_load %arg13[%get3A_2538, %get3A_2539, %get3A_2540] {strides = array<i32>} : memref<2x128x128xf32, #tpu.memory_space<vmem>>, vector<16xf32>,
      %get3A_2542 = arith.index_cast %rem3A_2497 : i32 to index
      %get3A_2543 = arith.constant 80 : index
      %get3A_2544 = tpu.vector_load %arg9[%get3A_2542, %get3A_2543] {strides = array<i32>} : memref<200x128xf32, #tpu.memory_space<vmem>>, vector<16xf32>,
      %add3A_2545 = arith.addf %get3A_2541, %get3A_2544 : vector<16xf32>
      %get3A_2546 = arith.index_cast %rem3A_129 : i32 to index
      %get3A_2547 = arith.index_cast %add3A_2494 : i32 to index
      %get3A_2548 = arith.constant 96 : index
      %get3A_2549 = tpu.vector_load %arg13[%get3A_2546, %get3A_2547, %get3A_2548] {strides = array<i32>} : memref<2x128x128xf32, #tpu.memory_space<vmem>>, vector<16xf32>,
      %get3A_2550 = arith.index_cast %rem3A_2497 : i32 to index
      %get3A_2551 = arith.constant 96 : index
      %get3A_2552 = tpu.vector_load %arg9[%get3A_2550, %get3A_2551] {strides = array<i32>} : memref<200x128xf32, #tpu.memory_space<vmem>>, vector<16xf32>,
      %add3A_2553 = arith.addf %get3A_2549, %get3A_2552 : vector<16xf32>
      %get3A_2554 = arith.index_cast %rem3A_129 : i32 to index
      %get3A_2555 = arith.index_cast %add3A_2494 : i32 to index
      %get3A_2556 = arith.constant 112 : index
      %get3A_2557 = tpu.vector_load %arg13[%get3A_2554, %get3A_2555, %get3A_2556] {strides = array<i32>} : memref<2x128x128xf32, #tpu.memory_space<vmem>>, vector<16xf32>,
      %get3A_2558 = arith.index_cast %rem3A_2497 : i32 to index
      %get3A_2559 = arith.constant 112 : index
      %get3A_2560 = tpu.vector_load %arg9[%get3A_2558, %get3A_2559] {strides = array<i32>} : memref<200x128xf32, #tpu.memory_space<vmem>>, vector<16xf32>,
      %add3A_2561 = arith.addf %get3A_2557, %get3A_2560 : vector<16xf32>
      %add3A_2562 = arith.addf %add3A_2505, %add3A_2513 : vector<16xf32>
      %add3A_2563 = arith.addf %add3A_2521, %add3A_2529 : vector<16xf32>
      %add3A_2564 = arith.addf %add3A_2537, %add3A_2545 : vector<16xf32>
      %add3A_2565 = arith.addf %add3A_2553, %add3A_2561 : vector<16xf32>
      %add3A_2566 = arith.addf %add3A_2562, %add3A_2563 : vector<16xf32>
      %add3A_2567 = arith.addf %add3A_2564, %add3A_2565 : vector<16xf32>
      %add3A_2568 = arith.addf %add3A_2566, %add3A_2567 : vector<16xf32>
      %reduce_sum3A_2569 = arith.constant true
      %reduce_sum3A_2570 = vector.broadcast %reduce_sum3A_2569 : i1 to vector<16xi1>
      %reduce_sum3A_2571 = tpu.scan <sum>, %add3A_2568 masked %reduce_sum3A_2570 : vector<16xf32>, vector<16xi1> -> vector<16xf32>
      %reduce_sum3A_2572 = vector.extract %reduce_sum3A_2571[15] : f32 from vector<16xf32>
      %mul3A_2573 = arith.mulf %add3A_2505, %add3A_2505 : vector<16xf32>
      %mul3A_2574 = arith.mulf %add3A_2513, %add3A_2513 : vector<16xf32>
      %mul3A_2575 = arith.mulf %add3A_2521, %add3A_2521 : vector<16xf32>
      %mul3A_2576 = arith.mulf %add3A_2529, %add3A_2529 : vector<16xf32>
      %mul3A_2577 = arith.mulf %add3A_2537, %add3A_2537 : vector<16xf32>
      %mul3A_2578 = arith.mulf %add3A_2545, %add3A_2545 : vector<16xf32>
      %mul3A_2579 = arith.mulf %add3A_2553, %add3A_2553 : vector<16xf32>
      %mul3A_2580 = arith.mulf %add3A_2561, %add3A_2561 : vector<16xf32>
      %add3A_2581 = arith.addf %mul3A_2573, %mul3A_2574 : vector<16xf32>
      %add3A_2582 = arith.addf %mul3A_2575, %mul3A_2576 : vector<16xf32>
      %add3A_2583 = arith.addf %mul3A_2577, %mul3A_2578 : vector<16xf32>
      %add3A_2584 = arith.addf %mul3A_2579, %mul3A_2580 : vector<16xf32>
      %add3A_2585 = arith.addf %add3A_2581, %add3A_2582 : vector<16xf32>
      %add3A_2586 = arith.addf %add3A_2583, %add3A_2584 : vector<16xf32>
      %add3A_2587 = arith.addf %add3A_2585, %add3A_2586 : vector<16xf32>
      %reduce_sum3A_2588 = arith.constant true
      %reduce_sum3A_2589 = vector.broadcast %reduce_sum3A_2588 : i1 to vector<16xi1>
      %reduce_sum3A_2590 = tpu.scan <sum>, %add3A_2587 masked %reduce_sum3A_2589 : vector<16xf32>, vector<16xi1> -> vector<16xf32>
      %reduce_sum3A_2591 = vector.extract %reduce_sum3A_2590[15] : f32 from vector<16xf32>
      %mul3A_2592 = arith.constant 7.812500e-03 : f32
      %mul3A_2593 = arith.mulf %reduce_sum3A_2572, %mul3A_2592 : f32
      %mul3A_2594 = arith.constant 7.812500e-03 : f32
      %mul3A_2595 = arith.mulf %reduce_sum3A_2591, %mul3A_2594 : f32
      %mul3A_2596 = arith.mulf %mul3A_2593, %mul3A_2593 : f32
      %sub3A_2597 = arith.subf %mul3A_2595, %mul3A_2596 : f32
      %add3A_2598 = arith.constant 9.99999996E-13 : f32
      %add3A_2599 = arith.addf %sub3A_2597, %add3A_2598 : f32
      %bitcast_convert_type3A_2600 = arith.bitcast %add3A_2599 : f32 to i32
      %shift_right_logical3A_2601 = arith.constant 1 : i32
      %shift_right_logical3A_2602 = arith.shrui %bitcast_convert_type3A_2600, %shift_right_logical3A_2601 : i32
      %sub3A_2603 = arith.constant 1597463007 : i32
      %sub3A_2604 = arith.subi %sub3A_2603, %shift_right_logical3A_2602 : i32
      %bitcast_convert_type3A_2605 = arith.bitcast %sub3A_2604 : i32 to f32
      %mul3A_2606 = arith.constant 5.000000e-01 : f32
      %mul3A_2607 = arith.mulf %mul3A_2606, %add3A_2599 : f32
      %mul3A_2608 = arith.mulf %mul3A_2607, %bitcast_convert_type3A_2605 : f32
      %mul3A_2609 = arith.mulf %mul3A_2608, %bitcast_convert_type3A_2605 : f32
      %sub3A_2610 = arith.constant 1.500000e+00 : f32
      %sub3A_2611 = arith.subf %sub3A_2610, %mul3A_2609 : f32
      %mul3A_2612 = arith.mulf %bitcast_convert_type3A_2605, %sub3A_2611 : f32
      %mul3A_2613 = arith.constant 5.000000e-01 : f32
      %mul3A_2614 = arith.mulf %mul3A_2613, %add3A_2599 : f32
      %mul3A_2615 = arith.mulf %mul3A_2614, %mul3A_2612 : f32
      %mul3A_2616 = arith.mulf %mul3A_2615, %mul3A_2612 : f32
      %sub3A_2617 = arith.constant 1.500000e+00 : f32
      %sub3A_2618 = arith.subf %sub3A_2617, %mul3A_2616 : f32
      %mul3A_2619 = arith.mulf %mul3A_2612, %sub3A_2618 : f32
      %mul3A_2620 = arith.constant 5.000000e-01 : f32
      %mul3A_2621 = arith.mulf %mul3A_2620, %add3A_2599 : f32
      %mul3A_2622 = arith.mulf %mul3A_2621, %mul3A_2619 : f32
      %mul3A_2623 = arith.mulf %mul3A_2622, %mul3A_2619 : f32
      %sub3A_2624 = arith.constant 1.500000e+00 : f32
      %sub3A_2625 = arith.subf %sub3A_2624, %mul3A_2623 : f32
      %mul3A_2626 = arith.mulf %mul3A_2619, %sub3A_2625 : f32
      %sub3A_2627 = vector.broadcast %mul3A_2593 : f32 to vector<16xf32>
      %sub3A_2628 = arith.subf %add3A_2505, %sub3A_2627 : vector<16xf32>
      %mul3A_2629 = vector.broadcast %mul3A_2626 : f32 to vector<16xf32>
      %mul3A_2630 = arith.mulf %sub3A_2628, %mul3A_2629 : vector<16xf32>
      %mul3A_2631 = arith.mulf %mul3A_2630, %get3A_3 : vector<16xf32>
      %add3A_2632 = arith.addf %mul3A_2631, %get3A_19 : vector<16xf32>
      %swap3A_2633 = arith.index_cast %rem3A_129 : i32 to index
      %swap3A_2634 = arith.index_cast %add3A_2494 : i32 to index
      %swap3A_2635 = arith.constant 0 : index
      %swap3A_2636 = tpu.vector_load %arg14[%swap3A_2633, %swap3A_2634, %swap3A_2635] {strides = array<i32>} : memref<2x128x128xf32, #tpu.memory_space<vmem>>, vector<16xf32>,
      tpu.vector_store %arg14[%swap3A_2633, %swap3A_2634, %swap3A_2635], %add3A_2632 {strides = array<i32>} : memref<2x128x128xf32, #tpu.memory_space<vmem>>, vector<16xf32>,
      %sub3A_2637 = vector.broadcast %mul3A_2593 : f32 to vector<16xf32>
      %sub3A_2638 = arith.subf %add3A_2513, %sub3A_2637 : vector<16xf32>
      %mul3A_2639 = vector.broadcast %mul3A_2626 : f32 to vector<16xf32>
      %mul3A_2640 = arith.mulf %sub3A_2638, %mul3A_2639 : vector<16xf32>
      %mul3A_2641 = arith.mulf %mul3A_2640, %get3A_5 : vector<16xf32>
      %add3A_2642 = arith.addf %mul3A_2641, %get3A_21 : vector<16xf32>
      %swap3A_2643 = arith.index_cast %rem3A_129 : i32 to index
      %swap3A_2644 = arith.index_cast %add3A_2494 : i32 to index
      %swap3A_2645 = arith.constant 16 : index
      %swap3A_2646 = tpu.vector_load %arg14[%swap3A_2643, %swap3A_2644, %swap3A_2645] {strides = array<i32>} : memref<2x128x128xf32, #tpu.memory_space<vmem>>, vector<16xf32>,
      tpu.vector_store %arg14[%swap3A_2643, %swap3A_2644, %swap3A_2645], %add3A_2642 {strides = array<i32>} : memref<2x128x128xf32, #tpu.memory_space<vmem>>, vector<16xf32>,
      %sub3A_2647 = vector.broadcast %mul3A_2593 : f32 to vector<16xf32>
      %sub3A_2648 = arith.subf %add3A_2521, %sub3A_2647 : vector<16xf32>
      %mul3A_2649 = vector.broadcast %mul3A_2626 : f32 to vector<16xf32>
      %mul3A_2650 = arith.mulf %sub3A_2648, %mul3A_2649 : vector<16xf32>
      %mul3A_2651 = arith.mulf %mul3A_2650, %get3A_7 : vector<16xf32>
      %add3A_2652 = arith.addf %mul3A_2651, %get3A_23 : vector<16xf32>
      %swap3A_2653 = arith.index_cast %rem3A_129 : i32 to index
      %swap3A_2654 = arith.index_cast %add3A_2494 : i32 to index
      %swap3A_2655 = arith.constant 32 : index
      %swap3A_2656 = tpu.vector_load %arg14[%swap3A_2653, %swap3A_2654, %swap3A_2655] {strides = array<i32>} : memref<2x128x128xf32, #tpu.memory_space<vmem>>, vector<16xf32>,
      tpu.vector_store %arg14[%swap3A_2653, %swap3A_2654, %swap3A_2655], %add3A_2652 {strides = array<i32>} : memref<2x128x128xf32, #tpu.memory_space<vmem>>, vector<16xf32>,
      %sub3A_2657 = vector.broadcast %mul3A_2593 : f32 to vector<16xf32>
      %sub3A_2658 = arith.subf %add3A_2529, %sub3A_2657 : vector<16xf32>
      %mul3A_2659 = vector.broadcast %mul3A_2626 : f32 to vector<16xf32>
      %mul3A_2660 = arith.mulf %sub3A_2658, %mul3A_2659 : vector<16xf32>
      %mul3A_2661 = arith.mulf %mul3A_2660, %get3A_9 : vector<16xf32>
      %add3A_2662 = arith.addf %mul3A_2661, %get3A_25 : vector<16xf32>
      %swap3A_2663 = arith.index_cast %rem3A_129 : i32 to index
      %swap3A_2664 = arith.index_cast %add3A_2494 : i32 to index
      %swap3A_2665 = arith.constant 48 : index
      %swap3A_2666 = tpu.vector_load %arg14[%swap3A_2663, %swap3A_2664, %swap3A_2665] {strides = array<i32>} : memref<2x128x128xf32, #tpu.memory_space<vmem>>, vector<16xf32>,
      tpu.vector_store %arg14[%swap3A_2663, %swap3A_2664, %swap3A_2665], %add3A_2662 {strides = array<i32>} : memref<2x128x128xf32, #tpu.memory_space<vmem>>, vector<16xf32>,
      %sub3A_2667 = vector.broadcast %mul3A_2593 : f32 to vector<16xf32>
      %sub3A_2668 = arith.subf %add3A_2537, %sub3A_2667 : vector<16xf32>
      %mul3A_2669 = vector.broadcast %mul3A_2626 : f32 to vector<16xf32>
      %mul3A_2670 = arith.mulf %sub3A_2668, %mul3A_2669 : vector<16xf32>
      %mul3A_2671 = arith.mulf %mul3A_2670, %get3A_11 : vector<16xf32>
      %add3A_2672 = arith.addf %mul3A_2671, %get3A_27 : vector<16xf32>
      %swap3A_2673 = arith.index_cast %rem3A_129 : i32 to index
      %swap3A_2674 = arith.index_cast %add3A_2494 : i32 to index
      %swap3A_2675 = arith.constant 64 : index
      %swap3A_2676 = tpu.vector_load %arg14[%swap3A_2673, %swap3A_2674, %swap3A_2675] {strides = array<i32>} : memref<2x128x128xf32, #tpu.memory_space<vmem>>, vector<16xf32>,
      tpu.vector_store %arg14[%swap3A_2673, %swap3A_2674, %swap3A_2675], %add3A_2672 {strides = array<i32>} : memref<2x128x128xf32, #tpu.memory_space<vmem>>, vector<16xf32>,
      %sub3A_2677 = vector.broadcast %mul3A_2593 : f32 to vector<16xf32>
      %sub3A_2678 = arith.subf %add3A_2545, %sub3A_2677 : vector<16xf32>
      %mul3A_2679 = vector.broadcast %mul3A_2626 : f32 to vector<16xf32>
      %mul3A_2680 = arith.mulf %sub3A_2678, %mul3A_2679 : vector<16xf32>
      %mul3A_2681 = arith.mulf %mul3A_2680, %get3A_13 : vector<16xf32>
      %add3A_2682 = arith.addf %mul3A_2681, %get3A_29 : vector<16xf32>
      %swap3A_2683 = arith.index_cast %rem3A_129 : i32 to index
      %swap3A_2684 = arith.index_cast %add3A_2494 : i32 to index
      %swap3A_2685 = arith.constant 80 : index
      %swap3A_2686 = tpu.vector_load %arg14[%swap3A_2683, %swap3A_2684, %swap3A_2685] {strides = array<i32>} : memref<2x128x128xf32, #tpu.memory_space<vmem>>, vector<16xf32>,
      tpu.vector_store %arg14[%swap3A_2683, %swap3A_2684, %swap3A_2685], %add3A_2682 {strides = array<i32>} : memref<2x128x128xf32, #tpu.memory_space<vmem>>, vector<16xf32>,
      %sub3A_2687 = vector.broadcast %mul3A_2593 : f32 to vector<16xf32>
      %sub3A_2688 = arith.subf %add3A_2553, %sub3A_2687 : vector<16xf32>
      %mul3A_2689 = vector.broadcast %mul3A_2626 : f32 to vector<16xf32>
      %mul3A_2690 = arith.mulf %sub3A_2688, %mul3A_2689 : vector<16xf32>
      %mul3A_2691 = arith.mulf %mul3A_2690, %get3A_15 : vector<16xf32>
      %add3A_2692 = arith.addf %mul3A_2691, %get3A_31 : vector<16xf32>
      %swap3A_2693 = arith.index_cast %rem3A_129 : i32 to index
      %swap3A_2694 = arith.index_cast %add3A_2494 : i32 to index
      %swap3A_2695 = arith.constant 96 : index
      %swap3A_2696 = tpu.vector_load %arg14[%swap3A_2693, %swap3A_2694, %swap3A_2695] {strides = array<i32>} : memref<2x128x128xf32, #tpu.memory_space<vmem>>, vector<16xf32>,
      tpu.vector_store %arg14[%swap3A_2693, %swap3A_2694, %swap3A_2695], %add3A_2692 {strides = array<i32>} : memref<2x128x128xf32, #tpu.memory_space<vmem>>, vector<16xf32>,
      %sub3A_2697 = vector.broadcast %mul3A_2593 : f32 to vector<16xf32>
      %sub3A_2698 = arith.subf %add3A_2561, %sub3A_2697 : vector<16xf32>
      %mul3A_2699 = vector.broadcast %mul3A_2626 : f32 to vector<16xf32>
      %mul3A_2700 = arith.mulf %sub3A_2698, %mul3A_2699 : vector<16xf32>
      %mul3A_2701 = arith.mulf %mul3A_2700, %get3A_17 : vector<16xf32>
      %add3A_2702 = arith.addf %mul3A_2701, %get3A_33 : vector<16xf32>
      %swap3A_2703 = arith.index_cast %rem3A_129 : i32 to index
      %swap3A_2704 = arith.index_cast %add3A_2494 : i32 to index
      %swap3A_2705 = arith.constant 112 : index
      %swap3A_2706 = tpu.vector_load %arg14[%swap3A_2703, %swap3A_2704, %swap3A_2705] {strides = array<i32>} : memref<2x128x128xf32, #tpu.memory_space<vmem>>, vector<16xf32>,
      tpu.vector_store %arg14[%swap3A_2703, %swap3A_2704, %swap3A_2705], %add3A_2702 {strides = array<i32>} : memref<2x128x128xf32, #tpu.memory_space<vmem>>, vector<16xf32>,
      %add3A_2707 = arith.constant 12 : i32
      %add3A_2708 = arith.addi %mul3A_142, %add3A_2707 : i32
      %add3A_2709 = arith.addi %mul3A_131, %add3A_2708 : i32
      %rem3A_2710 = arith.constant 200 : i32
      %rem3A_2711 = arith.remsi %add3A_2709, %rem3A_2710 : i32
      %get3A_2712 = arith.index_cast %rem3A_129 : i32 to index
      %get3A_2713 = arith.index_cast %add3A_2708 : i32 to index
      %get3A_2714 = arith.constant 0 : index
      %get3A_2715 = tpu.vector_load %arg13[%get3A_2712, %get3A_2713, %get3A_2714] {strides = array<i32>} : memref<2x128x128xf32, #tpu.memory_space<vmem>>, vector<16xf32>,
      %get3A_2716 = arith.index_cast %rem3A_2711 : i32 to index
      %get3A_2717 = arith.constant 0 : index
      %get3A_2718 = tpu.vector_load %arg9[%get3A_2716, %get3A_2717] {strides = array<i32>} : memref<200x128xf32, #tpu.memory_space<vmem>>, vector<16xf32>,
      %add3A_2719 = arith.addf %get3A_2715, %get3A_2718 : vector<16xf32>
      %get3A_2720 = arith.index_cast %rem3A_129 : i32 to index
      %get3A_2721 = arith.index_cast %add3A_2708 : i32 to index
      %get3A_2722 = arith.constant 16 : index
      %get3A_2723 = tpu.vector_load %arg13[%get3A_2720, %get3A_2721, %get3A_2722] {strides = array<i32>} : memref<2x128x128xf32, #tpu.memory_space<vmem>>, vector<16xf32>,
      %get3A_2724 = arith.index_cast %rem3A_2711 : i32 to index
      %get3A_2725 = arith.constant 16 : index
      %get3A_2726 = tpu.vector_load %arg9[%get3A_2724, %get3A_2725] {strides = array<i32>} : memref<200x128xf32, #tpu.memory_space<vmem>>, vector<16xf32>,
      %add3A_2727 = arith.addf %get3A_2723, %get3A_2726 : vector<16xf32>
      %get3A_2728 = arith.index_cast %rem3A_129 : i32 to index
      %get3A_2729 = arith.index_cast %add3A_2708 : i32 to index
      %get3A_2730 = arith.constant 32 : index
      %get3A_2731 = tpu.vector_load %arg13[%get3A_2728, %get3A_2729, %get3A_2730] {strides = array<i32>} : memref<2x128x128xf32, #tpu.memory_space<vmem>>, vector<16xf32>,
      %get3A_2732 = arith.index_cast %rem3A_2711 : i32 to index
      %get3A_2733 = arith.constant 32 : index
      %get3A_2734 = tpu.vector_load %arg9[%get3A_2732, %get3A_2733] {strides = array<i32>} : memref<200x128xf32, #tpu.memory_space<vmem>>, vector<16xf32>,
      %add3A_2735 = arith.addf %get3A_2731, %get3A_2734 : vector<16xf32>
      %get3A_2736 = arith.index_cast %rem3A_129 : i32 to index
      %get3A_2737 = arith.index_cast %add3A_2708 : i32 to index
      %get3A_2738 = arith.constant 48 : index
      %get3A_2739 = tpu.vector_load %arg13[%get3A_2736, %get3A_2737, %get3A_2738] {strides = array<i32>} : memref<2x128x128xf32, #tpu.memory_space<vmem>>, vector<16xf32>,
      %get3A_2740 = arith.index_cast %rem3A_2711 : i32 to index
      %get3A_2741 = arith.constant 48 : index
      %get3A_2742 = tpu.vector_load %arg9[%get3A_2740, %get3A_2741] {strides = array<i32>} : memref<200x128xf32, #tpu.memory_space<vmem>>, vector<16xf32>,
      %add3A_2743 = arith.addf %get3A_2739, %get3A_2742 : vector<16xf32>
      %get3A_2744 = arith.index_cast %rem3A_129 : i32 to index
      %get3A_2745 = arith.index_cast %add3A_2708 : i32 to index
      %get3A_2746 = arith.constant 64 : index
      %get3A_2747 = tpu.vector_load %arg13[%get3A_2744, %get3A_2745, %get3A_2746] {strides = array<i32>} : memref<2x128x128xf32, #tpu.memory_space<vmem>>, vector<16xf32>,
      %get3A_2748 = arith.index_cast %rem3A_2711 : i32 to index
      %get3A_2749 = arith.constant 64 : index
      %get3A_2750 = tpu.vector_load %arg9[%get3A_2748, %get3A_2749] {strides = array<i32>} : memref<200x128xf32, #tpu.memory_space<vmem>>, vector<16xf32>,
      %add3A_2751 = arith.addf %get3A_2747, %get3A_2750 : vector<16xf32>
      %get3A_2752 = arith.index_cast %rem3A_129 : i32 to index
      %get3A_2753 = arith.index_cast %add3A_2708 : i32 to index
      %get3A_2754 = arith.constant 80 : index
      %get3A_2755 = tpu.vector_load %arg13[%get3A_2752, %get3A_2753, %get3A_2754] {strides = array<i32>} : memref<2x128x128xf32, #tpu.memory_space<vmem>>, vector<16xf32>,
      %get3A_2756 = arith.index_cast %rem3A_2711 : i32 to index
      %get3A_2757 = arith.constant 80 : index
      %get3A_2758 = tpu.vector_load %arg9[%get3A_2756, %get3A_2757] {strides = array<i32>} : memref<200x128xf32, #tpu.memory_space<vmem>>, vector<16xf32>,
      %add3A_2759 = arith.addf %get3A_2755, %get3A_2758 : vector<16xf32>
      %get3A_2760 = arith.index_cast %rem3A_129 : i32 to index
      %get3A_2761 = arith.index_cast %add3A_2708 : i32 to index
      %get3A_2762 = arith.constant 96 : index
      %get3A_2763 = tpu.vector_load %arg13[%get3A_2760, %get3A_2761, %get3A_2762] {strides = array<i32>} : memref<2x128x128xf32, #tpu.memory_space<vmem>>, vector<16xf32>,
      %get3A_2764 = arith.index_cast %rem3A_2711 : i32 to index
      %get3A_2765 = arith.constant 96 : index
      %get3A_2766 = tpu.vector_load %arg9[%get3A_2764, %get3A_2765] {strides = array<i32>} : memref<200x128xf32, #tpu.memory_space<vmem>>, vector<16xf32>,
      %add3A_2767 = arith.addf %get3A_2763, %get3A_2766 : vector<16xf32>
      %get3A_2768 = arith.index_cast %rem3A_129 : i32 to index
      %get3A_2769 = arith.index_cast %add3A_2708 : i32 to index
      %get3A_2770 = arith.constant 112 : index
      %get3A_2771 = tpu.vector_load %arg13[%get3A_2768, %get3A_2769, %get3A_2770] {strides = array<i32>} : memref<2x128x128xf32, #tpu.memory_space<vmem>>, vector<16xf32>,
      %get3A_2772 = arith.index_cast %rem3A_2711 : i32 to index
      %get3A_2773 = arith.constant 112 : index
      %get3A_2774 = tpu.vector_load %arg9[%get3A_2772, %get3A_2773] {strides = array<i32>} : memref<200x128xf32, #tpu.memory_space<vmem>>, vector<16xf32>,
      %add3A_2775 = arith.addf %get3A_2771, %get3A_2774 : vector<16xf32>
      %add3A_2776 = arith.addf %add3A_2719, %add3A_2727 : vector<16xf32>
      %add3A_2777 = arith.addf %add3A_2735, %add3A_2743 : vector<16xf32>
      %add3A_2778 = arith.addf %add3A_2751, %add3A_2759 : vector<16xf32>
      %add3A_2779 = arith.addf %add3A_2767, %add3A_2775 : vector<16xf32>
      %add3A_2780 = arith.addf %add3A_2776, %add3A_2777 : vector<16xf32>
      %add3A_2781 = arith.addf %add3A_2778, %add3A_2779 : vector<16xf32>
      %add3A_2782 = arith.addf %add3A_2780, %add3A_2781 : vector<16xf32>
      %reduce_sum3A_2783 = arith.constant true
      %reduce_sum3A_2784 = vector.broadcast %reduce_sum3A_2783 : i1 to vector<16xi1>
      %reduce_sum3A_2785 = tpu.scan <sum>, %add3A_2782 masked %reduce_sum3A_2784 : vector<16xf32>, vector<16xi1> -> vector<16xf32>
      %reduce_sum3A_2786 = vector.extract %reduce_sum3A_2785[15] : f32 from vector<16xf32>
      %mul3A_2787 = arith.mulf %add3A_2719, %add3A_2719 : vector<16xf32>
      %mul3A_2788 = arith.mulf %add3A_2727, %add3A_2727 : vector<16xf32>
      %mul3A_2789 = arith.mulf %add3A_2735, %add3A_2735 : vector<16xf32>
      %mul3A_2790 = arith.mulf %add3A_2743, %add3A_2743 : vector<16xf32>
      %mul3A_2791 = arith.mulf %add3A_2751, %add3A_2751 : vector<16xf32>
      %mul3A_2792 = arith.mulf %add3A_2759, %add3A_2759 : vector<16xf32>
      %mul3A_2793 = arith.mulf %add3A_2767, %add3A_2767 : vector<16xf32>
      %mul3A_2794 = arith.mulf %add3A_2775, %add3A_2775 : vector<16xf32>
      %add3A_2795 = arith.addf %mul3A_2787, %mul3A_2788 : vector<16xf32>
      %add3A_2796 = arith.addf %mul3A_2789, %mul3A_2790 : vector<16xf32>
      %add3A_2797 = arith.addf %mul3A_2791, %mul3A_2792 : vector<16xf32>
      %add3A_2798 = arith.addf %mul3A_2793, %mul3A_2794 : vector<16xf32>
      %add3A_2799 = arith.addf %add3A_2795, %add3A_2796 : vector<16xf32>
      %add3A_2800 = arith.addf %add3A_2797, %add3A_2798 : vector<16xf32>
      %add3A_2801 = arith.addf %add3A_2799, %add3A_2800 : vector<16xf32>
      %reduce_sum3A_2802 = arith.constant true
      %reduce_sum3A_2803 = vector.broadcast %reduce_sum3A_2802 : i1 to vector<16xi1>
      %reduce_sum3A_2804 = tpu.scan <sum>, %add3A_2801 masked %reduce_sum3A_2803 : vector<16xf32>, vector<16xi1> -> vector<16xf32>
      %reduce_sum3A_2805 = vector.extract %reduce_sum3A_2804[15] : f32 from vector<16xf32>
      %mul3A_2806 = arith.constant 7.812500e-03 : f32
      %mul3A_2807 = arith.mulf %reduce_sum3A_2786, %mul3A_2806 : f32
      %mul3A_2808 = arith.constant 7.812500e-03 : f32
      %mul3A_2809 = arith.mulf %reduce_sum3A_2805, %mul3A_2808 : f32
      %mul3A_2810 = arith.mulf %mul3A_2807, %mul3A_2807 : f32
      %sub3A_2811 = arith.subf %mul3A_2809, %mul3A_2810 : f32
      %add3A_2812 = arith.constant 9.99999996E-13 : f32
      %add3A_2813 = arith.addf %sub3A_2811, %add3A_2812 : f32
      %bitcast_convert_type3A_2814 = arith.bitcast %add3A_2813 : f32 to i32
      %shift_right_logical3A_2815 = arith.constant 1 : i32
      %shift_right_logical3A_2816 = arith.shrui %bitcast_convert_type3A_2814, %shift_right_logical3A_2815 : i32
      %sub3A_2817 = arith.constant 1597463007 : i32
      %sub3A_2818 = arith.subi %sub3A_2817, %shift_right_logical3A_2816 : i32
      %bitcast_convert_type3A_2819 = arith.bitcast %sub3A_2818 : i32 to f32
      %mul3A_2820 = arith.constant 5.000000e-01 : f32
      %mul3A_2821 = arith.mulf %mul3A_2820, %add3A_2813 : f32
      %mul3A_2822 = arith.mulf %mul3A_2821, %bitcast_convert_type3A_2819 : f32
      %mul3A_2823 = arith.mulf %mul3A_2822, %bitcast_convert_type3A_2819 : f32
      %sub3A_2824 = arith.constant 1.500000e+00 : f32
      %sub3A_2825 = arith.subf %sub3A_2824, %mul3A_2823 : f32
      %mul3A_2826 = arith.mulf %bitcast_convert_type3A_2819, %sub3A_2825 : f32
      %mul3A_2827 = arith.constant 5.000000e-01 : f32
      %mul3A_2828 = arith.mulf %mul3A_2827, %add3A_2813 : f32
      %mul3A_2829 = arith.mulf %mul3A_2828, %mul3A_2826 : f32
      %mul3A_2830 = arith.mulf %mul3A_2829, %mul3A_2826 : f32
      %sub3A_2831 = arith.constant 1.500000e+00 : f32
      %sub3A_2832 = arith.subf %sub3A_2831, %mul3A_2830 : f32
      %mul3A_2833 = arith.mulf %mul3A_2826, %sub3A_2832 : f32
      %mul3A_2834 = arith.constant 5.000000e-01 : f32
      %mul3A_2835 = arith.mulf %mul3A_2834, %add3A_2813 : f32
      %mul3A_2836 = arith.mulf %mul3A_2835, %mul3A_2833 : f32
      %mul3A_2837 = arith.mulf %mul3A_2836, %mul3A_2833 : f32
      %sub3A_2838 = arith.constant 1.500000e+00 : f32
      %sub3A_2839 = arith.subf %sub3A_2838, %mul3A_2837 : f32
      %mul3A_2840 = arith.mulf %mul3A_2833, %sub3A_2839 : f32
      %sub3A_2841 = vector.broadcast %mul3A_2807 : f32 to vector<16xf32>
      %sub3A_2842 = arith.subf %add3A_2719, %sub3A_2841 : vector<16xf32>
      %mul3A_2843 = vector.broadcast %mul3A_2840 : f32 to vector<16xf32>
      %mul3A_2844 = arith.mulf %sub3A_2842, %mul3A_2843 : vector<16xf32>
      %mul3A_2845 = arith.mulf %mul3A_2844, %get3A_3 : vector<16xf32>
      %add3A_2846 = arith.addf %mul3A_2845, %get3A_19 : vector<16xf32>
      %swap3A_2847 = arith.index_cast %rem3A_129 : i32 to index
      %swap3A_2848 = arith.index_cast %add3A_2708 : i32 to index
      %swap3A_2849 = arith.constant 0 : index
      %swap3A_2850 = tpu.vector_load %arg14[%swap3A_2847, %swap3A_2848, %swap3A_2849] {strides = array<i32>} : memref<2x128x128xf32, #tpu.memory_space<vmem>>, vector<16xf32>,
      tpu.vector_store %arg14[%swap3A_2847, %swap3A_2848, %swap3A_2849], %add3A_2846 {strides = array<i32>} : memref<2x128x128xf32, #tpu.memory_space<vmem>>, vector<16xf32>,
      %sub3A_2851 = vector.broadcast %mul3A_2807 : f32 to vector<16xf32>
      %sub3A_2852 = arith.subf %add3A_2727, %sub3A_2851 : vector<16xf32>
      %mul3A_2853 = vector.broadcast %mul3A_2840 : f32 to vector<16xf32>
      %mul3A_2854 = arith.mulf %sub3A_2852, %mul3A_2853 : vector<16xf32>
      %mul3A_2855 = arith.mulf %mul3A_2854, %get3A_5 : vector<16xf32>
      %add3A_2856 = arith.addf %mul3A_2855, %get3A_21 : vector<16xf32>
      %swap3A_2857 = arith.index_cast %rem3A_129 : i32 to index
      %swap3A_2858 = arith.index_cast %add3A_2708 : i32 to index
      %swap3A_2859 = arith.constant 16 : index
      %swap3A_2860 = tpu.vector_load %arg14[%swap3A_2857, %swap3A_2858, %swap3A_2859] {strides = array<i32>} : memref<2x128x128xf32, #tpu.memory_space<vmem>>, vector<16xf32>,
      tpu.vector_store %arg14[%swap3A_2857, %swap3A_2858, %swap3A_2859], %add3A_2856 {strides = array<i32>} : memref<2x128x128xf32, #tpu.memory_space<vmem>>, vector<16xf32>,
      %sub3A_2861 = vector.broadcast %mul3A_2807 : f32 to vector<16xf32>
      %sub3A_2862 = arith.subf %add3A_2735, %sub3A_2861 : vector<16xf32>
      %mul3A_2863 = vector.broadcast %mul3A_2840 : f32 to vector<16xf32>
      %mul3A_2864 = arith.mulf %sub3A_2862, %mul3A_2863 : vector<16xf32>
      %mul3A_2865 = arith.mulf %mul3A_2864, %get3A_7 : vector<16xf32>
      %add3A_2866 = arith.addf %mul3A_2865, %get3A_23 : vector<16xf32>
      %swap3A_2867 = arith.index_cast %rem3A_129 : i32 to index
      %swap3A_2868 = arith.index_cast %add3A_2708 : i32 to index
      %swap3A_2869 = arith.constant 32 : index
      %swap3A_2870 = tpu.vector_load %arg14[%swap3A_2867, %swap3A_2868, %swap3A_2869] {strides = array<i32>} : memref<2x128x128xf32, #tpu.memory_space<vmem>>, vector<16xf32>,
      tpu.vector_store %arg14[%swap3A_2867, %swap3A_2868, %swap3A_2869], %add3A_2866 {strides = array<i32>} : memref<2x128x128xf32, #tpu.memory_space<vmem>>, vector<16xf32>,
      %sub3A_2871 = vector.broadcast %mul3A_2807 : f32 to vector<16xf32>
      %sub3A_2872 = arith.subf %add3A_2743, %sub3A_2871 : vector<16xf32>
      %mul3A_2873 = vector.broadcast %mul3A_2840 : f32 to vector<16xf32>
      %mul3A_2874 = arith.mulf %sub3A_2872, %mul3A_2873 : vector<16xf32>
      %mul3A_2875 = arith.mulf %mul3A_2874, %get3A_9 : vector<16xf32>
      %add3A_2876 = arith.addf %mul3A_2875, %get3A_25 : vector<16xf32>
      %swap3A_2877 = arith.index_cast %rem3A_129 : i32 to index
      %swap3A_2878 = arith.index_cast %add3A_2708 : i32 to index
      %swap3A_2879 = arith.constant 48 : index
      %swap3A_2880 = tpu.vector_load %arg14[%swap3A_2877, %swap3A_2878, %swap3A_2879] {strides = array<i32>} : memref<2x128x128xf32, #tpu.memory_space<vmem>>, vector<16xf32>,
      tpu.vector_store %arg14[%swap3A_2877, %swap3A_2878, %swap3A_2879], %add3A_2876 {strides = array<i32>} : memref<2x128x128xf32, #tpu.memory_space<vmem>>, vector<16xf32>,
      %sub3A_2881 = vector.broadcast %mul3A_2807 : f32 to vector<16xf32>
      %sub3A_2882 = arith.subf %add3A_2751, %sub3A_2881 : vector<16xf32>
      %mul3A_2883 = vector.broadcast %mul3A_2840 : f32 to vector<16xf32>
      %mul3A_2884 = arith.mulf %sub3A_2882, %mul3A_2883 : vector<16xf32>
      %mul3A_2885 = arith.mulf %mul3A_2884, %get3A_11 : vector<16xf32>
      %add3A_2886 = arith.addf %mul3A_2885, %get3A_27 : vector<16xf32>
      %swap3A_2887 = arith.index_cast %rem3A_129 : i32 to index
      %swap3A_2888 = arith.index_cast %add3A_2708 : i32 to index
      %swap3A_2889 = arith.constant 64 : index
      %swap3A_2890 = tpu.vector_load %arg14[%swap3A_2887, %swap3A_2888, %swap3A_2889] {strides = array<i32>} : memref<2x128x128xf32, #tpu.memory_space<vmem>>, vector<16xf32>,
      tpu.vector_store %arg14[%swap3A_2887, %swap3A_2888, %swap3A_2889], %add3A_2886 {strides = array<i32>} : memref<2x128x128xf32, #tpu.memory_space<vmem>>, vector<16xf32>,
      %sub3A_2891 = vector.broadcast %mul3A_2807 : f32 to vector<16xf32>
      %sub3A_2892 = arith.subf %add3A_2759, %sub3A_2891 : vector<16xf32>
      %mul3A_2893 = vector.broadcast %mul3A_2840 : f32 to vector<16xf32>
      %mul3A_2894 = arith.mulf %sub3A_2892, %mul3A_2893 : vector<16xf32>
      %mul3A_2895 = arith.mulf %mul3A_2894, %get3A_13 : vector<16xf32>
      %add3A_2896 = arith.addf %mul3A_2895, %get3A_29 : vector<16xf32>
      %swap3A_2897 = arith.index_cast %rem3A_129 : i32 to index
      %swap3A_2898 = arith.index_cast %add3A_2708 : i32 to index
      %swap3A_2899 = arith.constant 80 : index
      %swap3A_2900 = tpu.vector_load %arg14[%swap3A_2897, %swap3A_2898, %swap3A_2899] {strides = array<i32>} : memref<2x128x128xf32, #tpu.memory_space<vmem>>, vector<16xf32>,
      tpu.vector_store %arg14[%swap3A_2897, %swap3A_2898, %swap3A_2899], %add3A_2896 {strides = array<i32>} : memref<2x128x128xf32, #tpu.memory_space<vmem>>, vector<16xf32>,
      %sub3A_2901 = vector.broadcast %mul3A_2807 : f32 to vector<16xf32>
      %sub3A_2902 = arith.subf %add3A_2767, %sub3A_2901 : vector<16xf32>
      %mul3A_2903 = vector.broadcast %mul3A_2840 : f32 to vector<16xf32>
      %mul3A_2904 = arith.mulf %sub3A_2902, %mul3A_2903 : vector<16xf32>
      %mul3A_2905 = arith.mulf %mul3A_2904, %get3A_15 : vector<16xf32>
      %add3A_2906 = arith.addf %mul3A_2905, %get3A_31 : vector<16xf32>
      %swap3A_2907 = arith.index_cast %rem3A_129 : i32 to index
      %swap3A_2908 = arith.index_cast %add3A_2708 : i32 to index
      %swap3A_2909 = arith.constant 96 : index
      %swap3A_2910 = tpu.vector_load %arg14[%swap3A_2907, %swap3A_2908, %swap3A_2909] {strides = array<i32>} : memref<2x128x128xf32, #tpu.memory_space<vmem>>, vector<16xf32>,
      tpu.vector_store %arg14[%swap3A_2907, %swap3A_2908, %swap3A_2909], %add3A_2906 {strides = array<i32>} : memref<2x128x128xf32, #tpu.memory_space<vmem>>, vector<16xf32>,
      %sub3A_2911 = vector.broadcast %mul3A_2807 : f32 to vector<16xf32>
      %sub3A_2912 = arith.subf %add3A_2775, %sub3A_2911 : vector<16xf32>
      %mul3A_2913 = vector.broadcast %mul3A_2840 : f32 to vector<16xf32>
      %mul3A_2914 = arith.mulf %sub3A_2912, %mul3A_2913 : vector<16xf32>
      %mul3A_2915 = arith.mulf %mul3A_2914, %get3A_17 : vector<16xf32>
      %add3A_2916 = arith.addf %mul3A_2915, %get3A_33 : vector<16xf32>
      %swap3A_2917 = arith.index_cast %rem3A_129 : i32 to index
      %swap3A_2918 = arith.index_cast %add3A_2708 : i32 to index
      %swap3A_2919 = arith.constant 112 : index
      %swap3A_2920 = tpu.vector_load %arg14[%swap3A_2917, %swap3A_2918, %swap3A_2919] {strides = array<i32>} : memref<2x128x128xf32, #tpu.memory_space<vmem>>, vector<16xf32>,
      tpu.vector_store %arg14[%swap3A_2917, %swap3A_2918, %swap3A_2919], %add3A_2916 {strides = array<i32>} : memref<2x128x128xf32, #tpu.memory_space<vmem>>, vector<16xf32>,
      %add3A_2921 = arith.constant 13 : i32
      %add3A_2922 = arith.addi %mul3A_142, %add3A_2921 : i32
      %add3A_2923 = arith.addi %mul3A_131, %add3A_2922 : i32
      %rem3A_2924 = arith.constant 200 : i32
      %rem3A_2925 = arith.remsi %add3A_2923, %rem3A_2924 : i32
      %get3A_2926 = arith.index_cast %rem3A_129 : i32 to index
      %get3A_2927 = arith.index_cast %add3A_2922 : i32 to index
      %get3A_2928 = arith.constant 0 : index
      %get3A_2929 = tpu.vector_load %arg13[%get3A_2926, %get3A_2927, %get3A_2928] {strides = array<i32>} : memref<2x128x128xf32, #tpu.memory_space<vmem>>, vector<16xf32>,
      %get3A_2930 = arith.index_cast %rem3A_2925 : i32 to index
      %get3A_2931 = arith.constant 0 : index
      %get3A_2932 = tpu.vector_load %arg9[%get3A_2930, %get3A_2931] {strides = array<i32>} : memref<200x128xf32, #tpu.memory_space<vmem>>, vector<16xf32>,
      %add3A_2933 = arith.addf %get3A_2929, %get3A_2932 : vector<16xf32>
      %get3A_2934 = arith.index_cast %rem3A_129 : i32 to index
      %get3A_2935 = arith.index_cast %add3A_2922 : i32 to index
      %get3A_2936 = arith.constant 16 : index
      %get3A_2937 = tpu.vector_load %arg13[%get3A_2934, %get3A_2935, %get3A_2936] {strides = array<i32>} : memref<2x128x128xf32, #tpu.memory_space<vmem>>, vector<16xf32>,
      %get3A_2938 = arith.index_cast %rem3A_2925 : i32 to index
      %get3A_2939 = arith.constant 16 : index
      %get3A_2940 = tpu.vector_load %arg9[%get3A_2938, %get3A_2939] {strides = array<i32>} : memref<200x128xf32, #tpu.memory_space<vmem>>, vector<16xf32>,
      %add3A_2941 = arith.addf %get3A_2937, %get3A_2940 : vector<16xf32>
      %get3A_2942 = arith.index_cast %rem3A_129 : i32 to index
      %get3A_2943 = arith.index_cast %add3A_2922 : i32 to index
      %get3A_2944 = arith.constant 32 : index
      %get3A_2945 = tpu.vector_load %arg13[%get3A_2942, %get3A_2943, %get3A_2944] {strides = array<i32>} : memref<2x128x128xf32, #tpu.memory_space<vmem>>, vector<16xf32>,
      %get3A_2946 = arith.index_cast %rem3A_2925 : i32 to index
      %get3A_2947 = arith.constant 32 : index
      %get3A_2948 = tpu.vector_load %arg9[%get3A_2946, %get3A_2947] {strides = array<i32>} : memref<200x128xf32, #tpu.memory_space<vmem>>, vector<16xf32>,
      %add3A_2949 = arith.addf %get3A_2945, %get3A_2948 : vector<16xf32>
      %get3A_2950 = arith.index_cast %rem3A_129 : i32 to index
      %get3A_2951 = arith.index_cast %add3A_2922 : i32 to index
      %get3A_2952 = arith.constant 48 : index
      %get3A_2953 = tpu.vector_load %arg13[%get3A_2950, %get3A_2951, %get3A_2952] {strides = array<i32>} : memref<2x128x128xf32, #tpu.memory_space<vmem>>, vector<16xf32>,
      %get3A_2954 = arith.index_cast %rem3A_2925 : i32 to index
      %get3A_2955 = arith.constant 48 : index
      %get3A_2956 = tpu.vector_load %arg9[%get3A_2954, %get3A_2955] {strides = array<i32>} : memref<200x128xf32, #tpu.memory_space<vmem>>, vector<16xf32>,
      %add3A_2957 = arith.addf %get3A_2953, %get3A_2956 : vector<16xf32>
      %get3A_2958 = arith.index_cast %rem3A_129 : i32 to index
      %get3A_2959 = arith.index_cast %add3A_2922 : i32 to index
      %get3A_2960 = arith.constant 64 : index
      %get3A_2961 = tpu.vector_load %arg13[%get3A_2958, %get3A_2959, %get3A_2960] {strides = array<i32>} : memref<2x128x128xf32, #tpu.memory_space<vmem>>, vector<16xf32>,
      %get3A_2962 = arith.index_cast %rem3A_2925 : i32 to index
      %get3A_2963 = arith.constant 64 : index
      %get3A_2964 = tpu.vector_load %arg9[%get3A_2962, %get3A_2963] {strides = array<i32>} : memref<200x128xf32, #tpu.memory_space<vmem>>, vector<16xf32>,
      %add3A_2965 = arith.addf %get3A_2961, %get3A_2964 : vector<16xf32>
      %get3A_2966 = arith.index_cast %rem3A_129 : i32 to index
      %get3A_2967 = arith.index_cast %add3A_2922 : i32 to index
      %get3A_2968 = arith.constant 80 : index
      %get3A_2969 = tpu.vector_load %arg13[%get3A_2966, %get3A_2967, %get3A_2968] {strides = array<i32>} : memref<2x128x128xf32, #tpu.memory_space<vmem>>, vector<16xf32>,
      %get3A_2970 = arith.index_cast %rem3A_2925 : i32 to index
      %get3A_2971 = arith.constant 80 : index
      %get3A_2972 = tpu.vector_load %arg9[%get3A_2970, %get3A_2971] {strides = array<i32>} : memref<200x128xf32, #tpu.memory_space<vmem>>, vector<16xf32>,
      %add3A_2973 = arith.addf %get3A_2969, %get3A_2972 : vector<16xf32>
      %get3A_2974 = arith.index_cast %rem3A_129 : i32 to index
      %get3A_2975 = arith.index_cast %add3A_2922 : i32 to index
      %get3A_2976 = arith.constant 96 : index
      %get3A_2977 = tpu.vector_load %arg13[%get3A_2974, %get3A_2975, %get3A_2976] {strides = array<i32>} : memref<2x128x128xf32, #tpu.memory_space<vmem>>, vector<16xf32>,
      %get3A_2978 = arith.index_cast %rem3A_2925 : i32 to index
      %get3A_2979 = arith.constant 96 : index
      %get3A_2980 = tpu.vector_load %arg9[%get3A_2978, %get3A_2979] {strides = array<i32>} : memref<200x128xf32, #tpu.memory_space<vmem>>, vector<16xf32>,
      %add3A_2981 = arith.addf %get3A_2977, %get3A_2980 : vector<16xf32>
      %get3A_2982 = arith.index_cast %rem3A_129 : i32 to index
      %get3A_2983 = arith.index_cast %add3A_2922 : i32 to index
      %get3A_2984 = arith.constant 112 : index
      %get3A_2985 = tpu.vector_load %arg13[%get3A_2982, %get3A_2983, %get3A_2984] {strides = array<i32>} : memref<2x128x128xf32, #tpu.memory_space<vmem>>, vector<16xf32>,
      %get3A_2986 = arith.index_cast %rem3A_2925 : i32 to index
      %get3A_2987 = arith.constant 112 : index
      %get3A_2988 = tpu.vector_load %arg9[%get3A_2986, %get3A_2987] {strides = array<i32>} : memref<200x128xf32, #tpu.memory_space<vmem>>, vector<16xf32>,
      %add3A_2989 = arith.addf %get3A_2985, %get3A_2988 : vector<16xf32>
      %add3A_2990 = arith.addf %add3A_2933, %add3A_2941 : vector<16xf32>
      %add3A_2991 = arith.addf %add3A_2949, %add3A_2957 : vector<16xf32>
      %add3A_2992 = arith.addf %add3A_2965, %add3A_2973 : vector<16xf32>
      %add3A_2993 = arith.addf %add3A_2981, %add3A_2989 : vector<16xf32>
      %add3A_2994 = arith.addf %add3A_2990, %add3A_2991 : vector<16xf32>
      %add3A_2995 = arith.addf %add3A_2992, %add3A_2993 : vector<16xf32>
      %add3A_2996 = arith.addf %add3A_2994, %add3A_2995 : vector<16xf32>
      %reduce_sum3A_2997 = arith.constant true
      %reduce_sum3A_2998 = vector.broadcast %reduce_sum3A_2997 : i1 to vector<16xi1>
      %reduce_sum3A_2999 = tpu.scan <sum>, %add3A_2996 masked %reduce_sum3A_2998 : vector<16xf32>, vector<16xi1> -> vector<16xf32>
      %reduce_sum3A_3000 = vector.extract %reduce_sum3A_2999[15] : f32 from vector<16xf32>
      %mul3A_3001 = arith.mulf %add3A_2933, %add3A_2933 : vector<16xf32>
      %mul3A_3002 = arith.mulf %add3A_2941, %add3A_2941 : vector<16xf32>
      %mul3A_3003 = arith.mulf %add3A_2949, %add3A_2949 : vector<16xf32>
      %mul3A_3004 = arith.mulf %add3A_2957, %add3A_2957 : vector<16xf32>
      %mul3A_3005 = arith.mulf %add3A_2965, %add3A_2965 : vector<16xf32>
      %mul3A_3006 = arith.mulf %add3A_2973, %add3A_2973 : vector<16xf32>
      %mul3A_3007 = arith.mulf %add3A_2981, %add3A_2981 : vector<16xf32>
      %mul3A_3008 = arith.mulf %add3A_2989, %add3A_2989 : vector<16xf32>
      %add3A_3009 = arith.addf %mul3A_3001, %mul3A_3002 : vector<16xf32>
      %add3A_3010 = arith.addf %mul3A_3003, %mul3A_3004 : vector<16xf32>
      %add3A_3011 = arith.addf %mul3A_3005, %mul3A_3006 : vector<16xf32>
      %add3A_3012 = arith.addf %mul3A_3007, %mul3A_3008 : vector<16xf32>
      %add3A_3013 = arith.addf %add3A_3009, %add3A_3010 : vector<16xf32>
      %add3A_3014 = arith.addf %add3A_3011, %add3A_3012 : vector<16xf32>
      %add3A_3015 = arith.addf %add3A_3013, %add3A_3014 : vector<16xf32>
      %reduce_sum3A_3016 = arith.constant true
      %reduce_sum3A_3017 = vector.broadcast %reduce_sum3A_3016 : i1 to vector<16xi1>
      %reduce_sum3A_3018 = tpu.scan <sum>, %add3A_3015 masked %reduce_sum3A_3017 : vector<16xf32>, vector<16xi1> -> vector<16xf32>
      %reduce_sum3A_3019 = vector.extract %reduce_sum3A_3018[15] : f32 from vector<16xf32>
      %mul3A_3020 = arith.constant 7.812500e-03 : f32
      %mul3A_3021 = arith.mulf %reduce_sum3A_3000, %mul3A_3020 : f32
      %mul3A_3022 = arith.constant 7.812500e-03 : f32
      %mul3A_3023 = arith.mulf %reduce_sum3A_3019, %mul3A_3022 : f32
      %mul3A_3024 = arith.mulf %mul3A_3021, %mul3A_3021 : f32
      %sub3A_3025 = arith.subf %mul3A_3023, %mul3A_3024 : f32
      %add3A_3026 = arith.constant 9.99999996E-13 : f32
      %add3A_3027 = arith.addf %sub3A_3025, %add3A_3026 : f32
      %bitcast_convert_type3A_3028 = arith.bitcast %add3A_3027 : f32 to i32
      %shift_right_logical3A_3029 = arith.constant 1 : i32
      %shift_right_logical3A_3030 = arith.shrui %bitcast_convert_type3A_3028, %shift_right_logical3A_3029 : i32
      %sub3A_3031 = arith.constant 1597463007 : i32
      %sub3A_3032 = arith.subi %sub3A_3031, %shift_right_logical3A_3030 : i32
      %bitcast_convert_type3A_3033 = arith.bitcast %sub3A_3032 : i32 to f32
      %mul3A_3034 = arith.constant 5.000000e-01 : f32
      %mul3A_3035 = arith.mulf %mul3A_3034, %add3A_3027 : f32
      %mul3A_3036 = arith.mulf %mul3A_3035, %bitcast_convert_type3A_3033 : f32
      %mul3A_3037 = arith.mulf %mul3A_3036, %bitcast_convert_type3A_3033 : f32
      %sub3A_3038 = arith.constant 1.500000e+00 : f32
      %sub3A_3039 = arith.subf %sub3A_3038, %mul3A_3037 : f32
      %mul3A_3040 = arith.mulf %bitcast_convert_type3A_3033, %sub3A_3039 : f32
      %mul3A_3041 = arith.constant 5.000000e-01 : f32
      %mul3A_3042 = arith.mulf %mul3A_3041, %add3A_3027 : f32
      %mul3A_3043 = arith.mulf %mul3A_3042, %mul3A_3040 : f32
      %mul3A_3044 = arith.mulf %mul3A_3043, %mul3A_3040 : f32
      %sub3A_3045 = arith.constant 1.500000e+00 : f32
      %sub3A_3046 = arith.subf %sub3A_3045, %mul3A_3044 : f32
      %mul3A_3047 = arith.mulf %mul3A_3040, %sub3A_3046 : f32
      %mul3A_3048 = arith.constant 5.000000e-01 : f32
      %mul3A_3049 = arith.mulf %mul3A_3048, %add3A_3027 : f32
      %mul3A_3050 = arith.mulf %mul3A_3049, %mul3A_3047 : f32
      %mul3A_3051 = arith.mulf %mul3A_3050, %mul3A_3047 : f32
      %sub3A_3052 = arith.constant 1.500000e+00 : f32
      %sub3A_3053 = arith.subf %sub3A_3052, %mul3A_3051 : f32
      %mul3A_3054 = arith.mulf %mul3A_3047, %sub3A_3053 : f32
      %sub3A_3055 = vector.broadcast %mul3A_3021 : f32 to vector<16xf32>
      %sub3A_3056 = arith.subf %add3A_2933, %sub3A_3055 : vector<16xf32>
      %mul3A_3057 = vector.broadcast %mul3A_3054 : f32 to vector<16xf32>
      %mul3A_3058 = arith.mulf %sub3A_3056, %mul3A_3057 : vector<16xf32>
      %mul3A_3059 = arith.mulf %mul3A_3058, %get3A_3 : vector<16xf32>
      %add3A_3060 = arith.addf %mul3A_3059, %get3A_19 : vector<16xf32>
      %swap3A_3061 = arith.index_cast %rem3A_129 : i32 to index
      %swap3A_3062 = arith.index_cast %add3A_2922 : i32 to index
      %swap3A_3063 = arith.constant 0 : index
      %swap3A_3064 = tpu.vector_load %arg14[%swap3A_3061, %swap3A_3062, %swap3A_3063] {strides = array<i32>} : memref<2x128x128xf32, #tpu.memory_space<vmem>>, vector<16xf32>,
      tpu.vector_store %arg14[%swap3A_3061, %swap3A_3062, %swap3A_3063], %add3A_3060 {strides = array<i32>} : memref<2x128x128xf32, #tpu.memory_space<vmem>>, vector<16xf32>,
      %sub3A_3065 = vector.broadcast %mul3A_3021 : f32 to vector<16xf32>
      %sub3A_3066 = arith.subf %add3A_2941, %sub3A_3065 : vector<16xf32>
      %mul3A_3067 = vector.broadcast %mul3A_3054 : f32 to vector<16xf32>
      %mul3A_3068 = arith.mulf %sub3A_3066, %mul3A_3067 : vector<16xf32>
      %mul3A_3069 = arith.mulf %mul3A_3068, %get3A_5 : vector<16xf32>
      %add3A_3070 = arith.addf %mul3A_3069, %get3A_21 : vector<16xf32>
      %swap3A_3071 = arith.index_cast %rem3A_129 : i32 to index
      %swap3A_3072 = arith.index_cast %add3A_2922 : i32 to index
      %swap3A_3073 = arith.constant 16 : index
      %swap3A_3074 = tpu.vector_load %arg14[%swap3A_3071, %swap3A_3072, %swap3A_3073] {strides = array<i32>} : memref<2x128x128xf32, #tpu.memory_space<vmem>>, vector<16xf32>,
      tpu.vector_store %arg14[%swap3A_3071, %swap3A_3072, %swap3A_3073], %add3A_3070 {strides = array<i32>} : memref<2x128x128xf32, #tpu.memory_space<vmem>>, vector<16xf32>,
      %sub3A_3075 = vector.broadcast %mul3A_3021 : f32 to vector<16xf32>
      %sub3A_3076 = arith.subf %add3A_2949, %sub3A_3075 : vector<16xf32>
      %mul3A_3077 = vector.broadcast %mul3A_3054 : f32 to vector<16xf32>
      %mul3A_3078 = arith.mulf %sub3A_3076, %mul3A_3077 : vector<16xf32>
      %mul3A_3079 = arith.mulf %mul3A_3078, %get3A_7 : vector<16xf32>
      %add3A_3080 = arith.addf %mul3A_3079, %get3A_23 : vector<16xf32>
      %swap3A_3081 = arith.index_cast %rem3A_129 : i32 to index
      %swap3A_3082 = arith.index_cast %add3A_2922 : i32 to index
      %swap3A_3083 = arith.constant 32 : index
      %swap3A_3084 = tpu.vector_load %arg14[%swap3A_3081, %swap3A_3082, %swap3A_3083] {strides = array<i32>} : memref<2x128x128xf32, #tpu.memory_space<vmem>>, vector<16xf32>,
      tpu.vector_store %arg14[%swap3A_3081, %swap3A_3082, %swap3A_3083], %add3A_3080 {strides = array<i32>} : memref<2x128x128xf32, #tpu.memory_space<vmem>>, vector<16xf32>,
      %sub3A_3085 = vector.broadcast %mul3A_3021 : f32 to vector<16xf32>
      %sub3A_3086 = arith.subf %add3A_2957, %sub3A_3085 : vector<16xf32>
      %mul3A_3087 = vector.broadcast %mul3A_3054 : f32 to vector<16xf32>
      %mul3A_3088 = arith.mulf %sub3A_3086, %mul3A_3087 : vector<16xf32>
      %mul3A_3089 = arith.mulf %mul3A_3088, %get3A_9 : vector<16xf32>
      %add3A_3090 = arith.addf %mul3A_3089, %get3A_25 : vector<16xf32>
      %swap3A_3091 = arith.index_cast %rem3A_129 : i32 to index
      %swap3A_3092 = arith.index_cast %add3A_2922 : i32 to index
      %swap3A_3093 = arith.constant 48 : index
      %swap3A_3094 = tpu.vector_load %arg14[%swap3A_3091, %swap3A_3092, %swap3A_3093] {strides = array<i32>} : memref<2x128x128xf32, #tpu.memory_space<vmem>>, vector<16xf32>,
      tpu.vector_store %arg14[%swap3A_3091, %swap3A_3092, %swap3A_3093], %add3A_3090 {strides = array<i32>} : memref<2x128x128xf32, #tpu.memory_space<vmem>>, vector<16xf32>,
      %sub3A_3095 = vector.broadcast %mul3A_3021 : f32 to vector<16xf32>
      %sub3A_3096 = arith.subf %add3A_2965, %sub3A_3095 : vector<16xf32>
      %mul3A_3097 = vector.broadcast %mul3A_3054 : f32 to vector<16xf32>
      %mul3A_3098 = arith.mulf %sub3A_3096, %mul3A_3097 : vector<16xf32>
      %mul3A_3099 = arith.mulf %mul3A_3098, %get3A_11 : vector<16xf32>
      %add3A_3100 = arith.addf %mul3A_3099, %get3A_27 : vector<16xf32>
      %swap3A_3101 = arith.index_cast %rem3A_129 : i32 to index
      %swap3A_3102 = arith.index_cast %add3A_2922 : i32 to index
      %swap3A_3103 = arith.constant 64 : index
      %swap3A_3104 = tpu.vector_load %arg14[%swap3A_3101, %swap3A_3102, %swap3A_3103] {strides = array<i32>} : memref<2x128x128xf32, #tpu.memory_space<vmem>>, vector<16xf32>,
      tpu.vector_store %arg14[%swap3A_3101, %swap3A_3102, %swap3A_3103], %add3A_3100 {strides = array<i32>} : memref<2x128x128xf32, #tpu.memory_space<vmem>>, vector<16xf32>,
      %sub3A_3105 = vector.broadcast %mul3A_3021 : f32 to vector<16xf32>
      %sub3A_3106 = arith.subf %add3A_2973, %sub3A_3105 : vector<16xf32>
      %mul3A_3107 = vector.broadcast %mul3A_3054 : f32 to vector<16xf32>
      %mul3A_3108 = arith.mulf %sub3A_3106, %mul3A_3107 : vector<16xf32>
      %mul3A_3109 = arith.mulf %mul3A_3108, %get3A_13 : vector<16xf32>
      %add3A_3110 = arith.addf %mul3A_3109, %get3A_29 : vector<16xf32>
      %swap3A_3111 = arith.index_cast %rem3A_129 : i32 to index
      %swap3A_3112 = arith.index_cast %add3A_2922 : i32 to index
      %swap3A_3113 = arith.constant 80 : index
      %swap3A_3114 = tpu.vector_load %arg14[%swap3A_3111, %swap3A_3112, %swap3A_3113] {strides = array<i32>} : memref<2x128x128xf32, #tpu.memory_space<vmem>>, vector<16xf32>,
      tpu.vector_store %arg14[%swap3A_3111, %swap3A_3112, %swap3A_3113], %add3A_3110 {strides = array<i32>} : memref<2x128x128xf32, #tpu.memory_space<vmem>>, vector<16xf32>,
      %sub3A_3115 = vector.broadcast %mul3A_3021 : f32 to vector<16xf32>
      %sub3A_3116 = arith.subf %add3A_2981, %sub3A_3115 : vector<16xf32>
      %mul3A_3117 = vector.broadcast %mul3A_3054 : f32 to vector<16xf32>
      %mul3A_3118 = arith.mulf %sub3A_3116, %mul3A_3117 : vector<16xf32>
      %mul3A_3119 = arith.mulf %mul3A_3118, %get3A_15 : vector<16xf32>
      %add3A_3120 = arith.addf %mul3A_3119, %get3A_31 : vector<16xf32>
      %swap3A_3121 = arith.index_cast %rem3A_129 : i32 to index
      %swap3A_3122 = arith.index_cast %add3A_2922 : i32 to index
      %swap3A_3123 = arith.constant 96 : index
      %swap3A_3124 = tpu.vector_load %arg14[%swap3A_3121, %swap3A_3122, %swap3A_3123] {strides = array<i32>} : memref<2x128x128xf32, #tpu.memory_space<vmem>>, vector<16xf32>,
      tpu.vector_store %arg14[%swap3A_3121, %swap3A_3122, %swap3A_3123], %add3A_3120 {strides = array<i32>} : memref<2x128x128xf32, #tpu.memory_space<vmem>>, vector<16xf32>,
      %sub3A_3125 = vector.broadcast %mul3A_3021 : f32 to vector<16xf32>
      %sub3A_3126 = arith.subf %add3A_2989, %sub3A_3125 : vector<16xf32>
      %mul3A_3127 = vector.broadcast %mul3A_3054 : f32 to vector<16xf32>
      %mul3A_3128 = arith.mulf %sub3A_3126, %mul3A_3127 : vector<16xf32>
      %mul3A_3129 = arith.mulf %mul3A_3128, %get3A_17 : vector<16xf32>
      %add3A_3130 = arith.addf %mul3A_3129, %get3A_33 : vector<16xf32>
      %swap3A_3131 = arith.index_cast %rem3A_129 : i32 to index
      %swap3A_3132 = arith.index_cast %add3A_2922 : i32 to index
      %swap3A_3133 = arith.constant 112 : index
      %swap3A_3134 = tpu.vector_load %arg14[%swap3A_3131, %swap3A_3132, %swap3A_3133] {strides = array<i32>} : memref<2x128x128xf32, #tpu.memory_space<vmem>>, vector<16xf32>,
      tpu.vector_store %arg14[%swap3A_3131, %swap3A_3132, %swap3A_3133], %add3A_3130 {strides = array<i32>} : memref<2x128x128xf32, #tpu.memory_space<vmem>>, vector<16xf32>,
      %add3A_3135 = arith.constant 14 : i32
      %add3A_3136 = arith.addi %mul3A_142, %add3A_3135 : i32
      %add3A_3137 = arith.addi %mul3A_131, %add3A_3136 : i32
      %rem3A_3138 = arith.constant 200 : i32
      %rem3A_3139 = arith.remsi %add3A_3137, %rem3A_3138 : i32
      %get3A_3140 = arith.index_cast %rem3A_129 : i32 to index
      %get3A_3141 = arith.index_cast %add3A_3136 : i32 to index
      %get3A_3142 = arith.constant 0 : index
      %get3A_3143 = tpu.vector_load %arg13[%get3A_3140, %get3A_3141, %get3A_3142] {strides = array<i32>} : memref<2x128x128xf32, #tpu.memory_space<vmem>>, vector<16xf32>,
      %get3A_3144 = arith.index_cast %rem3A_3139 : i32 to index
      %get3A_3145 = arith.constant 0 : index
      %get3A_3146 = tpu.vector_load %arg9[%get3A_3144, %get3A_3145] {strides = array<i32>} : memref<200x128xf32, #tpu.memory_space<vmem>>, vector<16xf32>,
      %add3A_3147 = arith.addf %get3A_3143, %get3A_3146 : vector<16xf32>
      %get3A_3148 = arith.index_cast %rem3A_129 : i32 to index
      %get3A_3149 = arith.index_cast %add3A_3136 : i32 to index
      %get3A_3150 = arith.constant 16 : index
      %get3A_3151 = tpu.vector_load %arg13[%get3A_3148, %get3A_3149, %get3A_3150] {strides = array<i32>} : memref<2x128x128xf32, #tpu.memory_space<vmem>>, vector<16xf32>,
      %get3A_3152 = arith.index_cast %rem3A_3139 : i32 to index
      %get3A_3153 = arith.constant 16 : index
      %get3A_3154 = tpu.vector_load %arg9[%get3A_3152, %get3A_3153] {strides = array<i32>} : memref<200x128xf32, #tpu.memory_space<vmem>>, vector<16xf32>,
      %add3A_3155 = arith.addf %get3A_3151, %get3A_3154 : vector<16xf32>
      %get3A_3156 = arith.index_cast %rem3A_129 : i32 to index
      %get3A_3157 = arith.index_cast %add3A_3136 : i32 to index
      %get3A_3158 = arith.constant 32 : index
      %get3A_3159 = tpu.vector_load %arg13[%get3A_3156, %get3A_3157, %get3A_3158] {strides = array<i32>} : memref<2x128x128xf32, #tpu.memory_space<vmem>>, vector<16xf32>,
      %get3A_3160 = arith.index_cast %rem3A_3139 : i32 to index
      %get3A_3161 = arith.constant 32 : index
      %get3A_3162 = tpu.vector_load %arg9[%get3A_3160, %get3A_3161] {strides = array<i32>} : memref<200x128xf32, #tpu.memory_space<vmem>>, vector<16xf32>,
      %add3A_3163 = arith.addf %get3A_3159, %get3A_3162 : vector<16xf32>
      %get3A_3164 = arith.index_cast %rem3A_129 : i32 to index
      %get3A_3165 = arith.index_cast %add3A_3136 : i32 to index
      %get3A_3166 = arith.constant 48 : index
      %get3A_3167 = tpu.vector_load %arg13[%get3A_3164, %get3A_3165, %get3A_3166] {strides = array<i32>} : memref<2x128x128xf32, #tpu.memory_space<vmem>>, vector<16xf32>,
      %get3A_3168 = arith.index_cast %rem3A_3139 : i32 to index
      %get3A_3169 = arith.constant 48 : index
      %get3A_3170 = tpu.vector_load %arg9[%get3A_3168, %get3A_3169] {strides = array<i32>} : memref<200x128xf32, #tpu.memory_space<vmem>>, vector<16xf32>,
      %add3A_3171 = arith.addf %get3A_3167, %get3A_3170 : vector<16xf32>
      %get3A_3172 = arith.index_cast %rem3A_129 : i32 to index
      %get3A_3173 = arith.index_cast %add3A_3136 : i32 to index
      %get3A_3174 = arith.constant 64 : index
      %get3A_3175 = tpu.vector_load %arg13[%get3A_3172, %get3A_3173, %get3A_3174] {strides = array<i32>} : memref<2x128x128xf32, #tpu.memory_space<vmem>>, vector<16xf32>,
      %get3A_3176 = arith.index_cast %rem3A_3139 : i32 to index
      %get3A_3177 = arith.constant 64 : index
      %get3A_3178 = tpu.vector_load %arg9[%get3A_3176, %get3A_3177] {strides = array<i32>} : memref<200x128xf32, #tpu.memory_space<vmem>>, vector<16xf32>,
      %add3A_3179 = arith.addf %get3A_3175, %get3A_3178 : vector<16xf32>
      %get3A_3180 = arith.index_cast %rem3A_129 : i32 to index
      %get3A_3181 = arith.index_cast %add3A_3136 : i32 to index
      %get3A_3182 = arith.constant 80 : index
      %get3A_3183 = tpu.vector_load %arg13[%get3A_3180, %get3A_3181, %get3A_3182] {strides = array<i32>} : memref<2x128x128xf32, #tpu.memory_space<vmem>>, vector<16xf32>,
      %get3A_3184 = arith.index_cast %rem3A_3139 : i32 to index
      %get3A_3185 = arith.constant 80 : index
      %get3A_3186 = tpu.vector_load %arg9[%get3A_3184, %get3A_3185] {strides = array<i32>} : memref<200x128xf32, #tpu.memory_space<vmem>>, vector<16xf32>,
      %add3A_3187 = arith.addf %get3A_3183, %get3A_3186 : vector<16xf32>
      %get3A_3188 = arith.index_cast %rem3A_129 : i32 to index
      %get3A_3189 = arith.index_cast %add3A_3136 : i32 to index
      %get3A_3190 = arith.constant 96 : index
      %get3A_3191 = tpu.vector_load %arg13[%get3A_3188, %get3A_3189, %get3A_3190] {strides = array<i32>} : memref<2x128x128xf32, #tpu.memory_space<vmem>>, vector<16xf32>,
      %get3A_3192 = arith.index_cast %rem3A_3139 : i32 to index
      %get3A_3193 = arith.constant 96 : index
      %get3A_3194 = tpu.vector_load %arg9[%get3A_3192, %get3A_3193] {strides = array<i32>} : memref<200x128xf32, #tpu.memory_space<vmem>>, vector<16xf32>,
      %add3A_3195 = arith.addf %get3A_3191, %get3A_3194 : vector<16xf32>
      %get3A_3196 = arith.index_cast %rem3A_129 : i32 to index
      %get3A_3197 = arith.index_cast %add3A_3136 : i32 to index
      %get3A_3198 = arith.constant 112 : index
      %get3A_3199 = tpu.vector_load %arg13[%get3A_3196, %get3A_3197, %get3A_3198] {strides = array<i32>} : memref<2x128x128xf32, #tpu.memory_space<vmem>>, vector<16xf32>,
      %get3A_3200 = arith.index_cast %rem3A_3139 : i32 to index
      %get3A_3201 = arith.constant 112 : index
      %get3A_3202 = tpu.vector_load %arg9[%get3A_3200, %get3A_3201] {strides = array<i32>} : memref<200x128xf32, #tpu.memory_space<vmem>>, vector<16xf32>,
      %add3A_3203 = arith.addf %get3A_3199, %get3A_3202 : vector<16xf32>
      %add3A_3204 = arith.addf %add3A_3147, %add3A_3155 : vector<16xf32>
      %add3A_3205 = arith.addf %add3A_3163, %add3A_3171 : vector<16xf32>
      %add3A_3206 = arith.addf %add3A_3179, %add3A_3187 : vector<16xf32>
      %add3A_3207 = arith.addf %add3A_3195, %add3A_3203 : vector<16xf32>
      %add3A_3208 = arith.addf %add3A_3204, %add3A_3205 : vector<16xf32>
      %add3A_3209 = arith.addf %add3A_3206, %add3A_3207 : vector<16xf32>
      %add3A_3210 = arith.addf %add3A_3208, %add3A_3209 : vector<16xf32>
      %reduce_sum3A_3211 = arith.constant true
      %reduce_sum3A_3212 = vector.broadcast %reduce_sum3A_3211 : i1 to vector<16xi1>
      %reduce_sum3A_3213 = tpu.scan <sum>, %add3A_3210 masked %reduce_sum3A_3212 : vector<16xf32>, vector<16xi1> -> vector<16xf32>
      %reduce_sum3A_3214 = vector.extract %reduce_sum3A_3213[15] : f32 from vector<16xf32>
      %mul3A_3215 = arith.mulf %add3A_3147, %add3A_3147 : vector<16xf32>
      %mul3A_3216 = arith.mulf %add3A_3155, %add3A_3155 : vector<16xf32>
      %mul3A_3217 = arith.mulf %add3A_3163, %add3A_3163 : vector<16xf32>
      %mul3A_3218 = arith.mulf %add3A_3171, %add3A_3171 : vector<16xf32>
      %mul3A_3219 = arith.mulf %add3A_3179, %add3A_3179 : vector<16xf32>
      %mul3A_3220 = arith.mulf %add3A_3187, %add3A_3187 : vector<16xf32>
      %mul3A_3221 = arith.mulf %add3A_3195, %add3A_3195 : vector<16xf32>
      %mul3A_3222 = arith.mulf %add3A_3203, %add3A_3203 : vector<16xf32>
      %add3A_3223 = arith.addf %mul3A_3215, %mul3A_3216 : vector<16xf32>
      %add3A_3224 = arith.addf %mul3A_3217, %mul3A_3218 : vector<16xf32>
      %add3A_3225 = arith.addf %mul3A_3219, %mul3A_3220 : vector<16xf32>
      %add3A_3226 = arith.addf %mul3A_3221, %mul3A_3222 : vector<16xf32>
      %add3A_3227 = arith.addf %add3A_3223, %add3A_3224 : vector<16xf32>
      %add3A_3228 = arith.addf %add3A_3225, %add3A_3226 : vector<16xf32>
      %add3A_3229 = arith.addf %add3A_3227, %add3A_3228 : vector<16xf32>
      %reduce_sum3A_3230 = arith.constant true
      %reduce_sum3A_3231 = vector.broadcast %reduce_sum3A_3230 : i1 to vector<16xi1>
      %reduce_sum3A_3232 = tpu.scan <sum>, %add3A_3229 masked %reduce_sum3A_3231 : vector<16xf32>, vector<16xi1> -> vector<16xf32>
      %reduce_sum3A_3233 = vector.extract %reduce_sum3A_3232[15] : f32 from vector<16xf32>
      %mul3A_3234 = arith.constant 7.812500e-03 : f32
      %mul3A_3235 = arith.mulf %reduce_sum3A_3214, %mul3A_3234 : f32
      %mul3A_3236 = arith.constant 7.812500e-03 : f32
      %mul3A_3237 = arith.mulf %reduce_sum3A_3233, %mul3A_3236 : f32
      %mul3A_3238 = arith.mulf %mul3A_3235, %mul3A_3235 : f32
      %sub3A_3239 = arith.subf %mul3A_3237, %mul3A_3238 : f32
      %add3A_3240 = arith.constant 9.99999996E-13 : f32
      %add3A_3241 = arith.addf %sub3A_3239, %add3A_3240 : f32
      %bitcast_convert_type3A_3242 = arith.bitcast %add3A_3241 : f32 to i32
      %shift_right_logical3A_3243 = arith.constant 1 : i32
      %shift_right_logical3A_3244 = arith.shrui %bitcast_convert_type3A_3242, %shift_right_logical3A_3243 : i32
      %sub3A_3245 = arith.constant 1597463007 : i32
      %sub3A_3246 = arith.subi %sub3A_3245, %shift_right_logical3A_3244 : i32
      %bitcast_convert_type3A_3247 = arith.bitcast %sub3A_3246 : i32 to f32
      %mul3A_3248 = arith.constant 5.000000e-01 : f32
      %mul3A_3249 = arith.mulf %mul3A_3248, %add3A_3241 : f32
      %mul3A_3250 = arith.mulf %mul3A_3249, %bitcast_convert_type3A_3247 : f32
      %mul3A_3251 = arith.mulf %mul3A_3250, %bitcast_convert_type3A_3247 : f32
      %sub3A_3252 = arith.constant 1.500000e+00 : f32
      %sub3A_3253 = arith.subf %sub3A_3252, %mul3A_3251 : f32
      %mul3A_3254 = arith.mulf %bitcast_convert_type3A_3247, %sub3A_3253 : f32
      %mul3A_3255 = arith.constant 5.000000e-01 : f32
      %mul3A_3256 = arith.mulf %mul3A_3255, %add3A_3241 : f32
      %mul3A_3257 = arith.mulf %mul3A_3256, %mul3A_3254 : f32
      %mul3A_3258 = arith.mulf %mul3A_3257, %mul3A_3254 : f32
      %sub3A_3259 = arith.constant 1.500000e+00 : f32
      %sub3A_3260 = arith.subf %sub3A_3259, %mul3A_3258 : f32
      %mul3A_3261 = arith.mulf %mul3A_3254, %sub3A_3260 : f32
      %mul3A_3262 = arith.constant 5.000000e-01 : f32
      %mul3A_3263 = arith.mulf %mul3A_3262, %add3A_3241 : f32
      %mul3A_3264 = arith.mulf %mul3A_3263, %mul3A_3261 : f32
      %mul3A_3265 = arith.mulf %mul3A_3264, %mul3A_3261 : f32
      %sub3A_3266 = arith.constant 1.500000e+00 : f32
      %sub3A_3267 = arith.subf %sub3A_3266, %mul3A_3265 : f32
      %mul3A_3268 = arith.mulf %mul3A_3261, %sub3A_3267 : f32
      %sub3A_3269 = vector.broadcast %mul3A_3235 : f32 to vector<16xf32>
      %sub3A_3270 = arith.subf %add3A_3147, %sub3A_3269 : vector<16xf32>
      %mul3A_3271 = vector.broadcast %mul3A_3268 : f32 to vector<16xf32>
      %mul3A_3272 = arith.mulf %sub3A_3270, %mul3A_3271 : vector<16xf32>
      %mul3A_3273 = arith.mulf %mul3A_3272, %get3A_3 : vector<16xf32>
      %add3A_3274 = arith.addf %mul3A_3273, %get3A_19 : vector<16xf32>
      %swap3A_3275 = arith.index_cast %rem3A_129 : i32 to index
      %swap3A_3276 = arith.index_cast %add3A_3136 : i32 to index
      %swap3A_3277 = arith.constant 0 : index
      %swap3A_3278 = tpu.vector_load %arg14[%swap3A_3275, %swap3A_3276, %swap3A_3277] {strides = array<i32>} : memref<2x128x128xf32, #tpu.memory_space<vmem>>, vector<16xf32>,
      tpu.vector_store %arg14[%swap3A_3275, %swap3A_3276, %swap3A_3277], %add3A_3274 {strides = array<i32>} : memref<2x128x128xf32, #tpu.memory_space<vmem>>, vector<16xf32>,
      %sub3A_3279 = vector.broadcast %mul3A_3235 : f32 to vector<16xf32>
      %sub3A_3280 = arith.subf %add3A_3155, %sub3A_3279 : vector<16xf32>
      %mul3A_3281 = vector.broadcast %mul3A_3268 : f32 to vector<16xf32>
      %mul3A_3282 = arith.mulf %sub3A_3280, %mul3A_3281 : vector<16xf32>
      %mul3A_3283 = arith.mulf %mul3A_3282, %get3A_5 : vector<16xf32>
      %add3A_3284 = arith.addf %mul3A_3283, %get3A_21 : vector<16xf32>
      %swap3A_3285 = arith.index_cast %rem3A_129 : i32 to index
      %swap3A_3286 = arith.index_cast %add3A_3136 : i32 to index
      %swap3A_3287 = arith.constant 16 : index
      %swap3A_3288 = tpu.vector_load %arg14[%swap3A_3285, %swap3A_3286, %swap3A_3287] {strides = array<i32>} : memref<2x128x128xf32, #tpu.memory_space<vmem>>, vector<16xf32>,
      tpu.vector_store %arg14[%swap3A_3285, %swap3A_3286, %swap3A_3287], %add3A_3284 {strides = array<i32>} : memref<2x128x128xf32, #tpu.memory_space<vmem>>, vector<16xf32>,
      %sub3A_3289 = vector.broadcast %mul3A_3235 : f32 to vector<16xf32>
      %sub3A_3290 = arith.subf %add3A_3163, %sub3A_3289 : vector<16xf32>
      %mul3A_3291 = vector.broadcast %mul3A_3268 : f32 to vector<16xf32>
      %mul3A_3292 = arith.mulf %sub3A_3290, %mul3A_3291 : vector<16xf32>
      %mul3A_3293 = arith.mulf %mul3A_3292, %get3A_7 : vector<16xf32>
      %add3A_3294 = arith.addf %mul3A_3293, %get3A_23 : vector<16xf32>
      %swap3A_3295 = arith.index_cast %rem3A_129 : i32 to index
      %swap3A_3296 = arith.index_cast %add3A_3136 : i32 to index
      %swap3A_3297 = arith.constant 32 : index
      %swap3A_3298 = tpu.vector_load %arg14[%swap3A_3295, %swap3A_3296, %swap3A_3297] {strides = array<i32>} : memref<2x128x128xf32, #tpu.memory_space<vmem>>, vector<16xf32>,
      tpu.vector_store %arg14[%swap3A_3295, %swap3A_3296, %swap3A_3297], %add3A_3294 {strides = array<i32>} : memref<2x128x128xf32, #tpu.memory_space<vmem>>, vector<16xf32>,
      %sub3A_3299 = vector.broadcast %mul3A_3235 : f32 to vector<16xf32>
      %sub3A_3300 = arith.subf %add3A_3171, %sub3A_3299 : vector<16xf32>
      %mul3A_3301 = vector.broadcast %mul3A_3268 : f32 to vector<16xf32>
      %mul3A_3302 = arith.mulf %sub3A_3300, %mul3A_3301 : vector<16xf32>
      %mul3A_3303 = arith.mulf %mul3A_3302, %get3A_9 : vector<16xf32>
      %add3A_3304 = arith.addf %mul3A_3303, %get3A_25 : vector<16xf32>
      %swap3A_3305 = arith.index_cast %rem3A_129 : i32 to index
      %swap3A_3306 = arith.index_cast %add3A_3136 : i32 to index
      %swap3A_3307 = arith.constant 48 : index
      %swap3A_3308 = tpu.vector_load %arg14[%swap3A_3305, %swap3A_3306, %swap3A_3307] {strides = array<i32>} : memref<2x128x128xf32, #tpu.memory_space<vmem>>, vector<16xf32>,
      tpu.vector_store %arg14[%swap3A_3305, %swap3A_3306, %swap3A_3307], %add3A_3304 {strides = array<i32>} : memref<2x128x128xf32, #tpu.memory_space<vmem>>, vector<16xf32>,
      %sub3A_3309 = vector.broadcast %mul3A_3235 : f32 to vector<16xf32>
      %sub3A_3310 = arith.subf %add3A_3179, %sub3A_3309 : vector<16xf32>
      %mul3A_3311 = vector.broadcast %mul3A_3268 : f32 to vector<16xf32>
      %mul3A_3312 = arith.mulf %sub3A_3310, %mul3A_3311 : vector<16xf32>
      %mul3A_3313 = arith.mulf %mul3A_3312, %get3A_11 : vector<16xf32>
      %add3A_3314 = arith.addf %mul3A_3313, %get3A_27 : vector<16xf32>
      %swap3A_3315 = arith.index_cast %rem3A_129 : i32 to index
      %swap3A_3316 = arith.index_cast %add3A_3136 : i32 to index
      %swap3A_3317 = arith.constant 64 : index
      %swap3A_3318 = tpu.vector_load %arg14[%swap3A_3315, %swap3A_3316, %swap3A_3317] {strides = array<i32>} : memref<2x128x128xf32, #tpu.memory_space<vmem>>, vector<16xf32>,
      tpu.vector_store %arg14[%swap3A_3315, %swap3A_3316, %swap3A_3317], %add3A_3314 {strides = array<i32>} : memref<2x128x128xf32, #tpu.memory_space<vmem>>, vector<16xf32>,
      %sub3A_3319 = vector.broadcast %mul3A_3235 : f32 to vector<16xf32>
      %sub3A_3320 = arith.subf %add3A_3187, %sub3A_3319 : vector<16xf32>
      %mul3A_3321 = vector.broadcast %mul3A_3268 : f32 to vector<16xf32>
      %mul3A_3322 = arith.mulf %sub3A_3320, %mul3A_3321 : vector<16xf32>
      %mul3A_3323 = arith.mulf %mul3A_3322, %get3A_13 : vector<16xf32>
      %add3A_3324 = arith.addf %mul3A_3323, %get3A_29 : vector<16xf32>
      %swap3A_3325 = arith.index_cast %rem3A_129 : i32 to index
      %swap3A_3326 = arith.index_cast %add3A_3136 : i32 to index
      %swap3A_3327 = arith.constant 80 : index
      %swap3A_3328 = tpu.vector_load %arg14[%swap3A_3325, %swap3A_3326, %swap3A_3327] {strides = array<i32>} : memref<2x128x128xf32, #tpu.memory_space<vmem>>, vector<16xf32>,
      tpu.vector_store %arg14[%swap3A_3325, %swap3A_3326, %swap3A_3327], %add3A_3324 {strides = array<i32>} : memref<2x128x128xf32, #tpu.memory_space<vmem>>, vector<16xf32>,
      %sub3A_3329 = vector.broadcast %mul3A_3235 : f32 to vector<16xf32>
      %sub3A_3330 = arith.subf %add3A_3195, %sub3A_3329 : vector<16xf32>
      %mul3A_3331 = vector.broadcast %mul3A_3268 : f32 to vector<16xf32>
      %mul3A_3332 = arith.mulf %sub3A_3330, %mul3A_3331 : vector<16xf32>
      %mul3A_3333 = arith.mulf %mul3A_3332, %get3A_15 : vector<16xf32>
      %add3A_3334 = arith.addf %mul3A_3333, %get3A_31 : vector<16xf32>
      %swap3A_3335 = arith.index_cast %rem3A_129 : i32 to index
      %swap3A_3336 = arith.index_cast %add3A_3136 : i32 to index
      %swap3A_3337 = arith.constant 96 : index
      %swap3A_3338 = tpu.vector_load %arg14[%swap3A_3335, %swap3A_3336, %swap3A_3337] {strides = array<i32>} : memref<2x128x128xf32, #tpu.memory_space<vmem>>, vector<16xf32>,
      tpu.vector_store %arg14[%swap3A_3335, %swap3A_3336, %swap3A_3337], %add3A_3334 {strides = array<i32>} : memref<2x128x128xf32, #tpu.memory_space<vmem>>, vector<16xf32>,
      %sub3A_3339 = vector.broadcast %mul3A_3235 : f32 to vector<16xf32>
      %sub3A_3340 = arith.subf %add3A_3203, %sub3A_3339 : vector<16xf32>
      %mul3A_3341 = vector.broadcast %mul3A_3268 : f32 to vector<16xf32>
      %mul3A_3342 = arith.mulf %sub3A_3340, %mul3A_3341 : vector<16xf32>
      %mul3A_3343 = arith.mulf %mul3A_3342, %get3A_17 : vector<16xf32>
      %add3A_3344 = arith.addf %mul3A_3343, %get3A_33 : vector<16xf32>
      %swap3A_3345 = arith.index_cast %rem3A_129 : i32 to index
      %swap3A_3346 = arith.index_cast %add3A_3136 : i32 to index
      %swap3A_3347 = arith.constant 112 : index
      %swap3A_3348 = tpu.vector_load %arg14[%swap3A_3345, %swap3A_3346, %swap3A_3347] {strides = array<i32>} : memref<2x128x128xf32, #tpu.memory_space<vmem>>, vector<16xf32>,
      tpu.vector_store %arg14[%swap3A_3345, %swap3A_3346, %swap3A_3347], %add3A_3344 {strides = array<i32>} : memref<2x128x128xf32, #tpu.memory_space<vmem>>, vector<16xf32>,
      %add3A_3349 = arith.constant 15 : i32
      %add3A_3350 = arith.addi %mul3A_142, %add3A_3349 : i32
      %add3A_3351 = arith.addi %mul3A_131, %add3A_3350 : i32
      %rem3A_3352 = arith.constant 200 : i32
      %rem3A_3353 = arith.remsi %add3A_3351, %rem3A_3352 : i32
      %get3A_3354 = arith.index_cast %rem3A_129 : i32 to index
      %get3A_3355 = arith.index_cast %add3A_3350 : i32 to index
      %get3A_3356 = arith.constant 0 : index
      %get3A_3357 = tpu.vector_load %arg13[%get3A_3354, %get3A_3355, %get3A_3356] {strides = array<i32>} : memref<2x128x128xf32, #tpu.memory_space<vmem>>, vector<16xf32>,
      %get3A_3358 = arith.index_cast %rem3A_3353 : i32 to index
      %get3A_3359 = arith.constant 0 : index
      %get3A_3360 = tpu.vector_load %arg9[%get3A_3358, %get3A_3359] {strides = array<i32>} : memref<200x128xf32, #tpu.memory_space<vmem>>, vector<16xf32>,
      %add3A_3361 = arith.addf %get3A_3357, %get3A_3360 : vector<16xf32>
      %get3A_3362 = arith.index_cast %rem3A_129 : i32 to index
      %get3A_3363 = arith.index_cast %add3A_3350 : i32 to index
      %get3A_3364 = arith.constant 16 : index
      %get3A_3365 = tpu.vector_load %arg13[%get3A_3362, %get3A_3363, %get3A_3364] {strides = array<i32>} : memref<2x128x128xf32, #tpu.memory_space<vmem>>, vector<16xf32>,
      %get3A_3366 = arith.index_cast %rem3A_3353 : i32 to index
      %get3A_3367 = arith.constant 16 : index
      %get3A_3368 = tpu.vector_load %arg9[%get3A_3366, %get3A_3367] {strides = array<i32>} : memref<200x128xf32, #tpu.memory_space<vmem>>, vector<16xf32>,
      %add3A_3369 = arith.addf %get3A_3365, %get3A_3368 : vector<16xf32>
      %get3A_3370 = arith.index_cast %rem3A_129 : i32 to index
      %get3A_3371 = arith.index_cast %add3A_3350 : i32 to index
      %get3A_3372 = arith.constant 32 : index
      %get3A_3373 = tpu.vector_load %arg13[%get3A_3370, %get3A_3371, %get3A_3372] {strides = array<i32>} : memref<2x128x128xf32, #tpu.memory_space<vmem>>, vector<16xf32>,
      %get3A_3374 = arith.index_cast %rem3A_3353 : i32 to index
      %get3A_3375 = arith.constant 32 : index
      %get3A_3376 = tpu.vector_load %arg9[%get3A_3374, %get3A_3375] {strides = array<i32>} : memref<200x128xf32, #tpu.memory_space<vmem>>, vector<16xf32>,
      %add3A_3377 = arith.addf %get3A_3373, %get3A_3376 : vector<16xf32>
      %get3A_3378 = arith.index_cast %rem3A_129 : i32 to index
      %get3A_3379 = arith.index_cast %add3A_3350 : i32 to index
      %get3A_3380 = arith.constant 48 : index
      %get3A_3381 = tpu.vector_load %arg13[%get3A_3378, %get3A_3379, %get3A_3380] {strides = array<i32>} : memref<2x128x128xf32, #tpu.memory_space<vmem>>, vector<16xf32>,
      %get3A_3382 = arith.index_cast %rem3A_3353 : i32 to index
      %get3A_3383 = arith.constant 48 : index
      %get3A_3384 = tpu.vector_load %arg9[%get3A_3382, %get3A_3383] {strides = array<i32>} : memref<200x128xf32, #tpu.memory_space<vmem>>, vector<16xf32>,
      %add3A_3385 = arith.addf %get3A_3381, %get3A_3384 : vector<16xf32>
      %get3A_3386 = arith.index_cast %rem3A_129 : i32 to index
      %get3A_3387 = arith.index_cast %add3A_3350 : i32 to index
      %get3A_3388 = arith.constant 64 : index
      %get3A_3389 = tpu.vector_load %arg13[%get3A_3386, %get3A_3387, %get3A_3388] {strides = array<i32>} : memref<2x128x128xf32, #tpu.memory_space<vmem>>, vector<16xf32>,
      %get3A_3390 = arith.index_cast %rem3A_3353 : i32 to index
      %get3A_3391 = arith.constant 64 : index
      %get3A_3392 = tpu.vector_load %arg9[%get3A_3390, %get3A_3391] {strides = array<i32>} : memref<200x128xf32, #tpu.memory_space<vmem>>, vector<16xf32>,
      %add3A_3393 = arith.addf %get3A_3389, %get3A_3392 : vector<16xf32>
      %get3A_3394 = arith.index_cast %rem3A_129 : i32 to index
      %get3A_3395 = arith.index_cast %add3A_3350 : i32 to index
      %get3A_3396 = arith.constant 80 : index
      %get3A_3397 = tpu.vector_load %arg13[%get3A_3394, %get3A_3395, %get3A_3396] {strides = array<i32>} : memref<2x128x128xf32, #tpu.memory_space<vmem>>, vector<16xf32>,
      %get3A_3398 = arith.index_cast %rem3A_3353 : i32 to index
      %get3A_3399 = arith.constant 80 : index
      %get3A_3400 = tpu.vector_load %arg9[%get3A_3398, %get3A_3399] {strides = array<i32>} : memref<200x128xf32, #tpu.memory_space<vmem>>, vector<16xf32>,
      %add3A_3401 = arith.addf %get3A_3397, %get3A_3400 : vector<16xf32>
      %get3A_3402 = arith.index_cast %rem3A_129 : i32 to index
      %get3A_3403 = arith.index_cast %add3A_3350 : i32 to index
      %get3A_3404 = arith.constant 96 : index
      %get3A_3405 = tpu.vector_load %arg13[%get3A_3402, %get3A_3403, %get3A_3404] {strides = array<i32>} : memref<2x128x128xf32, #tpu.memory_space<vmem>>, vector<16xf32>,
      %get3A_3406 = arith.index_cast %rem3A_3353 : i32 to index
      %get3A_3407 = arith.constant 96 : index
      %get3A_3408 = tpu.vector_load %arg9[%get3A_3406, %get3A_3407] {strides = array<i32>} : memref<200x128xf32, #tpu.memory_space<vmem>>, vector<16xf32>,
      %add3A_3409 = arith.addf %get3A_3405, %get3A_3408 : vector<16xf32>
      %get3A_3410 = arith.index_cast %rem3A_129 : i32 to index
      %get3A_3411 = arith.index_cast %add3A_3350 : i32 to index
      %get3A_3412 = arith.constant 112 : index
      %get3A_3413 = tpu.vector_load %arg13[%get3A_3410, %get3A_3411, %get3A_3412] {strides = array<i32>} : memref<2x128x128xf32, #tpu.memory_space<vmem>>, vector<16xf32>,
      %get3A_3414 = arith.index_cast %rem3A_3353 : i32 to index
      %get3A_3415 = arith.constant 112 : index
      %get3A_3416 = tpu.vector_load %arg9[%get3A_3414, %get3A_3415] {strides = array<i32>} : memref<200x128xf32, #tpu.memory_space<vmem>>, vector<16xf32>,
      %add3A_3417 = arith.addf %get3A_3413, %get3A_3416 : vector<16xf32>
      %add3A_3418 = arith.addf %add3A_3361, %add3A_3369 : vector<16xf32>
      %add3A_3419 = arith.addf %add3A_3377, %add3A_3385 : vector<16xf32>
      %add3A_3420 = arith.addf %add3A_3393, %add3A_3401 : vector<16xf32>
      %add3A_3421 = arith.addf %add3A_3409, %add3A_3417 : vector<16xf32>
      %add3A_3422 = arith.addf %add3A_3418, %add3A_3419 : vector<16xf32>
      %add3A_3423 = arith.addf %add3A_3420, %add3A_3421 : vector<16xf32>
      %add3A_3424 = arith.addf %add3A_3422, %add3A_3423 : vector<16xf32>
      %reduce_sum3A_3425 = arith.constant true
      %reduce_sum3A_3426 = vector.broadcast %reduce_sum3A_3425 : i1 to vector<16xi1>
      %reduce_sum3A_3427 = tpu.scan <sum>, %add3A_3424 masked %reduce_sum3A_3426 : vector<16xf32>, vector<16xi1> -> vector<16xf32>
      %reduce_sum3A_3428 = vector.extract %reduce_sum3A_3427[15] : f32 from vector<16xf32>
      %mul3A_3429 = arith.mulf %add3A_3361, %add3A_3361 : vector<16xf32>
      %mul3A_3430 = arith.mulf %add3A_3369, %add3A_3369 : vector<16xf32>
      %mul3A_3431 = arith.mulf %add3A_3377, %add3A_3377 : vector<16xf32>
      %mul3A_3432 = arith.mulf %add3A_3385, %add3A_3385 : vector<16xf32>
      %mul3A_3433 = arith.mulf %add3A_3393, %add3A_3393 : vector<16xf32>
      %mul3A_3434 = arith.mulf %add3A_3401, %add3A_3401 : vector<16xf32>
      %mul3A_3435 = arith.mulf %add3A_3409, %add3A_3409 : vector<16xf32>
      %mul3A_3436 = arith.mulf %add3A_3417, %add3A_3417 : vector<16xf32>
      %add3A_3437 = arith.addf %mul3A_3429, %mul3A_3430 : vector<16xf32>
      %add3A_3438 = arith.addf %mul3A_3431, %mul3A_3432 : vector<16xf32>
      %add3A_3439 = arith.addf %mul3A_3433, %mul3A_3434 : vector<16xf32>
      %add3A_3440 = arith.addf %mul3A_3435, %mul3A_3436 : vector<16xf32>
      %add3A_3441 = arith.addf %add3A_3437, %add3A_3438 : vector<16xf32>
      %add3A_3442 = arith.addf %add3A_3439, %add3A_3440 : vector<16xf32>
      %add3A_3443 = arith.addf %add3A_3441, %add3A_3442 : vector<16xf32>
      %reduce_sum3A_3444 = arith.constant true
      %reduce_sum3A_3445 = vector.broadcast %reduce_sum3A_3444 : i1 to vector<16xi1>
      %reduce_sum3A_3446 = tpu.scan <sum>, %add3A_3443 masked %reduce_sum3A_3445 : vector<16xf32>, vector<16xi1> -> vector<16xf32>
      %reduce_sum3A_3447 = vector.extract %reduce_sum3A_3446[15] : f32 from vector<16xf32>
      %mul3A_3448 = arith.constant 7.812500e-03 : f32
      %mul3A_3449 = arith.mulf %reduce_sum3A_3428, %mul3A_3448 : f32
      %mul3A_3450 = arith.constant 7.812500e-03 : f32
      %mul3A_3451 = arith.mulf %reduce_sum3A_3447, %mul3A_3450 : f32
      %mul3A_3452 = arith.mulf %mul3A_3449, %mul3A_3449 : f32
      %sub3A_3453 = arith.subf %mul3A_3451, %mul3A_3452 : f32
      %add3A_3454 = arith.constant 9.99999996E-13 : f32
      %add3A_3455 = arith.addf %sub3A_3453, %add3A_3454 : f32
      %bitcast_convert_type3A_3456 = arith.bitcast %add3A_3455 : f32 to i32
      %shift_right_logical3A_3457 = arith.constant 1 : i32
      %shift_right_logical3A_3458 = arith.shrui %bitcast_convert_type3A_3456, %shift_right_logical3A_3457 : i32
      %sub3A_3459 = arith.constant 1597463007 : i32
      %sub3A_3460 = arith.subi %sub3A_3459, %shift_right_logical3A_3458 : i32
      %bitcast_convert_type3A_3461 = arith.bitcast %sub3A_3460 : i32 to f32
      %mul3A_3462 = arith.constant 5.000000e-01 : f32
      %mul3A_3463 = arith.mulf %mul3A_3462, %add3A_3455 : f32
      %mul3A_3464 = arith.mulf %mul3A_3463, %bitcast_convert_type3A_3461 : f32
      %mul3A_3465 = arith.mulf %mul3A_3464, %bitcast_convert_type3A_3461 : f32
      %sub3A_3466 = arith.constant 1.500000e+00 : f32
      %sub3A_3467 = arith.subf %sub3A_3466, %mul3A_3465 : f32
      %mul3A_3468 = arith.mulf %bitcast_convert_type3A_3461, %sub3A_3467 : f32
      %mul3A_3469 = arith.constant 5.000000e-01 : f32
      %mul3A_3470 = arith.mulf %mul3A_3469, %add3A_3455 : f32
      %mul3A_3471 = arith.mulf %mul3A_3470, %mul3A_3468 : f32
      %mul3A_3472 = arith.mulf %mul3A_3471, %mul3A_3468 : f32
      %sub3A_3473 = arith.constant 1.500000e+00 : f32
      %sub3A_3474 = arith.subf %sub3A_3473, %mul3A_3472 : f32
      %mul3A_3475 = arith.mulf %mul3A_3468, %sub3A_3474 : f32
      %mul3A_3476 = arith.constant 5.000000e-01 : f32
      %mul3A_3477 = arith.mulf %mul3A_3476, %add3A_3455 : f32
      %mul3A_3478 = arith.mulf %mul3A_3477, %mul3A_3475 : f32
      %mul3A_3479 = arith.mulf %mul3A_3478, %mul3A_3475 : f32
      %sub3A_3480 = arith.constant 1.500000e+00 : f32
      %sub3A_3481 = arith.subf %sub3A_3480, %mul3A_3479 : f32
      %mul3A_3482 = arith.mulf %mul3A_3475, %sub3A_3481 : f32
      %sub3A_3483 = vector.broadcast %mul3A_3449 : f32 to vector<16xf32>
      %sub3A_3484 = arith.subf %add3A_3361, %sub3A_3483 : vector<16xf32>
      %mul3A_3485 = vector.broadcast %mul3A_3482 : f32 to vector<16xf32>
      %mul3A_3486 = arith.mulf %sub3A_3484, %mul3A_3485 : vector<16xf32>
      %mul3A_3487 = arith.mulf %mul3A_3486, %get3A_3 : vector<16xf32>
      %add3A_3488 = arith.addf %mul3A_3487, %get3A_19 : vector<16xf32>
      %swap3A_3489 = arith.index_cast %rem3A_129 : i32 to index
      %swap3A_3490 = arith.index_cast %add3A_3350 : i32 to index
      %swap3A_3491 = arith.constant 0 : index
      %swap3A_3492 = tpu.vector_load %arg14[%swap3A_3489, %swap3A_3490, %swap3A_3491] {strides = array<i32>} : memref<2x128x128xf32, #tpu.memory_space<vmem>>, vector<16xf32>,
      tpu.vector_store %arg14[%swap3A_3489, %swap3A_3490, %swap3A_3491], %add3A_3488 {strides = array<i32>} : memref<2x128x128xf32, #tpu.memory_space<vmem>>, vector<16xf32>,
      %sub3A_3493 = vector.broadcast %mul3A_3449 : f32 to vector<16xf32>
      %sub3A_3494 = arith.subf %add3A_3369, %sub3A_3493 : vector<16xf32>
      %mul3A_3495 = vector.broadcast %mul3A_3482 : f32 to vector<16xf32>
      %mul3A_3496 = arith.mulf %sub3A_3494, %mul3A_3495 : vector<16xf32>
      %mul3A_3497 = arith.mulf %mul3A_3496, %get3A_5 : vector<16xf32>
      %add3A_3498 = arith.addf %mul3A_3497, %get3A_21 : vector<16xf32>
      %swap3A_3499 = arith.index_cast %rem3A_129 : i32 to index
      %swap3A_3500 = arith.index_cast %add3A_3350 : i32 to index
      %swap3A_3501 = arith.constant 16 : index
      %swap3A_3502 = tpu.vector_load %arg14[%swap3A_3499, %swap3A_3500, %swap3A_3501] {strides = array<i32>} : memref<2x128x128xf32, #tpu.memory_space<vmem>>, vector<16xf32>,
      tpu.vector_store %arg14[%swap3A_3499, %swap3A_3500, %swap3A_3501], %add3A_3498 {strides = array<i32>} : memref<2x128x128xf32, #tpu.memory_space<vmem>>, vector<16xf32>,
      %sub3A_3503 = vector.broadcast %mul3A_3449 : f32 to vector<16xf32>
      %sub3A_3504 = arith.subf %add3A_3377, %sub3A_3503 : vector<16xf32>
      %mul3A_3505 = vector.broadcast %mul3A_3482 : f32 to vector<16xf32>
      %mul3A_3506 = arith.mulf %sub3A_3504, %mul3A_3505 : vector<16xf32>
      %mul3A_3507 = arith.mulf %mul3A_3506, %get3A_7 : vector<16xf32>
      %add3A_3508 = arith.addf %mul3A_3507, %get3A_23 : vector<16xf32>
      %swap3A_3509 = arith.index_cast %rem3A_129 : i32 to index
      %swap3A_3510 = arith.index_cast %add3A_3350 : i32 to index
      %swap3A_3511 = arith.constant 32 : index
      %swap3A_3512 = tpu.vector_load %arg14[%swap3A_3509, %swap3A_3510, %swap3A_3511] {strides = array<i32>} : memref<2x128x128xf32, #tpu.memory_space<vmem>>, vector<16xf32>,
      tpu.vector_store %arg14[%swap3A_3509, %swap3A_3510, %swap3A_3511], %add3A_3508 {strides = array<i32>} : memref<2x128x128xf32, #tpu.memory_space<vmem>>, vector<16xf32>,
      %sub3A_3513 = vector.broadcast %mul3A_3449 : f32 to vector<16xf32>
      %sub3A_3514 = arith.subf %add3A_3385, %sub3A_3513 : vector<16xf32>
      %mul3A_3515 = vector.broadcast %mul3A_3482 : f32 to vector<16xf32>
      %mul3A_3516 = arith.mulf %sub3A_3514, %mul3A_3515 : vector<16xf32>
      %mul3A_3517 = arith.mulf %mul3A_3516, %get3A_9 : vector<16xf32>
      %add3A_3518 = arith.addf %mul3A_3517, %get3A_25 : vector<16xf32>
      %swap3A_3519 = arith.index_cast %rem3A_129 : i32 to index
      %swap3A_3520 = arith.index_cast %add3A_3350 : i32 to index
      %swap3A_3521 = arith.constant 48 : index
      %swap3A_3522 = tpu.vector_load %arg14[%swap3A_3519, %swap3A_3520, %swap3A_3521] {strides = array<i32>} : memref<2x128x128xf32, #tpu.memory_space<vmem>>, vector<16xf32>,
      tpu.vector_store %arg14[%swap3A_3519, %swap3A_3520, %swap3A_3521], %add3A_3518 {strides = array<i32>} : memref<2x128x128xf32, #tpu.memory_space<vmem>>, vector<16xf32>,
      %sub3A_3523 = vector.broadcast %mul3A_3449 : f32 to vector<16xf32>
      %sub3A_3524 = arith.subf %add3A_3393, %sub3A_3523 : vector<16xf32>
      %mul3A_3525 = vector.broadcast %mul3A_3482 : f32 to vector<16xf32>
      %mul3A_3526 = arith.mulf %sub3A_3524, %mul3A_3525 : vector<16xf32>
      %mul3A_3527 = arith.mulf %mul3A_3526, %get3A_11 : vector<16xf32>
      %add3A_3528 = arith.addf %mul3A_3527, %get3A_27 : vector<16xf32>
      %swap3A_3529 = arith.index_cast %rem3A_129 : i32 to index
      %swap3A_3530 = arith.index_cast %add3A_3350 : i32 to index
      %swap3A_3531 = arith.constant 64 : index
      %swap3A_3532 = tpu.vector_load %arg14[%swap3A_3529, %swap3A_3530, %swap3A_3531] {strides = array<i32>} : memref<2x128x128xf32, #tpu.memory_space<vmem>>, vector<16xf32>,
      tpu.vector_store %arg14[%swap3A_3529, %swap3A_3530, %swap3A_3531], %add3A_3528 {strides = array<i32>} : memref<2x128x128xf32, #tpu.memory_space<vmem>>, vector<16xf32>,
      %sub3A_3533 = vector.broadcast %mul3A_3449 : f32 to vector<16xf32>
      %sub3A_3534 = arith.subf %add3A_3401, %sub3A_3533 : vector<16xf32>
      %mul3A_3535 = vector.broadcast %mul3A_3482 : f32 to vector<16xf32>
      %mul3A_3536 = arith.mulf %sub3A_3534, %mul3A_3535 : vector<16xf32>
      %mul3A_3537 = arith.mulf %mul3A_3536, %get3A_13 : vector<16xf32>
      %add3A_3538 = arith.addf %mul3A_3537, %get3A_29 : vector<16xf32>
      %swap3A_3539 = arith.index_cast %rem3A_129 : i32 to index
      %swap3A_3540 = arith.index_cast %add3A_3350 : i32 to index
      %swap3A_3541 = arith.constant 80 : index
      %swap3A_3542 = tpu.vector_load %arg14[%swap3A_3539, %swap3A_3540, %swap3A_3541] {strides = array<i32>} : memref<2x128x128xf32, #tpu.memory_space<vmem>>, vector<16xf32>,
      tpu.vector_store %arg14[%swap3A_3539, %swap3A_3540, %swap3A_3541], %add3A_3538 {strides = array<i32>} : memref<2x128x128xf32, #tpu.memory_space<vmem>>, vector<16xf32>,
      %sub3A_3543 = vector.broadcast %mul3A_3449 : f32 to vector<16xf32>
      %sub3A_3544 = arith.subf %add3A_3409, %sub3A_3543 : vector<16xf32>
      %mul3A_3545 = vector.broadcast %mul3A_3482 : f32 to vector<16xf32>
      %mul3A_3546 = arith.mulf %sub3A_3544, %mul3A_3545 : vector<16xf32>
      %mul3A_3547 = arith.mulf %mul3A_3546, %get3A_15 : vector<16xf32>
      %add3A_3548 = arith.addf %mul3A_3547, %get3A_31 : vector<16xf32>
      %swap3A_3549 = arith.index_cast %rem3A_129 : i32 to index
      %swap3A_3550 = arith.index_cast %add3A_3350 : i32 to index
      %swap3A_3551 = arith.constant 96 : index
      %swap3A_3552 = tpu.vector_load %arg14[%swap3A_3549, %swap3A_3550, %swap3A_3551] {strides = array<i32>} : memref<2x128x128xf32, #tpu.memory_space<vmem>>, vector<16xf32>,
      tpu.vector_store %arg14[%swap3A_3549, %swap3A_3550, %swap3A_3551], %add3A_3548 {strides = array<i32>} : memref<2x128x128xf32, #tpu.memory_space<vmem>>, vector<16xf32>,
      %sub3A_3553 = vector.broadcast %mul3A_3449 : f32 to vector<16xf32>
      %sub3A_3554 = arith.subf %add3A_3417, %sub3A_3553 : vector<16xf32>
      %mul3A_3555 = vector.broadcast %mul3A_3482 : f32 to vector<16xf32>
      %mul3A_3556 = arith.mulf %sub3A_3554, %mul3A_3555 : vector<16xf32>
      %mul3A_3557 = arith.mulf %mul3A_3556, %get3A_17 : vector<16xf32>
      %add3A_3558 = arith.addf %mul3A_3557, %get3A_33 : vector<16xf32>
      %swap3A_3559 = arith.index_cast %rem3A_129 : i32 to index
      %swap3A_3560 = arith.index_cast %add3A_3350 : i32 to index
      %swap3A_3561 = arith.constant 112 : index
      %swap3A_3562 = tpu.vector_load %arg14[%swap3A_3559, %swap3A_3560, %swap3A_3561] {strides = array<i32>} : memref<2x128x128xf32, #tpu.memory_space<vmem>>, vector<16xf32>,
      tpu.vector_store %arg14[%swap3A_3559, %swap3A_3560, %swap3A_3561], %add3A_3558 {strides = array<i32>} : memref<2x128x128xf32, #tpu.memory_space<vmem>>, vector<16xf32>,
      %add3A_3563 = arith.addi %mul3A_131, %mul3A_142 : i32
      %get3A_3564 = arith.index_cast %add3A_3563 : i32 to index
      %get3A_3565 = tpu.vector_load %arg8[%get3A_3564] {strides = array<i32>} : memref<6400xi32, #tpu.memory_space<vmem>>, vector<16xi32>,
      %eq3A_3566 = arith.constant 0 : i32
      %eq3A_3567 = vector.broadcast %eq3A_3566 : i32 to vector<16xi32>
      %eq3A_3568 = arith.cmpi eq, %get3A_3565, %eq3A_3567 : vector<16xi32>
      %jit3A_3569 = arith.constant 1 : i32
      %jit3A_3570 = arith.constant 0 : i32
      %broadcast_in_dim3A = vector.broadcast %jit3A_3569 : i32 to vector<16xi32>
      %broadcast_in_dim3A_3571 = vector.broadcast %jit3A_3570 : i32 to vector<16xi32>
      %select_n3A_3572 = arith.select %eq3A_3568, %broadcast_in_dim3A, %broadcast_in_dim3A_3571 : vector<16xi1>, vector<16xi32>
      %reduce_sum3A_3573 = arith.constant true
      %reduce_sum3A_3574 = vector.broadcast %reduce_sum3A_3573 : i1 to vector<16xi1>
      %reduce_sum3A_3575 = tpu.scan <sum>, %select_n3A_3572 masked %reduce_sum3A_3574 : vector<16xi32>, vector<16xi1> -> vector<16xi32>
      %reduce_sum3A_3576 = vector.extract %reduce_sum3A_3575[15] : i32 from vector<16xi32>
      %gt3A = arith.constant 0 : i32
      %gt3A_3577 = arith.cmpi sgt, %reduce_sum3A_3576, %gt3A : i32
      %convert_element_type3A_3578 = arith.extui %gt3A_3577 : i1 to i32
      %cond3A_3579 = arith.constant 0 : i32
      %cond3A_3580 = arith.cmpi ne, %convert_element_type3A_3578, %cond3A_3579 : i32
      scf.if %cond3A_3580 {
        %scan3A_3587 = arith.constant 0 : i32
        %scan3A_3588 = arith.constant 0 : i32
        %scan3A_3589 = arith.constant 16 : i32
        %scan3A_3590 = arith.addi %scan3A_3588, %scan3A_3589 : i32
        %scan3A_3591 = arith.constant 1 : i32
        %scan3A_3592 = scf.for %scan3A_3594 = %scan3A_3588 to %scan3A_3590 step %scan3A_3591 iter_args(%scan3A_3595 = %scan3A_3587) -> (i32)  : i32 {
          %add3A_3596 = arith.addi %mul3A_142, %scan3A_3594 : i32
          %eq3A_3597 = vector.broadcast %scan3A_3594 : i32 to vector<16xi32>
          %eq3A_3598 = arith.cmpi eq, %iota3A, %eq3A_3597 : vector<16xi32>
          %jit3A_3599 = arith.constant 0 : i32
          %broadcast_in_dim3A_3600 = vector.broadcast %jit3A_3599 : i32 to vector<16xi32>
          %select_n3A_3601 = arith.select %eq3A_3598, %get3A_3565, %broadcast_in_dim3A_3600 : vector<16xi1>, vector<16xi32>
          %reduce_sum3A_3602 = arith.constant true
          %reduce_sum3A_3603 = vector.broadcast %reduce_sum3A_3602 : i1 to vector<16xi1>
          %reduce_sum3A_3604 = tpu.scan <sum>, %select_n3A_3601 masked %reduce_sum3A_3603 : vector<16xi32>, vector<16xi1> -> vector<16xi32>
          %reduce_sum3A_3605 = vector.extract %reduce_sum3A_3604[15] : i32 from vector<16xi32>
          %eq3A_3606 = arith.constant 0 : i32
          %eq3A_3607 = arith.cmpi eq, %reduce_sum3A_3605, %eq3A_3606 : i32
          %convert_element_type3A_3608 = arith.extui %eq3A_3607 : i1 to i32
          %cond3A_3609 = arith.constant 0 : i32
          %cond3A_3610 = arith.cmpi ne, %convert_element_type3A_3608, %cond3A_3609 : i32
          scf.if %cond3A_3610 {
            %add3A_3612 = arith.addi %mul3A_131, %add3A_3596 : i32
            %rem3A_3613 = arith.constant 200 : i32
            %rem3A_3614 = arith.remsi %add3A_3612, %rem3A_3613 : i32
            %get3A_3615 = arith.index_cast %rem3A_3614 : i32 to index
            %get3A_3616 = arith.constant 0 : index
            %get3A_3617 = tpu.vector_load %arg10[%get3A_3615, %get3A_3616] {strides = array<i32>} : memref<200x128xf32, #tpu.memory_space<vmem>>, vector<16xf32>,
            %swap3A_3618 = arith.index_cast %rem3A_129 : i32 to index
            %swap3A_3619 = arith.index_cast %add3A_3596 : i32 to index
            %swap3A_3620 = arith.constant 0 : index
            %swap3A_3621 = tpu.vector_load %arg14[%swap3A_3618, %swap3A_3619, %swap3A_3620] {strides = array<i32>} : memref<2x128x128xf32, #tpu.memory_space<vmem>>, vector<16xf32>,
            tpu.vector_store %arg14[%swap3A_3618, %swap3A_3619, %swap3A_3620], %get3A_3617 {strides = array<i32>} : memref<2x128x128xf32, #tpu.memory_space<vmem>>, vector<16xf32>,
            %get3A_3622 = arith.index_cast %rem3A_3614 : i32 to index
            %get3A_3623 = arith.constant 16 : index
            %get3A_3624 = tpu.vector_load %arg10[%get3A_3622, %get3A_3623] {strides = array<i32>} : memref<200x128xf32, #tpu.memory_space<vmem>>, vector<16xf32>,
            %swap3A_3625 = arith.index_cast %rem3A_129 : i32 to index
            %swap3A_3626 = arith.index_cast %add3A_3596 : i32 to index
            %swap3A_3627 = arith.constant 16 : index
            %swap3A_3628 = tpu.vector_load %arg14[%swap3A_3625, %swap3A_3626, %swap3A_3627] {strides = array<i32>} : memref<2x128x128xf32, #tpu.memory_space<vmem>>, vector<16xf32>,
            tpu.vector_store %arg14[%swap3A_3625, %swap3A_3626, %swap3A_3627], %get3A_3624 {strides = array<i32>} : memref<2x128x128xf32, #tpu.memory_space<vmem>>, vector<16xf32>,
            %get3A_3629 = arith.index_cast %rem3A_3614 : i32 to index
            %get3A_3630 = arith.constant 32 : index
            %get3A_3631 = tpu.vector_load %arg10[%get3A_3629, %get3A_3630] {strides = array<i32>} : memref<200x128xf32, #tpu.memory_space<vmem>>, vector<16xf32>,
            %swap3A_3632 = arith.index_cast %rem3A_129 : i32 to index
            %swap3A_3633 = arith.index_cast %add3A_3596 : i32 to index
            %swap3A_3634 = arith.constant 32 : index
            %swap3A_3635 = tpu.vector_load %arg14[%swap3A_3632, %swap3A_3633, %swap3A_3634] {strides = array<i32>} : memref<2x128x128xf32, #tpu.memory_space<vmem>>, vector<16xf32>,
            tpu.vector_store %arg14[%swap3A_3632, %swap3A_3633, %swap3A_3634], %get3A_3631 {strides = array<i32>} : memref<2x128x128xf32, #tpu.memory_space<vmem>>, vector<16xf32>,
            %get3A_3636 = arith.index_cast %rem3A_3614 : i32 to index
            %get3A_3637 = arith.constant 48 : index
            %get3A_3638 = tpu.vector_load %arg10[%get3A_3636, %get3A_3637] {strides = array<i32>} : memref<200x128xf32, #tpu.memory_space<vmem>>, vector<16xf32>,
            %swap3A_3639 = arith.index_cast %rem3A_129 : i32 to index
            %swap3A_3640 = arith.index_cast %add3A_3596 : i32 to index
            %swap3A_3641 = arith.constant 48 : index
            %swap3A_3642 = tpu.vector_load %arg14[%swap3A_3639, %swap3A_3640, %swap3A_3641] {strides = array<i32>} : memref<2x128x128xf32, #tpu.memory_space<vmem>>, vector<16xf32>,
            tpu.vector_store %arg14[%swap3A_3639, %swap3A_3640, %swap3A_3641], %get3A_3638 {strides = array<i32>} : memref<2x128x128xf32, #tpu.memory_space<vmem>>, vector<16xf32>,
            %get3A_3643 = arith.index_cast %rem3A_3614 : i32 to index
            %get3A_3644 = arith.constant 64 : index
            %get3A_3645 = tpu.vector_load %arg10[%get3A_3643, %get3A_3644] {strides = array<i32>} : memref<200x128xf32, #tpu.memory_space<vmem>>, vector<16xf32>,
            %swap3A_3646 = arith.index_cast %rem3A_129 : i32 to index
            %swap3A_3647 = arith.index_cast %add3A_3596 : i32 to index
            %swap3A_3648 = arith.constant 64 : index
            %swap3A_3649 = tpu.vector_load %arg14[%swap3A_3646, %swap3A_3647, %swap3A_3648] {strides = array<i32>} : memref<2x128x128xf32, #tpu.memory_space<vmem>>, vector<16xf32>,
            tpu.vector_store %arg14[%swap3A_3646, %swap3A_3647, %swap3A_3648], %get3A_3645 {strides = array<i32>} : memref<2x128x128xf32, #tpu.memory_space<vmem>>, vector<16xf32>,
            %get3A_3650 = arith.index_cast %rem3A_3614 : i32 to index
            %get3A_3651 = arith.constant 80 : index
            %get3A_3652 = tpu.vector_load %arg10[%get3A_3650, %get3A_3651] {strides = array<i32>} : memref<200x128xf32, #tpu.memory_space<vmem>>, vector<16xf32>,
            %swap3A_3653 = arith.index_cast %rem3A_129 : i32 to index
            %swap3A_3654 = arith.index_cast %add3A_3596 : i32 to index
            %swap3A_3655 = arith.constant 80 : index
            %swap3A_3656 = tpu.vector_load %arg14[%swap3A_3653, %swap3A_3654, %swap3A_3655] {strides = array<i32>} : memref<2x128x128xf32, #tpu.memory_space<vmem>>, vector<16xf32>,
            tpu.vector_store %arg14[%swap3A_3653, %swap3A_3654, %swap3A_3655], %get3A_3652 {strides = array<i32>} : memref<2x128x128xf32, #tpu.memory_space<vmem>>, vector<16xf32>,
            %get3A_3657 = arith.index_cast %rem3A_3614 : i32 to index
            %get3A_3658 = arith.constant 96 : index
            %get3A_3659 = tpu.vector_load %arg10[%get3A_3657, %get3A_3658] {strides = array<i32>} : memref<200x128xf32, #tpu.memory_space<vmem>>, vector<16xf32>,
            %swap3A_3660 = arith.index_cast %rem3A_129 : i32 to index
            %swap3A_3661 = arith.index_cast %add3A_3596 : i32 to index
            %swap3A_3662 = arith.constant 96 : index
            %swap3A_3663 = tpu.vector_load %arg14[%swap3A_3660, %swap3A_3661, %swap3A_3662] {strides = array<i32>} : memref<2x128x128xf32, #tpu.memory_space<vmem>>, vector<16xf32>,
            tpu.vector_store %arg14[%swap3A_3660, %swap3A_3661, %swap3A_3662], %get3A_3659 {strides = array<i32>} : memref<2x128x128xf32, #tpu.memory_space<vmem>>, vector<16xf32>,
            %get3A_3664 = arith.index_cast %rem3A_3614 : i32 to index
            %get3A_3665 = arith.constant 112 : index
            %get3A_3666 = tpu.vector_load %arg10[%get3A_3664, %get3A_3665] {strides = array<i32>} : memref<200x128xf32, #tpu.memory_space<vmem>>, vector<16xf32>,
            %swap3A_3667 = arith.index_cast %rem3A_129 : i32 to index
            %swap3A_3668 = arith.index_cast %add3A_3596 : i32 to index
            %swap3A_3669 = arith.constant 112 : index
            %swap3A_3670 = tpu.vector_load %arg14[%swap3A_3667, %swap3A_3668, %swap3A_3669] {strides = array<i32>} : memref<2x128x128xf32, #tpu.memory_space<vmem>>, vector<16xf32>,
            tpu.vector_store %arg14[%swap3A_3667, %swap3A_3668, %swap3A_3669], %get3A_3666 {strides = array<i32>} : memref<2x128x128xf32, #tpu.memory_space<vmem>>, vector<16xf32>,
          } else {
          }
          %scan3A_3611 = arith.constant 0 : i32
          scf.yield %scan3A_3611 : i32
        }
        %scan3A_3593 = arith.constant 16 : i32
      } else {
      }
      %eq3A_3581 = arith.constant 7 : i32
      %eq3A_3582 = arith.cmpi eq, %sub3A_127, %eq3A_3581 : i32
      %convert_element_type3A_3583 = arith.extui %eq3A_3582 : i1 to i32
      %cond3A_3584 = arith.constant 0 : i32
      %cond3A_3585 = arith.cmpi ne, %convert_element_type3A_3583, %cond3A_3584 : i32
      scf.if %cond3A_3585 {
        %mul3A_3587 = arith.constant 128 : i32
        %mul3A_3588 = arith.muli %select_n3A, %mul3A_3587 : i32
        %add3A_3589 = arith.addi %mul3A_2, %mul3A_3588 : i32
        %dma_start3A_3590 = arith.constant 0 : i32
        %dma_start3A_3591 = arith.constant 0 : i32
        %dma_start3A_3592 = tpu.memref_slice %arg14[%rem3A_129, %dma_start3A_3590, %dma_start3A_3591] : memref<2x128x128xf32, #tpu.memory_space<vmem>> -> memref<1x128x128xf32, #tpu.memory_space<vmem>>
        %dma_start3A_3593 = tpu.memref_squeeze %dma_start3A_3592 : memref<1x128x128xf32, #tpu.memory_space<vmem>> -> memref<128x128xf32, #tpu.memory_space<vmem>>
        %dma_start3A_3594 = arith.constant 0 : i32
        %dma_start3A_3595 = tpu.memref_slice %arg7[%add3A_3589, %dma_start3A_3594] : memref<204800x128xf32, #tpu.memory_space<hbm>> -> memref<128x128xf32, #tpu.memory_space<hbm>>
        %dma_start3A_3596 = tpu.memref_slice %arg16[%rem3A_129] : memref<2x!tpu.dma_semaphore, #tpu.memory_space<semaphore_mem>> -> memref<1x!tpu.dma_semaphore, #tpu.memory_space<semaphore_mem>>
        %dma_start3A_3597 = tpu.memref_squeeze %dma_start3A_3596 : memref<1x!tpu.dma_semaphore, #tpu.memory_space<semaphore_mem>> -> memref<!tpu.dma_semaphore, #tpu.memory_space<semaphore_mem>>
        %dma_start3A_3598 = arith.constant 0 : i32
        %dma_start3A_3599 = tpu.memref_slice %arg7[%add3A_3589, %dma_start3A_3598] : memref<204800x128xf32, #tpu.memory_space<hbm>> -> memref<128x128xf32, #tpu.memory_space<hbm>>
        %dma_start3A_3600 = arith.constant 0 : i32
        %dma_start3A_3601 = arith.constant 0 : i32
        %dma_start3A_3602 = tpu.memref_slice %arg14[%rem3A_129, %dma_start3A_3600, %dma_start3A_3601] : memref<2x128x128xf32, #tpu.memory_space<vmem>> -> memref<1x128x128xf32, #tpu.memory_space<vmem>>
        %dma_start3A_3603 = tpu.memref_squeeze %dma_start3A_3602 : memref<1x128x128xf32, #tpu.memory_space<vmem>> -> memref<128x128xf32, #tpu.memory_space<vmem>>
        tpu.enqueue_dma source(%dma_start3A_3603 : memref<128x128xf32, #tpu.memory_space<vmem>>) target(%dma_start3A_3599 : memref<128x128xf32, #tpu.memory_space<hbm>>) target_semaphore(%dma_start3A_3597 : memref<!tpu.dma_semaphore, #tpu.memory_space<semaphore_mem>>)
        %add3A_3604 = arith.constant 2 : i32
        %add3A_3605 = arith.addi %select_n3A, %add3A_3604 : i32
        %lt3A = arith.constant 50 : i32
        %lt3A_3606 = arith.cmpi slt, %add3A_3605, %lt3A : i32
        %convert_element_type3A_3607 = arith.extui %lt3A_3606 : i1 to i32
        %cond3A_3608 = arith.constant 0 : i32
        %cond3A_3609 = arith.cmpi ne, %convert_element_type3A_3607, %cond3A_3608 : i32
        scf.if %cond3A_3609 {
          %add3A_3610 = arith.constant 2 : i32
          %add3A_3611 = arith.addi %select_n3A, %add3A_3610 : i32
          %mul3A_3612 = arith.constant 128 : i32
          %mul3A_3613 = arith.muli %add3A_3611, %mul3A_3612 : i32
          %dma_start3A_3614 = arith.constant 0 : i32
          %dma_start3A_3615 = arith.constant 0 : i32
          %dma_start3A_3616 = tpu.memref_slice %arg13[%rem3A_129, %dma_start3A_3614, %dma_start3A_3615] : memref<2x128x128xf32, #tpu.memory_space<vmem>> -> memref<1x128x128xf32, #tpu.memory_space<vmem>>
          %dma_start3A_3617 = tpu.memref_squeeze %dma_start3A_3616 : memref<1x128x128xf32, #tpu.memory_space<vmem>> -> memref<128x128xf32, #tpu.memory_space<vmem>>
          %dma_start3A_3618 = tpu.memref_slice %arg8[%mul3A_3613] : memref<6400xi32, #tpu.memory_space<vmem>> -> memref<128xi32, #tpu.memory_space<vmem>>
          %dma_start3A_3619 = arith.constant 0 : i32
          %dma_start3A_3620 = arith.constant 0 : i32
          %dma_start3A_3621 = tpu.memref_slice %arg3[%dma_start3A_3619, %dma_start3A_3620] : memref<100000x128xf32, #tpu.memory_space<hbm>> -> memref<100000x128xf32, #tpu.memory_space<hbm>>
          %dma_start3A_3622 = tpu.memref_slice %arg15[%rem3A_129] : memref<2x!tpu.dma_semaphore, #tpu.memory_space<semaphore_mem>> -> memref<1x!tpu.dma_semaphore, #tpu.memory_space<semaphore_mem>>
          %dma_start3A_3623 = tpu.memref_squeeze %dma_start3A_3622 : memref<1x!tpu.dma_semaphore, #tpu.memory_space<semaphore_mem>> -> memref<!tpu.dma_semaphore, #tpu.memory_space<semaphore_mem>>
          tpu.enqueue_indirect_dma source(%dma_start3A_3621 : memref<100000x128xf32, #tpu.memory_space<hbm>>) target(%dma_start3A_3617 : memref<128x128xf32, #tpu.memory_space<vmem>>) offsets(%dma_start3A_3618 : memref<128xi32, #tpu.memory_space<vmem>>) semaphore(%dma_start3A_3623 : memref<!tpu.dma_semaphore, #tpu.memory_space<semaphore_mem>>)
        } else {
        }
      } else {
      }
      %scan3A_3586 = arith.constant 0 : i32
      scf.yield %scan3A_3586 : i32
    }
    %scan3A_71 = arith.constant 400 : i32
    %add3A_72 = arith.constant 6144 : i32
    %add3A_73 = arith.addi %mul3A_2, %add3A_72 : i32
    %dma_wait3A = arith.constant 0 : i32
    %dma_wait3A_74 = arith.constant 0 : i32
    %dma_wait3A_75 = arith.constant 0 : i32
    %dma_wait3A_76 = arith.constant 0 : i32
    %dma_wait3A_77 = tpu.memref_slice %arg14[%dma_wait3A, %dma_wait3A_75, %dma_wait3A_76] : memref<2x128x128xf32, #tpu.memory_space<vmem>> -> memref<1x128x128xf32, #tpu.memory_space<vmem>>
    %dma_wait3A_78 = tpu.memref_squeeze %dma_wait3A_77 : memref<1x128x128xf32, #tpu.memory_space<vmem>> -> memref<128x128xf32, #tpu.memory_space<vmem>>
    %dma_wait3A_79 = arith.constant 0 : i32
    %dma_wait3A_80 = tpu.memref_slice %arg7[%add3A_73, %dma_wait3A_79] : memref<204800x128xf32, #tpu.memory_space<hbm>> -> memref<128x128xf32, #tpu.memory_space<hbm>>
    %dma_wait3A_81 = tpu.memref_slice %arg16[%dma_wait3A_74] : memref<2x!tpu.dma_semaphore, #tpu.memory_space<semaphore_mem>> -> memref<1x!tpu.dma_semaphore, #tpu.memory_space<semaphore_mem>>
    %dma_wait3A_82 = tpu.memref_squeeze %dma_wait3A_81 : memref<1x!tpu.dma_semaphore, #tpu.memory_space<semaphore_mem>> -> memref<!tpu.dma_semaphore, #tpu.memory_space<semaphore_mem>>
    %dma_wait3A_83 = arith.constant 0 : i32
    %dma_wait3A_84 = tpu.memref_slice %arg7[%add3A_73, %dma_wait3A_83] : memref<204800x128xf32, #tpu.memory_space<hbm>> -> memref<128x128xf32, #tpu.memory_space<hbm>>
    %dma_wait3A_85 = arith.constant 0 : i32
    %dma_wait3A_86 = arith.constant 0 : i32
    %dma_wait3A_87 = tpu.memref_slice %arg14[%dma_wait3A, %dma_wait3A_85, %dma_wait3A_86] : memref<2x128x128xf32, #tpu.memory_space<vmem>> -> memref<1x128x128xf32, #tpu.memory_space<vmem>>
    %dma_wait3A_88 = tpu.memref_squeeze %dma_wait3A_87 : memref<1x128x128xf32, #tpu.memory_space<vmem>> -> memref<128x128xf32, #tpu.memory_space<vmem>>
    tpu.wait_dma2 semaphore(%dma_wait3A_82 : memref<!tpu.dma_semaphore, #tpu.memory_space<semaphore_mem>>) src(%dma_wait3A_88 : memref<128x128xf32, #tpu.memory_space<vmem>>) dst(%dma_wait3A_84 : memref<128x128xf32, #tpu.memory_space<hbm>>)
    %add3A_89 = arith.constant 6272 : i32
    %add3A_90 = arith.addi %mul3A_2, %add3A_89 : i32
    %dma_wait3A_91 = arith.constant 1 : i32
    %dma_wait3A_92 = arith.constant 1 : i32
    %dma_wait3A_93 = arith.constant 0 : i32
    %dma_wait3A_94 = arith.constant 0 : i32
    %dma_wait3A_95 = tpu.memref_slice %arg14[%dma_wait3A_91, %dma_wait3A_93, %dma_wait3A_94] : memref<2x128x128xf32, #tpu.memory_space<vmem>> -> memref<1x128x128xf32, #tpu.memory_space<vmem>>
    %dma_wait3A_96 = tpu.memref_squeeze %dma_wait3A_95 : memref<1x128x128xf32, #tpu.memory_space<vmem>> -> memref<128x128xf32, #tpu.memory_space<vmem>>
    %dma_wait3A_97 = arith.constant 0 : i32
    %dma_wait3A_98 = tpu.memref_slice %arg7[%add3A_90, %dma_wait3A_97] : memref<204800x128xf32, #tpu.memory_space<hbm>> -> memref<128x128xf32, #tpu.memory_space<hbm>>
    %dma_wait3A_99 = tpu.memref_slice %arg16[%dma_wait3A_92] : memref<2x!tpu.dma_semaphore, #tpu.memory_space<semaphore_mem>> -> memref<1x!tpu.dma_semaphore, #tpu.memory_space<semaphore_mem>>
    %dma_wait3A_100 = tpu.memref_squeeze %dma_wait3A_99 : memref<1x!tpu.dma_semaphore, #tpu.memory_space<semaphore_mem>> -> memref<!tpu.dma_semaphore, #tpu.memory_space<semaphore_mem>>
    %dma_wait3A_101 = arith.constant 0 : i32
    %dma_wait3A_102 = tpu.memref_slice %arg7[%add3A_90, %dma_wait3A_101] : memref<204800x128xf32, #tpu.memory_space<hbm>> -> memref<128x128xf32, #tpu.memory_space<hbm>>
    %dma_wait3A_103 = arith.constant 0 : i32
    %dma_wait3A_104 = arith.constant 0 : i32
    %dma_wait3A_105 = tpu.memref_slice %arg14[%dma_wait3A_91, %dma_wait3A_103, %dma_wait3A_104] : memref<2x128x128xf32, #tpu.memory_space<vmem>> -> memref<1x128x128xf32, #tpu.memory_space<vmem>>
    %dma_wait3A_106 = tpu.memref_squeeze %dma_wait3A_105 : memref<1x128x128xf32, #tpu.memory_space<vmem>> -> memref<128x128xf32, #tpu.memory_space<vmem>>
    tpu.wait_dma2 semaphore(%dma_wait3A_100 : memref<!tpu.dma_semaphore, #tpu.memory_space<semaphore_mem>>) src(%dma_wait3A_106 : memref<128x128xf32, #tpu.memory_space<vmem>>) dst(%dma_wait3A_102 : memref<128x128xf32, #tpu.memory_space<hbm>>)
    return
  }
}

</mosaic_0001>

<sc_bundles>
// kernel: kernel.3.cloned.1.call-start
scs
__scs_entry_jumppad:
0x0: {  	(pc) =	sbr.rel $0x88, $3  }
0x1: {  	(tag) =	ssettag $0x0;
	lr =	simm.s32 $0x1  }
0x2: {  	[smem:$0x3F9C] =	sst lr;
	_ =	strace $0xD0000000  }
0x3: {  	_ = 	snop  }
0x4: {  	_ = 	snop  }
0x5: {  	_ = 	snop  }
0x6: {  	_ = 	snop  }
0x7: {  	_ = 	snop  }
__scs_overlays_trampoline_lowered:
0x8: {  	[smem:$0x3FAB] =	sst s0  }
0x9: {  	[smem:$0x3FAC] =	sst s1  }
0xa: {  	[smem:$0x3FAD] =	sst s2  }
0xb: {  	[smem:$0x3FAE] =	sst s3  }
0xc: {  	[smem:$0x3FAF] =	sst s4  }
0xd: {  	[smem:$0x3FB0] =	sst s5  }
0xe: {  	[smem:$0x3FB1] =	sst s6  }
0xf: {  	[smem:$0x3FB2] =	sst s7  }
0x10: {  	[smem:$0x3FB3] =	sst s8  }
0x11: {  	[smem:$0x3FB4] =	sst s9;
	s0 =	simm.s32 @!p0 $0x0  }
0x12: {  	s1 =	sld [smem:$0x3F9A];
	s0 =	simm.s32 @p0 $0x1  }
0x13: {  	[smem:$0x3FB5] =	sst s0;
	s0 =	simm.s32 @!p1 $0x0  }
0x14: {  	s2 =	sld [smem:$0x3F99];
	s0 =	simm.s32 @p1 $0x1  }
0x15: {  	[smem:$0x3FB6] =	sst s0;
	s0 =	simm.s32 @!p2 $0x0  }
0x16: {  	s3 =	sld [smem:$0x3FDB];
	s0 =	simm.s32 @p2 $0x1  }
0x17: {  	s4 =	simm.s32 $0x1BF5;
	[smem:$0x3FB8] =	sst s0  }
0x18: {  	s0 =	sld [smem:$0x3F9B];
	_ =	swait.ge [sflag:s4], $0x0  }
0x19: {  	s7 =	sld [smem:$0x3F9C]  }
0x1a: {  	s8 =	sadd.s32 $0xFFFFE003, lr  }
0x1b: {  	s9 =	sadd.s32 $0xFFFFFEF7, lr;
	s5 =	simm.s32 $0xFFFFFFFF;
	p2 =	slt.u32 s8, $0xFFFFF086  }
0x1c: {  	p1 =	slt.u32 s9, $0xF7A;
	s5 =	simm.s32 @!p2 $0x0  }
0x1d: {  	s5 =	simm.s32 @p1 $0x1;
	p0 =	seq.s32 s7, s2  }
0x1e: {  	s7 =	smul.u32 @!p0 $0xF7A, s2;
	p2 =	seq.s32 @!p0 s5, $0x0  }
0x1f: {  	s9 =	smul.u32 $0xF7A, s1;
	s8 =	simm.s32 @!p0 $0x1BF5;
	p2 =	por !p2, p0  }
0x20: {  	[sflag:s8] =	ssyncset.s32 @!p0 $0xFFFFF086;
	s6 =	sadd.s32 @!p0 s3, s7;
	s7 =	simm.s32 @!p0 $0x108  }
0x21: {  	s3 =	sadd.s32 s3, s9;
	s6 =	sadd.s32 @!p0 $0x88, s6;
	s7 =	simm.s32 @p2 $0x1082  }
0x22: {  	[simem:s7], [sflag:s8] =	dma.local @!p0 [hbm:s6], $0xF7A  }
0x23: {  	s9 =	sor.u32 $0xD0000000, s2;
	s6 =	simm.s32 $0x108;
	_ =	swait.ge @!p0 [sflag:s8], $0x0  }
0x24: {  	s3 =	sadd.s32 $0x88, s3;
	s6 =	simm.s32 @!p1 $0x1082;
	[sflag:s4] =	ssyncset.s32 $0xFFFFF086  }
0x25: {  	[simem:s6], [sflag:s4] =	dma.local [hbm:s3], $0xF7A  }
0x26: {  	[smem:$0x3F9C] =	sst s1;
	(tag) =	ssettag s2;
	_ =	strace s9  }
0x27: {  	s1 =	sld [smem:$0x3FAC]  }
0x28: {  	s2 =	sld [smem:$0x3FAD]  }
0x29: {  	s4 =	sld [smem:$0x3FAF]  }
0x2a: {  	p0 =	seq.s32 s5, $0x0;
	s5 =	sld [smem:$0x3FB0]  }
0x2b: {  	s6 =	sld [smem:$0x3FB1]  }
0x2c: {  	s7 =	sld [smem:$0x3FB2]  }
0x2d: {  	s3 =	simm.s32 $0x108;
	s8 =	sld [smem:$0x3FB3]  }
0x2e: {  	s3 =	simm.s32 @!p0 $0x1082;
	s9 =	sld [smem:$0x3FB4]  }
0x2f: {  	lr =	sadd.s32 s0, s3;
	s0 =	sld [smem:$0x3FAB]  }
0x30: {  	s3 =	sld [smem:$0x3FAE]  }
0x31: {  	[smem:$0x3FB7] =	sst s10  }
0x32: {  	s10 =	sld [smem:$0x3FB5];
	_ =	sdelay $0x3  }
0x33: {  	p0 =	seq.s32 s10, $0x1;
	s10 =	sld [smem:$0x3FB7];
	_ =	sdelay $0x3  }
0x34: {  	[smem:$0x3FB7] =	sst s10  }
0x35: {  	s10 =	sld [smem:$0x3FB6];
	_ =	sdelay $0x3  }
0x36: {  	p1 =	seq.s32 s10, $0x1;
	s10 =	sld [smem:$0x3FB7];
	_ =	sdelay $0x3  }
0x37: {  	[smem:$0x3FB7] =	sst s10  }
0x38: {  	s10 =	sld [smem:$0x3FB8]  }
0x39: {  	_ = 	snop;
	(pc) =	sbr.ind lr, $3  }
0x3a: {  	_ = 	snop  }
0x3b: {  	_ = 	snop  }
0x3c: {  	p2 =	seq.s32 s10, $0x1;
	s10 =	sld [smem:$0x3FB7]  }
0x3d: {  	_ =	shalt  }
0x3e: {  	_ =	shalt  }
0x3f: {  	_ =	shalt  }
0x40: {  	_ =	shalt  }
0x41: {  	_ =	shalt  }
0x42: {  	_ =	shalt  }
0x43: {  	_ =	shalt  }
0x44: {  	_ =	shalt  }
0x45: {  	_ =	shalt  }
0x46: {  	_ =	shalt  }
0x47: {  	_ =	shalt  }
0x48: {  	_ =	shalt  }
0x49: {  	_ =	shalt  }
0x4a: {  	_ =	shalt  }
0x4b: {  	_ =	shalt  }
0x4c: {  	_ =	shalt  }
0x4d: {  	_ =	shalt  }
0x4e: {  	_ =	shalt  }
0x4f: {  	_ =	shalt  }
0x50: {  	_ =	shalt  }
0x51: {  	_ =	shalt  }
0x52: {  	_ =	shalt  }
0x53: {  	_ =	shalt  }
0x54: {  	_ =	shalt  }
0x55: {  	_ =	shalt  }
0x56: {  	_ =	shalt  }
0x57: {  	_ =	shalt  }
0x58: {  	_ =	shalt  }
0x59: {  	_ =	shalt  }
0x5a: {  	_ =	shalt  }
0x5b: {  	_ =	shalt  }
0x5c: {  	_ =	shalt  }
0x5d: {  	_ =	shalt  }
0x5e: {  	_ =	shalt  }
0x5f: {  	_ =	shalt  }
0x60: {  	_ =	shalt  }
0x61: {  	_ =	shalt  }
0x62: {  	_ =	shalt  }
0x63: {  	_ =	shalt  }
0x64: {  	_ =	shalt  }
0x65: {  	_ =	shalt  }
0x66: {  	_ =	shalt  }
0x67: {  	_ =	shalt  }
0x68: {  	_ =	shalt  }
0x69: {  	_ =	shalt  }
0x6a: {  	_ =	shalt  }
0x6b: {  	_ =	shalt  }
0x6c: {  	_ =	shalt  }
0x6d: {  	_ =	shalt  }
0x6e: {  	_ =	shalt  }
0x6f: {  	_ =	shalt  }
0x70: {  	_ =	shalt  }
0x71: {  	_ =	shalt  }
0x72: {  	_ =	shalt  }
0x73: {  	_ =	shalt  }
0x74: {  	_ =	shalt  }
0x75: {  	_ =	shalt  }
0x76: {  	_ =	shalt  }
0x77: {  	_ =	shalt  }
0x78: {  	_ =	shalt  }
0x79: {  	_ =	shalt  }
0x7a: {  	_ =	shalt  }
0x7b: {  	_ =	shalt  }
0x7c: {  	_ =	shalt  }
0x7d: {  	_ =	shalt  }
0x7e: {  	_ =	shalt  }
0x7f: {  	_ =	shalt  }
0x80: {  	_ =	shalt  }
0x81: {  	_ =	shalt  }
0x82: {  	_ =	shalt  }
0x83: {  	_ =	shalt  }
0x84: {  	_ =	shalt  }
0x85: {  	_ =	shalt  }
0x86: {  	_ =	shalt  }
0x87: {  	_ =	shalt  }
.Lfunc_end0:
.L_simem_size_0:
called_computation_lowered:
.L_overlay_start_0:
0x88: {  	s2 =	sld [smem:$0x3FD9]  }
0x89: {  	s3 =	sld [smem:$0x3FFE];
	_ =	sdelay $0x1  }
0x8a: {  	s1 =	srdreg.scid  }
0x8b: {  	s0 =	sand.u32 $0x1, s1  }
0x8c: {  	s17 =	sshll.u32 s0, $0xA;
	s2 =	sadd.s32 s3, s2  }
0x8d: {  	s2 =	sadd.s32 s2, s17  }
0x8e: {  	[smem:$0x3FC3] =	sst s2  }
0x8f: {  	_ = 	snop  }
0x90: {  	s2 =	sld [smem:$0x3FC8]  }
0x91: {  	s18 =	sld [smem:$0x3FC7]  }
0x92: {  	s4 =	sld [smem:$0x3FC6]  }
0x93: {  	s5 =	sld [smem:$0x3FC5]  }
0x94: {  	s6 =	sld [smem:$0x3FD0];
	(tm) =	ssettm $0x1  }
0x95: {  	s7 =	sld [smem:$0x3FFB];
	_ =	sdelay $0x3  }
0x96: {  	_ =	strace s7  }
0x97: {  	s7 =	sld [smem:$0x3FFC];
	_ =	sdelay $0x3  }
0x98: {  	_ =	strace s7  }
0x99: {  	s7 =	sld [smem:$0x3FFD];
	_ =	sdelay $0x3  }
0x9a: {  	_ =	strace s7  }
0x9b: {  	_ =	strace $0x8FFFFFFF  }
0x9c: {  	s19 =	sld [smem:$0x3FDB];
	_ =	sdelay $0x1  }
0x9d: {  	s8 =	simm.s32 $_scs_section_size  }
0x9e: {  	s9 =	simm.s32 $_size__tile_overlayer_lowered;
	s10 =	simm.s32 $_tile_overlayer_lowered  }
0x9f: {  	s22 =	simm.s32 $0x1BFF;
	s21 =	sshll.u32 s10, $0x1;
	s7 =	sadd.s32 s8, s19  }
0xa0: {  	s11 =	simm.s32 $0x0;
	s20 =	sshll.u32 s9, $0x1;
	s9 =	sadd.s32 s21, s7  }
0xa1: {  	[timem:s11], [sflag:s22] =	dma.local [hbm:s9], s20  }
0xa2: {  	_ =	swait.ge [sflag:s22], s20  }
0xa3: {  	s8 =	ssub.s32 $0x0, s20;
	[sflag:s22] =	ssyncset.done $0x0  }
0xa4: {  	[sflag:s22] =	ssyncadd.s32 s8;
	_ =	sdelay $0x1  }
0xa5: {  	s23 =	simm.s32 $0x1B8B  }
0xa6: {  	_ =	swait.ge [sflag:s23], $0x1  }
0xa7: {  	[sflag:s23] =	ssyncset.done $0x0  }
0xa8: {  	s25 =	simm.s32 $0x1B8E;
	s24 =	sld [smem:$0x3FFE];
	[sflag:s23] =	ssyncadd.s32 $0xFFFFFFFF  }
0xa9: {  	s26 =	simm.s32 $execute0_lowered;
	[smem:$0x3FD2] =	sst s25  }
0xaa: {  	s9 =	sshll.u32 s26, $0x1;
	_ =	strace $0x80000046;
	[dreg:$0x1] =	wrdreg $0xFFFFFFFF  }
0xab: {  	s28 =	simm.s32 $_size_execute0_lowered;
	s7 =	sadd.s32 s7, s9;
	[dreg:$0x0] =	wrdreg $0x0  }
0xac: {  	s9 =	sshll.u32 s28, $0x1;
	[dreg:$0x2] =	wrdreg s7  }
0xad: {  	[dreg:$0x3] =	wrdreg s9  }
0xae: {  	[dreg:$0x4] =	wrdreg $0xC0  }
0xaf: {  	_ =	task [dreg:s11], $0x5FFFF  }
0xb0: {  	[dreg:$0x1] =	wrdreg $0xFFFFFFFF  }
0xb1: {  	[dreg:$0x0] =	wrdreg $0x60  }
0xb2: {  	[dreg:$0x2] =	wrdreg s24  }
0xb3: {  	[dreg:$0x3] =	wrdreg s2  }
0xb4: {  	[dreg:$0x4] =	wrdreg s18  }
0xb5: {  	[dreg:$0x5] =	wrdreg s4  }
0xb6: {  	[dreg:$0x6] =	wrdreg s5  }
0xb7: {  	[dreg:$0x7] =	wrdreg s6  }
0xb8: {  	[dreg:$0x8] =	wrdreg $0x9  }
0xb9: {  	_ =	task.clear_ibuf [dreg:s11], $0x9FFFF;
	_ =	strace $0x90000046  }
0xba: {  	s29 =	simm.s32 $0x9;
	_ =	strace $0x80000048  }
0xbb: {  	_ =	swait.ge [sflag:s29], $0x1  }
0xbc: {  	[sflag:s29] =	ssyncadd.s32 $0xFFFFFFFF  }
0xbd: {  	_ =	strace $0x90000048  }
0xbe: {  	_ =	sfence  }
0xbf: {  	s30 =	sld [smem:$0x0];
	_ =	sdelay $0x2  }
0xc0: {  	s31 =	sshll.u32 s1, $0xD;
	s1 =	sshrl.u32 s1, $0x2  }
0xc1: {  	s3 =	sand.u32 $0x4000, s31;
	s1 =	sadd.s32 s1, s30  }
0xc2: {  	s0 =	sor.u32 s3, s0;
	s1 =	sshll.u32 s1, $0x11  }
0xc3: {  	s0 =	sor.u32 s1, s0  }
0xc4: {  	s0 =	sadd.s32 $0x8F2B, s0  }
0xc5: {  	[sflag:s0] =	ssyncadd.remote.s32 $0x1  }
0xc6: {  	_ =	sfence.sel $0xFFFF  }
0xc7: {  	[dreg:$0x0] =	wrdreg $0xFFFFFFFF;
	(pc) =	sbr.abs _section_cstart, $3  }
0xc8: {  	[dreg:$0x1] =	wrdreg $0xFFFFFFFF  }
0xc9: {  	_ =	task.clear_ibuf [dreg:s11], $0x2FFFF;
	_ =	strace $0x9FFFFFFF  }
0xca: {  	(tm) =	ssettm $0x7FFFFFFF  }
0xcb: {  	_ =	shalt  }
tec
execute0_lowered:
.L_overlay_start_1:
0x0: {  	(tag) =	ssettag $0x1  }
0x1: {  	s0 =	rddreg [dreg:$0x0]  }
0x2: {  	s1 =	rddreg [dreg:$0x1];
	s2 =	srdreg.scid  }
0x3: {  	s3 =	stileid.u32;
	s6 =	rddreg [dreg:$0x5]  }
0x4: {  	s8 =	simm.s32 $0x0;
	s2 =	sand.u32 $0x1, s2;
	s3 =	sshll.u32 s3, $0x1  }
0x5: {  	s11 =	simm.s32 $0x5;
	s13 =	simm.s32 $0xE100;
	s3 =	sor.u32 s2, s3  }
0x6: {  	s14 =	simm.s32 $0xE180;
	s15 =	simm.s32 $0x80;
	s7 =	smul.u32 $0x1900, s3  }
.Ltmp0:
0x7: {  	s16 =	simm.s32 $0xE200;
	s17 =	simm.s32 $0x12200;
	(pc) =	sbr.rel .LBB2_1-.Ltmp0, $4  }
0x8: {  	s18 =	simm.s32 $0x3;
	s19 =	simm.s32 $0x4;
	s2 =	ssub.s32 $0x2, s2  }
0x9: {  	s20 =	simm.s32 $0x0;
	s4 =	sshrl.u32 s2, $0x1;
	s3 =	sshrl.u32 s7, $0x3  }
0xa: {  	[smem:$0x7FF] =	sst s8;
	s2 =	ssub.s32 s2, s4;
	s0 =	sadd.s32 s3, s0  }
0xb: {  	v1 =	vlaneseq.u32;
	_ =	strace $0x80000047;
	s10 =	smax.u32 s2, $0x1;
	s9 =	sadd.s32 $0x400, s0  }
.LBB2_9:
0xc: {  	s20 =	sadd.s32 $0x1, s20  }
0xd: {  	_ =	swait.ge [sflag:s18], $0x4000;
	p0 =	sne.s32 s20, s10  }
.Ltmp1:
0xe: {  	[sflag:s18] =	ssyncset.done $0x0;
	(pc) =	sbr.rel @!p0 .LBB2_10-.Ltmp1, $4  }
0xf: {  	[sflag:s18] =	ssyncadd.s32 $0xFFFFC000  }
0x10: {  	_ =	swait.ge [sflag:s19], $0x4000  }
0x11: {  	[sflag:s19] =	ssyncset.done $0x0  }
0x12: {  	[sflag:s19] =	ssyncadd.s32 $0xFFFFC000  }
.LBB2_1:
0x13: {  	[tilespmem:s8], [sflag:$0x5] =	stream.linear.gather [hbm4b:s9+s8], $0x1900, $0x38;
	[tilespmem:$0x1E200] =	vst v63  }
0x14: {  	_ =	swait.ge [sflag:s11], $0x1900  }
0x15: {  	[sflag:s11] =	ssyncset.done $0x0  }
0x16: {  	[sflag:s11] =	ssyncadd.s32 $0xFFFFE700  }
0x17: {  	s2 =	simm.s32 $0x1900;
	s0 =	rddreg [dreg:$0x2]  }
0x18: {  	[tilespmem:s2], [sflag:$0x5] =	stream.linear.gather [hbm4b:s0+s8], $0x6400, $0x38;
	[tilespmem:$0x1E200] =	vst v63  }
0x19: {  	_ =	swait.ge [sflag:s11], $0x6400  }
0x1a: {  	[sflag:s11] =	ssyncset.done $0x0  }
0x1b: {  	[sflag:s11] =	ssyncadd.s32 $0xFFFF9C00  }
0x1c: {  	s25 =	rddreg [dreg:$0x3]  }
0x1d: {  	[tilespmem:s13], [sflag:$0x5] =	stream.linear.gather [hbm4b:s25+s8], $0x80, $0x38;
	[tilespmem:$0x1E200] =	vst v63  }
0x1e: {  	_ =	swait.ge [sflag:s11], $0x80  }
0x1f: {  	[sflag:s11] =	ssyncset.done $0x0  }
0x20: {  	[sflag:s11] =	ssyncadd.s32 $0xFFFFFF80  }
0x21: {  	s26 =	rddreg [dreg:$0x4]  }
0x22: {  	[tilespmem:s14], [sflag:$0x5] =	stream.linear.gather [hbm4b:s26+s8], $0x80, $0x38;
	[tilespmem:$0x1E200] =	vst v63  }
0x23: {  	_ =	swait.ge [sflag:s11], $0x80  }
0x24: {  	[sflag:s11] =	ssyncset.done $0x0  }
0x25: {  	s23 =	simm.s32 $0x0;
	[sflag:s11] =	ssyncadd.s32 $0xFFFFFF80  }
0x26: {  	v48 =	vld [tilespmem:s23+$0x1900]  }
0x27: {  	v38 =	vld [tilespmem:s23+$0x1910]  }
0x28: {  	v43 =	vld [tilespmem:s23+$0x1920]  }
0x29: {  	v42 =	vld [tilespmem:s23+$0x1930]  }
0x2a: {  	v47 =	vld [tilespmem:s23+$0x1940]  }
0x2b: {  	v46 =	vld [tilespmem:s23+$0x1950]  }
0x2c: {  	v44 =	vld [tilespmem:s23+$0x1960]  }
0x2d: {  	v57 =	vld [tilespmem:s23+$0x1970];
	_ =	sdelay $0x2  }
0x2e: {  	v2 =	vadd.f32 v38, v48;
	v3 =	vadd.f32 v42, v43;
	v4 =	vmul.f32 v48, v48  }
0x2f: {  	v5 =	vadd.f32 v46, v47;
	v6 =	vmul.f32 v38, v38;
	v7 =	vmul.f32 v43, v43  }
0x30: {  	v8 =	vadd.f32 v57, v44;
	v9 =	vmul.f32 v42, v42;
	v10 =	vmul.f32 v47, v47  }
0x31: {  	v11 =	vmul.f32 v46, v46;
	v12 =	vmul.f32 v44, v44  }
0x32: {  	v2 =	vadd.f32 v3, v2;
	v3 =	vadd.f32 v8, v5;
	v5 =	vmul.f32 v57, v57  }
0x33: {  	v4 =	vadd.f32 v6, v4;
	v6 =	vadd.f32 v9, v7  }
0x34: {  	v7 =	vadd.f32 v11, v10;
	v5 =	vadd.f32 v5, v12  }
0x35: {  	v2 =	vadd.f32 v3, v2  }
0x36: {  	v3 =	vadd.f32 v6, v4;
	v4 =	vadd.f32 v5, v7  }
0x37: {  	s22 =	simm.s32 $0x80;
	(xrf2) =	vadd.scan.msk.f32 $0xffff, v2  }
0x38: {  	v34 =	vld [tilespmem:s22+$0x1900];
	v2 =	vadd.f32 v4, v3  }
0x39: {  	v35 =	vld [tilespmem:s22+$0x1910]  }
0x3a: {  	v41 =	vld [tilespmem:s22+$0x1930];
	(xrf2) =	vadd.scan.msk.f32 $0xffff, v2  }
0x3b: {  	v32 =	vld [tilespmem:s22+$0x1960]  }
0x3c: {  	v39 =	vld [tilespmem:s22+$0x1970]  }
0x3d: {  	v45 =	vld [tilespmem:s22+$0x1940]  }
0x3e: {  	v40 =	vld [tilespmem:s22+$0x1920]  }
0x3f: {  	v33 =	vld [tilespmem:s22+$0x1950];
	_ =	sdelay $0x1  }
0x40: {  	v8 =	vadd.f32 v39, v32;
	v2, _, _ =	vpop (xrf2)  }
0x41: {  	v10 =	vmul.f32 v41, v41;
	v11 =	vmul.f32 v45, v45;
	(v2sf) =	vpush v2, $0xF  }
0x42: {  	v6 =	vmul.f32 v35, v35;
	v3 =	vadd.f32 v35, v34;
	v2 =	vadd.f32 v41, v40  }
0x43: {  	v12 =	vmul.f32 v32, v32;
	v5 =	vadd.f32 v33, v45;
	v7 =	vmul.f32 v40, v40;
	v9, _, _ =	vpop (xrf2)  }
0x44: {  	v4 =	vmul.f32 v34, v34;
	v2 =	vadd.f32 v2, v3;
	(v2sf) =	vpush v9, $0xF  }
0x45: {  	v3 =	vadd.f32 v8, v5;
	v5 =	vmul.f32 v39, v39;
	v9 =	vmul.f32 v33, v33  }
0x46: {  	v4 =	vadd.f32 v6, v4;
	v6 =	vadd.f32 v10, v7  }
0x47: {  	v5 =	vadd.f32 v5, v12;
	v7 =	vadd.f32 v9, v11  }
0x48: {  	v2 =	vadd.f32 v3, v2  }
0x49: {  	v3 =	vadd.f32 v6, v4;
	v4 =	vadd.f32 v5, v7  }
0x4a: {  	s21 =	simm.s32 $0x100;
	(xrf2) =	vadd.scan.msk.f32 $0xffff, v2  }
0x4b: {  	v28 =	vld [tilespmem:s21+$0x1900];
	v2 =	vadd.f32 v4, v3  }
0x4c: {  	v27 =	vld [tilespmem:s21+$0x1910]  }
0x4d: {  	v19 =	vld [tilespmem:s21+$0x1920];
	(xrf2) =	vadd.scan.msk.f32 $0xffff, v2  }
0x4e: {  	v29 =	vld [tilespmem:s21+$0x1930]  }
0x4f: {  	v18 =	vld [tilespmem:s21+$0x1940]  }
0x50: {  	v22 =	vld [tilespmem:s21+$0x1960];
	s31 =	spop (v2sf)  }
0x51: {  	v36 =	vld [tilespmem:s21+$0x1970];
	s4 =	smul.f32 $7.812500000e-03, s31  }
0x52: {  	v21 =	vld [tilespmem:s21+$0x1950]  }
0x53: {  	s3 =	smul.f32 s4, s4;
	s2 =	spop (v2sf)  }
0x54: {  	v2, _, _ =	vpop (xrf2);
	s0 =	smul.f32 $7.812500000e-03, s2  }
0x55: {  	v10 =	vmul.f32 v29, v29;
	(v2sf) =	vpush v2, $0xF  }
0x56: {  	v8 =	vmul.f32 v19, v19;
	v6 =	vadd.f32 v36, v22;
	v3 =	vadd.f32 v27, v28;
	s0 =	ssub.f32 s0, s3  }
0x57: {  	v12 =	vmul.f32 v22, v22;
	v4 =	vadd.f32 v21, v18;
	v2 =	vadd.f32 v29, v19;
	v9, _, _ =	vpop (xrf2)  }
0x58: {  	v5 =	vmul.f32 v28, v28;
	v7 =	vmul.f32 v27, v27;
	(v2sf) =	vpush v9, $0xF;
	s0 =	sadd.f32 $9.999999960e-13, s0  }
0x59: {  	v2 =	vadd.f32 v2, v3;
	v3 =	vadd.f32 v6, v4;
	v4 =	vmul.f32 v36, v36  }
0x5a: {  	v11 =	vmul.f32 v18, v18;
	v7 =	vadd.f32 v7, v5;
	v9 =	vmul.f32 v21, v21;
	s5 =	sshrl.u32 s0, $0x1;
	s0 =	smul.f32 $5.000000000e-01, s0  }
0x5b: {  	v5 =	vadd.f32 v10, v8;
	v0 =	vadd.f32 v4, v12;
	s2 =	ssub.s32 $0x5F3759DF, s5  }
0x5c: {  	v4 =	vadd.f32 v3, v2;
	v6 =	vadd.f32 v9, v11;
	s3 =	smul.f32 s2, s0;
	_ =	sdelay $0x1  }
0x5d: {  	s24 =	simm.s32 $0x180;
	v2 =	vadd.f32 v5, v7;
	(xrf2) =	vadd.scan.msk.f32 $0xffff, v4;
	v0 =	vadd.f32 v0, v6;
	s3 =	smul.f32 s2, s3  }
0x5e: {  	v26 =	vld [tilespmem:s24+$0x1900]  }
0x5f: {  	v30 =	vld [tilespmem:s24+$0x1910];
	v0 =	vadd.f32 v0, v2;
	s3 =	ssub.f32 $1.500000000e+00, s3  }
0x60: {  	v31 =	vld [tilespmem:s24+$0x1920]  }
0x61: {  	v24 =	vld [tilespmem:s24+$0x1930];
	(xrf2) =	vadd.scan.msk.f32 $0xffff, v0;
	s2 =	smul.f32 s2, s3  }
0x62: {  	v25 =	vld [tilespmem:s24+$0x1940]  }
0x63: {  	v20 =	vld [tilespmem:s24+$0x1950];
	s12 =	spop (v2sf);
	s25 =	smul.f32 s2, s0  }
0x64: {  	v23 =	vld [tilespmem:s24+$0x1960];
	s26 =	smul.f32 $7.812500000e-03, s12  }
0x65: {  	v37 =	vld [tilespmem:s24+$0x1970];
	s25 =	smul.f32 s25, s2  }
0x66: {  	v60 =	vld [tilespmem:$0xE140];
	s28 =	smul.f32 s26, s26;
	s31 =	spop (v2sf)  }
0x67: {  	v61 =	vld [tilespmem:$0xE150];
	v0, _, _ =	vpop (xrf2);
	s3 =	ssub.f32 $1.500000000e+00, s25;
	s25 =	smul.f32 $7.812500000e-03, s31  }
0x68: {  	v62 =	vld [tilespmem:$0xE160];
	(v2sf) =	vpush v0, $0xF  }
0x69: {  	v63 =	vld [tilespmem:$0xE1A0];
	v13 =	vadd.f32 v24, v31;
	v14 =	vadd.f32 v20, v25;
	v15 =	vmul.f32 v26, v26;
	s5 =	ssub.f32 s25, s28  }
0x6a: {  	v17 =	vld [tilespmem:$0xE1E0];
	v49 =	vmul.f32 v30, v30;
	v51 =	vmul.f32 v31, v31;
	v2 =	vadd.f32 v30, v26;
	s2 =	smul.f32 s3, s2  }
0x6b: {  	v50 =	vadd.f32 v37, v23;
	v52 =	vmul.f32 v24, v24;
	v53 =	vmul.f32 v25, v25;
	v10 =	vld [tilespmem:$0xE130];
	v0, _, _ =	vpop (xrf2);
	s3 =	sadd.f32 $9.999999960e-13, s5  }
0x6c: {  	v54 =	vmul.f32 v20, v20;
	v8 =	vld [tilespmem:$0xE180];
	v56 =	vadd.f32 v13, v2;
	(v2sf) =	vpush v0, $0xF;
	s0 =	smul.f32 s2, s0  }
0x6d: {  	v55 =	vmul.f32 v23, v23;
	v3 =	vld [tilespmem:$0xE100];
	v2 =	vadd.f32 v49, v15;
	v0 =	vadd.f32 v50, v14;
	s12 =	sshrl.u32 s3, $0x1;
	s28 =	smul.f32 $5.000000000e-01, s3  }
0x6e: {  	v5 =	vld [tilespmem:$0xE110];
	v49 =	vadd.f32 v52, v51;
	v51 =	vadd.f32 v54, v53;
	v52 =	vmov s4;
	s0 =	smul.f32 s0, s2;
	s31 =	ssub.s32 $0x5F3759DF, s12  }
0x6f: {  	v58 =	vmul.f32 v37, v37;
	v7 =	vld [tilespmem:$0xE120];
	v48 =	vsub.f32 v48, v52;
	v59 =	vadd.f32 v0, v56;
	s25 =	smul.f32 s31, s28  }
0x70: {  	v12 =	vld [tilespmem:$0xE190];
	v53 =	vsub.f32 v38, v52;
	v54 =	vsub.f32 v43, v52;
	s0 =	ssub.f32 $1.500000000e+00, s0  }
0x71: {  	v4 =	vld [tilespmem:$0xE170];
	v47 =	vsub.f32 v47, v52;
	v50 =	vadd.f32 v58, v55;
	(xrf2) =	vadd.scan.msk.f32 $0xffff, v59;
	s5 =	smul.f32 s31, s25  }
0x72: {  	v6 =	vld [tilespmem:$0xE1C0];
	v46 =	vsub.f32 v46, v52;
	v58 =	vsub.f32 v57, v52;
	s0 =	smul.f32 s0, s2  }
0x73: {  	v49 =	vadd.f32 v49, v2;
	v0 =	vld [tilespmem:$0xE1F0];
	v50 =	vadd.f32 v50, v51;
	s2 =	ssub.f32 $1.500000000e+00, s5  }
0x74: {  	v15 =	vld [tilespmem:$0xE1D0];
	v55 =	vsub.f32 v42, v52;
	s25 =	simm.s32 $0x200;
	v59 =	vmul.f32 s0, v58;
	v56 =	vmul.f32 s0, v48  }
0x75: {  	v49 =	vadd.f32 v50, v49;
	v38 =	vld [tilespmem:s25+$0x1900];
	v53 =	vmul.f32 s0, v53;
	v54 =	vmul.f32 s0, v54;
	s2 =	smul.f32 s31, s2  }
0x76: {  	v11 =	vmovc v12;
	v52 =	vsub.f32 v44, v52;
	v43 =	vld [tilespmem:s25+$0x1910];
	v55 =	vmul.f32 s0, v55;
	v57 =	vmul.f32 s0, v47  }
0x77: {  	v9 =	vmovc v4;
	v13 =	vmov v62;
	(xrf2) =	vadd.scan.msk.f32 $0xffff, v49;
	s12 =	spop (v2sf);
	v42 =	vld [tilespmem:s25+$0x1920];
	v58 =	vmul.f32 s0, v46;
	v51 =	vmul.f32 v59, v4;
	s31 =	smul.f32 s2, s28  }
0x78: {  	[tilespmem:$0x1FFF0] =	vst v6;
	v6 =	vmovc v7;
	v16 =	vmovc v0;
	s29 =	smul.f32 $7.812500000e-03, s12;
	v44 =	vld [tilespmem:s25+$0x1930];
	v59 =	vmul.f32 s0, v52;
	v4 =	vmov v3;
	v52 =	vmul.f32 v56, v3  }
0x79: {  	v14 =	vld [tilespmem:$0xE1B0];
	v3 =	vmovc v5;
	v50 =	vmul.f32 v53, v5;
	v53 =	vmul.f32 v54, v7;
	v51 =	vadd.f32 v51, v0;
	s5 =	smul.f32 s31, s2  }
0x7a: {  	v48 =	vld [tilespmem:s25+$0x1940];
	v5 =	vmovc v10;
	v55 =	vmul.f32 v55, v10;
	s0 =	smul.f32 s29, s29;
	v10 =	vmovc v8;
	v7 =	vmov v60;
	v56 =	vadd.f32 v52, v8  }
0x7b: {  	v46 =	vld [tilespmem:s25+$0x1950];
	v52 =	vmul.f32 v57, v60;
	v8 =	vmov v61;
	v57, _, _ =	vpop (xrf2);
	v54 =	vadd.f32 v50, v12;
	s12 =	spop (v2sf);
	[tilespmem:s23+$0x7D70] =	vst v51;
	s31 =	ssub.f32 $1.500000000e+00, s5  }
0x7c: {  	v12 =	vmovc v63;
	v53 =	vadd.f32 v53, v63;
	v50 =	vmul.f32 v59, v62;
	v60 =	vadd.f32 v43, v38;
	s3 =	smul.f32 $7.812500000e-03, s12;
	v47 =	vld [tilespmem:s25+$0x1960]  }
0x7d: {  	s30 =	simm.s32 $0xA00;
	(v2sf) =	vpush v57, $0xF;
	v57 =	vmovc v43;
	v51 =	vmul.f32 v58, v61;
	v58 =	vmovc v42;
	v59 =	vmov v44;
	v49 =	vld [tilespmem:s25+$0x1970];
	[tilespmem:s23+$0x7D00] =	vst v56;
	s4 =	smul.f32 s31, s2  }
.LBB2_2:
0x7e: {  	v61 =	vadd.f32 v44, v42;
	v63 =	vmul.f32 v38, v38;
	s0 =	ssub.f32 s3, s0  }
0x7f: {  	v57 =	vmul.f32 v57, v43;
	v58 =	vmul.f32 v58, v42;
	v51 =	vadd.f32 v51, v15  }
0x80: {  	v62 =	vadd.f32 v46, v48;
	[tilespmem:s23+$0x7D20] =	vst v53;
	v53 =	vmul.f32 v59, v44;
	v55 =	vadd.f32 v55, v14;
	s0 =	sadd.f32 $9.999999960e-13, s0  }
0x81: {  	s2 =	smul.f32 s4, s28;
	v59 =	vmul.f32 v48, v48;
	v50 =	vadd.f32 v50, v17;
	v60 =	vadd.f32 v61, v60;
	v56, _, _ =	vpop (xrf2)  }
0x82: {  	s31 =	smov.u32 s25;
	[tilespmem:s23+$0x7D10] =	vst v54;
	v0 =	vmul.f32 v47, v47;
	v54 =	vadd.f32 v49, v47;
	(v2sf) =	vpush v56, $0xF;
	s25 =	sshrl.u32 s0, $0x1;
	s28 =	smul.f32 $5.000000000e-01, s0  }
0x83: {  	v57 =	vadd.f32 v57, v63;
	s2 =	smul.f32 s2, s4;
	v61 =	vmul.f32 v49, v49;
	v53 =	vadd.f32 v53, v58;
	s5 =	ssub.s32 $0x5F3759DF, s25  }
0x84: {  	v56 =	vmovc v25;
	v25 =	vmov v48;
	v48 =	vmul.f32 v46, v46;
	v54 =	vadd.f32 v54, v62;
	s3 =	smul.f32 s5, s28  }
0x85: {  	v2 =	vmovc v33;
	v33 =	vmov v21;
	s2 =	ssub.f32 $1.500000000e+00, s2;
	v0 =	vadd.f32 v61, v0;
	v61 =	vadd.f32 v53, v57  }
0x86: {  	v21 =	vmovc v20;
	v20 =	vmovc v46;
	[tilespmem:s23+$0x7D30] =	vst v55;
	v63 =	vadd.f32 v48, v59;
	v48 =	vmov s26;
	v54 =	vadd.f32 v54, v60;
	s12 =	smul.f32 s5, s3  }
0x87: {  	v55 =	vmovc v32;
	v32 =	vmovc v22;
	s4 =	smul.f32 s2, s4;
	v60 =	vsub.f32 v39, v48;
	v39 =	vmov v36;
	v46 =	vsub.f32 v34, v48  }
0x88: {  	v36 =	vmovc v37;
	v37 =	vmov v49;
	v49 =	vsub.f32 v35, v48;
	v45 =	vsub.f32 v45, v48;
	(xrf2) =	vadd.scan.msk.f32 $0xffff, v54;
	s2 =	ssub.f32 $1.500000000e+00, s12  }
0x89: {  	s25 =	sshra.s32 s30, $0x2;
	v0 =	vadd.f32 v0, v63;
	v53 =	vmul.f32 s4, v60;
	v60 =	vsub.f32 v40, v48;
	v40 =	vmovc v19;
	v19 =	vmovc v31;
	v31 =	vld [tilespmem:$0x1FFF0]  }
0x8a: {  	v22 =	vmovc v23;
	v23 =	vmovc v47;
	v35 =	vmov v27;
	v2 =	vsub.f32 v2, v48;
	v59 =	vld [tilespmem:s25+$0x1930];
	v63 =	vsub.f32 v55, v48;
	s2 =	smul.f32 s5, s2  }
0x8b: {  	v57 =	vld [tilespmem:s25+$0x1910];
	v27 =	vmovc v30;
	v30 =	vmovc v43;
	v43 =	vmul.f32 s4, v49;
	v0 =	vadd.f32 v0, v61;
	v62 =	vmul.f32 v53, v9  }
0x8c: {  	v34 =	vmovc v28;
	v28 =	vmovc v26;
	v58 =	vld [tilespmem:s25+$0x1920];
	v45 =	vmul.f32 s4, v45;
	v2 =	vmul.f32 s4, v2;
	v61 =	vsub.f32 v41, v48;
	s3 =	spop (v2sf);
	s5 =	smul.f32 s2, s28  }
0x8d: {  	s26 =	smov.u32 s29;
	v26 =	vmovc v38;
	v38 =	vld [tilespmem:s25+$0x1900];
	v54 =	vmul.f32 s4, v60;
	(xrf2) =	vadd.scan.msk.f32 $0xffff, v0;
	v0 =	vmul.f32 s4, v46;
	v47 =	vadd.f32 v62, v16;
	s29 =	smul.f32 $7.812500000e-03, s3  }
0x8e: {  	p0 =	sne.s32 s30, $0x18E00;
	v48 =	vld [tilespmem:s25+$0x1940];
	v41 =	vmovc v29;
	v29 =	vmovc v24;
	v60 =	vmul.f32 s4, v63;
	v55 =	vmul.f32 s4, v61;
	v49 =	vadd.f32 v52, v31;
	s3 =	smul.f32 s5, s2  }
.Ltmp2:
0x8f: {  	v24 =	vmovc v44;
	v46 =	vld [tilespmem:s25+$0x1950];
	v44 =	vmov v59;
	v62 =	vmul.f32 v43, v3;
	v0 =	vmul.f32 v0, v4;
	[tilespmem:s22+$0x7D70] =	vst v47;
	(pc) =	sbr.rel @p0 .LBB2_2-.Ltmp2, $4  }
0x90: {  	v63 =	vmul.f32 v54, v6;
	v43 =	vmovc v57;
	v31 =	vmov v42;
	v55 =	vmul.f32 v55, v5;
	v47 =	vld [tilespmem:s25+$0x1960];
	[tilespmem:s23+$0x7D40] =	vst v49;
	s0 =	smul.f32 s29, s29  }
0x91: {  	s30 =	sadd.s32 $0x200, s30;
	v42 =	vmovc v58;
	v52 =	vmul.f32 v45, v7;
	v45 =	vmov v18;
	v0 =	vadd.f32 v0, v10;
	v49 =	vld [tilespmem:s25+$0x1970];
	[tilespmem:s23+$0x7D50] =	vst v51;
	s12 =	spop (v2sf);
	s5 =	ssub.f32 $1.500000000e+00, s3  }
0x92: {  	v54 =	vadd.f32 v62, v11;
	v53 =	vadd.f32 v63, v12;
	v51 =	vmul.f32 v2, v8;
	[tilespmem:s23+$0x7D60] =	vst v50;
	s23 =	smov.u32 s22;
	s22 =	smov.u32 s21;
	v2, _, _ =	vpop (xrf2);
	s3 =	smul.f32 $7.812500000e-03, s12  }
0x93: {  	v18 =	vmovc v56;
	v50 =	vmul.f32 v60, v13;
	s21 =	smov.u32 s24;
	v60 =	vadd.f32 v43, v38;
	s24 =	smov.u32 s31;
	[tilespmem:s23+$0x7D00] =	vst v0;
	(v2sf) =	vpush v2, $0xF;
	s4 =	smul.f32 s5, s2  }
0x94: {  	v0 =	vadd.f32 v44, v42;
	v56 =	vmul.f32 v38, v38  }
0x95: {  	v2 =	vadd.f32 v46, v48;
	v57 =	vmul.f32 v57, v43;
	v58 =	vmul.f32 v58, v42  }
0x96: {  	v59 =	vmul.f32 v59, v44;
	v62 =	vmul.f32 v48, v48;
	v61 =	vadd.f32 v49, v47  }
0x97: {  	v63 =	vmul.f32 v46, v46;
	v0 =	vadd.f32 v0, v60;
	v60 =	vmul.f32 v47, v47  }
0x98: {  	v56 =	vadd.f32 v57, v56;
	v2 =	vadd.f32 v61, v2;
	v61 =	vmul.f32 v49, v49  }
0x99: {  	v57 =	vadd.f32 v59, v58;
	v63 =	vadd.f32 v63, v62  }
0x9a: {  	v62 =	vadd.f32 v61, v60;
	v0 =	vadd.f32 v2, v0;
	_ =	sdelay $0x1  }
0x9b: {  	v2 =	vadd.f32 v57, v56;
	v63 =	vadd.f32 v62, v63  }
0x9c: {  	(xrf2) =	vadd.scan.msk.f32 $0xffff, v0  }
0x9d: {  	v0, _, _ =	vpop (xrf2);
	v2 =	vadd.f32 v63, v2  }
0x9e: {  	(v2sf) =	vpush v0, $0xF  }
0x9f: {  	(xrf2) =	vadd.scan.msk.f32 $0xffff, v2  }
0xa0: {  	s0 =	ssub.f32 s3, s0;
	_ =	sdelay $0x1  }
0xa1: {  	s0 =	sadd.f32 $9.999999960e-13, s0;
	_ =	sdelay $0x1  }
0xa2: {  	s2 =	sshrl.u32 s0, $0x1;
	s0 =	smul.f32 $5.000000000e-01, s0  }
0xa3: {  	s2 =	ssub.s32 $0x5F3759DF, s2  }
0xa4: {  	s30 =	smul.f32 s2, s0;
	v0, _, _ =	vpop (xrf2)  }
0xa5: {  	s5 =	smul.f32 s4, s28;
	(v2sf) =	vpush v0, $0xF  }
0xa6: {  	s3 =	smul.f32 s2, s30  }
0xa7: {  	s5 =	smul.f32 s5, s4;
	v0, _, _ =	vpop (xrf2)  }
0xa8: {  	s3 =	ssub.f32 $1.500000000e+00, s3;
	s31 =	spop (v2sf);
	(v2sf) =	vpush v0, $0xF  }
0xa9: {  	s28 =	smul.f32 $7.812500000e-03, s31  }
0xaa: {  	s3 =	smul.f32 s2, s3  }
0xab: {  	s30 =	smul.f32 s28, s28;
	s12 =	spop (v2sf)  }
0xac: {  	s2 =	smul.f32 $7.812500000e-03, s12  }
0xad: {  	s31 =	smul.f32 s3, s0  }
0xae: {  	s2 =	ssub.f32 s2, s30  }
0xaf: {  	s5 =	ssub.f32 $1.500000000e+00, s5;
	s31 =	smul.f32 s31, s3  }
0xb0: {  	s2 =	sadd.f32 $9.999999960e-13, s2  }
0xb1: {  	s4 =	smul.f32 s5, s4;
	s12 =	ssub.f32 $1.500000000e+00, s31  }
0xb2: {  	s31 =	sshrl.u32 s2, $0x1;
	s2 =	smul.f32 $5.000000000e-01, s2  }
0xb3: {  	s3 =	smul.f32 s12, s3;
	s5 =	ssub.s32 $0x5F3759DF, s31  }
0xb4: {  	s12 =	spop (v2sf);
	s30 =	smul.f32 s5, s2  }
0xb5: {  	v51 =	vadd.f32 v51, v15;
	v56 =	vmov s29;
	v0 =	vmov s26;
	s26 =	smul.f32 $7.812500000e-03, s12  }
0xb6: {  	v50 =	vadd.f32 v50, v17;
	v36 =	vsub.f32 v36, v56;
	s30 =	smul.f32 s5, s30  }
0xb7: {  	v28 =	vsub.f32 v28, v56;
	v27 =	vsub.f32 v27, v56;
	s12 =	smul.f32 s26, s26;
	s31 =	spop (v2sf)  }
0xb8: {  	v19 =	vsub.f32 v19, v56;
	v2 =	vsub.f32 v39, v0;
	s31 =	smul.f32 $7.812500000e-03, s31  }
0xb9: {  	v39 =	vadd.f32 v55, v14;
	v34 =	vsub.f32 v34, v0;
	s30 =	ssub.f32 $1.500000000e+00, s30  }
0xba: {  	v35 =	vsub.f32 v35, v0;
	v40 =	vsub.f32 v40, v0;
	s0 =	smul.f32 s3, s0;
	s12 =	ssub.f32 s31, s12  }
0xbb: {  	v41 =	vsub.f32 v41, v0;
	v45 =	vsub.f32 v45, v0;
	s5 =	smul.f32 s5, s30  }
0xbc: {  	v33 =	vsub.f32 v33, v0;
	v2 =	vmul.f32 s4, v2;
	v34 =	vmul.f32 s4, v34;
	s30 =	smul.f32 s0, s3;
	s0 =	sadd.f32 $9.999999960e-13, s12  }
0xbd: {  	v60 =	vmovc v14;
	v0 =	vsub.f32 v32, v0;
	v14 =	vld [tilespmem:$0x1FFF0];
	v57 =	vmul.f32 s4, v35;
	v58 =	vmul.f32 s4, v40  }
0xbe: {  	v29 =	vsub.f32 v29, v56;
	v59 =	vmul.f32 s4, v41;
	v62 =	vmul.f32 s4, v45;
	s31 =	sshrl.u32 s0, $0x1;
	s0 =	smul.f32 $5.000000000e-01, s0  }
0xbf: {  	v18 =	vsub.f32 v18, v56;
	v33 =	vmul.f32 s4, v33;
	v0 =	vmul.f32 s4, v0;
	s12 =	smul.f32 s5, s2;
	s4 =	ssub.s32 $0x5F3759DF, s31  }
0xc0: {  	v21 =	vsub.f32 v21, v56;
	v22 =	vsub.f32 v22, v56;
	s31 =	smul.f32 s4, s0  }
0xc1: {  	v2 =	vmul.f32 v2, v9;
	v40 =	vmul.f32 v59, v5;
	v59 =	vmov s28;
	s12 =	smul.f32 s12, s5  }
0xc2: {  	v41 =	vmul.f32 v62, v7;
	v63 =	vadd.f32 v52, v14;
	v62 =	vsub.f32 v37, v59;
	s30 =	ssub.f32 $1.500000000e+00, s30;
	s29 =	smul.f32 s4, s31  }
0xc3: {  	[tilespmem:s23+$0x7D10] =	vst v54;
	v34 =	vmul.f32 v34, v4;
	v26 =	vsub.f32 v26, v59;
	v30 =	vsub.f32 v30, v59;
	s12 =	ssub.f32 $1.500000000e+00, s12  }
0xc4: {  	[tilespmem:s23+$0x7D20] =	vst v53;
	v32 =	vmul.f32 v57, v3;
	v31 =	vsub.f32 v31, v59;
	v2 =	vadd.f32 v2, v16;
	s3 =	smul.f32 s30, s3;
	s30 =	ssub.f32 $1.500000000e+00, s29  }
0xc5: {  	[tilespmem:s23+$0x7D30] =	vst v39;
	v35 =	vmul.f32 v58, v6;
	v24 =	vsub.f32 v24, v59;
	v25 =	vsub.f32 v25, v59;
	s5 =	smul.f32 s12, s5  }
0xc6: {  	v33 =	vmul.f32 v33, v8;
	v20 =	vsub.f32 v20, v59;
	v23 =	vsub.f32 v23, v59;
	[tilespmem:s22+$0x7D70] =	vst v2;
	s4 =	smul.f32 s4, s30  }
0xc7: {  	v0 =	vmul.f32 v0, v13;
	v34 =	vadd.f32 v34, v10;
	v32 =	vadd.f32 v32, v11;
	[tilespmem:s23+$0x7D40] =	vst v63;
	s2 =	smul.f32 s5, s2  }
0xc8: {  	v35 =	vadd.f32 v35, v12;
	v40 =	vadd.f32 v40, v60;
	[tilespmem:s23+$0x7D50] =	vst v51;
	v36 =	vmul.f32 s3, v36;
	s12 =	smul.f32 s4, s0  }
0xc9: {  	v58 =	vadd.f32 v41, v14;
	[tilespmem:s23+$0x7D60] =	vst v50;
	v2 =	vmul.f32 s3, v28;
	v27 =	vmul.f32 s3, v27;
	s2 =	smul.f32 s2, s5  }
0xca: {  	v33 =	vadd.f32 v33, v15;
	[tilespmem:s22+$0x7D00] =	vst v34;
	v19 =	vmul.f32 s3, v19;
	v36 =	vmul.f32 v36, v9;
	s31 =	smul.f32 s12, s4  }
0xcb: {  	[tilespmem:s22+$0x7D10] =	vst v32;
	v39 =	vmov s26;
	v29 =	vmul.f32 s3, v29;
	v18 =	vmul.f32 s3, v18;
	s2 =	ssub.f32 $1.500000000e+00, s2  }
0xcc: {  	[tilespmem:s22+$0x7D20] =	vst v35;
	v21 =	vmul.f32 s3, v21;
	v22 =	vmul.f32 s3, v22;
	v57 =	vadd.f32 v36, v16;
	s3 =	ssub.f32 $1.500000000e+00, s31  }
0xcd: {  	v55 =	vmovc v4;
	v4 =	vmov v6;
	v0 =	vadd.f32 v0, v17;
	[tilespmem:s22+$0x7D30] =	vst v40;
	v40 =	vsub.f32 v49, v39;
	s2 =	smul.f32 s2, s5  }
0xce: {  	v50 =	vsub.f32 v38, v39;
	v51 =	vsub.f32 v42, v39;
	v2 =	vmul.f32 v2, v55;
	[tilespmem:s21+$0x7D70] =	vst v57;
	s3 =	smul.f32 s3, s4  }
0xcf: {  	v52 =	vsub.f32 v48, v39;
	v27 =	vmul.f32 v27, v3;
	v19 =	vmul.f32 v19, v4;
	[tilespmem:s22+$0x7D40] =	vst v58  }
0xd0: {  	v6 =	vmovc v7;
	v29 =	vmul.f32 v29, v5;
	v2 =	vadd.f32 v2, v10;
	[tilespmem:s22+$0x7D50] =	vst v33;
	v35 =	vmul.f32 s2, v62;
	s0 =	smul.f32 s3, s0  }
0xd1: {  	v18 =	vmul.f32 v18, v6;
	v21 =	vmul.f32 v21, v8;
	v27 =	vadd.f32 v27, v11;
	[tilespmem:s22+$0x7D60] =	vst v0  }
0xd2: {  	v19 =	vadd.f32 v19, v12;
	v63 =	vadd.f32 v29, v60;
	[tilespmem:s21+$0x7D00] =	vst v2;
	v29 =	vmul.f32 v35, v9;
	s0 =	smul.f32 s0, s3  }
0xd3: {  	v54 =	vsub.f32 v46, v39;
	v22 =	vmul.f32 v22, v13;
	[tilespmem:s21+$0x7D10] =	vst v27;
	v0 =	vmul.f32 s2, v26  }
0xd4: {  	[tilespmem:s21+$0x7D20] =	vst v19;
	v2 =	vmul.f32 s2, v30;
	v36 =	vmul.f32 s2, v31;
	v29 =	vadd.f32 v29, v16;
	s0 =	ssub.f32 $1.500000000e+00, s0  }
0xd5: {  	v18 =	vadd.f32 v18, v14;
	[tilespmem:s21+$0x7D30] =	vst v63;
	v24 =	vmul.f32 s2, v24;
	v25 =	vmul.f32 s2, v25  }
0xd6: {  	v21 =	vadd.f32 v21, v15;
	v19 =	vmul.f32 s2, v20;
	v0 =	vmul.f32 v0, v55;
	[tilespmem:s24+$0x7D70] =	vst v29;
	s0 =	smul.f32 s0, s3  }
0xd7: {  	v22 =	vadd.f32 v22, v17;
	v37 =	vmul.f32 s2, v23;
	v2 =	vmul.f32 v2, v3;
	[tilespmem:s21+$0x7D40] =	vst v18  }
0xd8: {  	v26 =	vmul.f32 v36, v4;
	v0 =	vadd.f32 v0, v10;
	[tilespmem:s21+$0x7D50] =	vst v21;
	v49 =	vmul.f32 s0, v40  }
0xd9: {  	v41 =	vmul.f32 v25, v6;
	v2 =	vadd.f32 v2, v11;
	v18 =	vmul.f32 v24, v5;
	[tilespmem:s21+$0x7D60] =	vst v22  }
0xda: {  	v45 =	vadd.f32 v26, v12;
	[tilespmem:s24+$0x7D00] =	vst v0;
	v0 =	vsub.f32 v43, v39;
	v25 =	vmul.f32 v49, v9  }
0xdb: {  	v19 =	vmul.f32 v19, v8;
	v20 =	vmul.f32 v37, v13;
	[tilespmem:s24+$0x7D10] =	vst v2;
	v18 =	vadd.f32 v18, v60  }
0xdc: {  	v56 =	vadd.f32 v41, v14;
	[tilespmem:s24+$0x7D20] =	vst v45;
	v0 =	vmul.f32 s0, v0;
	v25 =	vadd.f32 v25, v16  }
0xdd: {  	v19 =	vadd.f32 v19, v15;
	v2 =	vsub.f32 v44, v39;
	[tilespmem:s24+$0x7D30] =	vst v18;
	v57 =	vmul.f32 s0, v51  }
0xde: {  	v20 =	vadd.f32 v20, v17;
	v53 =	vmul.f32 s0, v50;
	v0 =	vmul.f32 v0, v3;
	[tilespmem:s25+$0x7D70] =	vst v25  }
0xdf: {  	v18 =	vsub.f32 v47, v39;
	v2 =	vmul.f32 s0, v2;
	v24 =	vmul.f32 v57, v4;
	[tilespmem:s24+$0x7D40] =	vst v56  }
0xe0: {  	v58 =	vmul.f32 s0, v52;
	v21 =	vmul.f32 v53, v55;
	v0 =	vadd.f32 v0, v11;
	[tilespmem:s24+$0x7D50] =	vst v19  }
0xe1: {  	v18 =	vmul.f32 s0, v18;
	v2 =	vmul.f32 v2, v5;
	v63 =	vadd.f32 v24, v12;
	[tilespmem:s24+$0x7D60] =	vst v20  }
0xe2: {  	v59 =	vmul.f32 s0, v54;
	v62 =	vmul.f32 v58, v6;
	v19 =	vadd.f32 v21, v10;
	[tilespmem:s25+$0x7D10] =	vst v0  }
0xe3: {  	v0 =	vadd.f32 v2, v60;
	v2 =	vmul.f32 v18, v13;
	[tilespmem:s25+$0x7D20] =	vst v63  }
0xe4: {  	v18 =	vadd.f32 v62, v14;
	[tilespmem:s25+$0x7D00] =	vst v19;
	v19 =	vmul.f32 v59, v8  }
0xe5: {  	[tilespmem:s25+$0x7D30] =	vst v0;
	v2 =	vadd.f32 v2, v17  }
0xe6: {  	[tilespmem:s25+$0x7D40] =	vst v18;
	v0 =	vadd.f32 v19, v15  }
.Ltmp3:
0xe7: {  	[tilespmem:s25+$0x7D60] =	vst v2;
	(pc) =	sbr.rel .LBB2_4-.Ltmp3, $4  }
0xe8: {  	s21 =	simm.s32 $0x0;
	[tilespmem:s25+$0x7D50] =	vst v0  }
0xe9: {  	[tilespmem:s16], [sflag:$0x1] =	stream.indirect.gather [hbm4b:s1+s15], $0x80, s21, s15, $0xb8;
	[tilespmem:$0x1E200] =	vst v63  }
0xea: {  	v61 =	vmov v16;
	v7 =	vmov v8;
	s23 =	simm.s32 $0x0;
	v34 =	vimm.s32 $0x0;
	s22 =	simm.s32 $0x0  }
0xeb: {  	v35 =	vmovc v55;
	v16 =	vmovc v17;
	v8 =	vmov v13;
	v13 =	vmov v60;
	v17 =	vmov v61;
	[tilespmem:s17], [sflag:$0x2] =	stream.indirect.gather [hbm4b:s1+s15], $0x80, s15, s15, $0xb8;
	[tilespmem:$0x1E200] =	vst v63  }
.LBB2_8:
0xec: {  	p0 =	sne.s32 s26, $0x7  }
0xed: {  	s0 =	sadd.s32 @!p0 s7, s28  }
0xee: {  	s2 =	sadd.s32 @!p0 $0x16200, s29;
	s3 =	sadd.s32 @!p0 $0x3, s25;
	s0 =	sshll.u32 @!p0 s0, $0x4  }
0xef: {  	s4 =	simm.s32 @!p0 $0x0;
	p1 =	sgt.u32 @!p0 s23, $0x17F;
	s0 =	sadd.s32 @!p0 s6, s0  }
0xf0: {  	[hbm4b:s0+s4] =	stream.linear.scatter @!p0 [tilespmem:s2], [sflag:s3], $0x4000, $0x38;
	[tilespmem:$0x1E200] =	vst v63  }
0xf1: {  	p0 =	por p1, p0  }
0xf2: {  	s0 =	sshll.u32 @!p0 s24, $0x7  }
0xf3: {  	s23 =	sadd.s32 $0x1, s23;
	s2 =	sadd.s32 @!p0 $0xE200, s29;
	s0 =	sand.u32 @!p0 $0x3FFFFF80, s0  }
0xf4: {  	s3 =	sadd.s32 @!p0 $0x1, s25;
	s4 =	simm.s32 @!p0 $0x80;
	s0 =	sadd.s32 @!p0 $0x100, s0  }
0xf5: {  	[tilespmem:s2], [sflag:s3] =	stream.indirect.gather @!p0 [hbm4b:s1+s4], $0x80, s0, s4, $0xb8;
	[tilespmem:$0x1E200] =	vst v63  }
0xf6: {  	p0 =	sne.s32 s23, $0x190  }
.Ltmp4:
0xf7: {  	_ = 	snop;
	(pc) =	sbr.rel @!p0 .LBB2_9-.Ltmp4, $2  }
0xf8: {  	_ =	sdelay $0x2  }
0xf9: {  	s22 =	sadd.s32 $0x1, s22  }
.LBB2_4:
0xfa: {  	s24 =	sshrl.u32 s23, $0x3;
	s26 =	sand.u32 $0x7, s23  }
0xfb: {  	s25 =	sand.u32 $0x1, s24;
	p0 =	sne.s32 s26, $0x0  }
0xfc: {  	s3 =	sadd.s32 @!p0 $0x1, s25  }
0xfd: {  	p1 =	slt.u32 @!p0 s23, $0x10;
	_ =	swait.ge @!p0 [sflag:s3], $0x4000  }
0xfe: {  	s28 =	sshll.u32 s24, $0x7;
	p1 =	por p1, p0;
	[sflag:s3] =	ssyncset.done @!p0 $0x0  }
0xff: {  	s30 =	sshll.u32 s26, $0x4;
	[sflag:s3] =	ssyncadd.s32 @!p0 $0xFFFFC000;
	s3 =	sadd.s32 @!p1 $0x3, s25  }
0x100: {  	s31 =	sshll.u32 s26, $0xB;
	s0 =	sor.u32 s30, s28;
	_ =	swait.ge @!p1 [sflag:s3], $0x4000  }
0x101: {  	s29 =	sshll.u32 s25, $0xE;
	s2 =	sand.u32 $0xFFF8, s0;
	[sflag:s3] =	ssyncset.done @!p1 $0x0  }
0x102: {  	s31 =	sor.u32 s31, s29;
	s2 =	sshrl.u32 s2, $0x3;
	[sflag:s3] =	ssyncadd.s32 @!p1 $0xFFFFC000  }
0x103: {  	s2 =	smul.u32 $0x147B, s2;
	v0 =	vld [tilespmem:s31+$0xE200]  }
0x104: {  	v18 =	vld [tilespmem:s31+$0xE210]  }
0x105: {  	s2 =	sshrl.u32 s2, $0x11;
	v20 =	vld [tilespmem:s31+$0xE220]  }
0x106: {  	s2 =	smul.u32 $0xC8, s2;
	v22 =	vld [tilespmem:s31+$0xE230]  }
0x107: {  	v24 =	vld [tilespmem:s31+$0xE240]  }
0x108: {  	v26 =	vld [tilespmem:s31+$0xE250];
	s0 =	ssub.s32 s0, s2  }
0x109: {  	v28 =	vld [tilespmem:s31+$0xE260];
	s0 =	sshll.u32 s0, $0x7  }
0x10a: {  	v30 =	vld [tilespmem:s31+$0xE270];
	s0 =	sand.u32 $0xFF80, s0  }
0x10b: {  	v2 =	vld [tilespmem:s0+$0x1900]  }
0x10c: {  	v19 =	vld [tilespmem:s0+$0x1910]  }
0x10d: {  	v21 =	vld [tilespmem:s0+$0x1920]  }
0x10e: {  	v23 =	vld [tilespmem:s0+$0x1930]  }
0x10f: {  	v25 =	vld [tilespmem:s0+$0x1940]  }
0x110: {  	v27 =	vld [tilespmem:s0+$0x1950]  }
0x111: {  	v29 =	vld [tilespmem:s0+$0x1960]  }
0x112: {  	v31 =	vld [tilespmem:s0+$0x1970];
	_ =	sdelay $0x1  }
0x113: {  	v0 =	vadd.f32 v2, v0;
	v2 =	vadd.f32 v19, v18  }
0x114: {  	v18 =	vadd.f32 v21, v20;
	v19 =	vadd.f32 v23, v22  }
0x115: {  	v20 =	vadd.f32 v25, v24;
	v54 =	vadd.f32 v27, v26  }
0x116: {  	v55 =	vadd.f32 v29, v28;
	v56 =	vadd.f32 v31, v30  }
0x117: {  	v57 =	vadd.f32 v2, v0;
	v58 =	vadd.f32 v19, v18  }
0x118: {  	v26 =	vadd.f32 v54, v20;
	v59 =	vadd.f32 v56, v55;
	_ =	sdelay $0x1  }
0x119: {  	v24 =	vadd.f32 v58, v57;
	v60 =	vadd.f32 v59, v26;
	_ =	sdelay $0x1  }
0x11a: {  	v24 =	vadd.f32 v60, v24;
	_ =	sdelay $0x1  }
0x11b: {  	v61 =	vmul.f32 v0, v0;
	v62 =	vmul.f32 v2, v2;
	(xrf2) =	vadd.scan.msk.f32 $0xffff, v24  }
0x11c: {  	v63 =	vmul.f32 v18, v18;
	v33 =	vmul.f32 v19, v19  }
0x11d: {  	v36 =	vmul.f32 v20, v20;
	v37 =	vmul.f32 v54, v54  }
0x11e: {  	v38 =	vmul.f32 v55, v55;
	v31 =	vmul.f32 v56, v56  }
0x11f: {  	v39 =	vadd.f32 v33, v63;
	v40 =	vadd.f32 v37, v36  }
0x120: {  	v41 =	vadd.f32 v31, v38;
	v24 =	vadd.f32 v62, v61;
	_ =	sdelay $0x1  }
0x121: {  	v42 =	vadd.f32 v41, v40;
	v24 =	vadd.f32 v39, v24;
	_ =	sdelay $0x1  }
0x122: {  	v24 =	vadd.f32 v42, v24  }
0x123: {  	v43, _, _ =	vpop (xrf2)  }
0x124: {  	(xrf2) =	vadd.scan.msk.f32 $0xffff, v24;
	_ =	sdelay $0x7  }
0x125: {  	(v2sf) =	vpush v43, $0xF;
	_ =	sdelay $0x1  }
0x126: {  	v24, _, _ =	vpop (xrf2)  }
0x127: {  	(v2sf) =	vpush v24, $0xF;
	_ =	sdelay $0xb  }
0x128: {  	s2 =	spop (v2sf)  }
0x129: {  	s0 =	smul.f32 $7.812500000e-03, s2;
	_ =	sdelay $0x1  }
0x12a: {  	s4 =	smul.f32 s0, s0;
	s3 =	spop (v2sf)  }
0x12b: {  	s2 =	smul.f32 $7.812500000e-03, s3;
	_ =	sdelay $0x1  }
0x12c: {  	s2 =	ssub.f32 s2, s4;
	_ =	sdelay $0x1  }
0x12d: {  	s2 =	sadd.f32 $9.999999960e-13, s2;
	_ =	sdelay $0x1  }
0x12e: {  	s5 =	sshrl.u32 s2, $0x1;
	s2 =	smul.f32 $5.000000000e-01, s2  }
0x12f: {  	s3 =	ssub.s32 $0x5F3759DF, s5  }
0x130: {  	s4 =	smul.f32 s3, s2;
	_ =	sdelay $0x1  }
0x131: {  	s4 =	smul.f32 s3, s4;
	_ =	sdelay $0x1  }
0x132: {  	s4 =	ssub.f32 $1.500000000e+00, s4;
	_ =	sdelay $0x1  }
0x133: {  	s3 =	smul.f32 s3, s4;
	_ =	sdelay $0x1  }
0x134: {  	s4 =	smul.f32 s3, s2;
	_ =	sdelay $0x1  }
0x135: {  	s4 =	smul.f32 s4, s3;
	_ =	sdelay $0x1  }
0x136: {  	s4 =	ssub.f32 $1.500000000e+00, s4;
	_ =	sdelay $0x1  }
0x137: {  	s3 =	smul.f32 s4, s3;
	_ =	sdelay $0x1  }
0x138: {  	s2 =	smul.f32 s3, s2;
	_ =	sdelay $0x1  }
0x139: {  	s2 =	smul.f32 s2, s3;
	_ =	sdelay $0x1  }
0x13a: {  	s2 =	ssub.f32 $1.500000000e+00, s2  }
0x13b: {  	v44 =	vmov s0  }
0x13c: {  	v0 =	vsub.f32 v0, v44;
	s12 =	smul.f32 s2, s3  }
0x13d: {  	v2 =	vsub.f32 v2, v44  }
0x13e: {  	v18 =	vsub.f32 v18, v44;
	v19 =	vsub.f32 v19, v44;
	v0 =	vmul.f32 s12, v0  }
0x13f: {  	v20 =	vsub.f32 v20, v44;
	v21 =	vsub.f32 v54, v44;
	v2 =	vmul.f32 s12, v2  }
0x140: {  	v22 =	vsub.f32 v55, v44;
	v18 =	vmul.f32 s12, v18;
	v0 =	vmul.f32 v0, v35  }
0x141: {  	v23 =	vsub.f32 v56, v44;
	v19 =	vmul.f32 s12, v19;
	v2 =	vmul.f32 v2, v3  }
0x142: {  	v20 =	vmul.f32 s12, v20;
	v18 =	vmul.f32 v18, v4;
	v0 =	vadd.f32 v0, v10  }
0x143: {  	v21 =	vmul.f32 s12, v21;
	v19 =	vmul.f32 v19, v5;
	v2 =	vadd.f32 v2, v11  }
0x144: {  	[tilespmem:s31+$0x16200] =	vst v0;
	v0 =	vadd.f32 v18, v12;
	v18 =	vmul.f32 v20, v6;
	v20 =	vmul.f32 s12, v22  }
0x145: {  	v45 =	vmul.f32 s12, v23;
	[tilespmem:s31+$0x16210] =	vst v2;
	v2 =	vadd.f32 v19, v13;
	v19 =	vmul.f32 v21, v7  }
0x146: {  	[tilespmem:s31+$0x16220] =	vst v0;
	v0 =	vadd.f32 v18, v14;
	v18 =	vmul.f32 v20, v8  }
0x147: {  	[tilespmem:s31+$0x16230] =	vst v2;
	v2 =	vadd.f32 v19, v15;
	v19 =	vmul.f32 v45, v9  }
0x148: {  	s2 =	sor.u32 $0x1, s30;
	[tilespmem:s31+$0x16240] =	vst v0;
	v0 =	vadd.f32 v18, v16  }
0x149: {  	s3 =	sor.u32 s28, s2;
	[tilespmem:s31+$0x16250] =	vst v2;
	v2 =	vadd.f32 v19, v17  }
0x14a: {  	s2 =	sshll.u32 s2, $0x7;
	s5 =	sand.u32 $0xFFF8, s3;
	[tilespmem:s31+$0x16260] =	vst v0  }
0x14b: {  	s4 =	sshrl.u32 s5, $0x3;
	[tilespmem:s31+$0x16270] =	vst v2;
	s31 =	sor.u32 s29, s2  }
0x14c: {  	s12 =	smul.u32 $0x147B, s4;
	v0 =	vld [tilespmem:s31+$0xE200]  }
0x14d: {  	v18 =	vld [tilespmem:s31+$0xE210]  }
0x14e: {  	s0 =	sshrl.u32 s12, $0x11;
	v20 =	vld [tilespmem:s31+$0xE220]  }
0x14f: {  	s0 =	smul.u32 $0xC8, s0;
	v47 =	vld [tilespmem:s31+$0xE230]  }
0x150: {  	v49 =	vld [tilespmem:s31+$0xE240]  }
0x151: {  	s0 =	ssub.s32 s3, s0;
	v51 =	vld [tilespmem:s31+$0xE250]  }
0x152: {  	s0 =	sshll.u32 s0, $0x7;
	v53 =	vld [tilespmem:s31+$0xE260]  }
0x153: {  	s0 =	sand.u32 $0xFF80, s0;
	v55 =	vld [tilespmem:s31+$0xE270]  }
0x154: {  	v2 =	vld [tilespmem:s0+$0x1900]  }
0x155: {  	v19 =	vld [tilespmem:s0+$0x1910]  }
0x156: {  	v46 =	vld [tilespmem:s0+$0x1920]  }
0x157: {  	v48 =	vld [tilespmem:s0+$0x1930]  }
0x158: {  	v50 =	vld [tilespmem:s0+$0x1940]  }
0x159: {  	v52 =	vld [tilespmem:s0+$0x1950]  }
0x15a: {  	v54 =	vld [tilespmem:s0+$0x1960]  }
0x15b: {  	v56 =	vld [tilespmem:s0+$0x1970];
	_ =	sdelay $0x1  }
0x15c: {  	v0 =	vadd.f32 v2, v0;
	v2 =	vadd.f32 v19, v18  }
0x15d: {  	v18 =	vadd.f32 v46, v20;
	v19 =	vadd.f32 v48, v47  }
0x15e: {  	v20 =	vadd.f32 v50, v49;
	v57 =	vadd.f32 v52, v51  }
0x15f: {  	v58 =	vadd.f32 v54, v53;
	v59 =	vadd.f32 v56, v55  }
0x160: {  	v60 =	vadd.f32 v2, v0;
	v61 =	vmul.f32 v0, v0;
	v62 =	vmul.f32 v2, v2  }
0x161: {  	v63 =	vadd.f32 v19, v18;
	v36 =	vmul.f32 v18, v18;
	v37 =	vmul.f32 v19, v19  }
0x162: {  	v38 =	vadd.f32 v57, v20;
	v39 =	vmul.f32 v20, v20;
	v32 =	vmul.f32 v57, v57  }
0x163: {  	v33 =	vmul.f32 v58, v58;
	v40 =	vmul.f32 v59, v59;
	v41 =	vadd.f32 v59, v58  }
0x164: {  	v25 =	vadd.f32 v62, v61;
	v28 =	vadd.f32 v37, v36  }
0x165: {  	v31 =	vadd.f32 v32, v39;
	v26 =	vadd.f32 v40, v33  }
0x166: {  	v24 =	vadd.f32 v63, v60;
	v42 =	vadd.f32 v41, v38  }
0x167: {  	v25 =	vadd.f32 v28, v25;
	v26 =	vadd.f32 v26, v31  }
0x168: {  	v24 =	vadd.f32 v42, v24  }
0x169: {  	v25 =	vadd.f32 v26, v25  }
0x16a: {  	(xrf2) =	vadd.scan.msk.f32 $0xffff, v24  }
0x16b: {  	(xrf2) =	vadd.scan.msk.f32 $0xffff, v25;
	_ =	sdelay $0x8  }
0x16c: {  	v24, _, _ =	vpop (xrf2)  }
0x16d: {  	(v2sf) =	vpush v24, $0xF;
	v43, _, _ =	vpop (xrf2)  }
0x16e: {  	(v2sf) =	vpush v43, $0xF;
	_ =	sdelay $0xd  }
0x16f: {  	s4 =	spop (v2sf)  }
0x170: {  	s0 =	smul.f32 $7.812500000e-03, s4;
	s5 =	spop (v2sf)  }
0x171: {  	s2 =	smul.f32 $7.812500000e-03, s5  }
0x172: {  	s12 =	smul.f32 s0, s0;
	_ =	sdelay $0x1  }
0x173: {  	s2 =	ssub.f32 s2, s12;
	_ =	sdelay $0x1  }
0x174: {  	s2 =	sadd.f32 $9.999999960e-13, s2;
	_ =	sdelay $0x1  }
0x175: {  	s4 =	sshrl.u32 s2, $0x1;
	s2 =	smul.f32 $5.000000000e-01, s2  }
0x176: {  	s3 =	ssub.s32 $0x5F3759DF, s4  }
0x177: {  	s5 =	smul.f32 s3, s2;
	_ =	sdelay $0x1  }
0x178: {  	s4 =	smul.f32 s3, s5;
	_ =	sdelay $0x1  }
0x179: {  	s4 =	ssub.f32 $1.500000000e+00, s4;
	_ =	sdelay $0x1  }
0x17a: {  	s3 =	smul.f32 s3, s4;
	_ =	sdelay $0x1  }
0x17b: {  	s4 =	smul.f32 s3, s2;
	_ =	sdelay $0x1  }
0x17c: {  	s4 =	smul.f32 s4, s3;
	_ =	sdelay $0x1  }
0x17d: {  	s4 =	ssub.f32 $1.500000000e+00, s4;
	_ =	sdelay $0x1  }
0x17e: {  	s3 =	smul.f32 s4, s3;
	_ =	sdelay $0x1  }
0x17f: {  	s2 =	smul.f32 s3, s2;
	_ =	sdelay $0x1  }
0x180: {  	s2 =	smul.f32 s2, s3;
	_ =	sdelay $0x1  }
0x181: {  	s2 =	ssub.f32 $1.500000000e+00, s2  }
0x182: {  	v44 =	vmov s0  }
0x183: {  	v0 =	vsub.f32 v0, v44;
	s12 =	smul.f32 s2, s3  }
0x184: {  	v2 =	vsub.f32 v2, v44  }
0x185: {  	v18 =	vsub.f32 v18, v44;
	v19 =	vsub.f32 v19, v44;
	v0 =	vmul.f32 s12, v0  }
0x186: {  	v20 =	vsub.f32 v20, v44;
	v21 =	vsub.f32 v57, v44;
	v2 =	vmul.f32 s12, v2  }
0x187: {  	v22 =	vsub.f32 v58, v44;
	v18 =	vmul.f32 s12, v18;
	v0 =	vmul.f32 v0, v35  }
0x188: {  	v23 =	vsub.f32 v59, v44;
	v19 =	vmul.f32 s12, v19;
	v2 =	vmul.f32 v2, v3  }
0x189: {  	v20 =	vmul.f32 s12, v20;
	v18 =	vmul.f32 v18, v4;
	v0 =	vadd.f32 v0, v10  }
0x18a: {  	v21 =	vmul.f32 s12, v21;
	v19 =	vmul.f32 v19, v5;
	v2 =	vadd.f32 v2, v11  }
0x18b: {  	[tilespmem:s31+$0x16200] =	vst v0;
	v0 =	vadd.f32 v18, v12;
	v18 =	vmul.f32 v20, v6;
	v20 =	vmul.f32 s12, v22  }
0x18c: {  	v45 =	vmul.f32 s12, v23;
	[tilespmem:s31+$0x16210] =	vst v2;
	v2 =	vadd.f32 v19, v13;
	v19 =	vmul.f32 v21, v7  }
0x18d: {  	[tilespmem:s31+$0x16220] =	vst v0;
	v0 =	vadd.f32 v18, v14;
	v18 =	vmul.f32 v20, v8  }
0x18e: {  	[tilespmem:s31+$0x16230] =	vst v2;
	v2 =	vadd.f32 v19, v15;
	v19 =	vmul.f32 v45, v9  }
0x18f: {  	s2 =	sor.u32 $0x2, s30;
	[tilespmem:s31+$0x16240] =	vst v0;
	v0 =	vadd.f32 v18, v16  }
0x190: {  	s3 =	sor.u32 s28, s2;
	[tilespmem:s31+$0x16250] =	vst v2;
	v2 =	vadd.f32 v19, v17  }
0x191: {  	s2 =	sshll.u32 s2, $0x7;
	s5 =	sand.u32 $0xFFF8, s3;
	[tilespmem:s31+$0x16260] =	vst v0  }
0x192: {  	s4 =	sshrl.u32 s5, $0x3;
	[tilespmem:s31+$0x16270] =	vst v2;
	s31 =	sor.u32 s29, s2  }
0x193: {  	s12 =	smul.u32 $0x147B, s4;
	v0 =	vld [tilespmem:s31+$0xE200]  }
0x194: {  	v18 =	vld [tilespmem:s31+$0xE210]  }
0x195: {  	s0 =	sshrl.u32 s12, $0x11;
	v20 =	vld [tilespmem:s31+$0xE220]  }
0x196: {  	s0 =	smul.u32 $0xC8, s0;
	v47 =	vld [tilespmem:s31+$0xE230]  }
0x197: {  	v49 =	vld [tilespmem:s31+$0xE240]  }
0x198: {  	s0 =	ssub.s32 s3, s0;
	v51 =	vld [tilespmem:s31+$0xE250]  }
0x199: {  	s0 =	sshll.u32 s0, $0x7;
	v53 =	vld [tilespmem:s31+$0xE260]  }
0x19a: {  	s0 =	sand.u32 $0xFF80, s0;
	v55 =	vld [tilespmem:s31+$0xE270]  }
0x19b: {  	v2 =	vld [tilespmem:s0+$0x1900]  }
0x19c: {  	v19 =	vld [tilespmem:s0+$0x1910]  }
0x19d: {  	v46 =	vld [tilespmem:s0+$0x1920]  }
0x19e: {  	v48 =	vld [tilespmem:s0+$0x1930]  }
0x19f: {  	v50 =	vld [tilespmem:s0+$0x1940]  }
0x1a0: {  	v52 =	vld [tilespmem:s0+$0x1950]  }
0x1a1: {  	v54 =	vld [tilespmem:s0+$0x1960]  }
0x1a2: {  	v56 =	vld [tilespmem:s0+$0x1970];
	_ =	sdelay $0x1  }
0x1a3: {  	v0 =	vadd.f32 v2, v0;
	v2 =	vadd.f32 v19, v18  }
0x1a4: {  	v18 =	vadd.f32 v46, v20;
	v19 =	vadd.f32 v48, v47  }
0x1a5: {  	v20 =	vadd.f32 v50, v49;
	v57 =	vadd.f32 v52, v51  }
0x1a6: {  	v58 =	vadd.f32 v54, v53;
	v59 =	vadd.f32 v56, v55  }
0x1a7: {  	v60 =	vadd.f32 v2, v0;
	v61 =	vmul.f32 v0, v0;
	v62 =	vmul.f32 v2, v2  }
0x1a8: {  	v63 =	vadd.f32 v19, v18;
	v36 =	vmul.f32 v18, v18;
	v37 =	vmul.f32 v19, v19  }
0x1a9: {  	v38 =	vadd.f32 v57, v20;
	v39 =	vmul.f32 v20, v20;
	v40 =	vmul.f32 v57, v57  }
0x1aa: {  	v41 =	vmul.f32 v58, v58;
	v42 =	vmul.f32 v59, v59;
	v43 =	vadd.f32 v59, v58  }
0x1ab: {  	v25 =	vadd.f32 v62, v61;
	v28 =	vadd.f32 v37, v36  }
0x1ac: {  	v31 =	vadd.f32 v40, v39;
	v26 =	vadd.f32 v42, v41  }
0x1ad: {  	v24 =	vadd.f32 v63, v60;
	v44 =	vadd.f32 v43, v38  }
0x1ae: {  	v25 =	vadd.f32 v28, v25;
	v26 =	vadd.f32 v26, v31  }
0x1af: {  	v24 =	vadd.f32 v44, v24  }
0x1b0: {  	v25 =	vadd.f32 v26, v25  }
0x1b1: {  	(xrf2) =	vadd.scan.msk.f32 $0xffff, v24  }
0x1b2: {  	(xrf2) =	vadd.scan.msk.f32 $0xffff, v25;
	_ =	sdelay $0x8  }
0x1b3: {  	v24, _, _ =	vpop (xrf2)  }
0x1b4: {  	(v2sf) =	vpush v24, $0xF;
	v45, _, _ =	vpop (xrf2)  }
0x1b5: {  	(v2sf) =	vpush v45, $0xF;
	_ =	sdelay $0xd  }
0x1b6: {  	s4 =	spop (v2sf)  }
0x1b7: {  	s0 =	smul.f32 $7.812500000e-03, s4;
	s5 =	spop (v2sf)  }
0x1b8: {  	s2 =	smul.f32 $7.812500000e-03, s5  }
0x1b9: {  	s12 =	smul.f32 s0, s0;
	_ =	sdelay $0x1  }
0x1ba: {  	s2 =	ssub.f32 s2, s12;
	_ =	sdelay $0x1  }
0x1bb: {  	s2 =	sadd.f32 $9.999999960e-13, s2;
	_ =	sdelay $0x1  }
0x1bc: {  	s4 =	sshrl.u32 s2, $0x1;
	s2 =	smul.f32 $5.000000000e-01, s2  }
0x1bd: {  	s3 =	ssub.s32 $0x5F3759DF, s4  }
0x1be: {  	s5 =	smul.f32 s3, s2;
	_ =	sdelay $0x1  }
0x1bf: {  	s4 =	smul.f32 s3, s5;
	_ =	sdelay $0x1  }
0x1c0: {  	s4 =	ssub.f32 $1.500000000e+00, s4;
	_ =	sdelay $0x1  }
0x1c1: {  	s3 =	smul.f32 s3, s4;
	_ =	sdelay $0x1  }
0x1c2: {  	s4 =	smul.f32 s3, s2;
	_ =	sdelay $0x1  }
0x1c3: {  	s4 =	smul.f32 s4, s3;
	_ =	sdelay $0x1  }
0x1c4: {  	s4 =	ssub.f32 $1.500000000e+00, s4;
	_ =	sdelay $0x1  }
0x1c5: {  	s3 =	smul.f32 s4, s3;
	_ =	sdelay $0x1  }
0x1c6: {  	s2 =	smul.f32 s3, s2;
	_ =	sdelay $0x1  }
0x1c7: {  	s2 =	smul.f32 s2, s3;
	_ =	sdelay $0x1  }
0x1c8: {  	s2 =	ssub.f32 $1.500000000e+00, s2  }
0x1c9: {  	v46 =	vmov s0  }
0x1ca: {  	v0 =	vsub.f32 v0, v46;
	s12 =	smul.f32 s2, s3  }
0x1cb: {  	v2 =	vsub.f32 v2, v46  }
0x1cc: {  	v18 =	vsub.f32 v18, v46;
	v19 =	vsub.f32 v19, v46;
	v0 =	vmul.f32 s12, v0  }
0x1cd: {  	v20 =	vsub.f32 v20, v46;
	v21 =	vsub.f32 v57, v46;
	v2 =	vmul.f32 s12, v2  }
0x1ce: {  	v22 =	vsub.f32 v58, v46;
	v18 =	vmul.f32 s12, v18;
	v0 =	vmul.f32 v0, v35  }
0x1cf: {  	v23 =	vsub.f32 v59, v46;
	v19 =	vmul.f32 s12, v19;
	v2 =	vmul.f32 v2, v3  }
0x1d0: {  	v20 =	vmul.f32 s12, v20;
	v18 =	vmul.f32 v18, v4;
	v0 =	vadd.f32 v0, v10  }
0x1d1: {  	v21 =	vmul.f32 s12, v21;
	v19 =	vmul.f32 v19, v5;
	v2 =	vadd.f32 v2, v11  }
0x1d2: {  	[tilespmem:s31+$0x16200] =	vst v0;
	v0 =	vadd.f32 v18, v12;
	v18 =	vmul.f32 v20, v6;
	v20 =	vmul.f32 s12, v22  }
0x1d3: {  	v47 =	vmul.f32 s12, v23;
	[tilespmem:s31+$0x16210] =	vst v2;
	v2 =	vadd.f32 v19, v13;
	v19 =	vmul.f32 v21, v7  }
0x1d4: {  	[tilespmem:s31+$0x16220] =	vst v0;
	v0 =	vadd.f32 v18, v14;
	v18 =	vmul.f32 v20, v8  }
0x1d5: {  	[tilespmem:s31+$0x16230] =	vst v2;
	v2 =	vadd.f32 v19, v15;
	v19 =	vmul.f32 v47, v9  }
0x1d6: {  	s2 =	sor.u32 $0x3, s30;
	[tilespmem:s31+$0x16240] =	vst v0;
	v0 =	vadd.f32 v18, v16  }
0x1d7: {  	s3 =	sor.u32 s28, s2;
	[tilespmem:s31+$0x16250] =	vst v2;
	v2 =	vadd.f32 v19, v17  }
0x1d8: {  	s2 =	sshll.u32 s2, $0x7;
	s5 =	sand.u32 $0xFFF8, s3;
	[tilespmem:s31+$0x16260] =	vst v0  }
0x1d9: {  	s4 =	sshrl.u32 s5, $0x3;
	[tilespmem:s31+$0x16270] =	vst v2;
	s31 =	sor.u32 s29, s2  }
0x1da: {  	s12 =	smul.u32 $0x147B, s4;
	v0 =	vld [tilespmem:s31+$0xE200]  }
0x1db: {  	v18 =	vld [tilespmem:s31+$0xE210]  }
0x1dc: {  	s0 =	sshrl.u32 s12, $0x11;
	v20 =	vld [tilespmem:s31+$0xE220]  }
0x1dd: {  	s0 =	smul.u32 $0xC8, s0;
	v49 =	vld [tilespmem:s31+$0xE230]  }
0x1de: {  	v51 =	vld [tilespmem:s31+$0xE240]  }
0x1df: {  	s0 =	ssub.s32 s3, s0;
	v53 =	vld [tilespmem:s31+$0xE250]  }
0x1e0: {  	s0 =	sshll.u32 s0, $0x7;
	v55 =	vld [tilespmem:s31+$0xE260]  }
0x1e1: {  	s0 =	sand.u32 $0xFF80, s0;
	v57 =	vld [tilespmem:s31+$0xE270]  }
0x1e2: {  	v2 =	vld [tilespmem:s0+$0x1900]  }
0x1e3: {  	v19 =	vld [tilespmem:s0+$0x1910]  }
0x1e4: {  	v48 =	vld [tilespmem:s0+$0x1920]  }
0x1e5: {  	v50 =	vld [tilespmem:s0+$0x1930]  }
0x1e6: {  	v52 =	vld [tilespmem:s0+$0x1940]  }
0x1e7: {  	v54 =	vld [tilespmem:s0+$0x1950]  }
0x1e8: {  	v56 =	vld [tilespmem:s0+$0x1960]  }
0x1e9: {  	v58 =	vld [tilespmem:s0+$0x1970];
	_ =	sdelay $0x1  }
0x1ea: {  	v0 =	vadd.f32 v2, v0;
	v2 =	vadd.f32 v19, v18  }
0x1eb: {  	v18 =	vadd.f32 v48, v20;
	v19 =	vadd.f32 v50, v49  }
0x1ec: {  	v20 =	vadd.f32 v52, v51;
	v59 =	vadd.f32 v54, v53  }
0x1ed: {  	v60 =	vadd.f32 v56, v55;
	v61 =	vadd.f32 v58, v57  }
0x1ee: {  	v62 =	vadd.f32 v2, v0;
	v63 =	vmul.f32 v0, v0;
	v36 =	vmul.f32 v2, v2  }
0x1ef: {  	v37 =	vadd.f32 v19, v18;
	v38 =	vmul.f32 v18, v18;
	v39 =	vmul.f32 v19, v19  }
0x1f0: {  	v40 =	vadd.f32 v59, v20;
	v41 =	vmul.f32 v20, v20;
	v42 =	vmul.f32 v59, v59  }
0x1f1: {  	v43 =	vmul.f32 v60, v60;
	v44 =	vmul.f32 v61, v61;
	v45 =	vadd.f32 v61, v60  }
0x1f2: {  	v25 =	vadd.f32 v36, v63;
	v28 =	vadd.f32 v39, v38  }
0x1f3: {  	v31 =	vadd.f32 v42, v41;
	v26 =	vadd.f32 v44, v43  }
0x1f4: {  	v24 =	vadd.f32 v37, v62;
	v46 =	vadd.f32 v45, v40  }
0x1f5: {  	v25 =	vadd.f32 v28, v25;
	v26 =	vadd.f32 v26, v31  }
0x1f6: {  	v24 =	vadd.f32 v46, v24  }
0x1f7: {  	v25 =	vadd.f32 v26, v25  }
0x1f8: {  	(xrf2) =	vadd.scan.msk.f32 $0xffff, v24  }
0x1f9: {  	(xrf2) =	vadd.scan.msk.f32 $0xffff, v25;
	_ =	sdelay $0x8  }
0x1fa: {  	v24, _, _ =	vpop (xrf2)  }
0x1fb: {  	(v2sf) =	vpush v24, $0xF;
	v47, _, _ =	vpop (xrf2)  }
0x1fc: {  	(v2sf) =	vpush v47, $0xF;
	_ =	sdelay $0xd  }
0x1fd: {  	s4 =	spop (v2sf)  }
0x1fe: {  	s0 =	smul.f32 $7.812500000e-03, s4;
	s5 =	spop (v2sf)  }
0x1ff: {  	s2 =	smul.f32 $7.812500000e-03, s5  }
0x200: {  	s12 =	smul.f32 s0, s0;
	_ =	sdelay $0x1  }
0x201: {  	s2 =	ssub.f32 s2, s12;
	_ =	sdelay $0x1  }
0x202: {  	s2 =	sadd.f32 $9.999999960e-13, s2;
	_ =	sdelay $0x1  }
0x203: {  	s4 =	sshrl.u32 s2, $0x1;
	s2 =	smul.f32 $5.000000000e-01, s2  }
0x204: {  	s3 =	ssub.s32 $0x5F3759DF, s4  }
0x205: {  	s5 =	smul.f32 s3, s2;
	_ =	sdelay $0x1  }
0x206: {  	s4 =	smul.f32 s3, s5;
	_ =	sdelay $0x1  }
0x207: {  	s4 =	ssub.f32 $1.500000000e+00, s4;
	_ =	sdelay $0x1  }
0x208: {  	s3 =	smul.f32 s3, s4;
	_ =	sdelay $0x1  }
0x209: {  	s4 =	smul.f32 s3, s2;
	_ =	sdelay $0x1  }
0x20a: {  	s4 =	smul.f32 s4, s3;
	_ =	sdelay $0x1  }
0x20b: {  	s4 =	ssub.f32 $1.500000000e+00, s4;
	_ =	sdelay $0x1  }
0x20c: {  	s3 =	smul.f32 s4, s3;
	_ =	sdelay $0x1  }
0x20d: {  	s2 =	smul.f32 s3, s2;
	_ =	sdelay $0x1  }
0x20e: {  	s2 =	smul.f32 s2, s3;
	_ =	sdelay $0x1  }
0x20f: {  	s2 =	ssub.f32 $1.500000000e+00, s2  }
0x210: {  	v48 =	vmov s0  }
0x211: {  	v0 =	vsub.f32 v0, v48;
	s12 =	smul.f32 s2, s3  }
0x212: {  	v2 =	vsub.f32 v2, v48  }
0x213: {  	v18 =	vsub.f32 v18, v48;
	v19 =	vsub.f32 v19, v48;
	v0 =	vmul.f32 s12, v0  }
0x214: {  	v20 =	vsub.f32 v20, v48;
	v21 =	vsub.f32 v59, v48;
	v2 =	vmul.f32 s12, v2  }
0x215: {  	v22 =	vsub.f32 v60, v48;
	v18 =	vmul.f32 s12, v18;
	v0 =	vmul.f32 v0, v35  }
0x216: {  	v23 =	vsub.f32 v61, v48;
	v19 =	vmul.f32 s12, v19;
	v2 =	vmul.f32 v2, v3  }
0x217: {  	v20 =	vmul.f32 s12, v20;
	v18 =	vmul.f32 v18, v4;
	v0 =	vadd.f32 v0, v10  }
0x218: {  	v21 =	vmul.f32 s12, v21;
	v19 =	vmul.f32 v19, v5;
	v2 =	vadd.f32 v2, v11  }
0x219: {  	[tilespmem:s31+$0x16200] =	vst v0;
	v0 =	vadd.f32 v18, v12;
	v18 =	vmul.f32 v20, v6;
	v20 =	vmul.f32 s12, v22  }
0x21a: {  	v49 =	vmul.f32 s12, v23;
	[tilespmem:s31+$0x16210] =	vst v2;
	v2 =	vadd.f32 v19, v13;
	v19 =	vmul.f32 v21, v7  }
0x21b: {  	[tilespmem:s31+$0x16220] =	vst v0;
	v0 =	vadd.f32 v18, v14;
	v18 =	vmul.f32 v20, v8  }
0x21c: {  	[tilespmem:s31+$0x16230] =	vst v2;
	v2 =	vadd.f32 v19, v15;
	v19 =	vmul.f32 v49, v9  }
0x21d: {  	s2 =	sor.u32 $0x4, s30;
	[tilespmem:s31+$0x16240] =	vst v0;
	v0 =	vadd.f32 v18, v16  }
0x21e: {  	s3 =	sor.u32 s28, s2;
	[tilespmem:s31+$0x16250] =	vst v2;
	v2 =	vadd.f32 v19, v17  }
0x21f: {  	s2 =	sshll.u32 s2, $0x7;
	s5 =	sand.u32 $0xFFF8, s3;
	[tilespmem:s31+$0x16260] =	vst v0  }
0x220: {  	s4 =	sshrl.u32 s5, $0x3;
	[tilespmem:s31+$0x16270] =	vst v2;
	s31 =	sor.u32 s29, s2  }
0x221: {  	s12 =	smul.u32 $0x147B, s4;
	v0 =	vld [tilespmem:s31+$0xE200]  }
0x222: {  	v18 =	vld [tilespmem:s31+$0xE210]  }
0x223: {  	s0 =	sshrl.u32 s12, $0x11;
	v20 =	vld [tilespmem:s31+$0xE220]  }
0x224: {  	s0 =	smul.u32 $0xC8, s0;
	v51 =	vld [tilespmem:s31+$0xE230]  }
0x225: {  	v53 =	vld [tilespmem:s31+$0xE240]  }
0x226: {  	s0 =	ssub.s32 s3, s0;
	v55 =	vld [tilespmem:s31+$0xE250]  }
0x227: {  	s0 =	sshll.u32 s0, $0x7;
	v57 =	vld [tilespmem:s31+$0xE260]  }
0x228: {  	s0 =	sand.u32 $0xFF80, s0;
	v59 =	vld [tilespmem:s31+$0xE270]  }
0x229: {  	v2 =	vld [tilespmem:s0+$0x1900]  }
0x22a: {  	v19 =	vld [tilespmem:s0+$0x1910]  }
0x22b: {  	v50 =	vld [tilespmem:s0+$0x1920]  }
0x22c: {  	v52 =	vld [tilespmem:s0+$0x1930]  }
0x22d: {  	v54 =	vld [tilespmem:s0+$0x1940]  }
0x22e: {  	v56 =	vld [tilespmem:s0+$0x1950]  }
0x22f: {  	v58 =	vld [tilespmem:s0+$0x1960]  }
0x230: {  	v60 =	vld [tilespmem:s0+$0x1970];
	_ =	sdelay $0x1  }
0x231: {  	v0 =	vadd.f32 v2, v0;
	v2 =	vadd.f32 v19, v18  }
0x232: {  	v18 =	vadd.f32 v50, v20;
	v19 =	vadd.f32 v52, v51  }
0x233: {  	v20 =	vadd.f32 v54, v53;
	v61 =	vadd.f32 v56, v55  }
0x234: {  	v62 =	vadd.f32 v58, v57;
	v63 =	vadd.f32 v60, v59  }
0x235: {  	v36 =	vadd.f32 v2, v0;
	v37 =	vmul.f32 v0, v0;
	v38 =	vmul.f32 v2, v2  }
0x236: {  	v39 =	vadd.f32 v19, v18;
	v40 =	vmul.f32 v18, v18;
	v41 =	vmul.f32 v19, v19  }
0x237: {  	v42 =	vadd.f32 v61, v20;
	v43 =	vmul.f32 v20, v20;
	v44 =	vmul.f32 v61, v61  }
0x238: {  	v45 =	vmul.f32 v62, v62;
	v46 =	vmul.f32 v63, v63;
	v47 =	vadd.f32 v63, v62  }
0x239: {  	v25 =	vadd.f32 v38, v37;
	v28 =	vadd.f32 v41, v40  }
0x23a: {  	v31 =	vadd.f32 v44, v43;
	v26 =	vadd.f32 v46, v45  }
0x23b: {  	v24 =	vadd.f32 v39, v36;
	v48 =	vadd.f32 v47, v42  }
0x23c: {  	v25 =	vadd.f32 v28, v25;
	v26 =	vadd.f32 v26, v31  }
0x23d: {  	v24 =	vadd.f32 v48, v24  }
0x23e: {  	v25 =	vadd.f32 v26, v25  }
0x23f: {  	(xrf2) =	vadd.scan.msk.f32 $0xffff, v24  }
0x240: {  	(xrf2) =	vadd.scan.msk.f32 $0xffff, v25;
	_ =	sdelay $0x8  }
0x241: {  	v24, _, _ =	vpop (xrf2)  }
0x242: {  	(v2sf) =	vpush v24, $0xF;
	v49, _, _ =	vpop (xrf2)  }
0x243: {  	(v2sf) =	vpush v49, $0xF;
	_ =	sdelay $0xd  }
0x244: {  	s4 =	spop (v2sf)  }
0x245: {  	s0 =	smul.f32 $7.812500000e-03, s4;
	s5 =	spop (v2sf)  }
0x246: {  	s2 =	smul.f32 $7.812500000e-03, s5  }
0x247: {  	s12 =	smul.f32 s0, s0;
	_ =	sdelay $0x1  }
0x248: {  	s2 =	ssub.f32 s2, s12;
	_ =	sdelay $0x1  }
0x249: {  	s2 =	sadd.f32 $9.999999960e-13, s2;
	_ =	sdelay $0x1  }
0x24a: {  	s4 =	sshrl.u32 s2, $0x1;
	s2 =	smul.f32 $5.000000000e-01, s2  }
0x24b: {  	s3 =	ssub.s32 $0x5F3759DF, s4  }
0x24c: {  	s5 =	smul.f32 s3, s2;
	_ =	sdelay $0x1  }
0x24d: {  	s4 =	smul.f32 s3, s5;
	_ =	sdelay $0x1  }
0x24e: {  	s4 =	ssub.f32 $1.500000000e+00, s4;
	_ =	sdelay $0x1  }
0x24f: {  	s3 =	smul.f32 s3, s4;
	_ =	sdelay $0x1  }
0x250: {  	s4 =	smul.f32 s3, s2;
	_ =	sdelay $0x1  }
0x251: {  	s4 =	smul.f32 s4, s3;
	_ =	sdelay $0x1  }
0x252: {  	s4 =	ssub.f32 $1.500000000e+00, s4;
	_ =	sdelay $0x1  }
0x253: {  	s3 =	smul.f32 s4, s3;
	_ =	sdelay $0x1  }
0x254: {  	s2 =	smul.f32 s3, s2;
	_ =	sdelay $0x1  }
0x255: {  	s2 =	smul.f32 s2, s3;
	_ =	sdelay $0x1  }
0x256: {  	s2 =	ssub.f32 $1.500000000e+00, s2  }
0x257: {  	v50 =	vmov s0  }
0x258: {  	v0 =	vsub.f32 v0, v50;
	s12 =	smul.f32 s2, s3  }
0x259: {  	v2 =	vsub.f32 v2, v50  }
0x25a: {  	v18 =	vsub.f32 v18, v50;
	v19 =	vsub.f32 v19, v50;
	v0 =	vmul.f32 s12, v0  }
0x25b: {  	v20 =	vsub.f32 v20, v50;
	v21 =	vsub.f32 v61, v50;
	v2 =	vmul.f32 s12, v2  }
0x25c: {  	v22 =	vsub.f32 v62, v50;
	v18 =	vmul.f32 s12, v18;
	v0 =	vmul.f32 v0, v35  }
0x25d: {  	v23 =	vsub.f32 v63, v50;
	v19 =	vmul.f32 s12, v19;
	v2 =	vmul.f32 v2, v3  }
0x25e: {  	v20 =	vmul.f32 s12, v20;
	v18 =	vmul.f32 v18, v4;
	v0 =	vadd.f32 v0, v10  }
0x25f: {  	v21 =	vmul.f32 s12, v21;
	v19 =	vmul.f32 v19, v5;
	v2 =	vadd.f32 v2, v11  }
0x260: {  	[tilespmem:s31+$0x16200] =	vst v0;
	v0 =	vadd.f32 v18, v12;
	v18 =	vmul.f32 v20, v6;
	v20 =	vmul.f32 s12, v22  }
0x261: {  	v51 =	vmul.f32 s12, v23;
	[tilespmem:s31+$0x16210] =	vst v2;
	v2 =	vadd.f32 v19, v13;
	v19 =	vmul.f32 v21, v7  }
0x262: {  	[tilespmem:s31+$0x16220] =	vst v0;
	v0 =	vadd.f32 v18, v14;
	v18 =	vmul.f32 v20, v8  }
0x263: {  	[tilespmem:s31+$0x16230] =	vst v2;
	v2 =	vadd.f32 v19, v15;
	v19 =	vmul.f32 v51, v9  }
0x264: {  	s2 =	sor.u32 $0x5, s30;
	[tilespmem:s31+$0x16240] =	vst v0;
	v0 =	vadd.f32 v18, v16  }
0x265: {  	s3 =	sor.u32 s28, s2;
	[tilespmem:s31+$0x16250] =	vst v2;
	v2 =	vadd.f32 v19, v17  }
0x266: {  	s2 =	sshll.u32 s2, $0x7;
	s5 =	sand.u32 $0xFFF8, s3;
	[tilespmem:s31+$0x16260] =	vst v0  }
0x267: {  	s4 =	sshrl.u32 s5, $0x3;
	[tilespmem:s31+$0x16270] =	vst v2;
	s31 =	sor.u32 s29, s2  }
0x268: {  	s12 =	smul.u32 $0x147B, s4;
	v0 =	vld [tilespmem:s31+$0xE200]  }
0x269: {  	v18 =	vld [tilespmem:s31+$0xE210]  }
0x26a: {  	s0 =	sshrl.u32 s12, $0x11;
	v20 =	vld [tilespmem:s31+$0xE220]  }
0x26b: {  	s0 =	smul.u32 $0xC8, s0;
	v53 =	vld [tilespmem:s31+$0xE230]  }
0x26c: {  	v55 =	vld [tilespmem:s31+$0xE240]  }
0x26d: {  	s0 =	ssub.s32 s3, s0;
	v57 =	vld [tilespmem:s31+$0xE250]  }
0x26e: {  	s0 =	sshll.u32 s0, $0x7;
	v59 =	vld [tilespmem:s31+$0xE260]  }
0x26f: {  	s0 =	sand.u32 $0xFF80, s0;
	v61 =	vld [tilespmem:s31+$0xE270]  }
0x270: {  	v2 =	vld [tilespmem:s0+$0x1900]  }
0x271: {  	v19 =	vld [tilespmem:s0+$0x1910]  }
0x272: {  	v52 =	vld [tilespmem:s0+$0x1920]  }
0x273: {  	v54 =	vld [tilespmem:s0+$0x1930]  }
0x274: {  	v56 =	vld [tilespmem:s0+$0x1940]  }
0x275: {  	v58 =	vld [tilespmem:s0+$0x1950]  }
0x276: {  	v60 =	vld [tilespmem:s0+$0x1960]  }
0x277: {  	v62 =	vld [tilespmem:s0+$0x1970];
	_ =	sdelay $0x1  }
0x278: {  	v0 =	vadd.f32 v2, v0;
	v2 =	vadd.f32 v19, v18  }
0x279: {  	v18 =	vadd.f32 v52, v20;
	v19 =	vadd.f32 v54, v53  }
0x27a: {  	v20 =	vadd.f32 v56, v55;
	v63 =	vadd.f32 v58, v57  }
0x27b: {  	v36 =	vadd.f32 v60, v59;
	v37 =	vadd.f32 v62, v61  }
0x27c: {  	v38 =	vadd.f32 v2, v0;
	v39 =	vmul.f32 v0, v0;
	v40 =	vmul.f32 v2, v2  }
0x27d: {  	v41 =	vadd.f32 v19, v18;
	v42 =	vmul.f32 v18, v18;
	v43 =	vmul.f32 v19, v19  }
0x27e: {  	v44 =	vadd.f32 v63, v20;
	v45 =	vmul.f32 v20, v20;
	v46 =	vmul.f32 v63, v63  }
0x27f: {  	v47 =	vmul.f32 v36, v36;
	v48 =	vmul.f32 v37, v37;
	v49 =	vadd.f32 v37, v36  }
0x280: {  	v25 =	vadd.f32 v40, v39;
	v28 =	vadd.f32 v43, v42  }
0x281: {  	v31 =	vadd.f32 v46, v45;
	v26 =	vadd.f32 v48, v47  }
0x282: {  	v24 =	vadd.f32 v41, v38;
	v50 =	vadd.f32 v49, v44  }
0x283: {  	v25 =	vadd.f32 v28, v25;
	v26 =	vadd.f32 v26, v31  }
0x284: {  	v24 =	vadd.f32 v50, v24  }
0x285: {  	v25 =	vadd.f32 v26, v25  }
0x286: {  	(xrf2) =	vadd.scan.msk.f32 $0xffff, v24  }
0x287: {  	(xrf2) =	vadd.scan.msk.f32 $0xffff, v25;
	_ =	sdelay $0x8  }
0x288: {  	v24, _, _ =	vpop (xrf2)  }
0x289: {  	(v2sf) =	vpush v24, $0xF;
	v51, _, _ =	vpop (xrf2)  }
0x28a: {  	(v2sf) =	vpush v51, $0xF;
	_ =	sdelay $0xd  }
0x28b: {  	s4 =	spop (v2sf)  }
0x28c: {  	s0 =	smul.f32 $7.812500000e-03, s4;
	s5 =	spop (v2sf)  }
0x28d: {  	s2 =	smul.f32 $7.812500000e-03, s5  }
0x28e: {  	s12 =	smul.f32 s0, s0;
	_ =	sdelay $0x1  }
0x28f: {  	s2 =	ssub.f32 s2, s12;
	_ =	sdelay $0x1  }
0x290: {  	s2 =	sadd.f32 $9.999999960e-13, s2;
	_ =	sdelay $0x1  }
0x291: {  	s4 =	sshrl.u32 s2, $0x1;
	s2 =	smul.f32 $5.000000000e-01, s2  }
0x292: {  	s3 =	ssub.s32 $0x5F3759DF, s4  }
0x293: {  	s5 =	smul.f32 s3, s2;
	_ =	sdelay $0x1  }
0x294: {  	s4 =	smul.f32 s3, s5;
	_ =	sdelay $0x1  }
0x295: {  	s4 =	ssub.f32 $1.500000000e+00, s4;
	_ =	sdelay $0x1  }
0x296: {  	s3 =	smul.f32 s3, s4;
	_ =	sdelay $0x1  }
0x297: {  	s4 =	smul.f32 s3, s2;
	_ =	sdelay $0x1  }
0x298: {  	s4 =	smul.f32 s4, s3;
	_ =	sdelay $0x1  }
0x299: {  	s4 =	ssub.f32 $1.500000000e+00, s4;
	_ =	sdelay $0x1  }
0x29a: {  	s3 =	smul.f32 s4, s3;
	_ =	sdelay $0x1  }
0x29b: {  	s2 =	smul.f32 s3, s2;
	_ =	sdelay $0x1  }
0x29c: {  	s2 =	smul.f32 s2, s3;
	_ =	sdelay $0x1  }
0x29d: {  	s2 =	ssub.f32 $1.500000000e+00, s2  }
0x29e: {  	v52 =	vmov s0  }
0x29f: {  	v0 =	vsub.f32 v0, v52;
	s12 =	smul.f32 s2, s3  }
0x2a0: {  	v2 =	vsub.f32 v2, v52  }
0x2a1: {  	v18 =	vsub.f32 v18, v52;
	v19 =	vsub.f32 v19, v52;
	v0 =	vmul.f32 s12, v0  }
0x2a2: {  	v20 =	vsub.f32 v20, v52;
	v21 =	vsub.f32 v63, v52;
	v2 =	vmul.f32 s12, v2  }
0x2a3: {  	v22 =	vsub.f32 v36, v52;
	v18 =	vmul.f32 s12, v18;
	v0 =	vmul.f32 v0, v35  }
0x2a4: {  	v23 =	vsub.f32 v37, v52;
	v19 =	vmul.f32 s12, v19;
	v2 =	vmul.f32 v2, v3  }
0x2a5: {  	v20 =	vmul.f32 s12, v20;
	v18 =	vmul.f32 v18, v4;
	v0 =	vadd.f32 v0, v10  }
0x2a6: {  	v21 =	vmul.f32 s12, v21;
	v19 =	vmul.f32 v19, v5;
	v2 =	vadd.f32 v2, v11  }
0x2a7: {  	[tilespmem:s31+$0x16200] =	vst v0;
	v0 =	vadd.f32 v18, v12;
	v18 =	vmul.f32 v20, v6;
	v20 =	vmul.f32 s12, v22  }
0x2a8: {  	v53 =	vmul.f32 s12, v23;
	[tilespmem:s31+$0x16210] =	vst v2;
	v2 =	vadd.f32 v19, v13;
	v19 =	vmul.f32 v21, v7  }
0x2a9: {  	[tilespmem:s31+$0x16220] =	vst v0;
	v0 =	vadd.f32 v18, v14;
	v18 =	vmul.f32 v20, v8  }
0x2aa: {  	[tilespmem:s31+$0x16230] =	vst v2;
	v2 =	vadd.f32 v19, v15;
	v19 =	vmul.f32 v53, v9  }
0x2ab: {  	s2 =	sor.u32 $0x6, s30;
	[tilespmem:s31+$0x16240] =	vst v0;
	v0 =	vadd.f32 v18, v16  }
0x2ac: {  	s3 =	sor.u32 s28, s2;
	[tilespmem:s31+$0x16250] =	vst v2;
	v2 =	vadd.f32 v19, v17  }
0x2ad: {  	s2 =	sshll.u32 s2, $0x7;
	s5 =	sand.u32 $0xFFF8, s3;
	[tilespmem:s31+$0x16260] =	vst v0  }
0x2ae: {  	s4 =	sshrl.u32 s5, $0x3;
	[tilespmem:s31+$0x16270] =	vst v2;
	s31 =	sor.u32 s29, s2  }
0x2af: {  	s12 =	smul.u32 $0x147B, s4;
	v0 =	vld [tilespmem:s31+$0xE200]  }
0x2b0: {  	v18 =	vld [tilespmem:s31+$0xE210]  }
0x2b1: {  	s0 =	sshrl.u32 s12, $0x11;
	v20 =	vld [tilespmem:s31+$0xE220]  }
0x2b2: {  	s0 =	smul.u32 $0xC8, s0;
	v55 =	vld [tilespmem:s31+$0xE230]  }
0x2b3: {  	v57 =	vld [tilespmem:s31+$0xE240]  }
0x2b4: {  	s0 =	ssub.s32 s3, s0;
	v59 =	vld [tilespmem:s31+$0xE250]  }
0x2b5: {  	s0 =	sshll.u32 s0, $0x7;
	v61 =	vld [tilespmem:s31+$0xE260]  }
0x2b6: {  	s0 =	sand.u32 $0xFF80, s0;
	v63 =	vld [tilespmem:s31+$0xE270]  }
0x2b7: {  	v2 =	vld [tilespmem:s0+$0x1900]  }
0x2b8: {  	v19 =	vld [tilespmem:s0+$0x1910]  }
0x2b9: {  	v54 =	vld [tilespmem:s0+$0x1920]  }
0x2ba: {  	v56 =	vld [tilespmem:s0+$0x1930]  }
0x2bb: {  	v58 =	vld [tilespmem:s0+$0x1940]  }
0x2bc: {  	v60 =	vld [tilespmem:s0+$0x1950]  }
0x2bd: {  	v62 =	vld [tilespmem:s0+$0x1960]  }
0x2be: {  	v33 =	vld [tilespmem:s0+$0x1970];
	_ =	sdelay $0x1  }
0x2bf: {  	v0 =	vadd.f32 v2, v0;
	v2 =	vadd.f32 v19, v18  }
0x2c0: {  	v18 =	vadd.f32 v54, v20;
	v19 =	vadd.f32 v56, v55  }
0x2c1: {  	v20 =	vadd.f32 v58, v57;
	v36 =	vadd.f32 v60, v59  }
0x2c2: {  	v37 =	vadd.f32 v62, v61;
	v38 =	vadd.f32 v33, v63  }
0x2c3: {  	v39 =	vadd.f32 v2, v0;
	v40 =	vmul.f32 v0, v0;
	v41 =	vmul.f32 v2, v2  }
0x2c4: {  	v42 =	vadd.f32 v19, v18;
	v43 =	vmul.f32 v18, v18;
	v44 =	vmul.f32 v19, v19  }
0x2c5: {  	v45 =	vadd.f32 v36, v20;
	v46 =	vmul.f32 v20, v20;
	v47 =	vmul.f32 v36, v36  }
0x2c6: {  	v48 =	vmul.f32 v37, v37;
	v49 =	vmul.f32 v38, v38;
	v50 =	vadd.f32 v38, v37  }
0x2c7: {  	v25 =	vadd.f32 v41, v40;
	v28 =	vadd.f32 v44, v43  }
0x2c8: {  	v31 =	vadd.f32 v47, v46;
	v26 =	vadd.f32 v49, v48  }
0x2c9: {  	v24 =	vadd.f32 v42, v39;
	v51 =	vadd.f32 v50, v45  }
0x2ca: {  	v25 =	vadd.f32 v28, v25;
	v26 =	vadd.f32 v26, v31  }
0x2cb: {  	v24 =	vadd.f32 v51, v24  }
0x2cc: {  	v25 =	vadd.f32 v26, v25  }
0x2cd: {  	(xrf2) =	vadd.scan.msk.f32 $0xffff, v24  }
0x2ce: {  	(xrf2) =	vadd.scan.msk.f32 $0xffff, v25;
	_ =	sdelay $0x8  }
0x2cf: {  	v24, _, _ =	vpop (xrf2)  }
0x2d0: {  	(v2sf) =	vpush v24, $0xF;
	v52, _, _ =	vpop (xrf2)  }
0x2d1: {  	(v2sf) =	vpush v52, $0xF;
	_ =	sdelay $0xd  }
0x2d2: {  	s4 =	spop (v2sf)  }
0x2d3: {  	s0 =	smul.f32 $7.812500000e-03, s4;
	s5 =	spop (v2sf)  }
0x2d4: {  	s2 =	smul.f32 $7.812500000e-03, s5  }
0x2d5: {  	s12 =	smul.f32 s0, s0;
	_ =	sdelay $0x1  }
0x2d6: {  	s2 =	ssub.f32 s2, s12;
	_ =	sdelay $0x1  }
0x2d7: {  	s2 =	sadd.f32 $9.999999960e-13, s2;
	_ =	sdelay $0x1  }
0x2d8: {  	s4 =	sshrl.u32 s2, $0x1;
	s2 =	smul.f32 $5.000000000e-01, s2  }
0x2d9: {  	s3 =	ssub.s32 $0x5F3759DF, s4  }
0x2da: {  	s5 =	smul.f32 s3, s2;
	_ =	sdelay $0x1  }
0x2db: {  	s4 =	smul.f32 s3, s5;
	_ =	sdelay $0x1  }
0x2dc: {  	s4 =	ssub.f32 $1.500000000e+00, s4;
	_ =	sdelay $0x1  }
0x2dd: {  	s3 =	smul.f32 s3, s4;
	_ =	sdelay $0x1  }
0x2de: {  	s4 =	smul.f32 s3, s2;
	_ =	sdelay $0x1  }
0x2df: {  	s4 =	smul.f32 s4, s3;
	_ =	sdelay $0x1  }
0x2e0: {  	s4 =	ssub.f32 $1.500000000e+00, s4;
	_ =	sdelay $0x1  }
0x2e1: {  	s3 =	smul.f32 s4, s3;
	_ =	sdelay $0x1  }
0x2e2: {  	s2 =	smul.f32 s3, s2;
	_ =	sdelay $0x1  }
0x2e3: {  	s2 =	smul.f32 s2, s3;
	_ =	sdelay $0x1  }
0x2e4: {  	s2 =	ssub.f32 $1.500000000e+00, s2  }
0x2e5: {  	v53 =	vmov s0  }
0x2e6: {  	v0 =	vsub.f32 v0, v53;
	s12 =	smul.f32 s2, s3  }
0x2e7: {  	v2 =	vsub.f32 v2, v53  }
0x2e8: {  	v18 =	vsub.f32 v18, v53;
	v19 =	vsub.f32 v19, v53;
	v0 =	vmul.f32 s12, v0  }
0x2e9: {  	v20 =	vsub.f32 v20, v53;
	v21 =	vsub.f32 v36, v53;
	v2 =	vmul.f32 s12, v2  }
0x2ea: {  	v22 =	vsub.f32 v37, v53;
	v18 =	vmul.f32 s12, v18;
	v0 =	vmul.f32 v0, v35  }
0x2eb: {  	v23 =	vsub.f32 v38, v53;
	v19 =	vmul.f32 s12, v19;
	v2 =	vmul.f32 v2, v3  }
0x2ec: {  	v20 =	vmul.f32 s12, v20;
	v18 =	vmul.f32 v18, v4;
	v0 =	vadd.f32 v0, v10  }
0x2ed: {  	v21 =	vmul.f32 s12, v21;
	v19 =	vmul.f32 v19, v5;
	v2 =	vadd.f32 v2, v11  }
0x2ee: {  	[tilespmem:s31+$0x16200] =	vst v0;
	v0 =	vadd.f32 v18, v12;
	v18 =	vmul.f32 v20, v6;
	v20 =	vmul.f32 s12, v22  }
0x2ef: {  	v54 =	vmul.f32 s12, v23;
	[tilespmem:s31+$0x16210] =	vst v2;
	v2 =	vadd.f32 v19, v13;
	v19 =	vmul.f32 v21, v7  }
0x2f0: {  	[tilespmem:s31+$0x16220] =	vst v0;
	v0 =	vadd.f32 v18, v14;
	v18 =	vmul.f32 v20, v8  }
0x2f1: {  	[tilespmem:s31+$0x16230] =	vst v2;
	v2 =	vadd.f32 v19, v15;
	v19 =	vmul.f32 v54, v9  }
0x2f2: {  	s2 =	sor.u32 $0x7, s30;
	[tilespmem:s31+$0x16240] =	vst v0;
	v0 =	vadd.f32 v18, v16  }
0x2f3: {  	s3 =	sor.u32 s28, s2;
	[tilespmem:s31+$0x16250] =	vst v2;
	v2 =	vadd.f32 v19, v17  }
0x2f4: {  	s2 =	sshll.u32 s2, $0x7;
	s5 =	sand.u32 $0xFFF8, s3;
	[tilespmem:s31+$0x16260] =	vst v0  }
0x2f5: {  	s4 =	sshrl.u32 s5, $0x3;
	[tilespmem:s31+$0x16270] =	vst v2;
	s31 =	sor.u32 s29, s2  }
0x2f6: {  	s12 =	smul.u32 $0x147B, s4;
	v0 =	vld [tilespmem:s31+$0xE200]  }
0x2f7: {  	v18 =	vld [tilespmem:s31+$0xE210]  }
0x2f8: {  	s0 =	sshrl.u32 s12, $0x11;
	v20 =	vld [tilespmem:s31+$0xE220]  }
0x2f9: {  	s0 =	smul.u32 $0xC8, s0;
	v56 =	vld [tilespmem:s31+$0xE230]  }
0x2fa: {  	v58 =	vld [tilespmem:s31+$0xE240]  }
0x2fb: {  	s0 =	ssub.s32 s3, s0;
	v60 =	vld [tilespmem:s31+$0xE250]  }
0x2fc: {  	s0 =	sshll.u32 s0, $0x7;
	v62 =	vld [tilespmem:s31+$0xE260]  }
0x2fd: {  	s0 =	sand.u32 $0xFF80, s0;
	v33 =	vld [tilespmem:s31+$0xE270]  }
0x2fe: {  	v2 =	vld [tilespmem:s0+$0x1900]  }
0x2ff: {  	v19 =	vld [tilespmem:s0+$0x1910]  }
0x300: {  	v55 =	vld [tilespmem:s0+$0x1920]  }
0x301: {  	v57 =	vld [tilespmem:s0+$0x1930]  }
0x302: {  	v59 =	vld [tilespmem:s0+$0x1940]  }
0x303: {  	v61 =	vld [tilespmem:s0+$0x1950]  }
0x304: {  	v63 =	vld [tilespmem:s0+$0x1960]  }
0x305: {  	v36 =	vld [tilespmem:s0+$0x1970];
	_ =	sdelay $0x1  }
0x306: {  	v0 =	vadd.f32 v2, v0;
	v2 =	vadd.f32 v19, v18  }
0x307: {  	v18 =	vadd.f32 v55, v20;
	v19 =	vadd.f32 v57, v56  }
0x308: {  	v20 =	vadd.f32 v59, v58;
	v37 =	vadd.f32 v61, v60  }
0x309: {  	v38 =	vadd.f32 v63, v62;
	v39 =	vadd.f32 v36, v33  }
0x30a: {  	v40 =	vadd.f32 v2, v0;
	v41 =	vmul.f32 v0, v0;
	v42 =	vmul.f32 v2, v2  }
0x30b: {  	v43 =	vadd.f32 v19, v18;
	v44 =	vmul.f32 v18, v18;
	v45 =	vmul.f32 v19, v19  }
0x30c: {  	v46 =	vadd.f32 v37, v20;
	v47 =	vmul.f32 v20, v20;
	v48 =	vmul.f32 v37, v37  }
0x30d: {  	v49 =	vmul.f32 v38, v38;
	v50 =	vmul.f32 v39, v39;
	v51 =	vadd.f32 v39, v38  }
0x30e: {  	v25 =	vadd.f32 v42, v41;
	v28 =	vadd.f32 v45, v44  }
0x30f: {  	v31 =	vadd.f32 v48, v47;
	v26 =	vadd.f32 v50, v49  }
0x310: {  	v24 =	vadd.f32 v43, v40;
	v52 =	vadd.f32 v51, v46  }
0x311: {  	v25 =	vadd.f32 v28, v25;
	v26 =	vadd.f32 v26, v31  }
0x312: {  	v24 =	vadd.f32 v52, v24  }
0x313: {  	v25 =	vadd.f32 v26, v25  }
0x314: {  	(xrf2) =	vadd.scan.msk.f32 $0xffff, v24  }
0x315: {  	(xrf2) =	vadd.scan.msk.f32 $0xffff, v25;
	_ =	sdelay $0x8  }
0x316: {  	v24, _, _ =	vpop (xrf2)  }
0x317: {  	(v2sf) =	vpush v24, $0xF;
	v53, _, _ =	vpop (xrf2)  }
0x318: {  	(v2sf) =	vpush v53, $0xF;
	_ =	sdelay $0xd  }
0x319: {  	s4 =	spop (v2sf)  }
0x31a: {  	s0 =	smul.f32 $7.812500000e-03, s4;
	s5 =	spop (v2sf)  }
0x31b: {  	s2 =	smul.f32 $7.812500000e-03, s5  }
0x31c: {  	s12 =	smul.f32 s0, s0;
	_ =	sdelay $0x1  }
0x31d: {  	s2 =	ssub.f32 s2, s12;
	_ =	sdelay $0x1  }
0x31e: {  	s2 =	sadd.f32 $9.999999960e-13, s2;
	_ =	sdelay $0x1  }
0x31f: {  	s4 =	sshrl.u32 s2, $0x1;
	s2 =	smul.f32 $5.000000000e-01, s2  }
0x320: {  	s3 =	ssub.s32 $0x5F3759DF, s4  }
0x321: {  	s5 =	smul.f32 s3, s2;
	_ =	sdelay $0x1  }
0x322: {  	s4 =	smul.f32 s3, s5;
	_ =	sdelay $0x1  }
0x323: {  	s4 =	ssub.f32 $1.500000000e+00, s4;
	_ =	sdelay $0x1  }
0x324: {  	s3 =	smul.f32 s3, s4;
	_ =	sdelay $0x1  }
0x325: {  	s4 =	smul.f32 s3, s2;
	_ =	sdelay $0x1  }
0x326: {  	s4 =	smul.f32 s4, s3;
	_ =	sdelay $0x1  }
0x327: {  	s4 =	ssub.f32 $1.500000000e+00, s4;
	_ =	sdelay $0x1  }
0x328: {  	s3 =	smul.f32 s4, s3;
	_ =	sdelay $0x1  }
0x329: {  	s2 =	smul.f32 s3, s2;
	_ =	sdelay $0x1  }
0x32a: {  	s2 =	smul.f32 s2, s3;
	_ =	sdelay $0x1  }
0x32b: {  	s2 =	ssub.f32 $1.500000000e+00, s2  }
0x32c: {  	v54 =	vmov s0  }
0x32d: {  	v0 =	vsub.f32 v0, v54;
	s12 =	smul.f32 s2, s3  }
0x32e: {  	v2 =	vsub.f32 v2, v54  }
0x32f: {  	v18 =	vsub.f32 v18, v54;
	v19 =	vsub.f32 v19, v54;
	v0 =	vmul.f32 s12, v0  }
0x330: {  	v20 =	vsub.f32 v20, v54;
	v21 =	vsub.f32 v37, v54;
	v2 =	vmul.f32 s12, v2  }
0x331: {  	v22 =	vsub.f32 v38, v54;
	v18 =	vmul.f32 s12, v18;
	v0 =	vmul.f32 v0, v35  }
0x332: {  	v23 =	vsub.f32 v39, v54;
	v19 =	vmul.f32 s12, v19;
	v2 =	vmul.f32 v2, v3  }
0x333: {  	v20 =	vmul.f32 s12, v20;
	v18 =	vmul.f32 v18, v4;
	v0 =	vadd.f32 v0, v10  }
0x334: {  	v21 =	vmul.f32 s12, v21;
	v19 =	vmul.f32 v19, v5;
	v2 =	vadd.f32 v2, v11  }
0x335: {  	[tilespmem:s31+$0x16200] =	vst v0;
	v0 =	vadd.f32 v18, v12;
	v18 =	vmul.f32 v20, v6;
	v20 =	vmul.f32 s12, v22  }
0x336: {  	v55 =	vmul.f32 s12, v23;
	[tilespmem:s31+$0x16210] =	vst v2;
	v2 =	vadd.f32 v19, v13;
	v19 =	vmul.f32 v21, v7  }
0x337: {  	[tilespmem:s31+$0x16220] =	vst v0;
	v0 =	vadd.f32 v18, v14;
	v18 =	vmul.f32 v20, v8  }
0x338: {  	[tilespmem:s31+$0x16230] =	vst v2;
	v2 =	vadd.f32 v19, v15;
	v19 =	vmul.f32 v55, v9  }
0x339: {  	s2 =	sor.u32 $0x8, s30;
	[tilespmem:s31+$0x16240] =	vst v0;
	v0 =	vadd.f32 v18, v16  }
0x33a: {  	s3 =	sor.u32 s28, s2;
	[tilespmem:s31+$0x16250] =	vst v2;
	v2 =	vadd.f32 v19, v17  }
0x33b: {  	s2 =	sshll.u32 s2, $0x7;
	s5 =	sand.u32 $0xFFF8, s3;
	[tilespmem:s31+$0x16260] =	vst v0  }
0x33c: {  	s4 =	sshrl.u32 s5, $0x3;
	[tilespmem:s31+$0x16270] =	vst v2;
	s31 =	sor.u32 s29, s2  }
0x33d: {  	s12 =	smul.u32 $0x147B, s4;
	v0 =	vld [tilespmem:s31+$0xE200]  }
0x33e: {  	v18 =	vld [tilespmem:s31+$0xE210]  }
0x33f: {  	s0 =	sshrl.u32 s12, $0x11;
	v20 =	vld [tilespmem:s31+$0xE220]  }
0x340: {  	s0 =	smul.u32 $0xC8, s0;
	v57 =	vld [tilespmem:s31+$0xE230]  }
0x341: {  	v59 =	vld [tilespmem:s31+$0xE240]  }
0x342: {  	s0 =	ssub.s32 s3, s0;
	v61 =	vld [tilespmem:s31+$0xE250]  }
0x343: {  	s0 =	sshll.u32 s0, $0x7;
	v63 =	vld [tilespmem:s31+$0xE260]  }
0x344: {  	s0 =	sand.u32 $0xFF80, s0;
	v36 =	vld [tilespmem:s31+$0xE270]  }
0x345: {  	v2 =	vld [tilespmem:s0+$0x1900]  }
0x346: {  	v19 =	vld [tilespmem:s0+$0x1910]  }
0x347: {  	v56 =	vld [tilespmem:s0+$0x1920]  }
0x348: {  	v58 =	vld [tilespmem:s0+$0x1930]  }
0x349: {  	v60 =	vld [tilespmem:s0+$0x1940]  }
0x34a: {  	v62 =	vld [tilespmem:s0+$0x1950]  }
0x34b: {  	v33 =	vld [tilespmem:s0+$0x1960]  }
0x34c: {  	v37 =	vld [tilespmem:s0+$0x1970];
	_ =	sdelay $0x1  }
0x34d: {  	v0 =	vadd.f32 v2, v0;
	v2 =	vadd.f32 v19, v18  }
0x34e: {  	v18 =	vadd.f32 v56, v20;
	v19 =	vadd.f32 v58, v57  }
0x34f: {  	v20 =	vadd.f32 v60, v59;
	v38 =	vadd.f32 v62, v61  }
0x350: {  	v39 =	vadd.f32 v33, v63;
	v40 =	vadd.f32 v37, v36  }
0x351: {  	v41 =	vadd.f32 v2, v0;
	v42 =	vmul.f32 v0, v0;
	v43 =	vmul.f32 v2, v2  }
0x352: {  	v44 =	vadd.f32 v19, v18;
	v45 =	vmul.f32 v18, v18;
	v46 =	vmul.f32 v19, v19  }
0x353: {  	v47 =	vadd.f32 v38, v20;
	v48 =	vmul.f32 v20, v20;
	v49 =	vmul.f32 v38, v38  }
0x354: {  	v50 =	vmul.f32 v39, v39;
	v51 =	vmul.f32 v40, v40;
	v52 =	vadd.f32 v40, v39  }
0x355: {  	v25 =	vadd.f32 v43, v42;
	v28 =	vadd.f32 v46, v45  }
0x356: {  	v31 =	vadd.f32 v49, v48;
	v26 =	vadd.f32 v51, v50  }
0x357: {  	v24 =	vadd.f32 v44, v41;
	v53 =	vadd.f32 v52, v47  }
0x358: {  	v25 =	vadd.f32 v28, v25;
	v26 =	vadd.f32 v26, v31  }
0x359: {  	v24 =	vadd.f32 v53, v24  }
0x35a: {  	v25 =	vadd.f32 v26, v25  }
0x35b: {  	(xrf2) =	vadd.scan.msk.f32 $0xffff, v24  }
0x35c: {  	(xrf2) =	vadd.scan.msk.f32 $0xffff, v25;
	_ =	sdelay $0x8  }
0x35d: {  	v24, _, _ =	vpop (xrf2)  }
0x35e: {  	(v2sf) =	vpush v24, $0xF;
	v54, _, _ =	vpop (xrf2)  }
0x35f: {  	(v2sf) =	vpush v54, $0xF;
	_ =	sdelay $0xd  }
0x360: {  	s4 =	spop (v2sf)  }
0x361: {  	s0 =	smul.f32 $7.812500000e-03, s4;
	s5 =	spop (v2sf)  }
0x362: {  	s2 =	smul.f32 $7.812500000e-03, s5  }
0x363: {  	s12 =	smul.f32 s0, s0;
	_ =	sdelay $0x1  }
0x364: {  	s2 =	ssub.f32 s2, s12;
	_ =	sdelay $0x1  }
0x365: {  	s2 =	sadd.f32 $9.999999960e-13, s2;
	_ =	sdelay $0x1  }
0x366: {  	s4 =	sshrl.u32 s2, $0x1;
	s2 =	smul.f32 $5.000000000e-01, s2  }
0x367: {  	s3 =	ssub.s32 $0x5F3759DF, s4  }
0x368: {  	s5 =	smul.f32 s3, s2;
	_ =	sdelay $0x1  }
0x369: {  	s4 =	smul.f32 s3, s5;
	_ =	sdelay $0x1  }
0x36a: {  	s4 =	ssub.f32 $1.500000000e+00, s4;
	_ =	sdelay $0x1  }
0x36b: {  	s3 =	smul.f32 s3, s4;
	_ =	sdelay $0x1  }
0x36c: {  	s4 =	smul.f32 s3, s2;
	_ =	sdelay $0x1  }
0x36d: {  	s4 =	smul.f32 s4, s3;
	_ =	sdelay $0x1  }
0x36e: {  	s4 =	ssub.f32 $1.500000000e+00, s4;
	_ =	sdelay $0x1  }
0x36f: {  	s3 =	smul.f32 s4, s3;
	_ =	sdelay $0x1  }
0x370: {  	s2 =	smul.f32 s3, s2;
	_ =	sdelay $0x1  }
0x371: {  	s2 =	smul.f32 s2, s3;
	_ =	sdelay $0x1  }
0x372: {  	s2 =	ssub.f32 $1.500000000e+00, s2  }
0x373: {  	v55 =	vmov s0  }
0x374: {  	v0 =	vsub.f32 v0, v55;
	s12 =	smul.f32 s2, s3  }
0x375: {  	v2 =	vsub.f32 v2, v55  }
0x376: {  	v18 =	vsub.f32 v18, v55;
	v19 =	vsub.f32 v19, v55;
	v0 =	vmul.f32 s12, v0  }
0x377: {  	v20 =	vsub.f32 v20, v55;
	v21 =	vsub.f32 v38, v55;
	v2 =	vmul.f32 s12, v2  }
0x378: {  	v22 =	vsub.f32 v39, v55;
	v18 =	vmul.f32 s12, v18;
	v0 =	vmul.f32 v0, v35  }
0x379: {  	v23 =	vsub.f32 v40, v55;
	v19 =	vmul.f32 s12, v19;
	v2 =	vmul.f32 v2, v3  }
0x37a: {  	v20 =	vmul.f32 s12, v20;
	v18 =	vmul.f32 v18, v4;
	v0 =	vadd.f32 v0, v10  }
0x37b: {  	v21 =	vmul.f32 s12, v21;
	v19 =	vmul.f32 v19, v5;
	v2 =	vadd.f32 v2, v11  }
0x37c: {  	[tilespmem:s31+$0x16200] =	vst v0;
	v0 =	vadd.f32 v18, v12;
	v18 =	vmul.f32 v20, v6;
	v20 =	vmul.f32 s12, v22  }
0x37d: {  	v56 =	vmul.f32 s12, v23;
	[tilespmem:s31+$0x16210] =	vst v2;
	v2 =	vadd.f32 v19, v13;
	v19 =	vmul.f32 v21, v7  }
0x37e: {  	[tilespmem:s31+$0x16220] =	vst v0;
	v0 =	vadd.f32 v18, v14;
	v18 =	vmul.f32 v20, v8  }
0x37f: {  	[tilespmem:s31+$0x16230] =	vst v2;
	v2 =	vadd.f32 v19, v15;
	v19 =	vmul.f32 v56, v9  }
0x380: {  	s2 =	sor.u32 $0x9, s30;
	[tilespmem:s31+$0x16240] =	vst v0;
	v0 =	vadd.f32 v18, v16  }
0x381: {  	s3 =	sor.u32 s28, s2;
	[tilespmem:s31+$0x16250] =	vst v2;
	v2 =	vadd.f32 v19, v17  }
0x382: {  	s2 =	sshll.u32 s2, $0x7;
	s5 =	sand.u32 $0xFFF8, s3;
	[tilespmem:s31+$0x16260] =	vst v0  }
0x383: {  	s4 =	sshrl.u32 s5, $0x3;
	[tilespmem:s31+$0x16270] =	vst v2;
	s31 =	sor.u32 s29, s2  }
0x384: {  	s12 =	smul.u32 $0x147B, s4;
	v0 =	vld [tilespmem:s31+$0xE200]  }
0x385: {  	v18 =	vld [tilespmem:s31+$0xE210]  }
0x386: {  	s0 =	sshrl.u32 s12, $0x11;
	v20 =	vld [tilespmem:s31+$0xE220]  }
0x387: {  	s0 =	smul.u32 $0xC8, s0;
	v58 =	vld [tilespmem:s31+$0xE230]  }
0x388: {  	v60 =	vld [tilespmem:s31+$0xE240]  }
0x389: {  	s0 =	ssub.s32 s3, s0;
	v62 =	vld [tilespmem:s31+$0xE250]  }
0x38a: {  	s0 =	sshll.u32 s0, $0x7;
	v33 =	vld [tilespmem:s31+$0xE260]  }
0x38b: {  	s0 =	sand.u32 $0xFF80, s0;
	v37 =	vld [tilespmem:s31+$0xE270]  }
0x38c: {  	v2 =	vld [tilespmem:s0+$0x1900]  }
0x38d: {  	v19 =	vld [tilespmem:s0+$0x1910]  }
0x38e: {  	v57 =	vld [tilespmem:s0+$0x1920]  }
0x38f: {  	v59 =	vld [tilespmem:s0+$0x1930]  }
0x390: {  	v61 =	vld [tilespmem:s0+$0x1940]  }
0x391: {  	v63 =	vld [tilespmem:s0+$0x1950]  }
0x392: {  	v36 =	vld [tilespmem:s0+$0x1960]  }
0x393: {  	v38 =	vld [tilespmem:s0+$0x1970];
	_ =	sdelay $0x1  }
0x394: {  	v0 =	vadd.f32 v2, v0;
	v2 =	vadd.f32 v19, v18  }
0x395: {  	v18 =	vadd.f32 v57, v20;
	v19 =	vadd.f32 v59, v58  }
0x396: {  	v20 =	vadd.f32 v61, v60;
	v39 =	vadd.f32 v63, v62  }
0x397: {  	v40 =	vadd.f32 v36, v33;
	v41 =	vadd.f32 v38, v37  }
0x398: {  	v42 =	vadd.f32 v2, v0;
	v43 =	vmul.f32 v0, v0;
	v44 =	vmul.f32 v2, v2  }
0x399: {  	v45 =	vadd.f32 v19, v18;
	v46 =	vmul.f32 v18, v18;
	v47 =	vmul.f32 v19, v19  }
0x39a: {  	v48 =	vadd.f32 v39, v20;
	v49 =	vmul.f32 v20, v20;
	v50 =	vmul.f32 v39, v39  }
0x39b: {  	v51 =	vmul.f32 v40, v40;
	v52 =	vmul.f32 v41, v41;
	v53 =	vadd.f32 v41, v40  }
0x39c: {  	v25 =	vadd.f32 v44, v43;
	v28 =	vadd.f32 v47, v46  }
0x39d: {  	v31 =	vadd.f32 v50, v49;
	v26 =	vadd.f32 v52, v51  }
0x39e: {  	v24 =	vadd.f32 v45, v42;
	v54 =	vadd.f32 v53, v48  }
0x39f: {  	v25 =	vadd.f32 v28, v25;
	v26 =	vadd.f32 v26, v31  }
0x3a0: {  	v24 =	vadd.f32 v54, v24  }
0x3a1: {  	v25 =	vadd.f32 v26, v25  }
0x3a2: {  	(xrf2) =	vadd.scan.msk.f32 $0xffff, v24  }
0x3a3: {  	(xrf2) =	vadd.scan.msk.f32 $0xffff, v25;
	_ =	sdelay $0x8  }
0x3a4: {  	v24, _, _ =	vpop (xrf2)  }
0x3a5: {  	(v2sf) =	vpush v24, $0xF;
	v55, _, _ =	vpop (xrf2)  }
0x3a6: {  	(v2sf) =	vpush v55, $0xF;
	_ =	sdelay $0xd  }
0x3a7: {  	s4 =	spop (v2sf)  }
0x3a8: {  	s0 =	smul.f32 $7.812500000e-03, s4;
	s5 =	spop (v2sf)  }
0x3a9: {  	s2 =	smul.f32 $7.812500000e-03, s5  }
0x3aa: {  	s12 =	smul.f32 s0, s0;
	_ =	sdelay $0x1  }
0x3ab: {  	s2 =	ssub.f32 s2, s12;
	_ =	sdelay $0x1  }
0x3ac: {  	s2 =	sadd.f32 $9.999999960e-13, s2;
	_ =	sdelay $0x1  }
0x3ad: {  	s4 =	sshrl.u32 s2, $0x1;
	s2 =	smul.f32 $5.000000000e-01, s2  }
0x3ae: {  	s3 =	ssub.s32 $0x5F3759DF, s4  }
0x3af: {  	s5 =	smul.f32 s3, s2;
	_ =	sdelay $0x1  }
0x3b0: {  	s4 =	smul.f32 s3, s5;
	_ =	sdelay $0x1  }
0x3b1: {  	s4 =	ssub.f32 $1.500000000e+00, s4;
	_ =	sdelay $0x1  }
0x3b2: {  	s3 =	smul.f32 s3, s4;
	_ =	sdelay $0x1  }
0x3b3: {  	s4 =	smul.f32 s3, s2;
	_ =	sdelay $0x1  }
0x3b4: {  	s4 =	smul.f32 s4, s3;
	_ =	sdelay $0x1  }
0x3b5: {  	s4 =	ssub.f32 $1.500000000e+00, s4;
	_ =	sdelay $0x1  }
0x3b6: {  	s3 =	smul.f32 s4, s3;
	_ =	sdelay $0x1  }
0x3b7: {  	s2 =	smul.f32 s3, s2;
	_ =	sdelay $0x1  }
0x3b8: {  	s2 =	smul.f32 s2, s3;
	_ =	sdelay $0x1  }
0x3b9: {  	s2 =	ssub.f32 $1.500000000e+00, s2  }
0x3ba: {  	v56 =	vmov s0  }
0x3bb: {  	v0 =	vsub.f32 v0, v56;
	s12 =	smul.f32 s2, s3  }
0x3bc: {  	v2 =	vsub.f32 v2, v56  }
0x3bd: {  	v18 =	vsub.f32 v18, v56;
	v19 =	vsub.f32 v19, v56;
	v0 =	vmul.f32 s12, v0  }
0x3be: {  	v20 =	vsub.f32 v20, v56;
	v21 =	vsub.f32 v39, v56;
	v2 =	vmul.f32 s12, v2  }
0x3bf: {  	v22 =	vsub.f32 v40, v56;
	v18 =	vmul.f32 s12, v18;
	v0 =	vmul.f32 v0, v35  }
0x3c0: {  	v23 =	vsub.f32 v41, v56;
	v19 =	vmul.f32 s12, v19;
	v2 =	vmul.f32 v2, v3  }
0x3c1: {  	v20 =	vmul.f32 s12, v20;
	v18 =	vmul.f32 v18, v4;
	v0 =	vadd.f32 v0, v10  }
0x3c2: {  	v21 =	vmul.f32 s12, v21;
	v19 =	vmul.f32 v19, v5;
	v2 =	vadd.f32 v2, v11  }
0x3c3: {  	[tilespmem:s31+$0x16200] =	vst v0;
	v0 =	vadd.f32 v18, v12;
	v18 =	vmul.f32 v20, v6;
	v20 =	vmul.f32 s12, v22  }
0x3c4: {  	v57 =	vmul.f32 s12, v23;
	[tilespmem:s31+$0x16210] =	vst v2;
	v2 =	vadd.f32 v19, v13;
	v19 =	vmul.f32 v21, v7  }
0x3c5: {  	[tilespmem:s31+$0x16220] =	vst v0;
	v0 =	vadd.f32 v18, v14;
	v18 =	vmul.f32 v20, v8  }
0x3c6: {  	[tilespmem:s31+$0x16230] =	vst v2;
	v2 =	vadd.f32 v19, v15;
	v19 =	vmul.f32 v57, v9  }
0x3c7: {  	s2 =	sor.u32 $0xA, s30;
	[tilespmem:s31+$0x16240] =	vst v0;
	v0 =	vadd.f32 v18, v16  }
0x3c8: {  	s3 =	sor.u32 s28, s2;
	[tilespmem:s31+$0x16250] =	vst v2;
	v2 =	vadd.f32 v19, v17  }
0x3c9: {  	s2 =	sshll.u32 s2, $0x7;
	s5 =	sand.u32 $0xFFF8, s3;
	[tilespmem:s31+$0x16260] =	vst v0  }
0x3ca: {  	s4 =	sshrl.u32 s5, $0x3;
	[tilespmem:s31+$0x16270] =	vst v2;
	s31 =	sor.u32 s29, s2  }
0x3cb: {  	s12 =	smul.u32 $0x147B, s4;
	v0 =	vld [tilespmem:s31+$0xE200]  }
0x3cc: {  	v18 =	vld [tilespmem:s31+$0xE210]  }
0x3cd: {  	s0 =	sshrl.u32 s12, $0x11;
	v20 =	vld [tilespmem:s31+$0xE220]  }
0x3ce: {  	s0 =	smul.u32 $0xC8, s0;
	v59 =	vld [tilespmem:s31+$0xE230]  }
0x3cf: {  	v61 =	vld [tilespmem:s31+$0xE240]  }
0x3d0: {  	s0 =	ssub.s32 s3, s0;
	v63 =	vld [tilespmem:s31+$0xE250]  }
0x3d1: {  	s0 =	sshll.u32 s0, $0x7;
	v36 =	vld [tilespmem:s31+$0xE260]  }
0x3d2: {  	s0 =	sand.u32 $0xFF80, s0;
	v38 =	vld [tilespmem:s31+$0xE270]  }
0x3d3: {  	v2 =	vld [tilespmem:s0+$0x1900]  }
0x3d4: {  	v19 =	vld [tilespmem:s0+$0x1910]  }
0x3d5: {  	v58 =	vld [tilespmem:s0+$0x1920]  }
0x3d6: {  	v60 =	vld [tilespmem:s0+$0x1930]  }
0x3d7: {  	v62 =	vld [tilespmem:s0+$0x1940]  }
0x3d8: {  	v33 =	vld [tilespmem:s0+$0x1950]  }
0x3d9: {  	v37 =	vld [tilespmem:s0+$0x1960]  }
0x3da: {  	v39 =	vld [tilespmem:s0+$0x1970];
	_ =	sdelay $0x1  }
0x3db: {  	v0 =	vadd.f32 v2, v0;
	v2 =	vadd.f32 v19, v18  }
0x3dc: {  	v18 =	vadd.f32 v58, v20;
	v19 =	vadd.f32 v60, v59  }
0x3dd: {  	v20 =	vadd.f32 v62, v61;
	v40 =	vadd.f32 v33, v63  }
0x3de: {  	v41 =	vadd.f32 v37, v36;
	v42 =	vadd.f32 v39, v38  }
0x3df: {  	v43 =	vadd.f32 v2, v0;
	v44 =	vmul.f32 v0, v0;
	v45 =	vmul.f32 v2, v2  }
0x3e0: {  	v46 =	vadd.f32 v19, v18;
	v47 =	vmul.f32 v18, v18;
	v48 =	vmul.f32 v19, v19  }
0x3e1: {  	v49 =	vadd.f32 v40, v20;
	v50 =	vmul.f32 v20, v20;
	v51 =	vmul.f32 v40, v40  }
0x3e2: {  	v52 =	vmul.f32 v41, v41;
	v53 =	vmul.f32 v42, v42;
	v54 =	vadd.f32 v42, v41  }
0x3e3: {  	v25 =	vadd.f32 v45, v44;
	v28 =	vadd.f32 v48, v47  }
0x3e4: {  	v31 =	vadd.f32 v51, v50;
	v26 =	vadd.f32 v53, v52  }
0x3e5: {  	v24 =	vadd.f32 v46, v43;
	v55 =	vadd.f32 v54, v49  }
0x3e6: {  	v25 =	vadd.f32 v28, v25;
	v26 =	vadd.f32 v26, v31  }
0x3e7: {  	v24 =	vadd.f32 v55, v24  }
0x3e8: {  	v25 =	vadd.f32 v26, v25  }
0x3e9: {  	(xrf2) =	vadd.scan.msk.f32 $0xffff, v24  }
0x3ea: {  	(xrf2) =	vadd.scan.msk.f32 $0xffff, v25;
	_ =	sdelay $0x8  }
0x3eb: {  	v24, _, _ =	vpop (xrf2)  }
0x3ec: {  	(v2sf) =	vpush v24, $0xF;
	v56, _, _ =	vpop (xrf2)  }
0x3ed: {  	(v2sf) =	vpush v56, $0xF;
	_ =	sdelay $0xd  }
0x3ee: {  	s4 =	spop (v2sf)  }
0x3ef: {  	s0 =	smul.f32 $7.812500000e-03, s4;
	s5 =	spop (v2sf)  }
0x3f0: {  	s2 =	smul.f32 $7.812500000e-03, s5  }
0x3f1: {  	s12 =	smul.f32 s0, s0;
	_ =	sdelay $0x1  }
0x3f2: {  	s2 =	ssub.f32 s2, s12;
	_ =	sdelay $0x1  }
0x3f3: {  	s2 =	sadd.f32 $9.999999960e-13, s2;
	_ =	sdelay $0x1  }
0x3f4: {  	s4 =	sshrl.u32 s2, $0x1;
	s2 =	smul.f32 $5.000000000e-01, s2  }
0x3f5: {  	s3 =	ssub.s32 $0x5F3759DF, s4  }
0x3f6: {  	s5 =	smul.f32 s3, s2;
	_ =	sdelay $0x1  }
0x3f7: {  	s4 =	smul.f32 s3, s5;
	_ =	sdelay $0x1  }
0x3f8: {  	s4 =	ssub.f32 $1.500000000e+00, s4;
	_ =	sdelay $0x1  }
0x3f9: {  	s3 =	smul.f32 s3, s4;
	_ =	sdelay $0x1  }
0x3fa: {  	s4 =	smul.f32 s3, s2;
	_ =	sdelay $0x1  }
0x3fb: {  	s4 =	smul.f32 s4, s3;
	_ =	sdelay $0x1  }
0x3fc: {  	s4 =	ssub.f32 $1.500000000e+00, s4;
	_ =	sdelay $0x1  }
0x3fd: {  	s3 =	smul.f32 s4, s3;
	_ =	sdelay $0x1  }
0x3fe: {  	s2 =	smul.f32 s3, s2;
	_ =	sdelay $0x1  }
0x3ff: {  	s2 =	smul.f32 s2, s3;
	_ =	sdelay $0x1  }
0x400: {  	s2 =	ssub.f32 $1.500000000e+00, s2  }
0x401: {  	v57 =	vmov s0  }
0x402: {  	v0 =	vsub.f32 v0, v57;
	s12 =	smul.f32 s2, s3  }
0x403: {  	v2 =	vsub.f32 v2, v57  }
0x404: {  	v18 =	vsub.f32 v18, v57;
	v19 =	vsub.f32 v19, v57;
	v0 =	vmul.f32 s12, v0  }
0x405: {  	v20 =	vsub.f32 v20, v57;
	v21 =	vsub.f32 v40, v57;
	v2 =	vmul.f32 s12, v2  }
0x406: {  	v22 =	vsub.f32 v41, v57;
	v18 =	vmul.f32 s12, v18;
	v0 =	vmul.f32 v0, v35  }
0x407: {  	v23 =	vsub.f32 v42, v57;
	v19 =	vmul.f32 s12, v19;
	v2 =	vmul.f32 v2, v3  }
0x408: {  	v20 =	vmul.f32 s12, v20;
	v18 =	vmul.f32 v18, v4;
	v0 =	vadd.f32 v0, v10  }
0x409: {  	v21 =	vmul.f32 s12, v21;
	v19 =	vmul.f32 v19, v5;
	v2 =	vadd.f32 v2, v11  }
0x40a: {  	[tilespmem:s31+$0x16200] =	vst v0;
	v0 =	vadd.f32 v18, v12;
	v18 =	vmul.f32 v20, v6;
	v20 =	vmul.f32 s12, v22  }
0x40b: {  	v58 =	vmul.f32 s12, v23;
	[tilespmem:s31+$0x16210] =	vst v2;
	v2 =	vadd.f32 v19, v13;
	v19 =	vmul.f32 v21, v7  }
0x40c: {  	[tilespmem:s31+$0x16220] =	vst v0;
	v0 =	vadd.f32 v18, v14;
	v18 =	vmul.f32 v20, v8  }
0x40d: {  	[tilespmem:s31+$0x16230] =	vst v2;
	v2 =	vadd.f32 v19, v15;
	v19 =	vmul.f32 v58, v9  }
0x40e: {  	s2 =	sor.u32 $0xB, s30;
	[tilespmem:s31+$0x16240] =	vst v0;
	v0 =	vadd.f32 v18, v16  }
0x40f: {  	s3 =	sor.u32 s28, s2;
	[tilespmem:s31+$0x16250] =	vst v2;
	v2 =	vadd.f32 v19, v17  }
0x410: {  	s2 =	sshll.u32 s2, $0x7;
	s5 =	sand.u32 $0xFFF8, s3;
	[tilespmem:s31+$0x16260] =	vst v0  }
0x411: {  	s4 =	sshrl.u32 s5, $0x3;
	[tilespmem:s31+$0x16270] =	vst v2;
	s31 =	sor.u32 s29, s2  }
0x412: {  	s12 =	smul.u32 $0x147B, s4;
	v0 =	vld [tilespmem:s31+$0xE200]  }
0x413: {  	v18 =	vld [tilespmem:s31+$0xE210]  }
0x414: {  	s0 =	sshrl.u32 s12, $0x11;
	v20 =	vld [tilespmem:s31+$0xE220]  }
0x415: {  	s0 =	smul.u32 $0xC8, s0;
	v60 =	vld [tilespmem:s31+$0xE230]  }
0x416: {  	v62 =	vld [tilespmem:s31+$0xE240]  }
0x417: {  	s0 =	ssub.s32 s3, s0;
	v33 =	vld [tilespmem:s31+$0xE250]  }
0x418: {  	s0 =	sshll.u32 s0, $0x7;
	v37 =	vld [tilespmem:s31+$0xE260]  }
0x419: {  	s0 =	sand.u32 $0xFF80, s0;
	v39 =	vld [tilespmem:s31+$0xE270]  }
0x41a: {  	v2 =	vld [tilespmem:s0+$0x1900]  }
0x41b: {  	v19 =	vld [tilespmem:s0+$0x1910]  }
0x41c: {  	v59 =	vld [tilespmem:s0+$0x1920]  }
0x41d: {  	v61 =	vld [tilespmem:s0+$0x1930]  }
0x41e: {  	v63 =	vld [tilespmem:s0+$0x1940]  }
0x41f: {  	v36 =	vld [tilespmem:s0+$0x1950]  }
0x420: {  	v38 =	vld [tilespmem:s0+$0x1960]  }
0x421: {  	v40 =	vld [tilespmem:s0+$0x1970];
	_ =	sdelay $0x1  }
0x422: {  	v0 =	vadd.f32 v2, v0;
	v2 =	vadd.f32 v19, v18  }
0x423: {  	v18 =	vadd.f32 v59, v20;
	v19 =	vadd.f32 v61, v60  }
0x424: {  	v20 =	vadd.f32 v63, v62;
	v41 =	vadd.f32 v36, v33  }
0x425: {  	v42 =	vadd.f32 v38, v37;
	v43 =	vadd.f32 v40, v39  }
0x426: {  	v44 =	vadd.f32 v2, v0;
	v45 =	vmul.f32 v0, v0;
	v46 =	vmul.f32 v2, v2  }
0x427: {  	v47 =	vadd.f32 v19, v18;
	v48 =	vmul.f32 v18, v18;
	v49 =	vmul.f32 v19, v19  }
0x428: {  	v50 =	vadd.f32 v41, v20;
	v51 =	vmul.f32 v20, v20;
	v52 =	vmul.f32 v41, v41  }
0x429: {  	v53 =	vmul.f32 v42, v42;
	v54 =	vmul.f32 v43, v43;
	v55 =	vadd.f32 v43, v42  }
0x42a: {  	v25 =	vadd.f32 v46, v45;
	v28 =	vadd.f32 v49, v48  }
0x42b: {  	v31 =	vadd.f32 v52, v51;
	v26 =	vadd.f32 v54, v53  }
0x42c: {  	v24 =	vadd.f32 v47, v44;
	v56 =	vadd.f32 v55, v50  }
0x42d: {  	v25 =	vadd.f32 v28, v25;
	v26 =	vadd.f32 v26, v31  }
0x42e: {  	v24 =	vadd.f32 v56, v24  }
0x42f: {  	v25 =	vadd.f32 v26, v25  }
0x430: {  	(xrf2) =	vadd.scan.msk.f32 $0xffff, v24  }
0x431: {  	(xrf2) =	vadd.scan.msk.f32 $0xffff, v25;
	_ =	sdelay $0x8  }
0x432: {  	v24, _, _ =	vpop (xrf2)  }
0x433: {  	(v2sf) =	vpush v24, $0xF;
	v57, _, _ =	vpop (xrf2)  }
0x434: {  	(v2sf) =	vpush v57, $0xF;
	_ =	sdelay $0xd  }
0x435: {  	s4 =	spop (v2sf)  }
0x436: {  	s0 =	smul.f32 $7.812500000e-03, s4;
	s5 =	spop (v2sf)  }
0x437: {  	s2 =	smul.f32 $7.812500000e-03, s5  }
0x438: {  	s12 =	smul.f32 s0, s0;
	_ =	sdelay $0x1  }
0x439: {  	s2 =	ssub.f32 s2, s12;
	_ =	sdelay $0x1  }
0x43a: {  	s2 =	sadd.f32 $9.999999960e-13, s2;
	_ =	sdelay $0x1  }
0x43b: {  	s4 =	sshrl.u32 s2, $0x1;
	s2 =	smul.f32 $5.000000000e-01, s2  }
0x43c: {  	s3 =	ssub.s32 $0x5F3759DF, s4  }
0x43d: {  	s5 =	smul.f32 s3, s2;
	_ =	sdelay $0x1  }
0x43e: {  	s4 =	smul.f32 s3, s5;
	_ =	sdelay $0x1  }
0x43f: {  	s4 =	ssub.f32 $1.500000000e+00, s4;
	_ =	sdelay $0x1  }
0x440: {  	s3 =	smul.f32 s3, s4;
	_ =	sdelay $0x1  }
0x441: {  	s4 =	smul.f32 s3, s2;
	_ =	sdelay $0x1  }
0x442: {  	s4 =	smul.f32 s4, s3;
	_ =	sdelay $0x1  }
0x443: {  	s4 =	ssub.f32 $1.500000000e+00, s4;
	_ =	sdelay $0x1  }
0x444: {  	s3 =	smul.f32 s4, s3;
	_ =	sdelay $0x1  }
0x445: {  	s2 =	smul.f32 s3, s2;
	_ =	sdelay $0x1  }
0x446: {  	s2 =	smul.f32 s2, s3;
	_ =	sdelay $0x1  }
0x447: {  	s2 =	ssub.f32 $1.500000000e+00, s2  }
0x448: {  	v58 =	vmov s0  }
0x449: {  	v0 =	vsub.f32 v0, v58;
	s12 =	smul.f32 s2, s3  }
0x44a: {  	v2 =	vsub.f32 v2, v58  }
0x44b: {  	v18 =	vsub.f32 v18, v58;
	v19 =	vsub.f32 v19, v58;
	v0 =	vmul.f32 s12, v0  }
0x44c: {  	v20 =	vsub.f32 v20, v58;
	v21 =	vsub.f32 v41, v58;
	v2 =	vmul.f32 s12, v2  }
0x44d: {  	v22 =	vsub.f32 v42, v58;
	v18 =	vmul.f32 s12, v18;
	v0 =	vmul.f32 v0, v35  }
0x44e: {  	v23 =	vsub.f32 v43, v58;
	v19 =	vmul.f32 s12, v19;
	v2 =	vmul.f32 v2, v3  }
0x44f: {  	v20 =	vmul.f32 s12, v20;
	v18 =	vmul.f32 v18, v4;
	v0 =	vadd.f32 v0, v10  }
0x450: {  	v21 =	vmul.f32 s12, v21;
	v19 =	vmul.f32 v19, v5;
	v2 =	vadd.f32 v2, v11  }
0x451: {  	[tilespmem:s31+$0x16200] =	vst v0;
	v0 =	vadd.f32 v18, v12;
	v18 =	vmul.f32 v20, v6;
	v20 =	vmul.f32 s12, v22  }
0x452: {  	v59 =	vmul.f32 s12, v23;
	[tilespmem:s31+$0x16210] =	vst v2;
	v2 =	vadd.f32 v19, v13;
	v19 =	vmul.f32 v21, v7  }
0x453: {  	[tilespmem:s31+$0x16220] =	vst v0;
	v0 =	vadd.f32 v18, v14;
	v18 =	vmul.f32 v20, v8  }
0x454: {  	[tilespmem:s31+$0x16230] =	vst v2;
	v2 =	vadd.f32 v19, v15;
	v19 =	vmul.f32 v59, v9  }
0x455: {  	s2 =	sor.u32 $0xC, s30;
	[tilespmem:s31+$0x16240] =	vst v0;
	v0 =	vadd.f32 v18, v16  }
0x456: {  	s3 =	sor.u32 s28, s2;
	[tilespmem:s31+$0x16250] =	vst v2;
	v2 =	vadd.f32 v19, v17  }
0x457: {  	s2 =	sshll.u32 s2, $0x7;
	s5 =	sand.u32 $0xFFF8, s3;
	[tilespmem:s31+$0x16260] =	vst v0  }
0x458: {  	s4 =	sshrl.u32 s5, $0x3;
	[tilespmem:s31+$0x16270] =	vst v2;
	s31 =	sor.u32 s29, s2  }
0x459: {  	s12 =	smul.u32 $0x147B, s4;
	v0 =	vld [tilespmem:s31+$0xE200]  }
0x45a: {  	v18 =	vld [tilespmem:s31+$0xE210]  }
0x45b: {  	s0 =	sshrl.u32 s12, $0x11;
	v20 =	vld [tilespmem:s31+$0xE220]  }
0x45c: {  	s0 =	smul.u32 $0xC8, s0;
	v61 =	vld [tilespmem:s31+$0xE230]  }
0x45d: {  	v63 =	vld [tilespmem:s31+$0xE240]  }
0x45e: {  	s0 =	ssub.s32 s3, s0;
	v36 =	vld [tilespmem:s31+$0xE250]  }
0x45f: {  	s0 =	sshll.u32 s0, $0x7;
	v38 =	vld [tilespmem:s31+$0xE260]  }
0x460: {  	s0 =	sand.u32 $0xFF80, s0;
	v40 =	vld [tilespmem:s31+$0xE270]  }
0x461: {  	v2 =	vld [tilespmem:s0+$0x1900]  }
0x462: {  	v19 =	vld [tilespmem:s0+$0x1910]  }
0x463: {  	v60 =	vld [tilespmem:s0+$0x1920]  }
0x464: {  	v62 =	vld [tilespmem:s0+$0x1930]  }
0x465: {  	v33 =	vld [tilespmem:s0+$0x1940]  }
0x466: {  	v37 =	vld [tilespmem:s0+$0x1950]  }
0x467: {  	v39 =	vld [tilespmem:s0+$0x1960]  }
0x468: {  	v41 =	vld [tilespmem:s0+$0x1970];
	_ =	sdelay $0x1  }
0x469: {  	v0 =	vadd.f32 v2, v0;
	v2 =	vadd.f32 v19, v18  }
0x46a: {  	v18 =	vadd.f32 v60, v20;
	v19 =	vadd.f32 v62, v61  }
0x46b: {  	v20 =	vadd.f32 v33, v63;
	v42 =	vadd.f32 v37, v36  }
0x46c: {  	v43 =	vadd.f32 v39, v38;
	v44 =	vadd.f32 v41, v40  }
0x46d: {  	v45 =	vadd.f32 v2, v0;
	v46 =	vmul.f32 v0, v0;
	v47 =	vmul.f32 v2, v2  }
0x46e: {  	v48 =	vadd.f32 v19, v18;
	v49 =	vmul.f32 v18, v18;
	v50 =	vmul.f32 v19, v19  }
0x46f: {  	v51 =	vadd.f32 v42, v20;
	v52 =	vmul.f32 v20, v20;
	v53 =	vmul.f32 v42, v42  }
0x470: {  	v54 =	vmul.f32 v43, v43;
	v55 =	vmul.f32 v44, v44;
	v56 =	vadd.f32 v44, v43  }
0x471: {  	v25 =	vadd.f32 v47, v46;
	v28 =	vadd.f32 v50, v49  }
0x472: {  	v31 =	vadd.f32 v53, v52;
	v26 =	vadd.f32 v55, v54  }
0x473: {  	v24 =	vadd.f32 v48, v45;
	v57 =	vadd.f32 v56, v51  }
0x474: {  	v25 =	vadd.f32 v28, v25;
	v26 =	vadd.f32 v26, v31  }
0x475: {  	v24 =	vadd.f32 v57, v24  }
0x476: {  	v25 =	vadd.f32 v26, v25  }
0x477: {  	(xrf2) =	vadd.scan.msk.f32 $0xffff, v24  }
0x478: {  	(xrf2) =	vadd.scan.msk.f32 $0xffff, v25;
	_ =	sdelay $0x8  }
0x479: {  	v24, _, _ =	vpop (xrf2)  }
0x47a: {  	(v2sf) =	vpush v24, $0xF;
	v58, _, _ =	vpop (xrf2)  }
0x47b: {  	(v2sf) =	vpush v58, $0xF;
	_ =	sdelay $0xd  }
0x47c: {  	s4 =	spop (v2sf)  }
0x47d: {  	s0 =	smul.f32 $7.812500000e-03, s4;
	s5 =	spop (v2sf)  }
0x47e: {  	s2 =	smul.f32 $7.812500000e-03, s5  }
0x47f: {  	s12 =	smul.f32 s0, s0;
	_ =	sdelay $0x1  }
0x480: {  	s2 =	ssub.f32 s2, s12;
	_ =	sdelay $0x1  }
0x481: {  	s2 =	sadd.f32 $9.999999960e-13, s2;
	_ =	sdelay $0x1  }
0x482: {  	s4 =	sshrl.u32 s2, $0x1;
	s2 =	smul.f32 $5.000000000e-01, s2  }
0x483: {  	s3 =	ssub.s32 $0x5F3759DF, s4  }
0x484: {  	s5 =	smul.f32 s3, s2;
	_ =	sdelay $0x1  }
0x485: {  	s4 =	smul.f32 s3, s5;
	_ =	sdelay $0x1  }
0x486: {  	s4 =	ssub.f32 $1.500000000e+00, s4;
	_ =	sdelay $0x1  }
0x487: {  	s3 =	smul.f32 s3, s4;
	_ =	sdelay $0x1  }
0x488: {  	s4 =	smul.f32 s3, s2;
	_ =	sdelay $0x1  }
0x489: {  	s4 =	smul.f32 s4, s3;
	_ =	sdelay $0x1  }
0x48a: {  	s4 =	ssub.f32 $1.500000000e+00, s4;
	_ =	sdelay $0x1  }
0x48b: {  	s3 =	smul.f32 s4, s3;
	_ =	sdelay $0x1  }
0x48c: {  	s2 =	smul.f32 s3, s2;
	_ =	sdelay $0x1  }
0x48d: {  	s2 =	smul.f32 s2, s3;
	_ =	sdelay $0x1  }
0x48e: {  	s2 =	ssub.f32 $1.500000000e+00, s2  }
0x48f: {  	v59 =	vmov s0  }
0x490: {  	v0 =	vsub.f32 v0, v59;
	s12 =	smul.f32 s2, s3  }
0x491: {  	v2 =	vsub.f32 v2, v59  }
0x492: {  	v18 =	vsub.f32 v18, v59;
	v19 =	vsub.f32 v19, v59;
	v0 =	vmul.f32 s12, v0  }
0x493: {  	v20 =	vsub.f32 v20, v59;
	v21 =	vsub.f32 v42, v59;
	v2 =	vmul.f32 s12, v2  }
0x494: {  	v22 =	vsub.f32 v43, v59;
	v18 =	vmul.f32 s12, v18;
	v0 =	vmul.f32 v0, v35  }
0x495: {  	v23 =	vsub.f32 v44, v59;
	v19 =	vmul.f32 s12, v19;
	v2 =	vmul.f32 v2, v3  }
0x496: {  	v20 =	vmul.f32 s12, v20;
	v18 =	vmul.f32 v18, v4;
	v0 =	vadd.f32 v0, v10  }
0x497: {  	v21 =	vmul.f32 s12, v21;
	v19 =	vmul.f32 v19, v5;
	v2 =	vadd.f32 v2, v11  }
0x498: {  	[tilespmem:s31+$0x16200] =	vst v0;
	v0 =	vadd.f32 v18, v12;
	v18 =	vmul.f32 v20, v6;
	v20 =	vmul.f32 s12, v22  }
0x499: {  	v60 =	vmul.f32 s12, v23;
	[tilespmem:s31+$0x16210] =	vst v2;
	v2 =	vadd.f32 v19, v13;
	v19 =	vmul.f32 v21, v7  }
0x49a: {  	[tilespmem:s31+$0x16220] =	vst v0;
	v0 =	vadd.f32 v18, v14;
	v18 =	vmul.f32 v20, v8  }
0x49b: {  	[tilespmem:s31+$0x16230] =	vst v2;
	v2 =	vadd.f32 v19, v15;
	v19 =	vmul.f32 v60, v9  }
0x49c: {  	s2 =	sor.u32 $0xD, s30;
	[tilespmem:s31+$0x16240] =	vst v0;
	v0 =	vadd.f32 v18, v16  }
0x49d: {  	s3 =	sor.u32 s28, s2;
	[tilespmem:s31+$0x16250] =	vst v2;
	v2 =	vadd.f32 v19, v17  }
0x49e: {  	s2 =	sshll.u32 s2, $0x7;
	s5 =	sand.u32 $0xFFF8, s3;
	[tilespmem:s31+$0x16260] =	vst v0  }
0x49f: {  	s4 =	sshrl.u32 s5, $0x3;
	[tilespmem:s31+$0x16270] =	vst v2;
	s31 =	sor.u32 s29, s2  }
0x4a0: {  	s12 =	smul.u32 $0x147B, s4;
	v0 =	vld [tilespmem:s31+$0xE200]  }
0x4a1: {  	v18 =	vld [tilespmem:s31+$0xE210]  }
0x4a2: {  	s0 =	sshrl.u32 s12, $0x11;
	v20 =	vld [tilespmem:s31+$0xE220]  }
0x4a3: {  	s0 =	smul.u32 $0xC8, s0;
	v62 =	vld [tilespmem:s31+$0xE230]  }
0x4a4: {  	v33 =	vld [tilespmem:s31+$0xE240]  }
0x4a5: {  	s0 =	ssub.s32 s3, s0;
	v37 =	vld [tilespmem:s31+$0xE250]  }
0x4a6: {  	s0 =	sshll.u32 s0, $0x7;
	v39 =	vld [tilespmem:s31+$0xE260]  }
0x4a7: {  	s0 =	sand.u32 $0xFF80, s0;
	v41 =	vld [tilespmem:s31+$0xE270]  }
0x4a8: {  	v2 =	vld [tilespmem:s0+$0x1900]  }
0x4a9: {  	v19 =	vld [tilespmem:s0+$0x1910]  }
0x4aa: {  	v61 =	vld [tilespmem:s0+$0x1920]  }
0x4ab: {  	v63 =	vld [tilespmem:s0+$0x1930]  }
0x4ac: {  	v36 =	vld [tilespmem:s0+$0x1940]  }
0x4ad: {  	v38 =	vld [tilespmem:s0+$0x1950]  }
0x4ae: {  	v40 =	vld [tilespmem:s0+$0x1960]  }
0x4af: {  	v42 =	vld [tilespmem:s0+$0x1970];
	_ =	sdelay $0x1  }
0x4b0: {  	v0 =	vadd.f32 v2, v0;
	v2 =	vadd.f32 v19, v18  }
0x4b1: {  	v18 =	vadd.f32 v61, v20;
	v19 =	vadd.f32 v63, v62  }
0x4b2: {  	v20 =	vadd.f32 v36, v33;
	v43 =	vadd.f32 v38, v37  }
0x4b3: {  	v44 =	vadd.f32 v40, v39;
	v45 =	vadd.f32 v42, v41  }
0x4b4: {  	v46 =	vadd.f32 v2, v0;
	v47 =	vmul.f32 v0, v0;
	v48 =	vmul.f32 v2, v2  }
0x4b5: {  	v49 =	vadd.f32 v19, v18;
	v50 =	vmul.f32 v18, v18;
	v51 =	vmul.f32 v19, v19  }
0x4b6: {  	v52 =	vadd.f32 v43, v20;
	v53 =	vmul.f32 v20, v20;
	v54 =	vmul.f32 v43, v43  }
0x4b7: {  	v55 =	vmul.f32 v44, v44;
	v56 =	vmul.f32 v45, v45;
	v57 =	vadd.f32 v45, v44  }
0x4b8: {  	v25 =	vadd.f32 v48, v47;
	v28 =	vadd.f32 v51, v50  }
0x4b9: {  	v31 =	vadd.f32 v54, v53;
	v26 =	vadd.f32 v56, v55  }
0x4ba: {  	v24 =	vadd.f32 v49, v46;
	v58 =	vadd.f32 v57, v52  }
0x4bb: {  	v25 =	vadd.f32 v28, v25;
	v26 =	vadd.f32 v26, v31  }
0x4bc: {  	v24 =	vadd.f32 v58, v24  }
0x4bd: {  	v25 =	vadd.f32 v26, v25  }
0x4be: {  	(xrf2) =	vadd.scan.msk.f32 $0xffff, v24  }
0x4bf: {  	(xrf2) =	vadd.scan.msk.f32 $0xffff, v25;
	_ =	sdelay $0x8  }
0x4c0: {  	v24, _, _ =	vpop (xrf2)  }
0x4c1: {  	(v2sf) =	vpush v24, $0xF;
	v59, _, _ =	vpop (xrf2)  }
0x4c2: {  	(v2sf) =	vpush v59, $0xF;
	_ =	sdelay $0xd  }
0x4c3: {  	s4 =	spop (v2sf)  }
0x4c4: {  	s0 =	smul.f32 $7.812500000e-03, s4;
	s5 =	spop (v2sf)  }
0x4c5: {  	s2 =	smul.f32 $7.812500000e-03, s5  }
0x4c6: {  	s12 =	smul.f32 s0, s0;
	_ =	sdelay $0x1  }
0x4c7: {  	s2 =	ssub.f32 s2, s12;
	_ =	sdelay $0x1  }
0x4c8: {  	s2 =	sadd.f32 $9.999999960e-13, s2;
	_ =	sdelay $0x1  }
0x4c9: {  	s4 =	sshrl.u32 s2, $0x1;
	s2 =	smul.f32 $5.000000000e-01, s2  }
0x4ca: {  	s3 =	ssub.s32 $0x5F3759DF, s4  }
0x4cb: {  	s5 =	smul.f32 s3, s2;
	_ =	sdelay $0x1  }
0x4cc: {  	s4 =	smul.f32 s3, s5;
	_ =	sdelay $0x1  }
0x4cd: {  	s4 =	ssub.f32 $1.500000000e+00, s4;
	_ =	sdelay $0x1  }
0x4ce: {  	s3 =	smul.f32 s3, s4;
	_ =	sdelay $0x1  }
0x4cf: {  	s4 =	smul.f32 s3, s2;
	_ =	sdelay $0x1  }
0x4d0: {  	s4 =	smul.f32 s4, s3;
	_ =	sdelay $0x1  }
0x4d1: {  	s4 =	ssub.f32 $1.500000000e+00, s4;
	_ =	sdelay $0x1  }
0x4d2: {  	s3 =	smul.f32 s4, s3;
	_ =	sdelay $0x1  }
0x4d3: {  	s2 =	smul.f32 s3, s2;
	_ =	sdelay $0x1  }
0x4d4: {  	s2 =	smul.f32 s2, s3;
	_ =	sdelay $0x1  }
0x4d5: {  	s2 =	ssub.f32 $1.500000000e+00, s2  }
0x4d6: {  	v60 =	vmov s0  }
0x4d7: {  	v0 =	vsub.f32 v0, v60;
	s12 =	smul.f32 s2, s3  }
0x4d8: {  	v2 =	vsub.f32 v2, v60  }
0x4d9: {  	v18 =	vsub.f32 v18, v60;
	v19 =	vsub.f32 v19, v60;
	v0 =	vmul.f32 s12, v0  }
0x4da: {  	v20 =	vsub.f32 v20, v60;
	v21 =	vsub.f32 v43, v60;
	v2 =	vmul.f32 s12, v2  }
0x4db: {  	v22 =	vsub.f32 v44, v60;
	v18 =	vmul.f32 s12, v18;
	v0 =	vmul.f32 v0, v35  }
0x4dc: {  	v23 =	vsub.f32 v45, v60;
	v19 =	vmul.f32 s12, v19;
	v2 =	vmul.f32 v2, v3  }
0x4dd: {  	v20 =	vmul.f32 s12, v20;
	v18 =	vmul.f32 v18, v4;
	v0 =	vadd.f32 v0, v10  }
0x4de: {  	v21 =	vmul.f32 s12, v21;
	v19 =	vmul.f32 v19, v5;
	v2 =	vadd.f32 v2, v11  }
0x4df: {  	[tilespmem:s31+$0x16200] =	vst v0;
	v0 =	vadd.f32 v18, v12;
	v18 =	vmul.f32 v20, v6;
	v20 =	vmul.f32 s12, v22  }
0x4e0: {  	v61 =	vmul.f32 s12, v23;
	[tilespmem:s31+$0x16210] =	vst v2;
	v2 =	vadd.f32 v19, v13;
	v19 =	vmul.f32 v21, v7  }
0x4e1: {  	[tilespmem:s31+$0x16220] =	vst v0;
	v0 =	vadd.f32 v18, v14;
	v18 =	vmul.f32 v20, v8  }
0x4e2: {  	[tilespmem:s31+$0x16230] =	vst v2;
	v2 =	vadd.f32 v19, v15;
	v19 =	vmul.f32 v61, v9  }
0x4e3: {  	s2 =	sor.u32 $0xE, s30;
	[tilespmem:s31+$0x16240] =	vst v0;
	v0 =	vadd.f32 v18, v16  }
0x4e4: {  	s3 =	sor.u32 s28, s2;
	[tilespmem:s31+$0x16250] =	vst v2;
	v2 =	vadd.f32 v19, v17  }
0x4e5: {  	s2 =	sshll.u32 s2, $0x7;
	s5 =	sand.u32 $0xFFF8, s3;
	[tilespmem:s31+$0x16260] =	vst v0  }
0x4e6: {  	s4 =	sshrl.u32 s5, $0x3;
	[tilespmem:s31+$0x16270] =	vst v2;
	s31 =	sor.u32 s29, s2  }
0x4e7: {  	s12 =	smul.u32 $0x147B, s4;
	v0 =	vld [tilespmem:s31+$0xE200]  }
0x4e8: {  	v18 =	vld [tilespmem:s31+$0xE210]  }
0x4e9: {  	s0 =	sshrl.u32 s12, $0x11;
	v20 =	vld [tilespmem:s31+$0xE220]  }
0x4ea: {  	s0 =	smul.u32 $0xC8, s0;
	v63 =	vld [tilespmem:s31+$0xE230]  }
0x4eb: {  	v36 =	vld [tilespmem:s31+$0xE240]  }
0x4ec: {  	s0 =	ssub.s32 s3, s0;
	v38 =	vld [tilespmem:s31+$0xE250]  }
0x4ed: {  	s0 =	sshll.u32 s0, $0x7;
	v40 =	vld [tilespmem:s31+$0xE260]  }
0x4ee: {  	s0 =	sand.u32 $0xFF80, s0;
	v42 =	vld [tilespmem:s31+$0xE270]  }
0x4ef: {  	v2 =	vld [tilespmem:s0+$0x1900]  }
0x4f0: {  	v19 =	vld [tilespmem:s0+$0x1910]  }
0x4f1: {  	v62 =	vld [tilespmem:s0+$0x1920]  }
0x4f2: {  	v33 =	vld [tilespmem:s0+$0x1930]  }
0x4f3: {  	v37 =	vld [tilespmem:s0+$0x1940]  }
0x4f4: {  	v39 =	vld [tilespmem:s0+$0x1950]  }
0x4f5: {  	v41 =	vld [tilespmem:s0+$0x1960]  }
0x4f6: {  	v43 =	vld [tilespmem:s0+$0x1970];
	_ =	sdelay $0x1  }
0x4f7: {  	v0 =	vadd.f32 v2, v0;
	v2 =	vadd.f32 v19, v18  }
0x4f8: {  	v18 =	vadd.f32 v62, v20;
	v19 =	vadd.f32 v33, v63  }
0x4f9: {  	v20 =	vadd.f32 v37, v36;
	v44 =	vadd.f32 v39, v38  }
0x4fa: {  	v45 =	vadd.f32 v41, v40;
	v46 =	vadd.f32 v43, v42  }
0x4fb: {  	v47 =	vadd.f32 v2, v0;
	v48 =	vmul.f32 v0, v0;
	v49 =	vmul.f32 v2, v2  }
0x4fc: {  	v50 =	vadd.f32 v19, v18;
	v51 =	vmul.f32 v18, v18;
	v52 =	vmul.f32 v19, v19  }
0x4fd: {  	v53 =	vadd.f32 v44, v20;
	v54 =	vmul.f32 v20, v20;
	v55 =	vmul.f32 v44, v44  }
0x4fe: {  	v56 =	vmul.f32 v45, v45;
	v57 =	vmul.f32 v46, v46;
	v58 =	vadd.f32 v46, v45  }
0x4ff: {  	v25 =	vadd.f32 v49, v48;
	v28 =	vadd.f32 v52, v51  }
0x500: {  	v31 =	vadd.f32 v55, v54;
	v26 =	vadd.f32 v57, v56  }
0x501: {  	v24 =	vadd.f32 v50, v47;
	v59 =	vadd.f32 v58, v53  }
0x502: {  	v25 =	vadd.f32 v28, v25;
	v26 =	vadd.f32 v26, v31  }
0x503: {  	v24 =	vadd.f32 v59, v24  }
0x504: {  	v25 =	vadd.f32 v26, v25  }
0x505: {  	(xrf2) =	vadd.scan.msk.f32 $0xffff, v24  }
0x506: {  	(xrf2) =	vadd.scan.msk.f32 $0xffff, v25;
	_ =	sdelay $0x8  }
0x507: {  	v24, _, _ =	vpop (xrf2)  }
0x508: {  	(v2sf) =	vpush v24, $0xF;
	v60, _, _ =	vpop (xrf2)  }
0x509: {  	(v2sf) =	vpush v60, $0xF;
	_ =	sdelay $0xd  }
0x50a: {  	s2 =	spop (v2sf)  }
0x50b: {  	s0 =	smul.f32 $7.812500000e-03, s2;
	s3 =	spop (v2sf)  }
0x50c: {  	s2 =	smul.f32 $7.812500000e-03, s3  }
0x50d: {  	s4 =	smul.f32 s0, s0;
	_ =	sdelay $0x1  }
0x50e: {  	s2 =	ssub.f32 s2, s4;
	_ =	sdelay $0x1  }
0x50f: {  	s2 =	sadd.f32 $9.999999960e-13, s2;
	_ =	sdelay $0x1  }
0x510: {  	s5 =	sshrl.u32 s2, $0x1;
	s2 =	smul.f32 $5.000000000e-01, s2  }
0x511: {  	s3 =	ssub.s32 $0x5F3759DF, s5  }
0x512: {  	s12 =	smul.f32 s3, s2;
	_ =	sdelay $0x1  }
0x513: {  	s4 =	smul.f32 s3, s12;
	_ =	sdelay $0x1  }
0x514: {  	s4 =	ssub.f32 $1.500000000e+00, s4;
	_ =	sdelay $0x1  }
0x515: {  	s3 =	smul.f32 s3, s4;
	_ =	sdelay $0x1  }
0x516: {  	s4 =	smul.f32 s3, s2;
	_ =	sdelay $0x1  }
0x517: {  	s4 =	smul.f32 s4, s3;
	_ =	sdelay $0x1  }
0x518: {  	s4 =	ssub.f32 $1.500000000e+00, s4;
	_ =	sdelay $0x1  }
0x519: {  	s3 =	smul.f32 s4, s3;
	_ =	sdelay $0x1  }
0x51a: {  	s2 =	smul.f32 s3, s2;
	_ =	sdelay $0x1  }
0x51b: {  	s2 =	smul.f32 s2, s3;
	_ =	sdelay $0x1  }
0x51c: {  	s2 =	ssub.f32 $1.500000000e+00, s2  }
0x51d: {  	v61 =	vmov s0  }
0x51e: {  	v0 =	vsub.f32 v0, v61;
	s3 =	smul.f32 s2, s3  }
0x51f: {  	v2 =	vsub.f32 v2, v61  }
0x520: {  	v18 =	vsub.f32 v18, v61;
	v19 =	vsub.f32 v19, v61;
	v0 =	vmul.f32 s3, v0  }
0x521: {  	v20 =	vsub.f32 v20, v61;
	v21 =	vsub.f32 v44, v61;
	v2 =	vmul.f32 s3, v2  }
0x522: {  	v22 =	vsub.f32 v45, v61;
	v18 =	vmul.f32 s3, v18;
	v0 =	vmul.f32 v0, v35  }
0x523: {  	v23 =	vsub.f32 v46, v61;
	s2 =	sshllo.u32 s26, $0x4;
	v19 =	vmul.f32 s3, v19;
	v2 =	vmul.f32 v2, v3  }
0x524: {  	s5 =	sor.u32 s28, s2;
	v20 =	vmul.f32 s3, v20;
	v18 =	vmul.f32 v18, v4;
	v0 =	vadd.f32 v0, v10  }
0x525: {  	v21 =	vmul.f32 s3, v21;
	s12 =	sand.u32 $0xFFF8, s5;
	v19 =	vmul.f32 v19, v5;
	v2 =	vadd.f32 v2, v11  }
0x526: {  	s4 =	sshrl.u32 s12, $0x3;
	[tilespmem:s31+$0x16200] =	vst v0;
	v0 =	vadd.f32 v18, v12;
	v18 =	vmul.f32 v20, v6;
	v20 =	vmul.f32 s3, v22  }
0x527: {  	v62 =	vmul.f32 s3, v23;
	s4 =	smul.u32 $0x147B, s4;
	[tilespmem:s31+$0x16210] =	vst v2;
	v2 =	vadd.f32 v19, v13;
	v19 =	vmul.f32 v21, v7  }
0x528: {  	[tilespmem:s31+$0x16220] =	vst v0;
	v0 =	vadd.f32 v18, v14;
	v18 =	vmul.f32 v20, v8  }
0x529: {  	s0 =	sshrl.u32 s4, $0x11;
	[tilespmem:s31+$0x16230] =	vst v2;
	v2 =	vadd.f32 v19, v15;
	v19 =	vmul.f32 v62, v9  }
0x52a: {  	s0 =	smul.u32 $0xC8, s0;
	[tilespmem:s31+$0x16240] =	vst v0;
	v0 =	vadd.f32 v18, v16  }
0x52b: {  	[tilespmem:s31+$0x16250] =	vst v2;
	v2 =	vadd.f32 v19, v17  }
0x52c: {  	s2 =	sshll.u32 s2, $0x7;
	s0 =	ssub.s32 s5, s0;
	[tilespmem:s31+$0x16260] =	vst v0  }
0x52d: {  	s4 =	sor.u32 s29, s2;
	s0 =	sshll.u32 s0, $0x7;
	[tilespmem:s31+$0x16270] =	vst v2  }
0x52e: {  	s0 =	sand.u32 $0xFF80, s0;
	v0 =	vld [tilespmem:s4+$0xE200]  }
0x52f: {  	v2 =	vld [tilespmem:s0+$0x1900]  }
0x530: {  	v18 =	vld [tilespmem:s4+$0xE210]  }
0x531: {  	v19 =	vld [tilespmem:s0+$0x1910]  }
0x532: {  	v20 =	vld [tilespmem:s4+$0xE220]  }
0x533: {  	v63 =	vld [tilespmem:s0+$0x1920]  }
0x534: {  	v33 =	vld [tilespmem:s4+$0xE230]  }
0x535: {  	v36 =	vld [tilespmem:s0+$0x1930]  }
0x536: {  	v37 =	vld [tilespmem:s4+$0xE240]  }
0x537: {  	v38 =	vld [tilespmem:s0+$0x1940]  }
0x538: {  	v39 =	vld [tilespmem:s4+$0xE250]  }
0x539: {  	v40 =	vld [tilespmem:s0+$0x1950]  }
0x53a: {  	v41 =	vld [tilespmem:s4+$0xE260]  }
0x53b: {  	v42 =	vld [tilespmem:s0+$0x1960]  }
0x53c: {  	v43 =	vld [tilespmem:s4+$0xE270]  }
0x53d: {  	v44 =	vld [tilespmem:s0+$0x1970];
	_ =	sdelay $0x1  }
0x53e: {  	v0 =	vadd.f32 v2, v0;
	v2 =	vadd.f32 v19, v18  }
0x53f: {  	v18 =	vadd.f32 v63, v20;
	v19 =	vadd.f32 v36, v33  }
0x540: {  	v20 =	vadd.f32 v38, v37;
	v45 =	vadd.f32 v40, v39  }
0x541: {  	v46 =	vadd.f32 v42, v41;
	v47 =	vadd.f32 v44, v43  }
0x542: {  	v48 =	vadd.f32 v2, v0;
	v49 =	vmul.f32 v0, v0;
	v50 =	vmul.f32 v2, v2  }
0x543: {  	v51 =	vadd.f32 v19, v18;
	v52 =	vmul.f32 v18, v18;
	v53 =	vmul.f32 v19, v19  }
0x544: {  	v54 =	vadd.f32 v45, v20;
	v55 =	vmul.f32 v20, v20;
	v56 =	vmul.f32 v45, v45  }
0x545: {  	v57 =	vmul.f32 v46, v46;
	v58 =	vmul.f32 v47, v47;
	v59 =	vadd.f32 v47, v46  }
0x546: {  	v25 =	vadd.f32 v50, v49;
	v28 =	vadd.f32 v53, v52  }
0x547: {  	v31 =	vadd.f32 v56, v55;
	v26 =	vadd.f32 v58, v57  }
0x548: {  	v24 =	vadd.f32 v51, v48;
	v60 =	vadd.f32 v59, v54  }
0x549: {  	v25 =	vadd.f32 v28, v25;
	v26 =	vadd.f32 v26, v31  }
0x54a: {  	v24 =	vadd.f32 v60, v24  }
0x54b: {  	v25 =	vadd.f32 v26, v25  }
0x54c: {  	(xrf2) =	vadd.scan.msk.f32 $0xffff, v24  }
0x54d: {  	(xrf2) =	vadd.scan.msk.f32 $0xffff, v25;
	_ =	sdelay $0x8  }
0x54e: {  	v24, _, _ =	vpop (xrf2)  }
0x54f: {  	(v2sf) =	vpush v24, $0xF;
	v61, _, _ =	vpop (xrf2)  }
0x550: {  	(v2sf) =	vpush v61, $0xF;
	_ =	sdelay $0xd  }
0x551: {  	s5 =	spop (v2sf)  }
0x552: {  	s0 =	smul.f32 $7.812500000e-03, s5;
	s12 =	spop (v2sf)  }
0x553: {  	s2 =	smul.f32 $7.812500000e-03, s12  }
0x554: {  	s31 =	smul.f32 s0, s0;
	_ =	sdelay $0x1  }
0x555: {  	s2 =	ssub.f32 s2, s31;
	_ =	sdelay $0x1  }
0x556: {  	s2 =	sadd.f32 $9.999999960e-13, s2;
	_ =	sdelay $0x1  }
0x557: {  	s5 =	sshrl.u32 s2, $0x1;
	s2 =	smul.f32 $5.000000000e-01, s2  }
0x558: {  	s3 =	ssub.s32 $0x5F3759DF, s5  }
0x559: {  	s5 =	smul.f32 s3, s2;
	_ =	sdelay $0x1  }
0x55a: {  	s5 =	smul.f32 s3, s5;
	_ =	sdelay $0x1  }
0x55b: {  	s5 =	ssub.f32 $1.500000000e+00, s5;
	_ =	sdelay $0x1  }
0x55c: {  	s3 =	smul.f32 s3, s5;
	_ =	sdelay $0x1  }
0x55d: {  	s5 =	smul.f32 s3, s2;
	_ =	sdelay $0x1  }
0x55e: {  	s5 =	smul.f32 s5, s3;
	_ =	sdelay $0x1  }
0x55f: {  	s5 =	ssub.f32 $1.500000000e+00, s5;
	_ =	sdelay $0x1  }
0x560: {  	s3 =	smul.f32 s5, s3;
	_ =	sdelay $0x1  }
0x561: {  	s2 =	smul.f32 s3, s2;
	_ =	sdelay $0x1  }
0x562: {  	s2 =	smul.f32 s2, s3;
	_ =	sdelay $0x1  }
0x563: {  	s2 =	ssub.f32 $1.500000000e+00, s2  }
0x564: {  	v62 =	vmov s0  }
0x565: {  	v0 =	vsub.f32 v0, v62;
	s12 =	smul.f32 s2, s3  }
0x566: {  	v2 =	vsub.f32 v2, v62  }
0x567: {  	v18 =	vsub.f32 v18, v62;
	v19 =	vsub.f32 v19, v62;
	v0 =	vmul.f32 s12, v0  }
0x568: {  	v20 =	vsub.f32 v20, v62;
	v21 =	vsub.f32 v45, v62;
	v2 =	vmul.f32 s12, v2  }
0x569: {  	v22 =	vsub.f32 v46, v62;
	v18 =	vmul.f32 s12, v18;
	v0 =	vmul.f32 v0, v35  }
0x56a: {  	v23 =	vsub.f32 v47, v62;
	v19 =	vmul.f32 s12, v19;
	v2 =	vmul.f32 v2, v3  }
0x56b: {  	v20 =	vmul.f32 s12, v20;
	v18 =	vmul.f32 v18, v4;
	v0 =	vadd.f32 v0, v10  }
0x56c: {  	v21 =	vmul.f32 s12, v21;
	v19 =	vmul.f32 v19, v5;
	v2 =	vadd.f32 v2, v11  }
0x56d: {  	[tilespmem:s4+$0x16200] =	vst v0;
	v0 =	vadd.f32 v18, v12;
	v18 =	vmul.f32 v20, v6;
	v20 =	vmul.f32 s12, v22  }
0x56e: {  	v63 =	vmul.f32 s12, v23;
	[tilespmem:s4+$0x16210] =	vst v2;
	v2 =	vadd.f32 v19, v13;
	v19 =	vmul.f32 v21, v7  }
0x56f: {  	[tilespmem:s4+$0x16220] =	vst v0;
	v0 =	vadd.f32 v18, v14;
	v18 =	vmul.f32 v20, v8  }
0x570: {  	[tilespmem:s4+$0x16230] =	vst v2;
	v2 =	vadd.f32 v19, v15;
	v19 =	vmul.f32 v63, v9  }
0x571: {  	[tilespmem:s4+$0x16240] =	vst v0;
	v0 =	vadd.f32 v18, v16  }
0x572: {  	[tilespmem:s4+$0x16250] =	vst v2;
	v2 =	vadd.f32 v19, v17  }
0x573: {  	[tilespmem:s4+$0x16260] =	vst v0  }
0x574: {  	s30 =	sadd.s32 s30, s28;
	[tilespmem:s4+$0x16270] =	vst v2  }
0x575: {  	v18 =	vld [tilespmem:s30+$0x0];
	_ =	sdelay $0x4  }
0x576: {  	vm0 =	veq.s32 v18, $0x0  }
0x577: {  	v0 =	vsel vm0, $0x1, v34  }
0x578: {  	(xrf0) =	vadd.scan.msk.s32 $0xffff, v0;
	_ =	sdelay $0x5  }
0x579: {  	v0, _, _ =	vpop (xrf0)  }
0x57a: {  	(v2sf) =	vpush v0, $0xF;
	_ =	sdelay $0xe  }
0x57b: {  	s31 =	spop (v2sf)  }
0x57c: {  	p0 =	slt.s32 s31, $0x1  }
.Ltmp5:
0x57d: {  	_ = 	snop;
	(pc) =	sbr.rel @p0 .LBB2_8-.Ltmp5, $1  }
0x57e: {  	_ =	sdelay $0x3  }
0x57f: {  	v0 =	vmov s21  }
0x580: {  	vm0 =	veq.s32 v0, v1  }
0x581: {  	v0 =	vnsel vm0, $0x0, v18  }
0x582: {  	(xrf0) =	vadd.scan.msk.s32 $0xffff, v0;
	_ =	sdelay $0x5  }
0x583: {  	v0, _, _ =	vpop (xrf0)  }
0x584: {  	(v2sf) =	vpush v0, $0xF;
	_ =	sdelay $0x6  }
0x585: {  	s0 =	sand.u32 $0x7, s22  }
0x586: {  	s2 =	sshll.u32 s0, $0x4  }
0x587: {  	s4 =	sor.u32 s2, s28  }
0x588: {  	s2 =	smulhi.u32 $0x51EB851F, s4;
	_ =	sdelay $0x1  }
0x589: {  	s3 =	sshll.u32 s24, $0x10;
	s5 =	sshll.u32 s0, $0xD;
	s2 =	sshrl.u32 s2, $0x6  }
0x58a: {  	s12 =	sor.u32 s5, s3;
	s0 =	smul.u32 $0xFFFE7000, s2  }
0x58b: {  	s2 =	sshrl.u32 s12, $0x2  }
0x58c: {  	s31 =	sadd.s32 $0x7D00, s2;
	s0 =	sshra.s32 s0, $0x2;
	s3 =	spop (v2sf)  }
0x58d: {  	s0 =	sadd.s32 s0, s31;
	p0 =	sne.s32 s3, $0x0  }
0x58e: {  	v0 =	vld @!p0 [tilespmem:s0+$0x0]  }
0x58f: {  	s12 =	sshll.u32 s25, $0x10  }
0x590: {  	s2 =	sor.u32 s5, s12  }
0x591: {  	s2 =	sshrl.u32 s2, $0x2  }
0x592: {  	s30 =	sadd.s32 $0x16240, s2  }
0x593: {  	[tilespmem:s30+$0xFFFFFFC0] =	vst @!p0 v0  }
0x594: {  	v0 =	vld @!p0 [tilespmem:s0+$0x10];
	_ =	sdelay $0x4  }
0x595: {  	[tilespmem:s30+$0xFFFFFFD0] =	vst @!p0 v0  }
0x596: {  	v0 =	vld @!p0 [tilespmem:s0+$0x20];
	_ =	sdelay $0x4  }
0x597: {  	[tilespmem:s30+$0xFFFFFFE0] =	vst @!p0 v0  }
0x598: {  	s2 =	simm.s32 $0x1;
	v19 =	vld @!p0 [tilespmem:s0+$0x30]  }
.LBB2_6:
0x599: {  	_ =	sdelay $0x1  }
0x59a: {  	v0 =	vmov s2;
	s2 =	sadd.s32 $0x1, s2  }
0x59b: {  	vm0 =	veq.s32 v0, v1;
	p1 =	sne.s32 s2, $0x10  }
0x59c: {  	v0 =	vnsel vm0, $0x0, v18;
	[tilespmem:s30+$0xFFFFFFF0] =	vst @!p0 v19  }
0x59d: {  	(xrf0) =	vadd.scan.msk.s32 $0xffff, v0;
	v0 =	vld @!p0 [tilespmem:s0+$0x40];
	_ =	sdelay $0x4  }
0x59e: {  	[tilespmem:s30+$0x0] =	vst @!p0 v0  }
0x59f: {  	v0, _, _ =	vpop (xrf0);
	v2 =	vld @!p0 [tilespmem:s0+$0x50]  }
0x5a0: {  	(v2sf) =	vpush v0, $0xF;
	_ =	sdelay $0x3  }
0x5a1: {  	[tilespmem:s30+$0x10] =	vst @!p0 v2  }
0x5a2: {  	v0 =	vld @!p0 [tilespmem:s0+$0x60];
	_ =	sdelay $0x3  }
0x5a3: {  	s4 =	sadd.s32 $0x1, s4  }
0x5a4: {  	s3 =	smulhi.u32 $0x51EB851F, s4;
	[tilespmem:s30+$0x20] =	vst @!p0 v0  }
0x5a5: {  	v0 =	vld @!p0 [tilespmem:s0+$0x70]  }
0x5a6: {  	s0 =	sshrl.u32 s3, $0x6  }
0x5a7: {  	s0 =	smul.u32 $0xFFFE7000, s0;
	_ =	sdelay $0x1  }
0x5a8: {  	s31 =	sadd.s32 $0x80, s31;
	s0 =	sshra.s32 s0, $0x2;
	s3 =	spop (v2sf)  }
0x5a9: {  	s0 =	sadd.s32 s0, s31;
	[tilespmem:s30+$0x30] =	vst @!p0 v0;
	p0 =	sne.s32 s3, $0x0  }
0x5aa: {  	v0 =	vld @!p0 [tilespmem:s0+$0x0];
	_ =	sdelay $0x3  }
0x5ab: {  	s30 =	sadd.s32 $0x80, s30  }
0x5ac: {  	[tilespmem:s30+$0xFFFFFFC0] =	vst @!p0 v0  }
0x5ad: {  	v0 =	vld @!p0 [tilespmem:s0+$0x10];
	_ =	sdelay $0x4  }
0x5ae: {  	[tilespmem:s30+$0xFFFFFFD0] =	vst @!p0 v0  }
0x5af: {  	v0 =	vld @!p0 [tilespmem:s0+$0x20];
	_ =	sdelay $0x1  }
.Ltmp6:
0x5b0: {  	(pc) =	sbr.rel @p1 .LBB2_6-.Ltmp6, $3  }
0x5b1: {  	_ =	sdelay $0x1  }
0x5b2: {  	[tilespmem:s30+$0xFFFFFFE0] =	vst @!p0 v0  }
0x5b3: {  	v19 =	vld @!p0 [tilespmem:s0+$0x30]  }
0x5b4: {  	_ =	sdelay $0x3  }
0x5b5: {  	[tilespmem:s30+$0xFFFFFFF0] =	vst @!p0 v19  }
0x5b6: {  	v0 =	vld @!p0 [tilespmem:s0+$0x40];
	_ =	sdelay $0x4  }
0x5b7: {  	[tilespmem:s30+$0x0] =	vst @!p0 v0  }
0x5b8: {  	v0 =	vld @!p0 [tilespmem:s0+$0x50];
	_ =	sdelay $0x4  }
0x5b9: {  	[tilespmem:s30+$0x10] =	vst @!p0 v0  }
0x5ba: {  	v0 =	vld @!p0 [tilespmem:s0+$0x60];
	_ =	sdelay $0x4  }
0x5bb: {  	[tilespmem:s30+$0x20] =	vst @!p0 v0  }
0x5bc: {  	v0 =	vld @!p0 [tilespmem:s0+$0x70]  }
.Ltmp7:
0x5bd: {  	_ = 	snop;
	(pc) =	sbr.rel .LBB2_8-.Ltmp7, $2  }
0x5be: {  	_ =	sdelay $0x2  }
0x5bf: {  	[tilespmem:s30+$0x30] =	vst @!p0 v0  }
.LBB2_10:
0x5c0: {  	_ =	sfence.sel $0x180000  }
0x5c1: {  	[bflag:$0x0] =	sbarrier.arrive $0xFFFF  }
0x5c2: {  	_ =	strace $0x90000047  }
0x5c3: {  	s0 =	stileid.u32;
	[bflag:$0x2] =	sbarrier.arrive $0xFFFF  }
0x5c4: {  	p0 =	sne.s32 s0, $0x0;
	s0 =	rddreg [dreg:$0x6]  }
0x5c5: {  	s0 =	sadd.s32 @!p0 $0x100000, s0  }
0x5c6: {  	[sflag:s0] =	ssyncadd.tile.s32 @!p0 $0x1;
	_ =	shalt  }
.Lfunc_end2:
_tile_overlayer_lowered:
.L_overlay_start_2:
0x5c7: {  	(tag) =	ssettag $0x2  }
0x5c8: {  	s0 =	rddreg [dreg:$0x0];
	s2 =	stileid.u32  }
0x5c9: {  	s1 =	rddreg [dreg:$0x1];
	p0 =	sne.s32 s2, $0x0  }
0x5ca: {  	s3 =	rddreg [dreg:$0x2];
	[bflag:$0x3] =	sbarrier.arrive $0xFFFF;
	s2 =	simm.s32 @!p0 $0x1C05  }
0x5cb: {  	[timem:s3], [sflag:s2] =	dma.local @!p0 [hbm:s0], s1  }
0x5cc: {  	s0 =	simm.s32 @!p0 $0x5  }
0x5cd: {  	_ =	swait.ge @!p0 [sflag:s0], s1  }
0x5ce: {  	s1 =	ssub.s32 @!p0 $0x0, s1;
	[sflag:s0] =	ssyncset.done @!p0 $0x0  }
0x5cf: {  	[sflag:s0] =	ssyncadd.s32 @!p0 s1  }
0x5d0: {  	[bflag:$0x3] =	sbarrier.arrive $0xFFFF  }
0x5d1: {  	_ =	shalt  }

</sc_bundles>
